<compile_context>
chip_gen: v7x
topology: tpu7x:2x2x1
jax: 0.10.2.dev20260603
libtpu: 0.0.44.dev20260713+nightly
codegen_flags: <defaults>
</compile_context>

<pallas_src>
import functools

import jax
import jax.numpy as jnp
from jax import lax
from jax.experimental import pallas as pl
from jax.experimental.pallas import tpu as pltpu
from jax.experimental.pallas import tpu_sc as plsc

N_NODES = 10000
N_EDGES = 320000
D_IN = 128
D_HID = 128
D_HALF = 64
D_OUT = 16

NC = 2
NS = 16
NW = NC * NS
CHUNK = 128
NCH = N_EDGES // CHUNK
CPW = 80
LAST_CNT = NCH - (NW - 1) * CPW
N_PAD = 10240
ROWS_PER_SUB = N_PAD // NS
DEG_W = 16
NBUF = 5

_MESH = plsc.VectorSubcoreMesh(core_axis_name="c", subcore_axis_name="s")
_SC_PARAMS = pltpu.CompilerParams(use_tc_tiling_on_sc=False)


def _fill(ref, n_rows, width, value):
    lanes = 32 if ref.dtype == jnp.bfloat16 else 16
    per_row = width // lanes

    def body(i, carry):
        ref[i // per_row, pl.ds((i % per_row) * lanes, lanes)] = jnp.full(
            (lanes,), value, ref.dtype)
        return carry

    lax.fori_loop(0, n_rows * per_row, body, 0)


@functools.partial(
    pl.kernel,
    out_type=(
        jax.ShapeDtypeStruct((NC, N_PAD, DEG_W), jnp.float32),
        jax.ShapeDtypeStruct((NC, N_PAD, DEG_W), jnp.float32),
    ),
    mesh=_MESH,
    compiler_params=_SC_PARAMS,
    scratch_types=[
        pltpu.VMEM((CPW, CHUNK), jnp.int32),
        pltpu.VMEM((CPW, CHUNK), jnp.int32),
        pltpu.VMEM((CHUNK, DEG_W), jnp.float32),
        pltpu.VMEM((CHUNK, DEG_W), jnp.float32),
        pltpu.VMEM_SHARED((N_PAD, DEG_W), jnp.float32),
        pltpu.VMEM_SHARED((N_PAD, DEG_W), jnp.float32),
    ] + [pltpu.SemaphoreType.DMA for _ in range(1 + 2 * NBUF)],
)
def _deg_kernel(src2d, dst2d, out_s, out_d, sidx2, didx2, ones_v, zdeg,
                acc_s, acc_d, isem, *sems):
    ssem = sems[:NBUF]
    dsem = sems[NBUF:]
    c = lax.axis_index("c")
    s_ = lax.axis_index("s")
    wid = c * NS + s_
    start = wid * CPW
    cnt = jnp.where(wid == NW - 1, LAST_CNT, CPW)

    @pl.when(wid < NW - 1)
    def _():
        pltpu.async_copy(src2d.at[pl.ds(start, CPW)], sidx2, isem)
        pltpu.async_copy(dst2d.at[pl.ds(start, CPW)], didx2, isem)

    @pl.when(wid == NW - 1)
    def _():
        pltpu.async_copy(src2d.at[pl.ds(start, LAST_CNT)],
                         sidx2.at[pl.ds(0, LAST_CNT)], isem)
        pltpu.async_copy(dst2d.at[pl.ds(start, LAST_CNT)],
                         didx2.at[pl.ds(0, LAST_CNT)], isem)

    _fill(ones_v, CHUNK, DEG_W, 1.0)
    _fill(zdeg, CHUNK, DEG_W, 0.0)
    base = s_ * ROWS_PER_SUB
    for t in range(ROWS_PER_SUB // CHUNK):
        pltpu.sync_copy(zdeg, acc_s.at[pl.ds(base + t * CHUNK, CHUNK)])
        pltpu.sync_copy(zdeg, acc_d.at[pl.ds(base + t * CHUNK, CHUNK)])
    @pl.when(wid < NW - 1)
    def _():
        pltpu.make_async_copy(src2d.at[pl.ds(0, CPW)], sidx2, isem).wait()
        pltpu.make_async_copy(src2d.at[pl.ds(0, CPW)], didx2, isem).wait()

    @pl.when(wid == NW - 1)
    def _():
        pltpu.make_async_copy(src2d.at[pl.ds(0, LAST_CNT)],
                              sidx2.at[pl.ds(0, LAST_CNT)], isem).wait()
        pltpu.make_async_copy(src2d.at[pl.ds(0, LAST_CNT)],
                              didx2.at[pl.ds(0, LAST_CNT)], isem).wait()

    plsc.subcore_barrier()

    dummy = out_s.at[c, pl.ds(0, CHUNK)]

    def step(g, carry):
        for b in range(NBUF):
            j = g * NBUF + b

            @pl.when(j >= NBUF)
            def _():
                pltpu.make_async_copy(dummy, ones_v, ssem[b]).wait()
                pltpu.make_async_copy(dummy, ones_v, dsem[b]).wait()

            pltpu.async_copy(ones_v, acc_s.at[sidx2.at[j]], ssem[b], add=True)
            pltpu.async_copy(ones_v, acc_d.at[didx2.at[j]], dsem[b], add=True)
        return carry

    lax.fori_loop(0, cnt // NBUF, step, 0)
    for b in range(NBUF):
        pltpu.make_async_copy(dummy, ones_v, ssem[b]).wait()
        pltpu.make_async_copy(dummy, ones_v, dsem[b]).wait()
    plsc.subcore_barrier()
    pltpu.sync_copy(acc_s.at[pl.ds(base, ROWS_PER_SUB)],
                    out_s.at[c, pl.ds(base, ROWS_PER_SUB)])
    pltpu.sync_copy(acc_d.at[pl.ds(base, ROWS_PER_SUB)],
                    out_d.at[c, pl.ds(base, ROWS_PER_SUB)])


def _make_edge_pass(d, nbuf):

    @functools.partial(
        pl.kernel,
        out_type=jax.ShapeDtypeStruct((NC, N_PAD, d), jnp.bfloat16),
        mesh=_MESH,
        compiler_params=_SC_PARAMS,
        scratch_types=[
            pltpu.VMEM((CPW, CHUNK), jnp.int32),
            pltpu.VMEM((CPW, CHUNK), jnp.int32),
        ] + [pltpu.VMEM((CHUNK, d), jnp.bfloat16) for _ in range(nbuf)] + [
            pltpu.SemaphoreType.DMA,
        ] + [pltpu.SemaphoreType.DMA for _ in range(2 * nbuf)] + [
            pltpu.VMEM_SHARED((N_PAD, d), jnp.bfloat16),
        ],
    )
    def k(h_hbm, src2d, dst2d, out_hbm, sidx2, didx2, *rest):
        rows = rest[:nbuf]
        isem = rest[nbuf]
        gsem = rest[nbuf + 1:2 * nbuf + 1]
        ssem = rest[2 * nbuf + 1:3 * nbuf + 1]
        acc = rest[3 * nbuf + 1]
        c = lax.axis_index("c")
        s_ = lax.axis_index("s")
        wid = c * NS + s_
        start = wid * CPW
        cnt = jnp.where(wid == NW - 1, LAST_CNT, CPW)

        @pl.when(wid < NW - 1)
        def _():
            pltpu.async_copy(src2d.at[pl.ds(start, CPW)], sidx2, isem)
            pltpu.async_copy(dst2d.at[pl.ds(start, CPW)], didx2, isem)

        @pl.when(wid == NW - 1)
        def _():
            pltpu.async_copy(src2d.at[pl.ds(start, LAST_CNT)],
                             sidx2.at[pl.ds(0, LAST_CNT)], isem)
            pltpu.async_copy(dst2d.at[pl.ds(start, LAST_CNT)],
                             didx2.at[pl.ds(0, LAST_CNT)], isem)

        _fill(rows[0], CHUNK, d, 0.0)
        base = s_ * ROWS_PER_SUB
        for t in range(ROWS_PER_SUB // CHUNK):
            pltpu.sync_copy(rows[0], acc.at[pl.ds(base + t * CHUNK, CHUNK)])

        @pl.when(wid < NW - 1)
        def _():
            pltpu.make_async_copy(src2d.at[pl.ds(0, CPW)], sidx2, isem).wait()
            pltpu.make_async_copy(src2d.at[pl.ds(0, CPW)], didx2, isem).wait()

        @pl.when(wid == NW - 1)
        def _():
            pltpu.make_async_copy(src2d.at[pl.ds(0, LAST_CNT)],
                                  sidx2.at[pl.ds(0, LAST_CNT)], isem).wait()
            pltpu.make_async_copy(src2d.at[pl.ds(0, LAST_CNT)],
                                  didx2.at[pl.ds(0, LAST_CNT)], isem).wait()

        plsc.subcore_barrier()

        dummy = h_hbm.at[pl.ds(0, CHUNK)]

        for b in range(nbuf):
            pltpu.async_copy(h_hbm.at[sidx2.at[b]], rows[b], gsem[b])

        def step(g, carry):
            for b in range(nbuf):
                j = g * nbuf + b
                bw = (b + nbuf - 1) % nbuf

                @pl.when(j >= 1)
                def _():
                    pltpu.make_async_copy(dummy, rows[bw], ssem[bw]).wait()

                @pl.when(jnp.logical_and(j >= 1, j + nbuf - 1 < cnt))
                def _():
                    pltpu.async_copy(h_hbm.at[sidx2.at[j + nbuf - 1]],
                                     rows[bw], gsem[bw])

                pltpu.make_async_copy(dummy, rows[b], gsem[b]).wait()
                pltpu.async_copy(rows[b], acc.at[didx2.at[j]], ssem[b],
                                 add=True)
            return carry

        lax.fori_loop(0, cnt // nbuf, step, 0)
        pltpu.make_async_copy(dummy, rows[(CPW - 1) % nbuf],
                              ssem[(CPW - 1) % nbuf]).wait()
        plsc.subcore_barrier()
        pltpu.sync_copy(acc.at[pl.ds(base, ROWS_PER_SUB)],
                        out_hbm.at[c, pl.ds(base, ROWS_PER_SUB)])

    return k


_edge_pass_128 = _make_edge_pass(D_HID, NBUF)
_edge_pass_64 = _make_edge_pass(D_HALF, 10)


def _scale_body(x_ref, ds_ref, o_ref):
    dsum = ds_ref[0, :N_NODES, 0:1] + ds_ref[1, :N_NODES, 0:1]
    norm = lax.rsqrt(jnp.maximum(dsum, 1.0))
    h = (x_ref[...] * norm).astype(jnp.bfloat16)
    o_ref[...] = jnp.concatenate(
        [h, jnp.zeros((N_PAD - N_NODES, D_IN), jnp.bfloat16)], axis=0)


def _mid_body(p_ref, dd_ref, ds_ref, w1, w2, o_ref):
    ddsum = dd_ref[0, :, 0:1] + dd_ref[1, :, 0:1]
    nd = lax.rsqrt(jnp.maximum(ddsum, 1.0))
    agg = (p_ref[0].astype(jnp.float32) + p_ref[1].astype(jnp.float32)) * nd
    h1 = jnp.dot(agg, w1[...], preferred_element_type=jnp.float32)
    h1 = jnp.where(h1 >= 0.0, h1, 0.01 * h1)
    dssum = ds_ref[0, :, 0:1] + ds_ref[1, :, 0:1]
    ns = lax.rsqrt(jnp.maximum(dssum, 1.0))
    g = jnp.dot(h1, w2[...], preferred_element_type=jnp.float32) * ns
    o_ref[...] = g.astype(jnp.bfloat16)


def _fin_body(q_ref, dd_ref, wc, o_ref):
    ddsum = dd_ref[0, :, 0:1] + dd_ref[1, :, 0:1]
    nd = lax.rsqrt(jnp.maximum(ddsum, 1.0))
    h2 = (q_ref[0].astype(jnp.float32) + q_ref[1].astype(jnp.float32)) * nd
    h2 = jnp.where(h2 >= 0.0, h2, 0.01 * h2)
    pooled = jnp.sum(h2, axis=0, keepdims=True) * (1.0 / N_NODES)
    o_ref[...] = jnp.dot(pooled, wc[...], preferred_element_type=jnp.float32)


def kernel(features, edge_index, W1, W2, Wc):
    src2d = edge_index[0].astype(jnp.int32).reshape(NCH, CHUNK)
    dst2d = edge_index[1].astype(jnp.int32).reshape(NCH, CHUNK)

    deg_s, deg_d = _deg_kernel(src2d, dst2d)

    h = pl.pallas_call(
        _scale_body,
        out_shape=jax.ShapeDtypeStruct((N_PAD, D_IN), jnp.bfloat16),
    )(features, deg_s)

    part1 = _edge_pass_128(h, src2d, dst2d)

    g = pl.pallas_call(
        _mid_body,
        out_shape=jax.ShapeDtypeStruct((N_PAD, D_HALF), jnp.bfloat16),
    )(part1, deg_d, deg_s, W1, W2)

    part2 = _edge_pass_64(g, src2d, dst2d)

    out = pl.pallas_call(
        _fin_body,
        out_shape=jax.ShapeDtypeStruct((1, D_OUT), jnp.float32),
    )(part2, deg_d, Wc)
    return out

# --- scband reference (transcript-rebuilt; emitter-appended) ---
"""Pipeline reference for scband-graph-mesh-convolution-68547678044330 (READ-ONLY COPY).

The authoritative reference and input builder live on the scoring server;
editing this copy changes nothing except your own understanding.
"""

import jax, jax.numpy as jnp
import numpy as np

N_NODES = 10000
N_EDGES = 320000
IN_DIM = 128
HIDDEN_DIM = 128
OUT_DIM = 16


def _graph_conv(x, src, dst, W, n_nodes):
    # DGL GraphConv with norm='both', bias=False:
    # h_dst = sum_{(src->dst)} x_src / sqrt(deg_out(src) * deg_in(dst)) ; then @ W
    out_deg = jnp.zeros((n_nodes,), jnp.float32).at[src].add(1.0)
    in_deg = jnp.zeros((n_nodes,), jnp.float32).at[dst].add(1.0)
    norm_src = jax.lax.rsqrt(jnp.clip(out_deg, 1.0))
    norm_dst = jax.lax.rsqrt(jnp.clip(in_deg, 1.0))
    h = x * norm_src[:, None]
    msgs = jnp.take(h, src, axis=0)
    agg = jnp.zeros((n_nodes, x.shape[1]), x.dtype).at[dst].add(msgs)
    agg = agg * norm_dst[:, None]
    return agg @ W


def setup_inputs(seed: int = 0) -> dict:
    key = jax.random.key(seed)
    k1, k2, k3, k4, k5 = jax.random.split(key, 5)
    features = jax.random.normal(k1, (N_NODES, IN_DIM), dtype=jnp.float32)
    edge_index = jax.random.randint(k2, (2, N_EDGES), 0, N_NODES)
    # kaiming_uniform-like init (fan_in, leaky_relu a=0.01)
    gain = np.sqrt(2.0 / (1.0 + 0.01 ** 2))
    b1 = gain * np.sqrt(3.0 / IN_DIM)
    W1 = jax.random.uniform(k3, (IN_DIM, HIDDEN_DIM), jnp.float32, -b1, b1)
    b2 = gain * np.sqrt(3.0 / HIDDEN_DIM)
    W2 = jax.random.uniform(k4, (HIDDEN_DIM, HIDDEN_DIM // 2), jnp.float32, -b2, b2)
    bc = np.sqrt(1.0 / (HIDDEN_DIM // 2))
    Wc = jax.random.uniform(k5, (HIDDEN_DIM // 2, OUT_DIM), jnp.float32, -bc, bc)
    return {"features": features, "edge_index": edge_index, "W1": W1, "W2": W2, "Wc": Wc}


def reference(features, edge_index, W1, W2, Wc):
    src = edge_index[0]
    dst = edge_index[1]
    n = features.shape[0]
    h = jax.nn.leaky_relu(_graph_conv(features, src, dst, W1, n), negative_slope=0.01)
    h = jax.nn.leaky_relu(_graph_conv(h, src, dst, W2, n), negative_slope=0.01)
    # dropout rate = 0.0 -> identity (eval mode)
    pooled = jnp.mean(h, axis=0, keepdims=True)  # dgl.mean_nodes, single graph -> [1, hidden/2]
    return pooled @ Wc  # classify (Linear, bias=False) -> [1, out_dim]

if __name__ == "__main__":
    import jax
    _d = setup_inputs()
    print(jax.jit(kernel)(*tuple(_d.values())))

</pallas_src>

<mosaic_0001>
#map = affine_map<(d0, d1) -> (0, 0)>
#map1 = affine_map<(d0, d1) -> (0, 0, 0)>
module attributes {stable_mosaic.version = 14 : i64} {
  func.func @k(%arg0: i32, %arg1: i32, %arg2: memref<10240x128xbf16, #tpu.memory_space<hbm>>, %arg3: memref<2500x128xi32, #tpu.memory_space<hbm>>, %arg4: memref<2500x128xi32, #tpu.memory_space<hbm>>, %arg5: memref<2x10240x128xbf16, #tpu.memory_space<hbm>>, %arg6: memref<80x128xi32, #tpu.memory_space<vmem>>, %arg7: memref<80x128xi32, #tpu.memory_space<vmem>>, %arg8: memref<128x128xbf16, #tpu.memory_space<vmem>>, %arg9: memref<128x128xbf16, #tpu.memory_space<vmem>>, %arg10: memref<128x128xbf16, #tpu.memory_space<vmem>>, %arg11: memref<128x128xbf16, #tpu.memory_space<vmem>>, %arg12: memref<128x128xbf16, #tpu.memory_space<vmem>>, %arg13: memref<!tpu.dma_semaphore, #tpu.memory_space<semaphore_mem>>, %arg14: memref<!tpu.dma_semaphore, #tpu.memory_space<semaphore_mem>>, %arg15: memref<!tpu.dma_semaphore, #tpu.memory_space<semaphore_mem>>, %arg16: memref<!tpu.dma_semaphore, #tpu.memory_space<semaphore_mem>>, %arg17: memref<!tpu.dma_semaphore, #tpu.memory_space<semaphore_mem>>, %arg18: memref<!tpu.dma_semaphore, #tpu.memory_space<semaphore_mem>>, %arg19: memref<!tpu.dma_semaphore, #tpu.memory_space<semaphore_mem>>, %arg20: memref<!tpu.dma_semaphore, #tpu.memory_space<semaphore_mem>>, %arg21: memref<!tpu.dma_semaphore, #tpu.memory_space<semaphore_mem>>, %arg22: memref<!tpu.dma_semaphore, #tpu.memory_space<semaphore_mem>>, %arg23: memref<!tpu.dma_semaphore, #tpu.memory_space<semaphore_mem>>, %arg24: memref<10240x128xbf16, #tpu.memory_space<vmem_shared>>) attributes {dimension_semantics = [#tpu.dimension_semantics<core_parallel>, #tpu.dimension_semantics<subcore_parallel>], iteration_bounds = array<i64: 2, 16>, scalar_prefetch = 0 : i64, scratch_operands = 19 : i64, tpu.core_type = #tpu.core_type<sc_vector_subcore>, window_params = [{transform_indices = #map}, {transform_indices = #map}, {transform_indices = #map}, {transform_indices = #map1}]} {
    %mul3A = arith.constant 16 : i32
    %mul3A_0 = arith.muli %arg0, %mul3A : i32
    %add3A = arith.addi %mul3A_0, %arg1 : i32
    %mul3A_1 = arith.constant 80 : i32
    %mul3A_2 = arith.muli %add3A, %mul3A_1 : i32
    %eq3A = arith.constant 31 : i32
    %eq3A_3 = arith.cmpi eq, %add3A, %eq3A : i32
    %jit3A = arith.constant 20 : i32
    %jit3A_4 = arith.constant 80 : i32
    %select_n3A = arith.select %eq3A_3, %jit3A, %jit3A_4 : i32
    %lt3A = arith.constant 31 : i32
    %lt3A_5 = arith.cmpi slt, %add3A, %lt3A : i32
    %convert_element_type3A = arith.extui %lt3A_5 : i1 to i32
    %cond3A = arith.constant 0 : i32
    %cond3A_6 = arith.cmpi ne, %convert_element_type3A, %cond3A : i32
    scf.if %cond3A_6 {
      %dma_start3A_106 = arith.constant 0 : i32
      %dma_start3A_107 = tpu.memref_slice %arg3[%mul3A_2, %dma_start3A_106] : memref<2500x128xi32, #tpu.memory_space<hbm>> -> memref<80x128xi32, #tpu.memory_space<hbm>>
      %dma_start3A_108 = arith.constant 0 : i32
      %dma_start3A_109 = tpu.memref_slice %arg3[%mul3A_2, %dma_start3A_108] : memref<2500x128xi32, #tpu.memory_space<hbm>> -> memref<80x128xi32, #tpu.memory_space<hbm>>
      tpu.enqueue_dma source(%dma_start3A_109 : memref<80x128xi32, #tpu.memory_space<hbm>>) target(%arg6 : memref<80x128xi32, #tpu.memory_space<vmem>>) target_semaphore(%arg13 : memref<!tpu.dma_semaphore, #tpu.memory_space<semaphore_mem>>)
      %dma_start3A_110 = arith.constant 0 : i32
      %dma_start3A_111 = tpu.memref_slice %arg4[%mul3A_2, %dma_start3A_110] : memref<2500x128xi32, #tpu.memory_space<hbm>> -> memref<80x128xi32, #tpu.memory_space<hbm>>
      %dma_start3A_112 = arith.constant 0 : i32
      %dma_start3A_113 = tpu.memref_slice %arg4[%mul3A_2, %dma_start3A_112] : memref<2500x128xi32, #tpu.memory_space<hbm>> -> memref<80x128xi32, #tpu.memory_space<hbm>>
      tpu.enqueue_dma source(%dma_start3A_113 : memref<80x128xi32, #tpu.memory_space<hbm>>) target(%arg7 : memref<80x128xi32, #tpu.memory_space<vmem>>) target_semaphore(%arg13 : memref<!tpu.dma_semaphore, #tpu.memory_space<semaphore_mem>>)
    } else {
    }
    %eq3A_7 = arith.constant 31 : i32
    %eq3A_8 = arith.cmpi eq, %add3A, %eq3A_7 : i32
    %convert_element_type3A_9 = arith.extui %eq3A_8 : i1 to i32
    %cond3A_10 = arith.constant 0 : i32
    %cond3A_11 = arith.cmpi ne, %convert_element_type3A_9, %cond3A_10 : i32
    scf.if %cond3A_11 {
      %dma_start3A_106 = arith.constant 0 : i32
      %dma_start3A_107 = arith.constant 0 : i32
      %dma_start3A_108 = tpu.memref_slice %arg6[%dma_start3A_106, %dma_start3A_107] : memref<80x128xi32, #tpu.memory_space<vmem>> -> memref<20x128xi32, #tpu.memory_space<vmem>>
      %dma_start3A_109 = arith.constant 0 : i32
      %dma_start3A_110 = tpu.memref_slice %arg3[%mul3A_2, %dma_start3A_109] : memref<2500x128xi32, #tpu.memory_space<hbm>> -> memref<20x128xi32, #tpu.memory_space<hbm>>
      %dma_start3A_111 = arith.constant 0 : i32
      %dma_start3A_112 = arith.constant 0 : i32
      %dma_start3A_113 = tpu.memref_slice %arg6[%dma_start3A_111, %dma_start3A_112] : memref<80x128xi32, #tpu.memory_space<vmem>> -> memref<20x128xi32, #tpu.memory_space<vmem>>
      %dma_start3A_114 = arith.constant 0 : i32
      %dma_start3A_115 = tpu.memref_slice %arg3[%mul3A_2, %dma_start3A_114] : memref<2500x128xi32, #tpu.memory_space<hbm>> -> memref<20x128xi32, #tpu.memory_space<hbm>>
      tpu.enqueue_dma source(%dma_start3A_115 : memref<20x128xi32, #tpu.memory_space<hbm>>) target(%dma_start3A_113 : memref<20x128xi32, #tpu.memory_space<vmem>>) target_semaphore(%arg13 : memref<!tpu.dma_semaphore, #tpu.memory_space<semaphore_mem>>)
      %dma_start3A_116 = arith.constant 0 : i32
      %dma_start3A_117 = arith.constant 0 : i32
      %dma_start3A_118 = tpu.memref_slice %arg7[%dma_start3A_116, %dma_start3A_117] : memref<80x128xi32, #tpu.memory_space<vmem>> -> memref<20x128xi32, #tpu.memory_space<vmem>>
      %dma_start3A_119 = arith.constant 0 : i32
      %dma_start3A_120 = tpu.memref_slice %arg4[%mul3A_2, %dma_start3A_119] : memref<2500x128xi32, #tpu.memory_space<hbm>> -> memref<20x128xi32, #tpu.memory_space<hbm>>
      %dma_start3A_121 = arith.constant 0 : i32
      %dma_start3A_122 = arith.constant 0 : i32
      %dma_start3A_123 = tpu.memref_slice %arg7[%dma_start3A_121, %dma_start3A_122] : memref<80x128xi32, #tpu.memory_space<vmem>> -> memref<20x128xi32, #tpu.memory_space<vmem>>
      %dma_start3A_124 = arith.constant 0 : i32
      %dma_start3A_125 = tpu.memref_slice %arg4[%mul3A_2, %dma_start3A_124] : memref<2500x128xi32, #tpu.memory_space<hbm>> -> memref<20x128xi32, #tpu.memory_space<hbm>>
      tpu.enqueue_dma source(%dma_start3A_125 : memref<20x128xi32, #tpu.memory_space<hbm>>) target(%dma_start3A_123 : memref<20x128xi32, #tpu.memory_space<vmem>>) target_semaphore(%arg13 : memref<!tpu.dma_semaphore, #tpu.memory_space<semaphore_mem>>)
    } else {
    }
    %scan3A = arith.constant 0 : i32
    %scan3A_12 = arith.constant 0 : i32
    %scan3A_13 = arith.constant 512 : i32
    %scan3A_14 = arith.addi %scan3A_12, %scan3A_13 : i32
    %scan3A_15 = arith.constant 1 : i32
    scf.for %scan3A_106 = %scan3A_12 to %scan3A_14 step %scan3A_15  : i32 {
      %broadcast_in_dim3A = arith.constant 0.000000e+00 : bf16
      %broadcast_in_dim3A_107 = vector.broadcast %broadcast_in_dim3A : bf16 to vector<32xbf16>
      %jit3A_108 = arith.constant 4 : i32
      %div3A_109 = arith.divsi %scan3A_106, %jit3A_108 : i32
      %sign3A_110 = arith.constant 0 : i32
      %sign3A_111 = arith.cmpi sgt, %scan3A_106, %sign3A_110 : i32
      %sign3A_112 = arith.extui %sign3A_111 : i1 to i32
      %sign3A_113 = arith.constant 0 : i32
      %sign3A_114 = arith.cmpi slt, %scan3A_106, %sign3A_113 : i32
      %sign3A_115 = arith.extui %sign3A_114 : i1 to i32
      %sign3A_116 = arith.subi %sign3A_112, %sign3A_115 : i32
      %sign3A_117 = arith.constant 0 : i32
      %sign3A_118 = arith.cmpi sgt, %jit3A_108, %sign3A_117 : i32
      %sign3A_119 = arith.extui %sign3A_118 : i1 to i32
      %sign3A_120 = arith.constant 0 : i32
      %sign3A_121 = arith.cmpi slt, %jit3A_108, %sign3A_120 : i32
      %sign3A_122 = arith.extui %sign3A_121 : i1 to i32
      %sign3A_123 = arith.subi %sign3A_119, %sign3A_122 : i32
      %ne3A_124 = arith.cmpi ne, %sign3A_116, %sign3A_123 : i32
      %rem3A_125 = arith.remsi %scan3A_106, %jit3A_108 : i32
      %ne3A_126 = arith.constant 0 : i32
      %ne3A_127 = arith.cmpi ne, %rem3A_125, %ne3A_126 : i32
      %and3A_128 = arith.andi %ne3A_124, %ne3A_127 : i1
      %sub3A_129 = arith.constant 1 : i32
      %sub3A_130 = arith.subi %div3A_109, %sub3A_129 : i32
      %select_n3A_131 = arith.select %and3A_128, %sub3A_130, %div3A_109 : i32
      %jit3A_132 = arith.constant 4 : i32
      %eq3A_133 = arith.constant 0 : i32
      %eq3A_134 = arith.cmpi eq, %jit3A_132, %eq3A_133 : i32
      %jit3A_135 = arith.constant 1 : i32
      %select_n3A_136 = arith.select %eq3A_134, %jit3A_135, %jit3A_132 : i32
      %rem3A_137 = arith.remsi %scan3A_106, %select_n3A_136 : i32
      %ne3A_138 = arith.constant 0 : i32
      %ne3A_139 = arith.cmpi ne, %rem3A_137, %ne3A_138 : i32
      %lt3A_140 = arith.constant 0 : i32
      %lt3A_141 = arith.cmpi slt, %rem3A_137, %lt3A_140 : i32
      %lt3A_142 = arith.constant 0 : i32
      %lt3A_143 = arith.cmpi slt, %select_n3A_136, %lt3A_142 : i32
      %ne3A_144 = arith.xori %lt3A_141, %lt3A_143 : i1
      %and3A_145 = arith.andi %ne3A_144, %ne3A_139 : i1
      %add3A_146 = arith.addi %rem3A_137, %select_n3A_136 : i32
      %select_n3A_147 = arith.select %and3A_145, %add3A_146, %rem3A_137 : i32
      %mul3A_148 = arith.constant 32 : i32
      %mul3A_149 = arith.muli %select_n3A_147, %mul3A_148 : i32
      %swap3A = arith.index_cast %select_n3A_131 : i32 to index
      %swap3A_150 = arith.index_cast %mul3A_149 : i32 to index
      %swap3A_151 = tpu.vector_load %arg8[%swap3A, %swap3A_150] {strides = array<i32>} : memref<128x128xbf16, #tpu.memory_space<vmem>>, vector<1x32xbf16>,
      %swap3A_152 = vector.shape_cast %swap3A_151 : vector<1x32xbf16> to vector<32xbf16>
      %swap3A_153 = vector.shape_cast %broadcast_in_dim3A_107 : vector<32xbf16> to vector<1x32xbf16>
      tpu.vector_store %arg8[%swap3A, %swap3A_150], %swap3A_153 {strides = array<i32>} : memref<128x128xbf16, #tpu.memory_space<vmem>>, vector<1x32xbf16>,
    }
    %scan3A_16 = arith.constant 512 : i32
    %mul3A_17 = arith.constant 640 : i32
    %mul3A_18 = arith.muli %arg1, %mul3A_17 : i32
    %add3A_19 = arith.constant 0 : i32
    %add3A_20 = arith.addi %mul3A_18, %add3A_19 : i32
    "tpu.region"() ({
      %run_scoped3A = tpu.sem_alloc : memref<!tpu.dma_semaphore, #tpu.memory_space<semaphore_mem>>
      %dma_start3A_106 = arith.constant 0 : i32
      %dma_start3A_107 = tpu.memref_slice %arg24[%add3A_20, %dma_start3A_106] : memref<10240x128xbf16, #tpu.memory_space<vmem_shared>> -> memref<128x128xbf16, #tpu.memory_space<vmem_shared>>
      %dma_start3A_108 = arith.constant 0 : i32
      %dma_start3A_109 = tpu.memref_slice %arg24[%add3A_20, %dma_start3A_108] : memref<10240x128xbf16, #tpu.memory_space<vmem_shared>> -> memref<128x128xbf16, #tpu.memory_space<vmem_shared>>
      tpu.enqueue_dma source(%arg8 : memref<128x128xbf16, #tpu.memory_space<vmem>>) target(%dma_start3A_109 : memref<128x128xbf16, #tpu.memory_space<vmem_shared>>) target_semaphore(%run_scoped3A : memref<!tpu.dma_semaphore, #tpu.memory_space<semaphore_mem>>)
      %dma_wait3A_110 = arith.constant 0 : i32
      %dma_wait3A_111 = tpu.memref_slice %arg24[%add3A_20, %dma_wait3A_110] : memref<10240x128xbf16, #tpu.memory_space<vmem_shared>> -> memref<128x128xbf16, #tpu.memory_space<vmem_shared>>
      %dma_wait3A_112 = arith.constant 0 : i32
      %dma_wait3A_113 = tpu.memref_slice %arg24[%add3A_20, %dma_wait3A_112] : memref<10240x128xbf16, #tpu.memory_space<vmem_shared>> -> memref<128x128xbf16, #tpu.memory_space<vmem_shared>>
      tpu.wait_dma2 semaphore(%run_scoped3A : memref<!tpu.dma_semaphore, #tpu.memory_space<semaphore_mem>>) src(%arg8 : memref<128x128xbf16, #tpu.memory_space<vmem>>) dst(%dma_wait3A_113 : memref<128x128xbf16, #tpu.memory_space<vmem_shared>>)
      tpu.yield
    }) : () -> ()
    %add3A_21 = arith.constant 128 : i32
    %add3A_22 = arith.addi %mul3A_18, %add3A_21 : i32
    "tpu.region"() ({
      %run_scoped3A = tpu.sem_alloc : memref<!tpu.dma_semaphore, #tpu.memory_space<semaphore_mem>>
      %dma_start3A_106 = arith.constant 0 : i32
      %dma_start3A_107 = tpu.memref_slice %arg24[%add3A_22, %dma_start3A_106] : memref<10240x128xbf16, #tpu.memory_space<vmem_shared>> -> memref<128x128xbf16, #tpu.memory_space<vmem_shared>>
      %dma_start3A_108 = arith.constant 0 : i32
      %dma_start3A_109 = tpu.memref_slice %arg24[%add3A_22, %dma_start3A_108] : memref<10240x128xbf16, #tpu.memory_space<vmem_shared>> -> memref<128x128xbf16, #tpu.memory_space<vmem_shared>>
      tpu.enqueue_dma source(%arg8 : memref<128x128xbf16, #tpu.memory_space<vmem>>) target(%dma_start3A_109 : memref<128x128xbf16, #tpu.memory_space<vmem_shared>>) target_semaphore(%run_scoped3A : memref<!tpu.dma_semaphore, #tpu.memory_space<semaphore_mem>>)
      %dma_wait3A_110 = arith.constant 0 : i32
      %dma_wait3A_111 = tpu.memref_slice %arg24[%add3A_22, %dma_wait3A_110] : memref<10240x128xbf16, #tpu.memory_space<vmem_shared>> -> memref<128x128xbf16, #tpu.memory_space<vmem_shared>>
      %dma_wait3A_112 = arith.constant 0 : i32
      %dma_wait3A_113 = tpu.memref_slice %arg24[%add3A_22, %dma_wait3A_112] : memref<10240x128xbf16, #tpu.memory_space<vmem_shared>> -> memref<128x128xbf16, #tpu.memory_space<vmem_shared>>
      tpu.wait_dma2 semaphore(%run_scoped3A : memref<!tpu.dma_semaphore, #tpu.memory_space<semaphore_mem>>) src(%arg8 : memref<128x128xbf16, #tpu.memory_space<vmem>>) dst(%dma_wait3A_113 : memref<128x128xbf16, #tpu.memory_space<vmem_shared>>)
      tpu.yield
    }) : () -> ()
    %add3A_23 = arith.constant 256 : i32
    %add3A_24 = arith.addi %mul3A_18, %add3A_23 : i32
    "tpu.region"() ({
      %run_scoped3A = tpu.sem_alloc : memref<!tpu.dma_semaphore, #tpu.memory_space<semaphore_mem>>
      %dma_start3A_106 = arith.constant 0 : i32
      %dma_start3A_107 = tpu.memref_slice %arg24[%add3A_24, %dma_start3A_106] : memref<10240x128xbf16, #tpu.memory_space<vmem_shared>> -> memref<128x128xbf16, #tpu.memory_space<vmem_shared>>
      %dma_start3A_108 = arith.constant 0 : i32
      %dma_start3A_109 = tpu.memref_slice %arg24[%add3A_24, %dma_start3A_108] : memref<10240x128xbf16, #tpu.memory_space<vmem_shared>> -> memref<128x128xbf16, #tpu.memory_space<vmem_shared>>
      tpu.enqueue_dma source(%arg8 : memref<128x128xbf16, #tpu.memory_space<vmem>>) target(%dma_start3A_109 : memref<128x128xbf16, #tpu.memory_space<vmem_shared>>) target_semaphore(%run_scoped3A : memref<!tpu.dma_semaphore, #tpu.memory_space<semaphore_mem>>)
      %dma_wait3A_110 = arith.constant 0 : i32
      %dma_wait3A_111 = tpu.memref_slice %arg24[%add3A_24, %dma_wait3A_110] : memref<10240x128xbf16, #tpu.memory_space<vmem_shared>> -> memref<128x128xbf16, #tpu.memory_space<vmem_shared>>
      %dma_wait3A_112 = arith.constant 0 : i32
      %dma_wait3A_113 = tpu.memref_slice %arg24[%add3A_24, %dma_wait3A_112] : memref<10240x128xbf16, #tpu.memory_space<vmem_shared>> -> memref<128x128xbf16, #tpu.memory_space<vmem_shared>>
      tpu.wait_dma2 semaphore(%run_scoped3A : memref<!tpu.dma_semaphore, #tpu.memory_space<semaphore_mem>>) src(%arg8 : memref<128x128xbf16, #tpu.memory_space<vmem>>) dst(%dma_wait3A_113 : memref<128x128xbf16, #tpu.memory_space<vmem_shared>>)
      tpu.yield
    }) : () -> ()
    %add3A_25 = arith.constant 384 : i32
    %add3A_26 = arith.addi %mul3A_18, %add3A_25 : i32
    "tpu.region"() ({
      %run_scoped3A = tpu.sem_alloc : memref<!tpu.dma_semaphore, #tpu.memory_space<semaphore_mem>>
      %dma_start3A_106 = arith.constant 0 : i32
      %dma_start3A_107 = tpu.memref_slice %arg24[%add3A_26, %dma_start3A_106] : memref<10240x128xbf16, #tpu.memory_space<vmem_shared>> -> memref<128x128xbf16, #tpu.memory_space<vmem_shared>>
      %dma_start3A_108 = arith.constant 0 : i32
      %dma_start3A_109 = tpu.memref_slice %arg24[%add3A_26, %dma_start3A_108] : memref<10240x128xbf16, #tpu.memory_space<vmem_shared>> -> memref<128x128xbf16, #tpu.memory_space<vmem_shared>>
      tpu.enqueue_dma source(%arg8 : memref<128x128xbf16, #tpu.memory_space<vmem>>) target(%dma_start3A_109 : memref<128x128xbf16, #tpu.memory_space<vmem_shared>>) target_semaphore(%run_scoped3A : memref<!tpu.dma_semaphore, #tpu.memory_space<semaphore_mem>>)
      %dma_wait3A_110 = arith.constant 0 : i32
      %dma_wait3A_111 = tpu.memref_slice %arg24[%add3A_26, %dma_wait3A_110] : memref<10240x128xbf16, #tpu.memory_space<vmem_shared>> -> memref<128x128xbf16, #tpu.memory_space<vmem_shared>>
      %dma_wait3A_112 = arith.constant 0 : i32
      %dma_wait3A_113 = tpu.memref_slice %arg24[%add3A_26, %dma_wait3A_112] : memref<10240x128xbf16, #tpu.memory_space<vmem_shared>> -> memref<128x128xbf16, #tpu.memory_space<vmem_shared>>
      tpu.wait_dma2 semaphore(%run_scoped3A : memref<!tpu.dma_semaphore, #tpu.memory_space<semaphore_mem>>) src(%arg8 : memref<128x128xbf16, #tpu.memory_space<vmem>>) dst(%dma_wait3A_113 : memref<128x128xbf16, #tpu.memory_space<vmem_shared>>)
      tpu.yield
    }) : () -> ()
    %add3A_27 = arith.constant 512 : i32
    %add3A_28 = arith.addi %mul3A_18, %add3A_27 : i32
    "tpu.region"() ({
      %run_scoped3A = tpu.sem_alloc : memref<!tpu.dma_semaphore, #tpu.memory_space<semaphore_mem>>
      %dma_start3A_106 = arith.constant 0 : i32
      %dma_start3A_107 = tpu.memref_slice %arg24[%add3A_28, %dma_start3A_106] : memref<10240x128xbf16, #tpu.memory_space<vmem_shared>> -> memref<128x128xbf16, #tpu.memory_space<vmem_shared>>
      %dma_start3A_108 = arith.constant 0 : i32
      %dma_start3A_109 = tpu.memref_slice %arg24[%add3A_28, %dma_start3A_108] : memref<10240x128xbf16, #tpu.memory_space<vmem_shared>> -> memref<128x128xbf16, #tpu.memory_space<vmem_shared>>
      tpu.enqueue_dma source(%arg8 : memref<128x128xbf16, #tpu.memory_space<vmem>>) target(%dma_start3A_109 : memref<128x128xbf16, #tpu.memory_space<vmem_shared>>) target_semaphore(%run_scoped3A : memref<!tpu.dma_semaphore, #tpu.memory_space<semaphore_mem>>)
      %dma_wait3A_110 = arith.constant 0 : i32
      %dma_wait3A_111 = tpu.memref_slice %arg24[%add3A_28, %dma_wait3A_110] : memref<10240x128xbf16, #tpu.memory_space<vmem_shared>> -> memref<128x128xbf16, #tpu.memory_space<vmem_shared>>
      %dma_wait3A_112 = arith.constant 0 : i32
      %dma_wait3A_113 = tpu.memref_slice %arg24[%add3A_28, %dma_wait3A_112] : memref<10240x128xbf16, #tpu.memory_space<vmem_shared>> -> memref<128x128xbf16, #tpu.memory_space<vmem_shared>>
      tpu.wait_dma2 semaphore(%run_scoped3A : memref<!tpu.dma_semaphore, #tpu.memory_space<semaphore_mem>>) src(%arg8 : memref<128x128xbf16, #tpu.memory_space<vmem>>) dst(%dma_wait3A_113 : memref<128x128xbf16, #tpu.memory_space<vmem_shared>>)
      tpu.yield
    }) : () -> ()
    %lt3A_29 = arith.constant 31 : i32
    %lt3A_30 = arith.cmpi slt, %add3A, %lt3A_29 : i32
    %convert_element_type3A_31 = arith.extui %lt3A_30 : i1 to i32
    %cond3A_32 = arith.constant 0 : i32
    %cond3A_33 = arith.cmpi ne, %convert_element_type3A_31, %cond3A_32 : i32
    scf.if %cond3A_33 {
      %dma_wait3A_106 = arith.constant 0 : i32
      %dma_wait3A_107 = arith.constant 0 : i32
      %dma_wait3A_108 = tpu.memref_slice %arg3[%dma_wait3A_106, %dma_wait3A_107] : memref<2500x128xi32, #tpu.memory_space<hbm>> -> memref<80x128xi32, #tpu.memory_space<hbm>>
      %dma_wait3A_109 = arith.constant 0 : i32
      %dma_wait3A_110 = arith.constant 0 : i32
      %dma_wait3A_111 = tpu.memref_slice %arg3[%dma_wait3A_109, %dma_wait3A_110] : memref<2500x128xi32, #tpu.memory_space<hbm>> -> memref<80x128xi32, #tpu.memory_space<hbm>>
      tpu.wait_dma2 semaphore(%arg13 : memref<!tpu.dma_semaphore, #tpu.memory_space<semaphore_mem>>) src(%dma_wait3A_111 : memref<80x128xi32, #tpu.memory_space<hbm>>) dst(%arg6 : memref<80x128xi32, #tpu.memory_space<vmem>>)
      %dma_wait3A_112 = arith.constant 0 : i32
      %dma_wait3A_113 = arith.constant 0 : i32
      %dma_wait3A_114 = tpu.memref_slice %arg3[%dma_wait3A_112, %dma_wait3A_113] : memref<2500x128xi32, #tpu.memory_space<hbm>> -> memref<80x128xi32, #tpu.memory_space<hbm>>
      %dma_wait3A_115 = arith.constant 0 : i32
      %dma_wait3A_116 = arith.constant 0 : i32
      %dma_wait3A_117 = tpu.memref_slice %arg3[%dma_wait3A_115, %dma_wait3A_116] : memref<2500x128xi32, #tpu.memory_space<hbm>> -> memref<80x128xi32, #tpu.memory_space<hbm>>
      tpu.wait_dma2 semaphore(%arg13 : memref<!tpu.dma_semaphore, #tpu.memory_space<semaphore_mem>>) src(%dma_wait3A_117 : memref<80x128xi32, #tpu.memory_space<hbm>>) dst(%arg7 : memref<80x128xi32, #tpu.memory_space<vmem>>)
    } else {
    }
    %eq3A_34 = arith.constant 31 : i32
    %eq3A_35 = arith.cmpi eq, %add3A, %eq3A_34 : i32
    %convert_element_type3A_36 = arith.extui %eq3A_35 : i1 to i32
    %cond3A_37 = arith.constant 0 : i32
    %cond3A_38 = arith.cmpi ne, %convert_element_type3A_36, %cond3A_37 : i32
    scf.if %cond3A_38 {
      %dma_wait3A_106 = arith.constant 0 : i32
      %dma_wait3A_107 = arith.constant 0 : i32
      %dma_wait3A_108 = tpu.memref_slice %arg6[%dma_wait3A_106, %dma_wait3A_107] : memref<80x128xi32, #tpu.memory_space<vmem>> -> memref<20x128xi32, #tpu.memory_space<vmem>>
      %dma_wait3A_109 = arith.constant 0 : i32
      %dma_wait3A_110 = arith.constant 0 : i32
      %dma_wait3A_111 = tpu.memref_slice %arg3[%dma_wait3A_109, %dma_wait3A_110] : memref<2500x128xi32, #tpu.memory_space<hbm>> -> memref<20x128xi32, #tpu.memory_space<hbm>>
      %dma_wait3A_112 = arith.constant 0 : i32
      %dma_wait3A_113 = arith.constant 0 : i32
      %dma_wait3A_114 = tpu.memref_slice %arg6[%dma_wait3A_112, %dma_wait3A_113] : memref<80x128xi32, #tpu.memory_space<vmem>> -> memref<20x128xi32, #tpu.memory_space<vmem>>
      %dma_wait3A_115 = arith.constant 0 : i32
      %dma_wait3A_116 = arith.constant 0 : i32
      %dma_wait3A_117 = tpu.memref_slice %arg3[%dma_wait3A_115, %dma_wait3A_116] : memref<2500x128xi32, #tpu.memory_space<hbm>> -> memref<20x128xi32, #tpu.memory_space<hbm>>
      tpu.wait_dma2 semaphore(%arg13 : memref<!tpu.dma_semaphore, #tpu.memory_space<semaphore_mem>>) src(%dma_wait3A_117 : memref<20x128xi32, #tpu.memory_space<hbm>>) dst(%dma_wait3A_114 : memref<20x128xi32, #tpu.memory_space<vmem>>)
      %dma_wait3A_118 = arith.constant 0 : i32
      %dma_wait3A_119 = arith.constant 0 : i32
      %dma_wait3A_120 = tpu.memref_slice %arg7[%dma_wait3A_118, %dma_wait3A_119] : memref<80x128xi32, #tpu.memory_space<vmem>> -> memref<20x128xi32, #tpu.memory_space<vmem>>
      %dma_wait3A_121 = arith.constant 0 : i32
      %dma_wait3A_122 = arith.constant 0 : i32
      %dma_wait3A_123 = tpu.memref_slice %arg3[%dma_wait3A_121, %dma_wait3A_122] : memref<2500x128xi32, #tpu.memory_space<hbm>> -> memref<20x128xi32, #tpu.memory_space<hbm>>
      %dma_wait3A_124 = arith.constant 0 : i32
      %dma_wait3A_125 = arith.constant 0 : i32
      %dma_wait3A_126 = tpu.memref_slice %arg7[%dma_wait3A_124, %dma_wait3A_125] : memref<80x128xi32, #tpu.memory_space<vmem>> -> memref<20x128xi32, #tpu.memory_space<vmem>>
      %dma_wait3A_127 = arith.constant 0 : i32
      %dma_wait3A_128 = arith.constant 0 : i32
      %dma_wait3A_129 = tpu.memref_slice %arg3[%dma_wait3A_127, %dma_wait3A_128] : memref<2500x128xi32, #tpu.memory_space<hbm>> -> memref<20x128xi32, #tpu.memory_space<hbm>>
      tpu.wait_dma2 semaphore(%arg13 : memref<!tpu.dma_semaphore, #tpu.memory_space<semaphore_mem>>) src(%dma_wait3A_129 : memref<20x128xi32, #tpu.memory_space<hbm>>) dst(%dma_wait3A_126 : memref<20x128xi32, #tpu.memory_space<vmem>>)
    } else {
    }
    %barrier3A = arith.constant 0 : index
    tpu.barrier barrier_id(%barrier3A)
    %dma_start3A = arith.constant 0 : i32
    %dma_start3A_39 = arith.constant 0 : i32
    %dma_start3A_40 = tpu.memref_slice %arg6[%dma_start3A, %dma_start3A_39] : memref<80x128xi32, #tpu.memory_space<vmem>> -> memref<1x128xi32, #tpu.memory_space<vmem>>
    %dma_start3A_41 = tpu.memref_squeeze %dma_start3A_40 : memref<1x128xi32, #tpu.memory_space<vmem>> -> memref<128xi32, #tpu.memory_space<vmem>>
    %dma_start3A_42 = arith.constant 0 : i32
    %dma_start3A_43 = arith.constant 0 : i32
    %dma_start3A_44 = tpu.memref_slice %arg2[%dma_start3A_42, %dma_start3A_43] : memref<10240x128xbf16, #tpu.memory_space<hbm>> -> memref<10240x128xbf16, #tpu.memory_space<hbm>>
    tpu.enqueue_indirect_dma source(%dma_start3A_44 : memref<10240x128xbf16, #tpu.memory_space<hbm>>) target(%arg8 : memref<128x128xbf16, #tpu.memory_space<vmem>>) offsets(%dma_start3A_41 : memref<128xi32, #tpu.memory_space<vmem>>) semaphore(%arg14 : memref<!tpu.dma_semaphore, #tpu.memory_space<semaphore_mem>>)
    %dma_start3A_45 = arith.constant 1 : i32
    %dma_start3A_46 = arith.constant 0 : i32
    %dma_start3A_47 = tpu.memref_slice %arg6[%dma_start3A_45, %dma_start3A_46] : memref<80x128xi32, #tpu.memory_space<vmem>> -> memref<1x128xi32, #tpu.memory_space<vmem>>
    %dma_start3A_48 = tpu.memref_squeeze %dma_start3A_47 : memref<1x128xi32, #tpu.memory_space<vmem>> -> memref<128xi32, #tpu.memory_space<vmem>>
    %dma_start3A_49 = arith.constant 0 : i32
    %dma_start3A_50 = arith.constant 0 : i32
    %dma_start3A_51 = tpu.memref_slice %arg2[%dma_start3A_49, %dma_start3A_50] : memref<10240x128xbf16, #tpu.memory_space<hbm>> -> memref<10240x128xbf16, #tpu.memory_space<hbm>>
    tpu.enqueue_indirect_dma source(%dma_start3A_51 : memref<10240x128xbf16, #tpu.memory_space<hbm>>) target(%arg9 : memref<128x128xbf16, #tpu.memory_space<vmem>>) offsets(%dma_start3A_48 : memref<128xi32, #tpu.memory_space<vmem>>) semaphore(%arg15 : memref<!tpu.dma_semaphore, #tpu.memory_space<semaphore_mem>>)
    %dma_start3A_52 = arith.constant 2 : i32
    %dma_start3A_53 = arith.constant 0 : i32
    %dma_start3A_54 = tpu.memref_slice %arg6[%dma_start3A_52, %dma_start3A_53] : memref<80x128xi32, #tpu.memory_space<vmem>> -> memref<1x128xi32, #tpu.memory_space<vmem>>
    %dma_start3A_55 = tpu.memref_squeeze %dma_start3A_54 : memref<1x128xi32, #tpu.memory_space<vmem>> -> memref<128xi32, #tpu.memory_space<vmem>>
    %dma_start3A_56 = arith.constant 0 : i32
    %dma_start3A_57 = arith.constant 0 : i32
    %dma_start3A_58 = tpu.memref_slice %arg2[%dma_start3A_56, %dma_start3A_57] : memref<10240x128xbf16, #tpu.memory_space<hbm>> -> memref<10240x128xbf16, #tpu.memory_space<hbm>>
    tpu.enqueue_indirect_dma source(%dma_start3A_58 : memref<10240x128xbf16, #tpu.memory_space<hbm>>) target(%arg10 : memref<128x128xbf16, #tpu.memory_space<vmem>>) offsets(%dma_start3A_55 : memref<128xi32, #tpu.memory_space<vmem>>) semaphore(%arg16 : memref<!tpu.dma_semaphore, #tpu.memory_space<semaphore_mem>>)
    %dma_start3A_59 = arith.constant 3 : i32
    %dma_start3A_60 = arith.constant 0 : i32
    %dma_start3A_61 = tpu.memref_slice %arg6[%dma_start3A_59, %dma_start3A_60] : memref<80x128xi32, #tpu.memory_space<vmem>> -> memref<1x128xi32, #tpu.memory_space<vmem>>
    %dma_start3A_62 = tpu.memref_squeeze %dma_start3A_61 : memref<1x128xi32, #tpu.memory_space<vmem>> -> memref<128xi32, #tpu.memory_space<vmem>>
    %dma_start3A_63 = arith.constant 0 : i32
    %dma_start3A_64 = arith.constant 0 : i32
    %dma_start3A_65 = tpu.memref_slice %arg2[%dma_start3A_63, %dma_start3A_64] : memref<10240x128xbf16, #tpu.memory_space<hbm>> -> memref<10240x128xbf16, #tpu.memory_space<hbm>>
    tpu.enqueue_indirect_dma source(%dma_start3A_65 : memref<10240x128xbf16, #tpu.memory_space<hbm>>) target(%arg11 : memref<128x128xbf16, #tpu.memory_space<vmem>>) offsets(%dma_start3A_62 : memref<128xi32, #tpu.memory_space<vmem>>) semaphore(%arg17 : memref<!tpu.dma_semaphore, #tpu.memory_space<semaphore_mem>>)
    %dma_start3A_66 = arith.constant 4 : i32
    %dma_start3A_67 = arith.constant 0 : i32
    %dma_start3A_68 = tpu.memref_slice %arg6[%dma_start3A_66, %dma_start3A_67] : memref<80x128xi32, #tpu.memory_space<vmem>> -> memref<1x128xi32, #tpu.memory_space<vmem>>
    %dma_start3A_69 = tpu.memref_squeeze %dma_start3A_68 : memref<1x128xi32, #tpu.memory_space<vmem>> -> memref<128xi32, #tpu.memory_space<vmem>>
    %dma_start3A_70 = arith.constant 0 : i32
    %dma_start3A_71 = arith.constant 0 : i32
    %dma_start3A_72 = tpu.memref_slice %arg2[%dma_start3A_70, %dma_start3A_71] : memref<10240x128xbf16, #tpu.memory_space<hbm>> -> memref<10240x128xbf16, #tpu.memory_space<hbm>>
    tpu.enqueue_indirect_dma source(%dma_start3A_72 : memref<10240x128xbf16, #tpu.memory_space<hbm>>) target(%arg12 : memref<128x128xbf16, #tpu.memory_space<vmem>>) offsets(%dma_start3A_69 : memref<128xi32, #tpu.memory_space<vmem>>) semaphore(%arg18 : memref<!tpu.dma_semaphore, #tpu.memory_space<semaphore_mem>>)
    %jit3A_73 = arith.constant 5 : i32
    %div3A = arith.divsi %select_n3A, %jit3A_73 : i32
    %sign3A = arith.constant 0 : i32
    %sign3A_74 = arith.cmpi sgt, %select_n3A, %sign3A : i32
    %sign3A_75 = arith.extui %sign3A_74 : i1 to i32
    %sign3A_76 = arith.constant 0 : i32
    %sign3A_77 = arith.cmpi slt, %select_n3A, %sign3A_76 : i32
    %sign3A_78 = arith.extui %sign3A_77 : i1 to i32
    %sign3A_79 = arith.subi %sign3A_75, %sign3A_78 : i32
    %sign3A_80 = arith.constant 0 : i32
    %sign3A_81 = arith.cmpi sgt, %jit3A_73, %sign3A_80 : i32
    %sign3A_82 = arith.extui %sign3A_81 : i1 to i32
    %sign3A_83 = arith.constant 0 : i32
    %sign3A_84 = arith.cmpi slt, %jit3A_73, %sign3A_83 : i32
    %sign3A_85 = arith.extui %sign3A_84 : i1 to i32
    %sign3A_86 = arith.subi %sign3A_82, %sign3A_85 : i32
    %ne3A = arith.cmpi ne, %sign3A_79, %sign3A_86 : i32
    %rem3A = arith.remsi %select_n3A, %jit3A_73 : i32
    %ne3A_87 = arith.constant 0 : i32
    %ne3A_88 = arith.cmpi ne, %rem3A, %ne3A_87 : i32
    %and3A = arith.andi %ne3A, %ne3A_88 : i1
    %sub3A = arith.constant 1 : i32
    %sub3A_89 = arith.subi %div3A, %sub3A : i32
    %select_n3A_90 = arith.select %and3A, %sub3A_89, %div3A : i32
    %while3A = arith.constant 0 : i32
    %while3A_91 = arith.constant 0 : i32
    %while3A_92 = arith.subi %select_n3A_90, %while3A_91 : i32
    %while3A_93 = arith.addi %while3A_91, %while3A_92 : i32
    %while3A_94 = arith.constant 1 : i32
    %while3A_95 = arith.divsi %while3A_92, %while3A_94 : i32
    %while3A_96 = arith.muli %while3A_95, %while3A_94 : i32
    %while3A_97 = arith.addi %while3A_91, %while3A_96 : i32
    %while3A_98 = arith.constant 1 : i32
    scf.for %while3A_106 = %while3A_91 to %while3A_97 step %while3A_98  : i32 {
      %mul3A_107 = arith.constant 5 : i32
      %mul3A_108 = arith.muli %while3A_106, %mul3A_107 : i32
      %add3A_109 = arith.constant 0 : i32
      %add3A_110 = arith.addi %mul3A_108, %add3A_109 : i32
      %ge3A = arith.constant 1 : i32
      %ge3A_111 = arith.cmpi sge, %add3A_110, %ge3A : i32
      %convert_element_type3A_112 = arith.extui %ge3A_111 : i1 to i32
      %cond3A_113 = arith.constant 0 : i32
      %cond3A_114 = arith.cmpi ne, %convert_element_type3A_112, %cond3A_113 : i32
      scf.if %cond3A_114 {
        %dma_wait3A_266 = arith.constant 0 : i32
        %dma_wait3A_267 = arith.constant 0 : i32
        %dma_wait3A_268 = tpu.memref_slice %arg2[%dma_wait3A_266, %dma_wait3A_267] : memref<10240x128xbf16, #tpu.memory_space<hbm>> -> memref<128x128xbf16, #tpu.memory_space<hbm>>
        %dma_wait3A_269 = arith.constant 0 : i32
        %dma_wait3A_270 = arith.constant 0 : i32
        %dma_wait3A_271 = tpu.memref_slice %arg2[%dma_wait3A_269, %dma_wait3A_270] : memref<10240x128xbf16, #tpu.memory_space<hbm>> -> memref<128x128xbf16, #tpu.memory_space<hbm>>
        tpu.wait_dma2 semaphore(%arg23 : memref<!tpu.dma_semaphore, #tpu.memory_space<semaphore_mem>>) src(%dma_wait3A_271 : memref<128x128xbf16, #tpu.memory_space<hbm>>) dst(%arg12 : memref<128x128xbf16, #tpu.memory_space<vmem>>)
      } else {
      }
      %ge3A_115 = arith.constant 1 : i32
      %ge3A_116 = arith.cmpi sge, %add3A_110, %ge3A_115 : i32
      %add3A_117 = arith.constant 5 : i32
      %add3A_118 = arith.addi %add3A_110, %add3A_117 : i32
      %sub3A_119 = arith.constant 1 : i32
      %sub3A_120 = arith.subi %add3A_118, %sub3A_119 : i32
      %lt3A_121 = arith.cmpi slt, %sub3A_120, %select_n3A : i32
      %and3A_122 = arith.andi %ge3A_116, %lt3A_121 : i1
      %convert_element_type3A_123 = arith.extui %and3A_122 : i1 to i32
      %cond3A_124 = arith.constant 0 : i32
      %cond3A_125 = arith.cmpi ne, %convert_element_type3A_123, %cond3A_124 : i32
      scf.if %cond3A_125 {
        %add3A_266 = arith.constant 5 : i32
        %add3A_267 = arith.addi %add3A_110, %add3A_266 : i32
        %sub3A_268 = arith.constant 1 : i32
        %sub3A_269 = arith.subi %add3A_267, %sub3A_268 : i32
        %dma_start3A_270 = arith.constant 0 : i32
        %dma_start3A_271 = tpu.memref_slice %arg6[%sub3A_269, %dma_start3A_270] : memref<80x128xi32, #tpu.memory_space<vmem>> -> memref<1x128xi32, #tpu.memory_space<vmem>>
        %dma_start3A_272 = tpu.memref_squeeze %dma_start3A_271 : memref<1x128xi32, #tpu.memory_space<vmem>> -> memref<128xi32, #tpu.memory_space<vmem>>
        %dma_start3A_273 = arith.constant 0 : i32
        %dma_start3A_274 = arith.constant 0 : i32
        %dma_start3A_275 = tpu.memref_slice %arg2[%dma_start3A_273, %dma_start3A_274] : memref<10240x128xbf16, #tpu.memory_space<hbm>> -> memref<10240x128xbf16, #tpu.memory_space<hbm>>
        tpu.enqueue_indirect_dma source(%dma_start3A_275 : memref<10240x128xbf16, #tpu.memory_space<hbm>>) target(%arg12 : memref<128x128xbf16, #tpu.memory_space<vmem>>) offsets(%dma_start3A_272 : memref<128xi32, #tpu.memory_space<vmem>>) semaphore(%arg18 : memref<!tpu.dma_semaphore, #tpu.memory_space<semaphore_mem>>)
      } else {
      }
      %dma_wait3A_126 = arith.constant 0 : i32
      %dma_wait3A_127 = arith.constant 0 : i32
      %dma_wait3A_128 = tpu.memref_slice %arg2[%dma_wait3A_126, %dma_wait3A_127] : memref<10240x128xbf16, #tpu.memory_space<hbm>> -> memref<128x128xbf16, #tpu.memory_space<hbm>>
      %dma_wait3A_129 = arith.constant 0 : i32
      %dma_wait3A_130 = arith.constant 0 : i32
      %dma_wait3A_131 = tpu.memref_slice %arg2[%dma_wait3A_129, %dma_wait3A_130] : memref<10240x128xbf16, #tpu.memory_space<hbm>> -> memref<128x128xbf16, #tpu.memory_space<hbm>>
      tpu.wait_dma2 semaphore(%arg14 : memref<!tpu.dma_semaphore, #tpu.memory_space<semaphore_mem>>) src(%dma_wait3A_131 : memref<128x128xbf16, #tpu.memory_space<hbm>>) dst(%arg8 : memref<128x128xbf16, #tpu.memory_space<vmem>>)
      %dma_start3A_132 = arith.constant 0 : i32
      %dma_start3A_133 = tpu.memref_slice %arg7[%add3A_110, %dma_start3A_132] : memref<80x128xi32, #tpu.memory_space<vmem>> -> memref<1x128xi32, #tpu.memory_space<vmem>>
      %dma_start3A_134 = tpu.memref_squeeze %dma_start3A_133 : memref<1x128xi32, #tpu.memory_space<vmem>> -> memref<128xi32, #tpu.memory_space<vmem>>
      %dma_start3A_135 = arith.constant 0 : i32
      %dma_start3A_136 = arith.constant 0 : i32
      %dma_start3A_137 = tpu.memref_slice %arg24[%dma_start3A_135, %dma_start3A_136] : memref<10240x128xbf16, #tpu.memory_space<vmem_shared>> -> memref<10240x128xbf16, #tpu.memory_space<vmem_shared>>
      tpu.enqueue_indirect_dma source(%arg8 : memref<128x128xbf16, #tpu.memory_space<vmem>>) target(%dma_start3A_137 : memref<10240x128xbf16, #tpu.memory_space<vmem_shared>>) offsets(%dma_start3A_134 : memref<128xi32, #tpu.memory_space<vmem>>) semaphore(%arg19 : memref<!tpu.dma_semaphore, #tpu.memory_space<semaphore_mem>>) {add = true}
      %mul3A_138 = arith.constant 5 : i32
      %mul3A_139 = arith.muli %while3A_106, %mul3A_138 : i32
      %add3A_140 = arith.constant 1 : i32
      %add3A_141 = arith.addi %mul3A_139, %add3A_140 : i32
      %ge3A_142 = arith.constant 1 : i32
      %ge3A_143 = arith.cmpi sge, %add3A_141, %ge3A_142 : i32
      %convert_element_type3A_144 = arith.extui %ge3A_143 : i1 to i32
      %cond3A_145 = arith.constant 0 : i32
      %cond3A_146 = arith.cmpi ne, %convert_element_type3A_144, %cond3A_145 : i32
      scf.if %cond3A_146 {
        %dma_wait3A_266 = arith.constant 0 : i32
        %dma_wait3A_267 = arith.constant 0 : i32
        %dma_wait3A_268 = tpu.memref_slice %arg2[%dma_wait3A_266, %dma_wait3A_267] : memref<10240x128xbf16, #tpu.memory_space<hbm>> -> memref<128x128xbf16, #tpu.memory_space<hbm>>
        %dma_wait3A_269 = arith.constant 0 : i32
        %dma_wait3A_270 = arith.constant 0 : i32
        %dma_wait3A_271 = tpu.memref_slice %arg2[%dma_wait3A_269, %dma_wait3A_270] : memref<10240x128xbf16, #tpu.memory_space<hbm>> -> memref<128x128xbf16, #tpu.memory_space<hbm>>
        tpu.wait_dma2 semaphore(%arg19 : memref<!tpu.dma_semaphore, #tpu.memory_space<semaphore_mem>>) src(%dma_wait3A_271 : memref<128x128xbf16, #tpu.memory_space<hbm>>) dst(%arg8 : memref<128x128xbf16, #tpu.memory_space<vmem>>)
      } else {
      }
      %ge3A_147 = arith.constant 1 : i32
      %ge3A_148 = arith.cmpi sge, %add3A_141, %ge3A_147 : i32
      %add3A_149 = arith.constant 5 : i32
      %add3A_150 = arith.addi %add3A_141, %add3A_149 : i32
      %sub3A_151 = arith.constant 1 : i32
      %sub3A_152 = arith.subi %add3A_150, %sub3A_151 : i32
      %lt3A_153 = arith.cmpi slt, %sub3A_152, %select_n3A : i32
      %and3A_154 = arith.andi %ge3A_148, %lt3A_153 : i1
      %convert_element_type3A_155 = arith.extui %and3A_154 : i1 to i32
      %cond3A_156 = arith.constant 0 : i32
      %cond3A_157 = arith.cmpi ne, %convert_element_type3A_155, %cond3A_156 : i32
      scf.if %cond3A_157 {
        %add3A_266 = arith.constant 5 : i32
        %add3A_267 = arith.addi %add3A_141, %add3A_266 : i32
        %sub3A_268 = arith.constant 1 : i32
        %sub3A_269 = arith.subi %add3A_267, %sub3A_268 : i32
        %dma_start3A_270 = arith.constant 0 : i32
        %dma_start3A_271 = tpu.memref_slice %arg6[%sub3A_269, %dma_start3A_270] : memref<80x128xi32, #tpu.memory_space<vmem>> -> memref<1x128xi32, #tpu.memory_space<vmem>>
        %dma_start3A_272 = tpu.memref_squeeze %dma_start3A_271 : memref<1x128xi32, #tpu.memory_space<vmem>> -> memref<128xi32, #tpu.memory_space<vmem>>
        %dma_start3A_273 = arith.constant 0 : i32
        %dma_start3A_274 = arith.constant 0 : i32
        %dma_start3A_275 = tpu.memref_slice %arg2[%dma_start3A_273, %dma_start3A_274] : memref<10240x128xbf16, #tpu.memory_space<hbm>> -> memref<10240x128xbf16, #tpu.memory_space<hbm>>
        tpu.enqueue_indirect_dma source(%dma_start3A_275 : memref<10240x128xbf16, #tpu.memory_space<hbm>>) target(%arg8 : memref<128x128xbf16, #tpu.memory_space<vmem>>) offsets(%dma_start3A_272 : memref<128xi32, #tpu.memory_space<vmem>>) semaphore(%arg14 : memref<!tpu.dma_semaphore, #tpu.memory_space<semaphore_mem>>)
      } else {
      }
      %dma_wait3A_158 = arith.constant 0 : i32
      %dma_wait3A_159 = arith.constant 0 : i32
      %dma_wait3A_160 = tpu.memref_slice %arg2[%dma_wait3A_158, %dma_wait3A_159] : memref<10240x128xbf16, #tpu.memory_space<hbm>> -> memref<128x128xbf16, #tpu.memory_space<hbm>>
      %dma_wait3A_161 = arith.constant 0 : i32
      %dma_wait3A_162 = arith.constant 0 : i32
      %dma_wait3A_163 = tpu.memref_slice %arg2[%dma_wait3A_161, %dma_wait3A_162] : memref<10240x128xbf16, #tpu.memory_space<hbm>> -> memref<128x128xbf16, #tpu.memory_space<hbm>>
      tpu.wait_dma2 semaphore(%arg15 : memref<!tpu.dma_semaphore, #tpu.memory_space<semaphore_mem>>) src(%dma_wait3A_163 : memref<128x128xbf16, #tpu.memory_space<hbm>>) dst(%arg9 : memref<128x128xbf16, #tpu.memory_space<vmem>>)
      %dma_start3A_164 = arith.constant 0 : i32
      %dma_start3A_165 = tpu.memref_slice %arg7[%add3A_141, %dma_start3A_164] : memref<80x128xi32, #tpu.memory_space<vmem>> -> memref<1x128xi32, #tpu.memory_space<vmem>>
      %dma_start3A_166 = tpu.memref_squeeze %dma_start3A_165 : memref<1x128xi32, #tpu.memory_space<vmem>> -> memref<128xi32, #tpu.memory_space<vmem>>
      %dma_start3A_167 = arith.constant 0 : i32
      %dma_start3A_168 = arith.constant 0 : i32
      %dma_start3A_169 = tpu.memref_slice %arg24[%dma_start3A_167, %dma_start3A_168] : memref<10240x128xbf16, #tpu.memory_space<vmem_shared>> -> memref<10240x128xbf16, #tpu.memory_space<vmem_shared>>
      tpu.enqueue_indirect_dma source(%arg9 : memref<128x128xbf16, #tpu.memory_space<vmem>>) target(%dma_start3A_169 : memref<10240x128xbf16, #tpu.memory_space<vmem_shared>>) offsets(%dma_start3A_166 : memref<128xi32, #tpu.memory_space<vmem>>) semaphore(%arg20 : memref<!tpu.dma_semaphore, #tpu.memory_space<semaphore_mem>>) {add = true}
      %mul3A_170 = arith.constant 5 : i32
      %mul3A_171 = arith.muli %while3A_106, %mul3A_170 : i32
      %add3A_172 = arith.constant 2 : i32
      %add3A_173 = arith.addi %mul3A_171, %add3A_172 : i32
      %ge3A_174 = arith.constant 1 : i32
      %ge3A_175 = arith.cmpi sge, %add3A_173, %ge3A_174 : i32
      %convert_element_type3A_176 = arith.extui %ge3A_175 : i1 to i32
      %cond3A_177 = arith.constant 0 : i32
      %cond3A_178 = arith.cmpi ne, %convert_element_type3A_176, %cond3A_177 : i32
      scf.if %cond3A_178 {
        %dma_wait3A_266 = arith.constant 0 : i32
        %dma_wait3A_267 = arith.constant 0 : i32
        %dma_wait3A_268 = tpu.memref_slice %arg2[%dma_wait3A_266, %dma_wait3A_267] : memref<10240x128xbf16, #tpu.memory_space<hbm>> -> memref<128x128xbf16, #tpu.memory_space<hbm>>
        %dma_wait3A_269 = arith.constant 0 : i32
        %dma_wait3A_270 = arith.constant 0 : i32
        %dma_wait3A_271 = tpu.memref_slice %arg2[%dma_wait3A_269, %dma_wait3A_270] : memref<10240x128xbf16, #tpu.memory_space<hbm>> -> memref<128x128xbf16, #tpu.memory_space<hbm>>
        tpu.wait_dma2 semaphore(%arg20 : memref<!tpu.dma_semaphore, #tpu.memory_space<semaphore_mem>>) src(%dma_wait3A_271 : memref<128x128xbf16, #tpu.memory_space<hbm>>) dst(%arg9 : memref<128x128xbf16, #tpu.memory_space<vmem>>)
      } else {
      }
      %ge3A_179 = arith.constant 1 : i32
      %ge3A_180 = arith.cmpi sge, %add3A_173, %ge3A_179 : i32
      %add3A_181 = arith.constant 5 : i32
      %add3A_182 = arith.addi %add3A_173, %add3A_181 : i32
      %sub3A_183 = arith.constant 1 : i32
      %sub3A_184 = arith.subi %add3A_182, %sub3A_183 : i32
      %lt3A_185 = arith.cmpi slt, %sub3A_184, %select_n3A : i32
      %and3A_186 = arith.andi %ge3A_180, %lt3A_185 : i1
      %convert_element_type3A_187 = arith.extui %and3A_186 : i1 to i32
      %cond3A_188 = arith.constant 0 : i32
      %cond3A_189 = arith.cmpi ne, %convert_element_type3A_187, %cond3A_188 : i32
      scf.if %cond3A_189 {
        %add3A_266 = arith.constant 5 : i32
        %add3A_267 = arith.addi %add3A_173, %add3A_266 : i32
        %sub3A_268 = arith.constant 1 : i32
        %sub3A_269 = arith.subi %add3A_267, %sub3A_268 : i32
        %dma_start3A_270 = arith.constant 0 : i32
        %dma_start3A_271 = tpu.memref_slice %arg6[%sub3A_269, %dma_start3A_270] : memref<80x128xi32, #tpu.memory_space<vmem>> -> memref<1x128xi32, #tpu.memory_space<vmem>>
        %dma_start3A_272 = tpu.memref_squeeze %dma_start3A_271 : memref<1x128xi32, #tpu.memory_space<vmem>> -> memref<128xi32, #tpu.memory_space<vmem>>
        %dma_start3A_273 = arith.constant 0 : i32
        %dma_start3A_274 = arith.constant 0 : i32
        %dma_start3A_275 = tpu.memref_slice %arg2[%dma_start3A_273, %dma_start3A_274] : memref<10240x128xbf16, #tpu.memory_space<hbm>> -> memref<10240x128xbf16, #tpu.memory_space<hbm>>
        tpu.enqueue_indirect_dma source(%dma_start3A_275 : memref<10240x128xbf16, #tpu.memory_space<hbm>>) target(%arg9 : memref<128x128xbf16, #tpu.memory_space<vmem>>) offsets(%dma_start3A_272 : memref<128xi32, #tpu.memory_space<vmem>>) semaphore(%arg15 : memref<!tpu.dma_semaphore, #tpu.memory_space<semaphore_mem>>)
      } else {
      }
      %dma_wait3A_190 = arith.constant 0 : i32
      %dma_wait3A_191 = arith.constant 0 : i32
      %dma_wait3A_192 = tpu.memref_slice %arg2[%dma_wait3A_190, %dma_wait3A_191] : memref<10240x128xbf16, #tpu.memory_space<hbm>> -> memref<128x128xbf16, #tpu.memory_space<hbm>>
      %dma_wait3A_193 = arith.constant 0 : i32
      %dma_wait3A_194 = arith.constant 0 : i32
      %dma_wait3A_195 = tpu.memref_slice %arg2[%dma_wait3A_193, %dma_wait3A_194] : memref<10240x128xbf16, #tpu.memory_space<hbm>> -> memref<128x128xbf16, #tpu.memory_space<hbm>>
      tpu.wait_dma2 semaphore(%arg16 : memref<!tpu.dma_semaphore, #tpu.memory_space<semaphore_mem>>) src(%dma_wait3A_195 : memref<128x128xbf16, #tpu.memory_space<hbm>>) dst(%arg10 : memref<128x128xbf16, #tpu.memory_space<vmem>>)
      %dma_start3A_196 = arith.constant 0 : i32
      %dma_start3A_197 = tpu.memref_slice %arg7[%add3A_173, %dma_start3A_196] : memref<80x128xi32, #tpu.memory_space<vmem>> -> memref<1x128xi32, #tpu.memory_space<vmem>>
      %dma_start3A_198 = tpu.memref_squeeze %dma_start3A_197 : memref<1x128xi32, #tpu.memory_space<vmem>> -> memref<128xi32, #tpu.memory_space<vmem>>
      %dma_start3A_199 = arith.constant 0 : i32
      %dma_start3A_200 = arith.constant 0 : i32
      %dma_start3A_201 = tpu.memref_slice %arg24[%dma_start3A_199, %dma_start3A_200] : memref<10240x128xbf16, #tpu.memory_space<vmem_shared>> -> memref<10240x128xbf16, #tpu.memory_space<vmem_shared>>
      tpu.enqueue_indirect_dma source(%arg10 : memref<128x128xbf16, #tpu.memory_space<vmem>>) target(%dma_start3A_201 : memref<10240x128xbf16, #tpu.memory_space<vmem_shared>>) offsets(%dma_start3A_198 : memref<128xi32, #tpu.memory_space<vmem>>) semaphore(%arg21 : memref<!tpu.dma_semaphore, #tpu.memory_space<semaphore_mem>>) {add = true}
      %mul3A_202 = arith.constant 5 : i32
      %mul3A_203 = arith.muli %while3A_106, %mul3A_202 : i32
      %add3A_204 = arith.constant 3 : i32
      %add3A_205 = arith.addi %mul3A_203, %add3A_204 : i32
      %ge3A_206 = arith.constant 1 : i32
      %ge3A_207 = arith.cmpi sge, %add3A_205, %ge3A_206 : i32
      %convert_element_type3A_208 = arith.extui %ge3A_207 : i1 to i32
      %cond3A_209 = arith.constant 0 : i32
      %cond3A_210 = arith.cmpi ne, %convert_element_type3A_208, %cond3A_209 : i32
      scf.if %cond3A_210 {
        %dma_wait3A_266 = arith.constant 0 : i32
        %dma_wait3A_267 = arith.constant 0 : i32
        %dma_wait3A_268 = tpu.memref_slice %arg2[%dma_wait3A_266, %dma_wait3A_267] : memref<10240x128xbf16, #tpu.memory_space<hbm>> -> memref<128x128xbf16, #tpu.memory_space<hbm>>
        %dma_wait3A_269 = arith.constant 0 : i32
        %dma_wait3A_270 = arith.constant 0 : i32
        %dma_wait3A_271 = tpu.memref_slice %arg2[%dma_wait3A_269, %dma_wait3A_270] : memref<10240x128xbf16, #tpu.memory_space<hbm>> -> memref<128x128xbf16, #tpu.memory_space<hbm>>
        tpu.wait_dma2 semaphore(%arg21 : memref<!tpu.dma_semaphore, #tpu.memory_space<semaphore_mem>>) src(%dma_wait3A_271 : memref<128x128xbf16, #tpu.memory_space<hbm>>) dst(%arg10 : memref<128x128xbf16, #tpu.memory_space<vmem>>)
      } else {
      }
      %ge3A_211 = arith.constant 1 : i32
      %ge3A_212 = arith.cmpi sge, %add3A_205, %ge3A_211 : i32
      %add3A_213 = arith.constant 5 : i32
      %add3A_214 = arith.addi %add3A_205, %add3A_213 : i32
      %sub3A_215 = arith.constant 1 : i32
      %sub3A_216 = arith.subi %add3A_214, %sub3A_215 : i32
      %lt3A_217 = arith.cmpi slt, %sub3A_216, %select_n3A : i32
      %and3A_218 = arith.andi %ge3A_212, %lt3A_217 : i1
      %convert_element_type3A_219 = arith.extui %and3A_218 : i1 to i32
      %cond3A_220 = arith.constant 0 : i32
      %cond3A_221 = arith.cmpi ne, %convert_element_type3A_219, %cond3A_220 : i32
      scf.if %cond3A_221 {
        %add3A_266 = arith.constant 5 : i32
        %add3A_267 = arith.addi %add3A_205, %add3A_266 : i32
        %sub3A_268 = arith.constant 1 : i32
        %sub3A_269 = arith.subi %add3A_267, %sub3A_268 : i32
        %dma_start3A_270 = arith.constant 0 : i32
        %dma_start3A_271 = tpu.memref_slice %arg6[%sub3A_269, %dma_start3A_270] : memref<80x128xi32, #tpu.memory_space<vmem>> -> memref<1x128xi32, #tpu.memory_space<vmem>>
        %dma_start3A_272 = tpu.memref_squeeze %dma_start3A_271 : memref<1x128xi32, #tpu.memory_space<vmem>> -> memref<128xi32, #tpu.memory_space<vmem>>
        %dma_start3A_273 = arith.constant 0 : i32
        %dma_start3A_274 = arith.constant 0 : i32
        %dma_start3A_275 = tpu.memref_slice %arg2[%dma_start3A_273, %dma_start3A_274] : memref<10240x128xbf16, #tpu.memory_space<hbm>> -> memref<10240x128xbf16, #tpu.memory_space<hbm>>
        tpu.enqueue_indirect_dma source(%dma_start3A_275 : memref<10240x128xbf16, #tpu.memory_space<hbm>>) target(%arg10 : memref<128x128xbf16, #tpu.memory_space<vmem>>) offsets(%dma_start3A_272 : memref<128xi32, #tpu.memory_space<vmem>>) semaphore(%arg16 : memref<!tpu.dma_semaphore, #tpu.memory_space<semaphore_mem>>)
      } else {
      }
      %dma_wait3A_222 = arith.constant 0 : i32
      %dma_wait3A_223 = arith.constant 0 : i32
      %dma_wait3A_224 = tpu.memref_slice %arg2[%dma_wait3A_222, %dma_wait3A_223] : memref<10240x128xbf16, #tpu.memory_space<hbm>> -> memref<128x128xbf16, #tpu.memory_space<hbm>>
      %dma_wait3A_225 = arith.constant 0 : i32
      %dma_wait3A_226 = arith.constant 0 : i32
      %dma_wait3A_227 = tpu.memref_slice %arg2[%dma_wait3A_225, %dma_wait3A_226] : memref<10240x128xbf16, #tpu.memory_space<hbm>> -> memref<128x128xbf16, #tpu.memory_space<hbm>>
      tpu.wait_dma2 semaphore(%arg17 : memref<!tpu.dma_semaphore, #tpu.memory_space<semaphore_mem>>) src(%dma_wait3A_227 : memref<128x128xbf16, #tpu.memory_space<hbm>>) dst(%arg11 : memref<128x128xbf16, #tpu.memory_space<vmem>>)
      %dma_start3A_228 = arith.constant 0 : i32
      %dma_start3A_229 = tpu.memref_slice %arg7[%add3A_205, %dma_start3A_228] : memref<80x128xi32, #tpu.memory_space<vmem>> -> memref<1x128xi32, #tpu.memory_space<vmem>>
      %dma_start3A_230 = tpu.memref_squeeze %dma_start3A_229 : memref<1x128xi32, #tpu.memory_space<vmem>> -> memref<128xi32, #tpu.memory_space<vmem>>
      %dma_start3A_231 = arith.constant 0 : i32
      %dma_start3A_232 = arith.constant 0 : i32
      %dma_start3A_233 = tpu.memref_slice %arg24[%dma_start3A_231, %dma_start3A_232] : memref<10240x128xbf16, #tpu.memory_space<vmem_shared>> -> memref<10240x128xbf16, #tpu.memory_space<vmem_shared>>
      tpu.enqueue_indirect_dma source(%arg11 : memref<128x128xbf16, #tpu.memory_space<vmem>>) target(%dma_start3A_233 : memref<10240x128xbf16, #tpu.memory_space<vmem_shared>>) offsets(%dma_start3A_230 : memref<128xi32, #tpu.memory_space<vmem>>) semaphore(%arg22 : memref<!tpu.dma_semaphore, #tpu.memory_space<semaphore_mem>>) {add = true}
      %mul3A_234 = arith.constant 5 : i32
      %mul3A_235 = arith.muli %while3A_106, %mul3A_234 : i32
      %add3A_236 = arith.constant 4 : i32
      %add3A_237 = arith.addi %mul3A_235, %add3A_236 : i32
      %ge3A_238 = arith.constant 1 : i32
      %ge3A_239 = arith.cmpi sge, %add3A_237, %ge3A_238 : i32
      %convert_element_type3A_240 = arith.extui %ge3A_239 : i1 to i32
      %cond3A_241 = arith.constant 0 : i32
      %cond3A_242 = arith.cmpi ne, %convert_element_type3A_240, %cond3A_241 : i32
      scf.if %cond3A_242 {
        %dma_wait3A_266 = arith.constant 0 : i32
        %dma_wait3A_267 = arith.constant 0 : i32
        %dma_wait3A_268 = tpu.memref_slice %arg2[%dma_wait3A_266, %dma_wait3A_267] : memref<10240x128xbf16, #tpu.memory_space<hbm>> -> memref<128x128xbf16, #tpu.memory_space<hbm>>
        %dma_wait3A_269 = arith.constant 0 : i32
        %dma_wait3A_270 = arith.constant 0 : i32
        %dma_wait3A_271 = tpu.memref_slice %arg2[%dma_wait3A_269, %dma_wait3A_270] : memref<10240x128xbf16, #tpu.memory_space<hbm>> -> memref<128x128xbf16, #tpu.memory_space<hbm>>
        tpu.wait_dma2 semaphore(%arg22 : memref<!tpu.dma_semaphore, #tpu.memory_space<semaphore_mem>>) src(%dma_wait3A_271 : memref<128x128xbf16, #tpu.memory_space<hbm>>) dst(%arg11 : memref<128x128xbf16, #tpu.memory_space<vmem>>)
      } else {
      }
      %ge3A_243 = arith.constant 1 : i32
      %ge3A_244 = arith.cmpi sge, %add3A_237, %ge3A_243 : i32
      %add3A_245 = arith.constant 5 : i32
      %add3A_246 = arith.addi %add3A_237, %add3A_245 : i32
      %sub3A_247 = arith.constant 1 : i32
      %sub3A_248 = arith.subi %add3A_246, %sub3A_247 : i32
      %lt3A_249 = arith.cmpi slt, %sub3A_248, %select_n3A : i32
      %and3A_250 = arith.andi %ge3A_244, %lt3A_249 : i1
      %convert_element_type3A_251 = arith.extui %and3A_250 : i1 to i32
      %cond3A_252 = arith.constant 0 : i32
      %cond3A_253 = arith.cmpi ne, %convert_element_type3A_251, %cond3A_252 : i32
      scf.if %cond3A_253 {
        %add3A_266 = arith.constant 5 : i32
        %add3A_267 = arith.addi %add3A_237, %add3A_266 : i32
        %sub3A_268 = arith.constant 1 : i32
        %sub3A_269 = arith.subi %add3A_267, %sub3A_268 : i32
        %dma_start3A_270 = arith.constant 0 : i32
        %dma_start3A_271 = tpu.memref_slice %arg6[%sub3A_269, %dma_start3A_270] : memref<80x128xi32, #tpu.memory_space<vmem>> -> memref<1x128xi32, #tpu.memory_space<vmem>>
        %dma_start3A_272 = tpu.memref_squeeze %dma_start3A_271 : memref<1x128xi32, #tpu.memory_space<vmem>> -> memref<128xi32, #tpu.memory_space<vmem>>
        %dma_start3A_273 = arith.constant 0 : i32
        %dma_start3A_274 = arith.constant 0 : i32
        %dma_start3A_275 = tpu.memref_slice %arg2[%dma_start3A_273, %dma_start3A_274] : memref<10240x128xbf16, #tpu.memory_space<hbm>> -> memref<10240x128xbf16, #tpu.memory_space<hbm>>
        tpu.enqueue_indirect_dma source(%dma_start3A_275 : memref<10240x128xbf16, #tpu.memory_space<hbm>>) target(%arg11 : memref<128x128xbf16, #tpu.memory_space<vmem>>) offsets(%dma_start3A_272 : memref<128xi32, #tpu.memory_space<vmem>>) semaphore(%arg17 : memref<!tpu.dma_semaphore, #tpu.memory_space<semaphore_mem>>)
      } else {
      }
      %dma_wait3A_254 = arith.constant 0 : i32
      %dma_wait3A_255 = arith.constant 0 : i32
      %dma_wait3A_256 = tpu.memref_slice %arg2[%dma_wait3A_254, %dma_wait3A_255] : memref<10240x128xbf16, #tpu.memory_space<hbm>> -> memref<128x128xbf16, #tpu.memory_space<hbm>>
      %dma_wait3A_257 = arith.constant 0 : i32
      %dma_wait3A_258 = arith.constant 0 : i32
      %dma_wait3A_259 = tpu.memref_slice %arg2[%dma_wait3A_257, %dma_wait3A_258] : memref<10240x128xbf16, #tpu.memory_space<hbm>> -> memref<128x128xbf16, #tpu.memory_space<hbm>>
      tpu.wait_dma2 semaphore(%arg18 : memref<!tpu.dma_semaphore, #tpu.memory_space<semaphore_mem>>) src(%dma_wait3A_259 : memref<128x128xbf16, #tpu.memory_space<hbm>>) dst(%arg12 : memref<128x128xbf16, #tpu.memory_space<vmem>>)
      %dma_start3A_260 = arith.constant 0 : i32
      %dma_start3A_261 = tpu.memref_slice %arg7[%add3A_237, %dma_start3A_260] : memref<80x128xi32, #tpu.memory_space<vmem>> -> memref<1x128xi32, #tpu.memory_space<vmem>>
      %dma_start3A_262 = tpu.memref_squeeze %dma_start3A_261 : memref<1x128xi32, #tpu.memory_space<vmem>> -> memref<128xi32, #tpu.memory_space<vmem>>
      %dma_start3A_263 = arith.constant 0 : i32
      %dma_start3A_264 = arith.constant 0 : i32
      %dma_start3A_265 = tpu.memref_slice %arg24[%dma_start3A_263, %dma_start3A_264] : memref<10240x128xbf16, #tpu.memory_space<vmem_shared>> -> memref<10240x128xbf16, #tpu.memory_space<vmem_shared>>
      tpu.enqueue_indirect_dma source(%arg12 : memref<128x128xbf16, #tpu.memory_space<vmem>>) target(%dma_start3A_265 : memref<10240x128xbf16, #tpu.memory_space<vmem_shared>>) offsets(%dma_start3A_262 : memref<128xi32, #tpu.memory_space<vmem>>) semaphore(%arg23 : memref<!tpu.dma_semaphore, #tpu.memory_space<semaphore_mem>>) {add = true}
    }
    %while3A_99 = arith.constant 1 : i32
    scf.for %while3A_106 = %while3A_97 to %while3A_93 step %while3A_99  : i32 {
      %mul3A_107 = arith.constant 5 : i32
      %mul3A_108 = arith.muli %while3A_106, %mul3A_107 : i32
      %add3A_109 = arith.constant 0 : i32
      %add3A_110 = arith.addi %mul3A_108, %add3A_109 : i32
      %ge3A = arith.constant 1 : i32
      %ge3A_111 = arith.cmpi sge, %add3A_110, %ge3A : i32
      %convert_element_type3A_112 = arith.extui %ge3A_111 : i1 to i32
      %cond3A_113 = arith.constant 0 : i32
      %cond3A_114 = arith.cmpi ne, %convert_element_type3A_112, %cond3A_113 : i32
      scf.if %cond3A_114 {
        %dma_wait3A_266 = arith.constant 0 : i32
        %dma_wait3A_267 = arith.constant 0 : i32
        %dma_wait3A_268 = tpu.memref_slice %arg2[%dma_wait3A_266, %dma_wait3A_267] : memref<10240x128xbf16, #tpu.memory_space<hbm>> -> memref<128x128xbf16, #tpu.memory_space<hbm>>
        %dma_wait3A_269 = arith.constant 0 : i32
        %dma_wait3A_270 = arith.constant 0 : i32
        %dma_wait3A_271 = tpu.memref_slice %arg2[%dma_wait3A_269, %dma_wait3A_270] : memref<10240x128xbf16, #tpu.memory_space<hbm>> -> memref<128x128xbf16, #tpu.memory_space<hbm>>
        tpu.wait_dma2 semaphore(%arg23 : memref<!tpu.dma_semaphore, #tpu.memory_space<semaphore_mem>>) src(%dma_wait3A_271 : memref<128x128xbf16, #tpu.memory_space<hbm>>) dst(%arg12 : memref<128x128xbf16, #tpu.memory_space<vmem>>)
      } else {
      }
      %ge3A_115 = arith.constant 1 : i32
      %ge3A_116 = arith.cmpi sge, %add3A_110, %ge3A_115 : i32
      %add3A_117 = arith.constant 5 : i32
      %add3A_118 = arith.addi %add3A_110, %add3A_117 : i32
      %sub3A_119 = arith.constant 1 : i32
      %sub3A_120 = arith.subi %add3A_118, %sub3A_119 : i32
      %lt3A_121 = arith.cmpi slt, %sub3A_120, %select_n3A : i32
      %and3A_122 = arith.andi %ge3A_116, %lt3A_121 : i1
      %convert_element_type3A_123 = arith.extui %and3A_122 : i1 to i32
      %cond3A_124 = arith.constant 0 : i32
      %cond3A_125 = arith.cmpi ne, %convert_element_type3A_123, %cond3A_124 : i32
      scf.if %cond3A_125 {
        %add3A_266 = arith.constant 5 : i32
        %add3A_267 = arith.addi %add3A_110, %add3A_266 : i32
        %sub3A_268 = arith.constant 1 : i32
        %sub3A_269 = arith.subi %add3A_267, %sub3A_268 : i32
        %dma_start3A_270 = arith.constant 0 : i32
        %dma_start3A_271 = tpu.memref_slice %arg6[%sub3A_269, %dma_start3A_270] : memref<80x128xi32, #tpu.memory_space<vmem>> -> memref<1x128xi32, #tpu.memory_space<vmem>>
        %dma_start3A_272 = tpu.memref_squeeze %dma_start3A_271 : memref<1x128xi32, #tpu.memory_space<vmem>> -> memref<128xi32, #tpu.memory_space<vmem>>
        %dma_start3A_273 = arith.constant 0 : i32
        %dma_start3A_274 = arith.constant 0 : i32
        %dma_start3A_275 = tpu.memref_slice %arg2[%dma_start3A_273, %dma_start3A_274] : memref<10240x128xbf16, #tpu.memory_space<hbm>> -> memref<10240x128xbf16, #tpu.memory_space<hbm>>
        tpu.enqueue_indirect_dma source(%dma_start3A_275 : memref<10240x128xbf16, #tpu.memory_space<hbm>>) target(%arg12 : memref<128x128xbf16, #tpu.memory_space<vmem>>) offsets(%dma_start3A_272 : memref<128xi32, #tpu.memory_space<vmem>>) semaphore(%arg18 : memref<!tpu.dma_semaphore, #tpu.memory_space<semaphore_mem>>)
      } else {
      }
      %dma_wait3A_126 = arith.constant 0 : i32
      %dma_wait3A_127 = arith.constant 0 : i32
      %dma_wait3A_128 = tpu.memref_slice %arg2[%dma_wait3A_126, %dma_wait3A_127] : memref<10240x128xbf16, #tpu.memory_space<hbm>> -> memref<128x128xbf16, #tpu.memory_space<hbm>>
      %dma_wait3A_129 = arith.constant 0 : i32
      %dma_wait3A_130 = arith.constant 0 : i32
      %dma_wait3A_131 = tpu.memref_slice %arg2[%dma_wait3A_129, %dma_wait3A_130] : memref<10240x128xbf16, #tpu.memory_space<hbm>> -> memref<128x128xbf16, #tpu.memory_space<hbm>>
      tpu.wait_dma2 semaphore(%arg14 : memref<!tpu.dma_semaphore, #tpu.memory_space<semaphore_mem>>) src(%dma_wait3A_131 : memref<128x128xbf16, #tpu.memory_space<hbm>>) dst(%arg8 : memref<128x128xbf16, #tpu.memory_space<vmem>>)
      %dma_start3A_132 = arith.constant 0 : i32
      %dma_start3A_133 = tpu.memref_slice %arg7[%add3A_110, %dma_start3A_132] : memref<80x128xi32, #tpu.memory_space<vmem>> -> memref<1x128xi32, #tpu.memory_space<vmem>>
      %dma_start3A_134 = tpu.memref_squeeze %dma_start3A_133 : memref<1x128xi32, #tpu.memory_space<vmem>> -> memref<128xi32, #tpu.memory_space<vmem>>
      %dma_start3A_135 = arith.constant 0 : i32
      %dma_start3A_136 = arith.constant 0 : i32
      %dma_start3A_137 = tpu.memref_slice %arg24[%dma_start3A_135, %dma_start3A_136] : memref<10240x128xbf16, #tpu.memory_space<vmem_shared>> -> memref<10240x128xbf16, #tpu.memory_space<vmem_shared>>
      tpu.enqueue_indirect_dma source(%arg8 : memref<128x128xbf16, #tpu.memory_space<vmem>>) target(%dma_start3A_137 : memref<10240x128xbf16, #tpu.memory_space<vmem_shared>>) offsets(%dma_start3A_134 : memref<128xi32, #tpu.memory_space<vmem>>) semaphore(%arg19 : memref<!tpu.dma_semaphore, #tpu.memory_space<semaphore_mem>>) {add = true}
      %mul3A_138 = arith.constant 5 : i32
      %mul3A_139 = arith.muli %while3A_106, %mul3A_138 : i32
      %add3A_140 = arith.constant 1 : i32
      %add3A_141 = arith.addi %mul3A_139, %add3A_140 : i32
      %ge3A_142 = arith.constant 1 : i32
      %ge3A_143 = arith.cmpi sge, %add3A_141, %ge3A_142 : i32
      %convert_element_type3A_144 = arith.extui %ge3A_143 : i1 to i32
      %cond3A_145 = arith.constant 0 : i32
      %cond3A_146 = arith.cmpi ne, %convert_element_type3A_144, %cond3A_145 : i32
      scf.if %cond3A_146 {
        %dma_wait3A_266 = arith.constant 0 : i32
        %dma_wait3A_267 = arith.constant 0 : i32
        %dma_wait3A_268 = tpu.memref_slice %arg2[%dma_wait3A_266, %dma_wait3A_267] : memref<10240x128xbf16, #tpu.memory_space<hbm>> -> memref<128x128xbf16, #tpu.memory_space<hbm>>
        %dma_wait3A_269 = arith.constant 0 : i32
        %dma_wait3A_270 = arith.constant 0 : i32
        %dma_wait3A_271 = tpu.memref_slice %arg2[%dma_wait3A_269, %dma_wait3A_270] : memref<10240x128xbf16, #tpu.memory_space<hbm>> -> memref<128x128xbf16, #tpu.memory_space<hbm>>
        tpu.wait_dma2 semaphore(%arg19 : memref<!tpu.dma_semaphore, #tpu.memory_space<semaphore_mem>>) src(%dma_wait3A_271 : memref<128x128xbf16, #tpu.memory_space<hbm>>) dst(%arg8 : memref<128x128xbf16, #tpu.memory_space<vmem>>)
      } else {
      }
      %ge3A_147 = arith.constant 1 : i32
      %ge3A_148 = arith.cmpi sge, %add3A_141, %ge3A_147 : i32
      %add3A_149 = arith.constant 5 : i32
      %add3A_150 = arith.addi %add3A_141, %add3A_149 : i32
      %sub3A_151 = arith.constant 1 : i32
      %sub3A_152 = arith.subi %add3A_150, %sub3A_151 : i32
      %lt3A_153 = arith.cmpi slt, %sub3A_152, %select_n3A : i32
      %and3A_154 = arith.andi %ge3A_148, %lt3A_153 : i1
      %convert_element_type3A_155 = arith.extui %and3A_154 : i1 to i32
      %cond3A_156 = arith.constant 0 : i32
      %cond3A_157 = arith.cmpi ne, %convert_element_type3A_155, %cond3A_156 : i32
      scf.if %cond3A_157 {
        %add3A_266 = arith.constant 5 : i32
        %add3A_267 = arith.addi %add3A_141, %add3A_266 : i32
        %sub3A_268 = arith.constant 1 : i32
        %sub3A_269 = arith.subi %add3A_267, %sub3A_268 : i32
        %dma_start3A_270 = arith.constant 0 : i32
        %dma_start3A_271 = tpu.memref_slice %arg6[%sub3A_269, %dma_start3A_270] : memref<80x128xi32, #tpu.memory_space<vmem>> -> memref<1x128xi32, #tpu.memory_space<vmem>>
        %dma_start3A_272 = tpu.memref_squeeze %dma_start3A_271 : memref<1x128xi32, #tpu.memory_space<vmem>> -> memref<128xi32, #tpu.memory_space<vmem>>
        %dma_start3A_273 = arith.constant 0 : i32
        %dma_start3A_274 = arith.constant 0 : i32
        %dma_start3A_275 = tpu.memref_slice %arg2[%dma_start3A_273, %dma_start3A_274] : memref<10240x128xbf16, #tpu.memory_space<hbm>> -> memref<10240x128xbf16, #tpu.memory_space<hbm>>
        tpu.enqueue_indirect_dma source(%dma_start3A_275 : memref<10240x128xbf16, #tpu.memory_space<hbm>>) target(%arg8 : memref<128x128xbf16, #tpu.memory_space<vmem>>) offsets(%dma_start3A_272 : memref<128xi32, #tpu.memory_space<vmem>>) semaphore(%arg14 : memref<!tpu.dma_semaphore, #tpu.memory_space<semaphore_mem>>)
      } else {
      }
      %dma_wait3A_158 = arith.constant 0 : i32
      %dma_wait3A_159 = arith.constant 0 : i32
      %dma_wait3A_160 = tpu.memref_slice %arg2[%dma_wait3A_158, %dma_wait3A_159] : memref<10240x128xbf16, #tpu.memory_space<hbm>> -> memref<128x128xbf16, #tpu.memory_space<hbm>>
      %dma_wait3A_161 = arith.constant 0 : i32
      %dma_wait3A_162 = arith.constant 0 : i32
      %dma_wait3A_163 = tpu.memref_slice %arg2[%dma_wait3A_161, %dma_wait3A_162] : memref<10240x128xbf16, #tpu.memory_space<hbm>> -> memref<128x128xbf16, #tpu.memory_space<hbm>>
      tpu.wait_dma2 semaphore(%arg15 : memref<!tpu.dma_semaphore, #tpu.memory_space<semaphore_mem>>) src(%dma_wait3A_163 : memref<128x128xbf16, #tpu.memory_space<hbm>>) dst(%arg9 : memref<128x128xbf16, #tpu.memory_space<vmem>>)
      %dma_start3A_164 = arith.constant 0 : i32
      %dma_start3A_165 = tpu.memref_slice %arg7[%add3A_141, %dma_start3A_164] : memref<80x128xi32, #tpu.memory_space<vmem>> -> memref<1x128xi32, #tpu.memory_space<vmem>>
      %dma_start3A_166 = tpu.memref_squeeze %dma_start3A_165 : memref<1x128xi32, #tpu.memory_space<vmem>> -> memref<128xi32, #tpu.memory_space<vmem>>
      %dma_start3A_167 = arith.constant 0 : i32
      %dma_start3A_168 = arith.constant 0 : i32
      %dma_start3A_169 = tpu.memref_slice %arg24[%dma_start3A_167, %dma_start3A_168] : memref<10240x128xbf16, #tpu.memory_space<vmem_shared>> -> memref<10240x128xbf16, #tpu.memory_space<vmem_shared>>
      tpu.enqueue_indirect_dma source(%arg9 : memref<128x128xbf16, #tpu.memory_space<vmem>>) target(%dma_start3A_169 : memref<10240x128xbf16, #tpu.memory_space<vmem_shared>>) offsets(%dma_start3A_166 : memref<128xi32, #tpu.memory_space<vmem>>) semaphore(%arg20 : memref<!tpu.dma_semaphore, #tpu.memory_space<semaphore_mem>>) {add = true}
      %mul3A_170 = arith.constant 5 : i32
      %mul3A_171 = arith.muli %while3A_106, %mul3A_170 : i32
      %add3A_172 = arith.constant 2 : i32
      %add3A_173 = arith.addi %mul3A_171, %add3A_172 : i32
      %ge3A_174 = arith.constant 1 : i32
      %ge3A_175 = arith.cmpi sge, %add3A_173, %ge3A_174 : i32
      %convert_element_type3A_176 = arith.extui %ge3A_175 : i1 to i32
      %cond3A_177 = arith.constant 0 : i32
      %cond3A_178 = arith.cmpi ne, %convert_element_type3A_176, %cond3A_177 : i32
      scf.if %cond3A_178 {
        %dma_wait3A_266 = arith.constant 0 : i32
        %dma_wait3A_267 = arith.constant 0 : i32
        %dma_wait3A_268 = tpu.memref_slice %arg2[%dma_wait3A_266, %dma_wait3A_267] : memref<10240x128xbf16, #tpu.memory_space<hbm>> -> memref<128x128xbf16, #tpu.memory_space<hbm>>
        %dma_wait3A_269 = arith.constant 0 : i32
        %dma_wait3A_270 = arith.constant 0 : i32
        %dma_wait3A_271 = tpu.memref_slice %arg2[%dma_wait3A_269, %dma_wait3A_270] : memref<10240x128xbf16, #tpu.memory_space<hbm>> -> memref<128x128xbf16, #tpu.memory_space<hbm>>
        tpu.wait_dma2 semaphore(%arg20 : memref<!tpu.dma_semaphore, #tpu.memory_space<semaphore_mem>>) src(%dma_wait3A_271 : memref<128x128xbf16, #tpu.memory_space<hbm>>) dst(%arg9 : memref<128x128xbf16, #tpu.memory_space<vmem>>)
      } else {
      }
      %ge3A_179 = arith.constant 1 : i32
      %ge3A_180 = arith.cmpi sge, %add3A_173, %ge3A_179 : i32
      %add3A_181 = arith.constant 5 : i32
      %add3A_182 = arith.addi %add3A_173, %add3A_181 : i32
      %sub3A_183 = arith.constant 1 : i32
      %sub3A_184 = arith.subi %add3A_182, %sub3A_183 : i32
      %lt3A_185 = arith.cmpi slt, %sub3A_184, %select_n3A : i32
      %and3A_186 = arith.andi %ge3A_180, %lt3A_185 : i1
      %convert_element_type3A_187 = arith.extui %and3A_186 : i1 to i32
      %cond3A_188 = arith.constant 0 : i32
      %cond3A_189 = arith.cmpi ne, %convert_element_type3A_187, %cond3A_188 : i32
      scf.if %cond3A_189 {
        %add3A_266 = arith.constant 5 : i32
        %add3A_267 = arith.addi %add3A_173, %add3A_266 : i32
        %sub3A_268 = arith.constant 1 : i32
        %sub3A_269 = arith.subi %add3A_267, %sub3A_268 : i32
        %dma_start3A_270 = arith.constant 0 : i32
        %dma_start3A_271 = tpu.memref_slice %arg6[%sub3A_269, %dma_start3A_270] : memref<80x128xi32, #tpu.memory_space<vmem>> -> memref<1x128xi32, #tpu.memory_space<vmem>>
        %dma_start3A_272 = tpu.memref_squeeze %dma_start3A_271 : memref<1x128xi32, #tpu.memory_space<vmem>> -> memref<128xi32, #tpu.memory_space<vmem>>
        %dma_start3A_273 = arith.constant 0 : i32
        %dma_start3A_274 = arith.constant 0 : i32
        %dma_start3A_275 = tpu.memref_slice %arg2[%dma_start3A_273, %dma_start3A_274] : memref<10240x128xbf16, #tpu.memory_space<hbm>> -> memref<10240x128xbf16, #tpu.memory_space<hbm>>
        tpu.enqueue_indirect_dma source(%dma_start3A_275 : memref<10240x128xbf16, #tpu.memory_space<hbm>>) target(%arg9 : memref<128x128xbf16, #tpu.memory_space<vmem>>) offsets(%dma_start3A_272 : memref<128xi32, #tpu.memory_space<vmem>>) semaphore(%arg15 : memref<!tpu.dma_semaphore, #tpu.memory_space<semaphore_mem>>)
      } else {
      }
      %dma_wait3A_190 = arith.constant 0 : i32
      %dma_wait3A_191 = arith.constant 0 : i32
      %dma_wait3A_192 = tpu.memref_slice %arg2[%dma_wait3A_190, %dma_wait3A_191] : memref<10240x128xbf16, #tpu.memory_space<hbm>> -> memref<128x128xbf16, #tpu.memory_space<hbm>>
      %dma_wait3A_193 = arith.constant 0 : i32
      %dma_wait3A_194 = arith.constant 0 : i32
      %dma_wait3A_195 = tpu.memref_slice %arg2[%dma_wait3A_193, %dma_wait3A_194] : memref<10240x128xbf16, #tpu.memory_space<hbm>> -> memref<128x128xbf16, #tpu.memory_space<hbm>>
      tpu.wait_dma2 semaphore(%arg16 : memref<!tpu.dma_semaphore, #tpu.memory_space<semaphore_mem>>) src(%dma_wait3A_195 : memref<128x128xbf16, #tpu.memory_space<hbm>>) dst(%arg10 : memref<128x128xbf16, #tpu.memory_space<vmem>>)
      %dma_start3A_196 = arith.constant 0 : i32
      %dma_start3A_197 = tpu.memref_slice %arg7[%add3A_173, %dma_start3A_196] : memref<80x128xi32, #tpu.memory_space<vmem>> -> memref<1x128xi32, #tpu.memory_space<vmem>>
      %dma_start3A_198 = tpu.memref_squeeze %dma_start3A_197 : memref<1x128xi32, #tpu.memory_space<vmem>> -> memref<128xi32, #tpu.memory_space<vmem>>
      %dma_start3A_199 = arith.constant 0 : i32
      %dma_start3A_200 = arith.constant 0 : i32
      %dma_start3A_201 = tpu.memref_slice %arg24[%dma_start3A_199, %dma_start3A_200] : memref<10240x128xbf16, #tpu.memory_space<vmem_shared>> -> memref<10240x128xbf16, #tpu.memory_space<vmem_shared>>
      tpu.enqueue_indirect_dma source(%arg10 : memref<128x128xbf16, #tpu.memory_space<vmem>>) target(%dma_start3A_201 : memref<10240x128xbf16, #tpu.memory_space<vmem_shared>>) offsets(%dma_start3A_198 : memref<128xi32, #tpu.memory_space<vmem>>) semaphore(%arg21 : memref<!tpu.dma_semaphore, #tpu.memory_space<semaphore_mem>>) {add = true}
      %mul3A_202 = arith.constant 5 : i32
      %mul3A_203 = arith.muli %while3A_106, %mul3A_202 : i32
      %add3A_204 = arith.constant 3 : i32
      %add3A_205 = arith.addi %mul3A_203, %add3A_204 : i32
      %ge3A_206 = arith.constant 1 : i32
      %ge3A_207 = arith.cmpi sge, %add3A_205, %ge3A_206 : i32
      %convert_element_type3A_208 = arith.extui %ge3A_207 : i1 to i32
      %cond3A_209 = arith.constant 0 : i32
      %cond3A_210 = arith.cmpi ne, %convert_element_type3A_208, %cond3A_209 : i32
      scf.if %cond3A_210 {
        %dma_wait3A_266 = arith.constant 0 : i32
        %dma_wait3A_267 = arith.constant 0 : i32
        %dma_wait3A_268 = tpu.memref_slice %arg2[%dma_wait3A_266, %dma_wait3A_267] : memref<10240x128xbf16, #tpu.memory_space<hbm>> -> memref<128x128xbf16, #tpu.memory_space<hbm>>
        %dma_wait3A_269 = arith.constant 0 : i32
        %dma_wait3A_270 = arith.constant 0 : i32
        %dma_wait3A_271 = tpu.memref_slice %arg2[%dma_wait3A_269, %dma_wait3A_270] : memref<10240x128xbf16, #tpu.memory_space<hbm>> -> memref<128x128xbf16, #tpu.memory_space<hbm>>
        tpu.wait_dma2 semaphore(%arg21 : memref<!tpu.dma_semaphore, #tpu.memory_space<semaphore_mem>>) src(%dma_wait3A_271 : memref<128x128xbf16, #tpu.memory_space<hbm>>) dst(%arg10 : memref<128x128xbf16, #tpu.memory_space<vmem>>)
      } else {
      }
      %ge3A_211 = arith.constant 1 : i32
      %ge3A_212 = arith.cmpi sge, %add3A_205, %ge3A_211 : i32
      %add3A_213 = arith.constant 5 : i32
      %add3A_214 = arith.addi %add3A_205, %add3A_213 : i32
      %sub3A_215 = arith.constant 1 : i32
      %sub3A_216 = arith.subi %add3A_214, %sub3A_215 : i32
      %lt3A_217 = arith.cmpi slt, %sub3A_216, %select_n3A : i32
      %and3A_218 = arith.andi %ge3A_212, %lt3A_217 : i1
      %convert_element_type3A_219 = arith.extui %and3A_218 : i1 to i32
      %cond3A_220 = arith.constant 0 : i32
      %cond3A_221 = arith.cmpi ne, %convert_element_type3A_219, %cond3A_220 : i32
      scf.if %cond3A_221 {
        %add3A_266 = arith.constant 5 : i32
        %add3A_267 = arith.addi %add3A_205, %add3A_266 : i32
        %sub3A_268 = arith.constant 1 : i32
        %sub3A_269 = arith.subi %add3A_267, %sub3A_268 : i32
        %dma_start3A_270 = arith.constant 0 : i32
        %dma_start3A_271 = tpu.memref_slice %arg6[%sub3A_269, %dma_start3A_270] : memref<80x128xi32, #tpu.memory_space<vmem>> -> memref<1x128xi32, #tpu.memory_space<vmem>>
        %dma_start3A_272 = tpu.memref_squeeze %dma_start3A_271 : memref<1x128xi32, #tpu.memory_space<vmem>> -> memref<128xi32, #tpu.memory_space<vmem>>
        %dma_start3A_273 = arith.constant 0 : i32
        %dma_start3A_274 = arith.constant 0 : i32
        %dma_start3A_275 = tpu.memref_slice %arg2[%dma_start3A_273, %dma_start3A_274] : memref<10240x128xbf16, #tpu.memory_space<hbm>> -> memref<10240x128xbf16, #tpu.memory_space<hbm>>
        tpu.enqueue_indirect_dma source(%dma_start3A_275 : memref<10240x128xbf16, #tpu.memory_space<hbm>>) target(%arg10 : memref<128x128xbf16, #tpu.memory_space<vmem>>) offsets(%dma_start3A_272 : memref<128xi32, #tpu.memory_space<vmem>>) semaphore(%arg16 : memref<!tpu.dma_semaphore, #tpu.memory_space<semaphore_mem>>)
      } else {
      }
      %dma_wait3A_222 = arith.constant 0 : i32
      %dma_wait3A_223 = arith.constant 0 : i32
      %dma_wait3A_224 = tpu.memref_slice %arg2[%dma_wait3A_222, %dma_wait3A_223] : memref<10240x128xbf16, #tpu.memory_space<hbm>> -> memref<128x128xbf16, #tpu.memory_space<hbm>>
      %dma_wait3A_225 = arith.constant 0 : i32
      %dma_wait3A_226 = arith.constant 0 : i32
      %dma_wait3A_227 = tpu.memref_slice %arg2[%dma_wait3A_225, %dma_wait3A_226] : memref<10240x128xbf16, #tpu.memory_space<hbm>> -> memref<128x128xbf16, #tpu.memory_space<hbm>>
      tpu.wait_dma2 semaphore(%arg17 : memref<!tpu.dma_semaphore, #tpu.memory_space<semaphore_mem>>) src(%dma_wait3A_227 : memref<128x128xbf16, #tpu.memory_space<hbm>>) dst(%arg11 : memref<128x128xbf16, #tpu.memory_space<vmem>>)
      %dma_start3A_228 = arith.constant 0 : i32
      %dma_start3A_229 = tpu.memref_slice %arg7[%add3A_205, %dma_start3A_228] : memref<80x128xi32, #tpu.memory_space<vmem>> -> memref<1x128xi32, #tpu.memory_space<vmem>>
      %dma_start3A_230 = tpu.memref_squeeze %dma_start3A_229 : memref<1x128xi32, #tpu.memory_space<vmem>> -> memref<128xi32, #tpu.memory_space<vmem>>
      %dma_start3A_231 = arith.constant 0 : i32
      %dma_start3A_232 = arith.constant 0 : i32
      %dma_start3A_233 = tpu.memref_slice %arg24[%dma_start3A_231, %dma_start3A_232] : memref<10240x128xbf16, #tpu.memory_space<vmem_shared>> -> memref<10240x128xbf16, #tpu.memory_space<vmem_shared>>
      tpu.enqueue_indirect_dma source(%arg11 : memref<128x128xbf16, #tpu.memory_space<vmem>>) target(%dma_start3A_233 : memref<10240x128xbf16, #tpu.memory_space<vmem_shared>>) offsets(%dma_start3A_230 : memref<128xi32, #tpu.memory_space<vmem>>) semaphore(%arg22 : memref<!tpu.dma_semaphore, #tpu.memory_space<semaphore_mem>>) {add = true}
      %mul3A_234 = arith.constant 5 : i32
      %mul3A_235 = arith.muli %while3A_106, %mul3A_234 : i32
      %add3A_236 = arith.constant 4 : i32
      %add3A_237 = arith.addi %mul3A_235, %add3A_236 : i32
      %ge3A_238 = arith.constant 1 : i32
      %ge3A_239 = arith.cmpi sge, %add3A_237, %ge3A_238 : i32
      %convert_element_type3A_240 = arith.extui %ge3A_239 : i1 to i32
      %cond3A_241 = arith.constant 0 : i32
      %cond3A_242 = arith.cmpi ne, %convert_element_type3A_240, %cond3A_241 : i32
      scf.if %cond3A_242 {
        %dma_wait3A_266 = arith.constant 0 : i32
        %dma_wait3A_267 = arith.constant 0 : i32
        %dma_wait3A_268 = tpu.memref_slice %arg2[%dma_wait3A_266, %dma_wait3A_267] : memref<10240x128xbf16, #tpu.memory_space<hbm>> -> memref<128x128xbf16, #tpu.memory_space<hbm>>
        %dma_wait3A_269 = arith.constant 0 : i32
        %dma_wait3A_270 = arith.constant 0 : i32
        %dma_wait3A_271 = tpu.memref_slice %arg2[%dma_wait3A_269, %dma_wait3A_270] : memref<10240x128xbf16, #tpu.memory_space<hbm>> -> memref<128x128xbf16, #tpu.memory_space<hbm>>
        tpu.wait_dma2 semaphore(%arg22 : memref<!tpu.dma_semaphore, #tpu.memory_space<semaphore_mem>>) src(%dma_wait3A_271 : memref<128x128xbf16, #tpu.memory_space<hbm>>) dst(%arg11 : memref<128x128xbf16, #tpu.memory_space<vmem>>)
      } else {
      }
      %ge3A_243 = arith.constant 1 : i32
      %ge3A_244 = arith.cmpi sge, %add3A_237, %ge3A_243 : i32
      %add3A_245 = arith.constant 5 : i32
      %add3A_246 = arith.addi %add3A_237, %add3A_245 : i32
      %sub3A_247 = arith.constant 1 : i32
      %sub3A_248 = arith.subi %add3A_246, %sub3A_247 : i32
      %lt3A_249 = arith.cmpi slt, %sub3A_248, %select_n3A : i32
      %and3A_250 = arith.andi %ge3A_244, %lt3A_249 : i1
      %convert_element_type3A_251 = arith.extui %and3A_250 : i1 to i32
      %cond3A_252 = arith.constant 0 : i32
      %cond3A_253 = arith.cmpi ne, %convert_element_type3A_251, %cond3A_252 : i32
      scf.if %cond3A_253 {
        %add3A_266 = arith.constant 5 : i32
        %add3A_267 = arith.addi %add3A_237, %add3A_266 : i32
        %sub3A_268 = arith.constant 1 : i32
        %sub3A_269 = arith.subi %add3A_267, %sub3A_268 : i32
        %dma_start3A_270 = arith.constant 0 : i32
        %dma_start3A_271 = tpu.memref_slice %arg6[%sub3A_269, %dma_start3A_270] : memref<80x128xi32, #tpu.memory_space<vmem>> -> memref<1x128xi32, #tpu.memory_space<vmem>>
        %dma_start3A_272 = tpu.memref_squeeze %dma_start3A_271 : memref<1x128xi32, #tpu.memory_space<vmem>> -> memref<128xi32, #tpu.memory_space<vmem>>
        %dma_start3A_273 = arith.constant 0 : i32
        %dma_start3A_274 = arith.constant 0 : i32
        %dma_start3A_275 = tpu.memref_slice %arg2[%dma_start3A_273, %dma_start3A_274] : memref<10240x128xbf16, #tpu.memory_space<hbm>> -> memref<10240x128xbf16, #tpu.memory_space<hbm>>
        tpu.enqueue_indirect_dma source(%dma_start3A_275 : memref<10240x128xbf16, #tpu.memory_space<hbm>>) target(%arg11 : memref<128x128xbf16, #tpu.memory_space<vmem>>) offsets(%dma_start3A_272 : memref<128xi32, #tpu.memory_space<vmem>>) semaphore(%arg17 : memref<!tpu.dma_semaphore, #tpu.memory_space<semaphore_mem>>)
      } else {
      }
      %dma_wait3A_254 = arith.constant 0 : i32
      %dma_wait3A_255 = arith.constant 0 : i32
      %dma_wait3A_256 = tpu.memref_slice %arg2[%dma_wait3A_254, %dma_wait3A_255] : memref<10240x128xbf16, #tpu.memory_space<hbm>> -> memref<128x128xbf16, #tpu.memory_space<hbm>>
      %dma_wait3A_257 = arith.constant 0 : i32
      %dma_wait3A_258 = arith.constant 0 : i32
      %dma_wait3A_259 = tpu.memref_slice %arg2[%dma_wait3A_257, %dma_wait3A_258] : memref<10240x128xbf16, #tpu.memory_space<hbm>> -> memref<128x128xbf16, #tpu.memory_space<hbm>>
      tpu.wait_dma2 semaphore(%arg18 : memref<!tpu.dma_semaphore, #tpu.memory_space<semaphore_mem>>) src(%dma_wait3A_259 : memref<128x128xbf16, #tpu.memory_space<hbm>>) dst(%arg12 : memref<128x128xbf16, #tpu.memory_space<vmem>>)
      %dma_start3A_260 = arith.constant 0 : i32
      %dma_start3A_261 = tpu.memref_slice %arg7[%add3A_237, %dma_start3A_260] : memref<80x128xi32, #tpu.memory_space<vmem>> -> memref<1x128xi32, #tpu.memory_space<vmem>>
      %dma_start3A_262 = tpu.memref_squeeze %dma_start3A_261 : memref<1x128xi32, #tpu.memory_space<vmem>> -> memref<128xi32, #tpu.memory_space<vmem>>
      %dma_start3A_263 = arith.constant 0 : i32
      %dma_start3A_264 = arith.constant 0 : i32
      %dma_start3A_265 = tpu.memref_slice %arg24[%dma_start3A_263, %dma_start3A_264] : memref<10240x128xbf16, #tpu.memory_space<vmem_shared>> -> memref<10240x128xbf16, #tpu.memory_space<vmem_shared>>
      tpu.enqueue_indirect_dma source(%arg12 : memref<128x128xbf16, #tpu.memory_space<vmem>>) target(%dma_start3A_265 : memref<10240x128xbf16, #tpu.memory_space<vmem_shared>>) offsets(%dma_start3A_262 : memref<128xi32, #tpu.memory_space<vmem>>) semaphore(%arg23 : memref<!tpu.dma_semaphore, #tpu.memory_space<semaphore_mem>>) {add = true}
    }
    %dma_wait3A = arith.constant 0 : i32
    %dma_wait3A_100 = arith.constant 0 : i32
    %dma_wait3A_101 = tpu.memref_slice %arg2[%dma_wait3A, %dma_wait3A_100] : memref<10240x128xbf16, #tpu.memory_space<hbm>> -> memref<128x128xbf16, #tpu.memory_space<hbm>>
    %dma_wait3A_102 = arith.constant 0 : i32
    %dma_wait3A_103 = arith.constant 0 : i32
    %dma_wait3A_104 = tpu.memref_slice %arg2[%dma_wait3A_102, %dma_wait3A_103] : memref<10240x128xbf16, #tpu.memory_space<hbm>> -> memref<128x128xbf16, #tpu.memory_space<hbm>>
    tpu.wait_dma2 semaphore(%arg23 : memref<!tpu.dma_semaphore, #tpu.memory_space<semaphore_mem>>) src(%dma_wait3A_104 : memref<128x128xbf16, #tpu.memory_space<hbm>>) dst(%arg12 : memref<128x128xbf16, #tpu.memory_space<vmem>>)
    %barrier3A_105 = arith.constant 0 : index
    tpu.barrier barrier_id(%barrier3A_105)
    "tpu.region"() ({
      %run_scoped3A = tpu.sem_alloc : memref<!tpu.dma_semaphore, #tpu.memory_space<semaphore_mem>>
      %dma_start3A_106 = arith.constant 0 : i32
      %dma_start3A_107 = tpu.memref_slice %arg5[%arg0, %mul3A_18, %dma_start3A_106] : memref<2x10240x128xbf16, #tpu.memory_space<hbm>> -> memref<1x640x128xbf16, #tpu.memory_space<hbm>>
      %dma_start3A_108 = tpu.memref_squeeze %dma_start3A_107 : memref<1x640x128xbf16, #tpu.memory_space<hbm>> -> memref<640x128xbf16, #tpu.memory_space<hbm>>
      %dma_start3A_109 = arith.constant 0 : i32
      %dma_start3A_110 = tpu.memref_slice %arg24[%mul3A_18, %dma_start3A_109] : memref<10240x128xbf16, #tpu.memory_space<vmem_shared>> -> memref<640x128xbf16, #tpu.memory_space<vmem_shared>>
      tpu.enqueue_dma source(%dma_start3A_110 : memref<640x128xbf16, #tpu.memory_space<vmem_shared>>) target(%dma_start3A_108 : memref<640x128xbf16, #tpu.memory_space<hbm>>) target_semaphore(%run_scoped3A : memref<!tpu.dma_semaphore, #tpu.memory_space<semaphore_mem>>)
      %dma_wait3A_111 = arith.constant 0 : i32
      %dma_wait3A_112 = tpu.memref_slice %arg5[%arg0, %mul3A_18, %dma_wait3A_111] : memref<2x10240x128xbf16, #tpu.memory_space<hbm>> -> memref<1x640x128xbf16, #tpu.memory_space<hbm>>
      %dma_wait3A_113 = tpu.memref_squeeze %dma_wait3A_112 : memref<1x640x128xbf16, #tpu.memory_space<hbm>> -> memref<640x128xbf16, #tpu.memory_space<hbm>>
      %dma_wait3A_114 = arith.constant 0 : i32
      %dma_wait3A_115 = tpu.memref_slice %arg24[%mul3A_18, %dma_wait3A_114] : memref<10240x128xbf16, #tpu.memory_space<vmem_shared>> -> memref<640x128xbf16, #tpu.memory_space<vmem_shared>>
      tpu.wait_dma2 semaphore(%run_scoped3A : memref<!tpu.dma_semaphore, #tpu.memory_space<semaphore_mem>>) src(%dma_wait3A_115 : memref<640x128xbf16, #tpu.memory_space<vmem_shared>>) dst(%dma_wait3A_113 : memref<640x128xbf16, #tpu.memory_space<hbm>>)
      tpu.yield
    }) : () -> ()
    return
  }
}

#map = affine_map<(d0, d1) -> (0, 0)>
#map1 = affine_map<(d0, d1) -> (0, 0, 0)>
module attributes {stable_mosaic.version = 14 : i64} {
  func.func @_deg_kernel(%arg0: i32, %arg1: i32, %arg2: memref<2500x128xi32, #tpu.memory_space<hbm>>, %arg3: memref<2500x128xi32, #tpu.memory_space<hbm>>, %arg4: memref<2x10240x16xf32, #tpu.memory_space<hbm>>, %arg5: memref<2x10240x16xf32, #tpu.memory_space<hbm>>, %arg6: memref<80x128xi32, #tpu.memory_space<vmem>>, %arg7: memref<80x128xi32, #tpu.memory_space<vmem>>, %arg8: memref<128x16xf32, #tpu.memory_space<vmem>>, %arg9: memref<128x16xf32, #tpu.memory_space<vmem>>, %arg10: memref<10240x16xf32, #tpu.memory_space<vmem_shared>>, %arg11: memref<10240x16xf32, #tpu.memory_space<vmem_shared>>, %arg12: memref<!tpu.dma_semaphore, #tpu.memory_space<semaphore_mem>>, %arg13: memref<!tpu.dma_semaphore, #tpu.memory_space<semaphore_mem>>, %arg14: memref<!tpu.dma_semaphore, #tpu.memory_space<semaphore_mem>>, %arg15: memref<!tpu.dma_semaphore, #tpu.memory_space<semaphore_mem>>, %arg16: memref<!tpu.dma_semaphore, #tpu.memory_space<semaphore_mem>>, %arg17: memref<!tpu.dma_semaphore, #tpu.memory_space<semaphore_mem>>, %arg18: memref<!tpu.dma_semaphore, #tpu.memory_space<semaphore_mem>>, %arg19: memref<!tpu.dma_semaphore, #tpu.memory_space<semaphore_mem>>, %arg20: memref<!tpu.dma_semaphore, #tpu.memory_space<semaphore_mem>>, %arg21: memref<!tpu.dma_semaphore, #tpu.memory_space<semaphore_mem>>, %arg22: memref<!tpu.dma_semaphore, #tpu.memory_space<semaphore_mem>>) attributes {dimension_semantics = [#tpu.dimension_semantics<core_parallel>, #tpu.dimension_semantics<subcore_parallel>], iteration_bounds = array<i64: 2, 16>, scalar_prefetch = 0 : i64, scratch_operands = 17 : i64, tpu.core_type = #tpu.core_type<sc_vector_subcore>, window_params = [{transform_indices = #map}, {transform_indices = #map}, {transform_indices = #map1}, {transform_indices = #map1}]} {
    %mul3A = arith.constant 16 : i32
    %mul3A_0 = arith.muli %arg0, %mul3A : i32
    %add3A = arith.addi %mul3A_0, %arg1 : i32
    %mul3A_1 = arith.constant 80 : i32
    %mul3A_2 = arith.muli %add3A, %mul3A_1 : i32
    %eq3A = arith.constant 31 : i32
    %eq3A_3 = arith.cmpi eq, %add3A, %eq3A : i32
    %jit3A = arith.constant 20 : i32
    %jit3A_4 = arith.constant 80 : i32
    %select_n3A = arith.select %eq3A_3, %jit3A, %jit3A_4 : i32
    %lt3A = arith.constant 31 : i32
    %lt3A_5 = arith.cmpi slt, %add3A, %lt3A : i32
    %convert_element_type3A = arith.extui %lt3A_5 : i1 to i32
    %cond3A = arith.constant 0 : i32
    %cond3A_6 = arith.cmpi ne, %convert_element_type3A, %cond3A : i32
    scf.if %cond3A_6 {
      %dma_start3A = arith.constant 0 : i32
      %dma_start3A_162 = tpu.memref_slice %arg2[%mul3A_2, %dma_start3A] : memref<2500x128xi32, #tpu.memory_space<hbm>> -> memref<80x128xi32, #tpu.memory_space<hbm>>
      %dma_start3A_163 = arith.constant 0 : i32
      %dma_start3A_164 = tpu.memref_slice %arg2[%mul3A_2, %dma_start3A_163] : memref<2500x128xi32, #tpu.memory_space<hbm>> -> memref<80x128xi32, #tpu.memory_space<hbm>>
      tpu.enqueue_dma source(%dma_start3A_164 : memref<80x128xi32, #tpu.memory_space<hbm>>) target(%arg6 : memref<80x128xi32, #tpu.memory_space<vmem>>) target_semaphore(%arg12 : memref<!tpu.dma_semaphore, #tpu.memory_space<semaphore_mem>>)
      %dma_start3A_165 = arith.constant 0 : i32
      %dma_start3A_166 = tpu.memref_slice %arg3[%mul3A_2, %dma_start3A_165] : memref<2500x128xi32, #tpu.memory_space<hbm>> -> memref<80x128xi32, #tpu.memory_space<hbm>>
      %dma_start3A_167 = arith.constant 0 : i32
      %dma_start3A_168 = tpu.memref_slice %arg3[%mul3A_2, %dma_start3A_167] : memref<2500x128xi32, #tpu.memory_space<hbm>> -> memref<80x128xi32, #tpu.memory_space<hbm>>
      tpu.enqueue_dma source(%dma_start3A_168 : memref<80x128xi32, #tpu.memory_space<hbm>>) target(%arg7 : memref<80x128xi32, #tpu.memory_space<vmem>>) target_semaphore(%arg12 : memref<!tpu.dma_semaphore, #tpu.memory_space<semaphore_mem>>)
    } else {
    }
    %eq3A_7 = arith.constant 31 : i32
    %eq3A_8 = arith.cmpi eq, %add3A, %eq3A_7 : i32
    %convert_element_type3A_9 = arith.extui %eq3A_8 : i1 to i32
    %cond3A_10 = arith.constant 0 : i32
    %cond3A_11 = arith.cmpi ne, %convert_element_type3A_9, %cond3A_10 : i32
    scf.if %cond3A_11 {
      %dma_start3A = arith.constant 0 : i32
      %dma_start3A_162 = arith.constant 0 : i32
      %dma_start3A_163 = tpu.memref_slice %arg6[%dma_start3A, %dma_start3A_162] : memref<80x128xi32, #tpu.memory_space<vmem>> -> memref<20x128xi32, #tpu.memory_space<vmem>>
      %dma_start3A_164 = arith.constant 0 : i32
      %dma_start3A_165 = tpu.memref_slice %arg2[%mul3A_2, %dma_start3A_164] : memref<2500x128xi32, #tpu.memory_space<hbm>> -> memref<20x128xi32, #tpu.memory_space<hbm>>
      %dma_start3A_166 = arith.constant 0 : i32
      %dma_start3A_167 = arith.constant 0 : i32
      %dma_start3A_168 = tpu.memref_slice %arg6[%dma_start3A_166, %dma_start3A_167] : memref<80x128xi32, #tpu.memory_space<vmem>> -> memref<20x128xi32, #tpu.memory_space<vmem>>
      %dma_start3A_169 = arith.constant 0 : i32
      %dma_start3A_170 = tpu.memref_slice %arg2[%mul3A_2, %dma_start3A_169] : memref<2500x128xi32, #tpu.memory_space<hbm>> -> memref<20x128xi32, #tpu.memory_space<hbm>>
      tpu.enqueue_dma source(%dma_start3A_170 : memref<20x128xi32, #tpu.memory_space<hbm>>) target(%dma_start3A_168 : memref<20x128xi32, #tpu.memory_space<vmem>>) target_semaphore(%arg12 : memref<!tpu.dma_semaphore, #tpu.memory_space<semaphore_mem>>)
      %dma_start3A_171 = arith.constant 0 : i32
      %dma_start3A_172 = arith.constant 0 : i32
      %dma_start3A_173 = tpu.memref_slice %arg7[%dma_start3A_171, %dma_start3A_172] : memref<80x128xi32, #tpu.memory_space<vmem>> -> memref<20x128xi32, #tpu.memory_space<vmem>>
      %dma_start3A_174 = arith.constant 0 : i32
      %dma_start3A_175 = tpu.memref_slice %arg3[%mul3A_2, %dma_start3A_174] : memref<2500x128xi32, #tpu.memory_space<hbm>> -> memref<20x128xi32, #tpu.memory_space<hbm>>
      %dma_start3A_176 = arith.constant 0 : i32
      %dma_start3A_177 = arith.constant 0 : i32
      %dma_start3A_178 = tpu.memref_slice %arg7[%dma_start3A_176, %dma_start3A_177] : memref<80x128xi32, #tpu.memory_space<vmem>> -> memref<20x128xi32, #tpu.memory_space<vmem>>
      %dma_start3A_179 = arith.constant 0 : i32
      %dma_start3A_180 = tpu.memref_slice %arg3[%mul3A_2, %dma_start3A_179] : memref<2500x128xi32, #tpu.memory_space<hbm>> -> memref<20x128xi32, #tpu.memory_space<hbm>>
      tpu.enqueue_dma source(%dma_start3A_180 : memref<20x128xi32, #tpu.memory_space<hbm>>) target(%dma_start3A_178 : memref<20x128xi32, #tpu.memory_space<vmem>>) target_semaphore(%arg12 : memref<!tpu.dma_semaphore, #tpu.memory_space<semaphore_mem>>)
    } else {
    }
    %scan3A = arith.constant 0 : i32
    %scan3A_12 = arith.constant 0 : i32
    %scan3A_13 = arith.constant 128 : i32
    %scan3A_14 = arith.addi %scan3A_12, %scan3A_13 : i32
    %scan3A_15 = arith.constant 1 : i32
    scf.for %scan3A_162 = %scan3A_12 to %scan3A_14 step %scan3A_15  : i32 {
      %broadcast_in_dim3A = arith.constant 1.000000e+00 : f32
      %broadcast_in_dim3A_163 = vector.broadcast %broadcast_in_dim3A : f32 to vector<16xf32>
      %jit3A_164 = arith.constant 1 : i32
      %div3A_165 = arith.divsi %scan3A_162, %jit3A_164 : i32
      %sign3A_166 = arith.constant 0 : i32
      %sign3A_167 = arith.cmpi sgt, %scan3A_162, %sign3A_166 : i32
      %sign3A_168 = arith.extui %sign3A_167 : i1 to i32
      %sign3A_169 = arith.constant 0 : i32
      %sign3A_170 = arith.cmpi slt, %scan3A_162, %sign3A_169 : i32
      %sign3A_171 = arith.extui %sign3A_170 : i1 to i32
      %sign3A_172 = arith.subi %sign3A_168, %sign3A_171 : i32
      %sign3A_173 = arith.constant 0 : i32
      %sign3A_174 = arith.cmpi sgt, %jit3A_164, %sign3A_173 : i32
      %sign3A_175 = arith.extui %sign3A_174 : i1 to i32
      %sign3A_176 = arith.constant 0 : i32
      %sign3A_177 = arith.cmpi slt, %jit3A_164, %sign3A_176 : i32
      %sign3A_178 = arith.extui %sign3A_177 : i1 to i32
      %sign3A_179 = arith.subi %sign3A_175, %sign3A_178 : i32
      %ne3A_180 = arith.cmpi ne, %sign3A_172, %sign3A_179 : i32
      %rem3A_181 = arith.remsi %scan3A_162, %jit3A_164 : i32
      %ne3A_182 = arith.constant 0 : i32
      %ne3A_183 = arith.cmpi ne, %rem3A_181, %ne3A_182 : i32
      %and3A_184 = arith.andi %ne3A_180, %ne3A_183 : i1
      %sub3A_185 = arith.constant 1 : i32
      %sub3A_186 = arith.subi %div3A_165, %sub3A_185 : i32
      %select_n3A_187 = arith.select %and3A_184, %sub3A_186, %div3A_165 : i32
      %jit3A_188 = arith.constant 1 : i32
      %eq3A_189 = arith.constant 0 : i32
      %eq3A_190 = arith.cmpi eq, %jit3A_188, %eq3A_189 : i32
      %jit3A_191 = arith.constant 1 : i32
      %select_n3A_192 = arith.select %eq3A_190, %jit3A_191, %jit3A_188 : i32
      %rem3A_193 = arith.remsi %scan3A_162, %select_n3A_192 : i32
      %ne3A_194 = arith.constant 0 : i32
      %ne3A_195 = arith.cmpi ne, %rem3A_193, %ne3A_194 : i32
      %lt3A_196 = arith.constant 0 : i32
      %lt3A_197 = arith.cmpi slt, %rem3A_193, %lt3A_196 : i32
      %lt3A_198 = arith.constant 0 : i32
      %lt3A_199 = arith.cmpi slt, %select_n3A_192, %lt3A_198 : i32
      %ne3A_200 = arith.xori %lt3A_197, %lt3A_199 : i1
      %and3A_201 = arith.andi %ne3A_200, %ne3A_195 : i1
      %add3A_202 = arith.addi %rem3A_193, %select_n3A_192 : i32
      %select_n3A_203 = arith.select %and3A_201, %add3A_202, %rem3A_193 : i32
      %mul3A_204 = arith.constant 16 : i32
      %mul3A_205 = arith.muli %select_n3A_203, %mul3A_204 : i32
      %swap3A = arith.index_cast %select_n3A_187 : i32 to index
      %swap3A_206 = arith.index_cast %mul3A_205 : i32 to index
      %swap3A_207 = tpu.vector_load %arg8[%swap3A, %swap3A_206] {strides = array<i32>} : memref<128x16xf32, #tpu.memory_space<vmem>>, vector<1x16xf32>,
      %swap3A_208 = vector.shape_cast %swap3A_207 : vector<1x16xf32> to vector<16xf32>
      %swap3A_209 = vector.shape_cast %broadcast_in_dim3A_163 : vector<16xf32> to vector<1x16xf32>
      tpu.vector_store %arg8[%swap3A, %swap3A_206], %swap3A_209 {strides = array<i32>} : memref<128x16xf32, #tpu.memory_space<vmem>>, vector<1x16xf32>,
    }
    %scan3A_16 = arith.constant 128 : i32
    %scan3A_17 = arith.constant 0 : i32
    %scan3A_18 = arith.constant 0 : i32
    %scan3A_19 = arith.constant 128 : i32
    %scan3A_20 = arith.addi %scan3A_18, %scan3A_19 : i32
    %scan3A_21 = arith.constant 1 : i32
    scf.for %scan3A_162 = %scan3A_18 to %scan3A_20 step %scan3A_21  : i32 {
      %broadcast_in_dim3A = arith.constant 0.000000e+00 : f32
      %broadcast_in_dim3A_163 = vector.broadcast %broadcast_in_dim3A : f32 to vector<16xf32>
      %jit3A_164 = arith.constant 1 : i32
      %div3A_165 = arith.divsi %scan3A_162, %jit3A_164 : i32
      %sign3A_166 = arith.constant 0 : i32
      %sign3A_167 = arith.cmpi sgt, %scan3A_162, %sign3A_166 : i32
      %sign3A_168 = arith.extui %sign3A_167 : i1 to i32
      %sign3A_169 = arith.constant 0 : i32
      %sign3A_170 = arith.cmpi slt, %scan3A_162, %sign3A_169 : i32
      %sign3A_171 = arith.extui %sign3A_170 : i1 to i32
      %sign3A_172 = arith.subi %sign3A_168, %sign3A_171 : i32
      %sign3A_173 = arith.constant 0 : i32
      %sign3A_174 = arith.cmpi sgt, %jit3A_164, %sign3A_173 : i32
      %sign3A_175 = arith.extui %sign3A_174 : i1 to i32
      %sign3A_176 = arith.constant 0 : i32
      %sign3A_177 = arith.cmpi slt, %jit3A_164, %sign3A_176 : i32
      %sign3A_178 = arith.extui %sign3A_177 : i1 to i32
      %sign3A_179 = arith.subi %sign3A_175, %sign3A_178 : i32
      %ne3A_180 = arith.cmpi ne, %sign3A_172, %sign3A_179 : i32
      %rem3A_181 = arith.remsi %scan3A_162, %jit3A_164 : i32
      %ne3A_182 = arith.constant 0 : i32
      %ne3A_183 = arith.cmpi ne, %rem3A_181, %ne3A_182 : i32
      %and3A_184 = arith.andi %ne3A_180, %ne3A_183 : i1
      %sub3A_185 = arith.constant 1 : i32
      %sub3A_186 = arith.subi %div3A_165, %sub3A_185 : i32
      %select_n3A_187 = arith.select %and3A_184, %sub3A_186, %div3A_165 : i32
      %jit3A_188 = arith.constant 1 : i32
      %eq3A_189 = arith.constant 0 : i32
      %eq3A_190 = arith.cmpi eq, %jit3A_188, %eq3A_189 : i32
      %jit3A_191 = arith.constant 1 : i32
      %select_n3A_192 = arith.select %eq3A_190, %jit3A_191, %jit3A_188 : i32
      %rem3A_193 = arith.remsi %scan3A_162, %select_n3A_192 : i32
      %ne3A_194 = arith.constant 0 : i32
      %ne3A_195 = arith.cmpi ne, %rem3A_193, %ne3A_194 : i32
      %lt3A_196 = arith.constant 0 : i32
      %lt3A_197 = arith.cmpi slt, %rem3A_193, %lt3A_196 : i32
      %lt3A_198 = arith.constant 0 : i32
      %lt3A_199 = arith.cmpi slt, %select_n3A_192, %lt3A_198 : i32
      %ne3A_200 = arith.xori %lt3A_197, %lt3A_199 : i1
      %and3A_201 = arith.andi %ne3A_200, %ne3A_195 : i1
      %add3A_202 = arith.addi %rem3A_193, %select_n3A_192 : i32
      %select_n3A_203 = arith.select %and3A_201, %add3A_202, %rem3A_193 : i32
      %mul3A_204 = arith.constant 16 : i32
      %mul3A_205 = arith.muli %select_n3A_203, %mul3A_204 : i32
      %swap3A = arith.index_cast %select_n3A_187 : i32 to index
      %swap3A_206 = arith.index_cast %mul3A_205 : i32 to index
      %swap3A_207 = tpu.vector_load %arg9[%swap3A, %swap3A_206] {strides = array<i32>} : memref<128x16xf32, #tpu.memory_space<vmem>>, vector<1x16xf32>,
      %swap3A_208 = vector.shape_cast %swap3A_207 : vector<1x16xf32> to vector<16xf32>
      %swap3A_209 = vector.shape_cast %broadcast_in_dim3A_163 : vector<16xf32> to vector<1x16xf32>
      tpu.vector_store %arg9[%swap3A, %swap3A_206], %swap3A_209 {strides = array<i32>} : memref<128x16xf32, #tpu.memory_space<vmem>>, vector<1x16xf32>,
    }
    %scan3A_22 = arith.constant 128 : i32
    %mul3A_23 = arith.constant 640 : i32
    %mul3A_24 = arith.muli %arg1, %mul3A_23 : i32
    %add3A_25 = arith.constant 0 : i32
    %add3A_26 = arith.addi %mul3A_24, %add3A_25 : i32
    "tpu.region"() ({
      %run_scoped3A = tpu.sem_alloc : memref<!tpu.dma_semaphore, #tpu.memory_space<semaphore_mem>>
      %dma_start3A = arith.constant 0 : i32
      %dma_start3A_162 = tpu.memref_slice %arg10[%add3A_26, %dma_start3A] : memref<10240x16xf32, #tpu.memory_space<vmem_shared>> -> memref<128x16xf32, #tpu.memory_space<vmem_shared>>
      %dma_start3A_163 = arith.constant 0 : i32
      %dma_start3A_164 = tpu.memref_slice %arg10[%add3A_26, %dma_start3A_163] : memref<10240x16xf32, #tpu.memory_space<vmem_shared>> -> memref<128x16xf32, #tpu.memory_space<vmem_shared>>
      tpu.enqueue_dma source(%arg9 : memref<128x16xf32, #tpu.memory_space<vmem>>) target(%dma_start3A_164 : memref<128x16xf32, #tpu.memory_space<vmem_shared>>) target_semaphore(%run_scoped3A : memref<!tpu.dma_semaphore, #tpu.memory_space<semaphore_mem>>)
      %dma_wait3A_165 = arith.constant 0 : i32
      %dma_wait3A_166 = tpu.memref_slice %arg10[%add3A_26, %dma_wait3A_165] : memref<10240x16xf32, #tpu.memory_space<vmem_shared>> -> memref<128x16xf32, #tpu.memory_space<vmem_shared>>
      %dma_wait3A_167 = arith.constant 0 : i32
      %dma_wait3A_168 = tpu.memref_slice %arg10[%add3A_26, %dma_wait3A_167] : memref<10240x16xf32, #tpu.memory_space<vmem_shared>> -> memref<128x16xf32, #tpu.memory_space<vmem_shared>>
      tpu.wait_dma2 semaphore(%run_scoped3A : memref<!tpu.dma_semaphore, #tpu.memory_space<semaphore_mem>>) src(%arg9 : memref<128x16xf32, #tpu.memory_space<vmem>>) dst(%dma_wait3A_168 : memref<128x16xf32, #tpu.memory_space<vmem_shared>>)
      tpu.yield
    }) : () -> ()
    %add3A_27 = arith.constant 0 : i32
    %add3A_28 = arith.addi %mul3A_24, %add3A_27 : i32
    "tpu.region"() ({
      %run_scoped3A = tpu.sem_alloc : memref<!tpu.dma_semaphore, #tpu.memory_space<semaphore_mem>>
      %dma_start3A = arith.constant 0 : i32
      %dma_start3A_162 = tpu.memref_slice %arg11[%add3A_28, %dma_start3A] : memref<10240x16xf32, #tpu.memory_space<vmem_shared>> -> memref<128x16xf32, #tpu.memory_space<vmem_shared>>
      %dma_start3A_163 = arith.constant 0 : i32
      %dma_start3A_164 = tpu.memref_slice %arg11[%add3A_28, %dma_start3A_163] : memref<10240x16xf32, #tpu.memory_space<vmem_shared>> -> memref<128x16xf32, #tpu.memory_space<vmem_shared>>
      tpu.enqueue_dma source(%arg9 : memref<128x16xf32, #tpu.memory_space<vmem>>) target(%dma_start3A_164 : memref<128x16xf32, #tpu.memory_space<vmem_shared>>) target_semaphore(%run_scoped3A : memref<!tpu.dma_semaphore, #tpu.memory_space<semaphore_mem>>)
      %dma_wait3A_165 = arith.constant 0 : i32
      %dma_wait3A_166 = tpu.memref_slice %arg11[%add3A_28, %dma_wait3A_165] : memref<10240x16xf32, #tpu.memory_space<vmem_shared>> -> memref<128x16xf32, #tpu.memory_space<vmem_shared>>
      %dma_wait3A_167 = arith.constant 0 : i32
      %dma_wait3A_168 = tpu.memref_slice %arg11[%add3A_28, %dma_wait3A_167] : memref<10240x16xf32, #tpu.memory_space<vmem_shared>> -> memref<128x16xf32, #tpu.memory_space<vmem_shared>>
      tpu.wait_dma2 semaphore(%run_scoped3A : memref<!tpu.dma_semaphore, #tpu.memory_space<semaphore_mem>>) src(%arg9 : memref<128x16xf32, #tpu.memory_space<vmem>>) dst(%dma_wait3A_168 : memref<128x16xf32, #tpu.memory_space<vmem_shared>>)
      tpu.yield
    }) : () -> ()
    %add3A_29 = arith.constant 128 : i32
    %add3A_30 = arith.addi %mul3A_24, %add3A_29 : i32
    "tpu.region"() ({
      %run_scoped3A = tpu.sem_alloc : memref<!tpu.dma_semaphore, #tpu.memory_space<semaphore_mem>>
      %dma_start3A = arith.constant 0 : i32
      %dma_start3A_162 = tpu.memref_slice %arg10[%add3A_30, %dma_start3A] : memref<10240x16xf32, #tpu.memory_space<vmem_shared>> -> memref<128x16xf32, #tpu.memory_space<vmem_shared>>
      %dma_start3A_163 = arith.constant 0 : i32
      %dma_start3A_164 = tpu.memref_slice %arg10[%add3A_30, %dma_start3A_163] : memref<10240x16xf32, #tpu.memory_space<vmem_shared>> -> memref<128x16xf32, #tpu.memory_space<vmem_shared>>
      tpu.enqueue_dma source(%arg9 : memref<128x16xf32, #tpu.memory_space<vmem>>) target(%dma_start3A_164 : memref<128x16xf32, #tpu.memory_space<vmem_shared>>) target_semaphore(%run_scoped3A : memref<!tpu.dma_semaphore, #tpu.memory_space<semaphore_mem>>)
      %dma_wait3A_165 = arith.constant 0 : i32
      %dma_wait3A_166 = tpu.memref_slice %arg10[%add3A_30, %dma_wait3A_165] : memref<10240x16xf32, #tpu.memory_space<vmem_shared>> -> memref<128x16xf32, #tpu.memory_space<vmem_shared>>
      %dma_wait3A_167 = arith.constant 0 : i32
      %dma_wait3A_168 = tpu.memref_slice %arg10[%add3A_30, %dma_wait3A_167] : memref<10240x16xf32, #tpu.memory_space<vmem_shared>> -> memref<128x16xf32, #tpu.memory_space<vmem_shared>>
      tpu.wait_dma2 semaphore(%run_scoped3A : memref<!tpu.dma_semaphore, #tpu.memory_space<semaphore_mem>>) src(%arg9 : memref<128x16xf32, #tpu.memory_space<vmem>>) dst(%dma_wait3A_168 : memref<128x16xf32, #tpu.memory_space<vmem_shared>>)
      tpu.yield
    }) : () -> ()
    %add3A_31 = arith.constant 128 : i32
    %add3A_32 = arith.addi %mul3A_24, %add3A_31 : i32
    "tpu.region"() ({
      %run_scoped3A = tpu.sem_alloc : memref<!tpu.dma_semaphore, #tpu.memory_space<semaphore_mem>>
      %dma_start3A = arith.constant 0 : i32
      %dma_start3A_162 = tpu.memref_slice %arg11[%add3A_32, %dma_start3A] : memref<10240x16xf32, #tpu.memory_space<vmem_shared>> -> memref<128x16xf32, #tpu.memory_space<vmem_shared>>
      %dma_start3A_163 = arith.constant 0 : i32
      %dma_start3A_164 = tpu.memref_slice %arg11[%add3A_32, %dma_start3A_163] : memref<10240x16xf32, #tpu.memory_space<vmem_shared>> -> memref<128x16xf32, #tpu.memory_space<vmem_shared>>
      tpu.enqueue_dma source(%arg9 : memref<128x16xf32, #tpu.memory_space<vmem>>) target(%dma_start3A_164 : memref<128x16xf32, #tpu.memory_space<vmem_shared>>) target_semaphore(%run_scoped3A : memref<!tpu.dma_semaphore, #tpu.memory_space<semaphore_mem>>)
      %dma_wait3A_165 = arith.constant 0 : i32
      %dma_wait3A_166 = tpu.memref_slice %arg11[%add3A_32, %dma_wait3A_165] : memref<10240x16xf32, #tpu.memory_space<vmem_shared>> -> memref<128x16xf32, #tpu.memory_space<vmem_shared>>
      %dma_wait3A_167 = arith.constant 0 : i32
      %dma_wait3A_168 = tpu.memref_slice %arg11[%add3A_32, %dma_wait3A_167] : memref<10240x16xf32, #tpu.memory_space<vmem_shared>> -> memref<128x16xf32, #tpu.memory_space<vmem_shared>>
      tpu.wait_dma2 semaphore(%run_scoped3A : memref<!tpu.dma_semaphore, #tpu.memory_space<semaphore_mem>>) src(%arg9 : memref<128x16xf32, #tpu.memory_space<vmem>>) dst(%dma_wait3A_168 : memref<128x16xf32, #tpu.memory_space<vmem_shared>>)
      tpu.yield
    }) : () -> ()
    %add3A_33 = arith.constant 256 : i32
    %add3A_34 = arith.addi %mul3A_24, %add3A_33 : i32
    "tpu.region"() ({
      %run_scoped3A = tpu.sem_alloc : memref<!tpu.dma_semaphore, #tpu.memory_space<semaphore_mem>>
      %dma_start3A = arith.constant 0 : i32
      %dma_start3A_162 = tpu.memref_slice %arg10[%add3A_34, %dma_start3A] : memref<10240x16xf32, #tpu.memory_space<vmem_shared>> -> memref<128x16xf32, #tpu.memory_space<vmem_shared>>
      %dma_start3A_163 = arith.constant 0 : i32
      %dma_start3A_164 = tpu.memref_slice %arg10[%add3A_34, %dma_start3A_163] : memref<10240x16xf32, #tpu.memory_space<vmem_shared>> -> memref<128x16xf32, #tpu.memory_space<vmem_shared>>
      tpu.enqueue_dma source(%arg9 : memref<128x16xf32, #tpu.memory_space<vmem>>) target(%dma_start3A_164 : memref<128x16xf32, #tpu.memory_space<vmem_shared>>) target_semaphore(%run_scoped3A : memref<!tpu.dma_semaphore, #tpu.memory_space<semaphore_mem>>)
      %dma_wait3A_165 = arith.constant 0 : i32
      %dma_wait3A_166 = tpu.memref_slice %arg10[%add3A_34, %dma_wait3A_165] : memref<10240x16xf32, #tpu.memory_space<vmem_shared>> -> memref<128x16xf32, #tpu.memory_space<vmem_shared>>
      %dma_wait3A_167 = arith.constant 0 : i32
      %dma_wait3A_168 = tpu.memref_slice %arg10[%add3A_34, %dma_wait3A_167] : memref<10240x16xf32, #tpu.memory_space<vmem_shared>> -> memref<128x16xf32, #tpu.memory_space<vmem_shared>>
      tpu.wait_dma2 semaphore(%run_scoped3A : memref<!tpu.dma_semaphore, #tpu.memory_space<semaphore_mem>>) src(%arg9 : memref<128x16xf32, #tpu.memory_space<vmem>>) dst(%dma_wait3A_168 : memref<128x16xf32, #tpu.memory_space<vmem_shared>>)
      tpu.yield
    }) : () -> ()
    %add3A_35 = arith.constant 256 : i32
    %add3A_36 = arith.addi %mul3A_24, %add3A_35 : i32
    "tpu.region"() ({
      %run_scoped3A = tpu.sem_alloc : memref<!tpu.dma_semaphore, #tpu.memory_space<semaphore_mem>>
      %dma_start3A = arith.constant 0 : i32
      %dma_start3A_162 = tpu.memref_slice %arg11[%add3A_36, %dma_start3A] : memref<10240x16xf32, #tpu.memory_space<vmem_shared>> -> memref<128x16xf32, #tpu.memory_space<vmem_shared>>
      %dma_start3A_163 = arith.constant 0 : i32
      %dma_start3A_164 = tpu.memref_slice %arg11[%add3A_36, %dma_start3A_163] : memref<10240x16xf32, #tpu.memory_space<vmem_shared>> -> memref<128x16xf32, #tpu.memory_space<vmem_shared>>
      tpu.enqueue_dma source(%arg9 : memref<128x16xf32, #tpu.memory_space<vmem>>) target(%dma_start3A_164 : memref<128x16xf32, #tpu.memory_space<vmem_shared>>) target_semaphore(%run_scoped3A : memref<!tpu.dma_semaphore, #tpu.memory_space<semaphore_mem>>)
      %dma_wait3A_165 = arith.constant 0 : i32
      %dma_wait3A_166 = tpu.memref_slice %arg11[%add3A_36, %dma_wait3A_165] : memref<10240x16xf32, #tpu.memory_space<vmem_shared>> -> memref<128x16xf32, #tpu.memory_space<vmem_shared>>
      %dma_wait3A_167 = arith.constant 0 : i32
      %dma_wait3A_168 = tpu.memref_slice %arg11[%add3A_36, %dma_wait3A_167] : memref<10240x16xf32, #tpu.memory_space<vmem_shared>> -> memref<128x16xf32, #tpu.memory_space<vmem_shared>>
      tpu.wait_dma2 semaphore(%run_scoped3A : memref<!tpu.dma_semaphore, #tpu.memory_space<semaphore_mem>>) src(%arg9 : memref<128x16xf32, #tpu.memory_space<vmem>>) dst(%dma_wait3A_168 : memref<128x16xf32, #tpu.memory_space<vmem_shared>>)
      tpu.yield
    }) : () -> ()
    %add3A_37 = arith.constant 384 : i32
    %add3A_38 = arith.addi %mul3A_24, %add3A_37 : i32
    "tpu.region"() ({
      %run_scoped3A = tpu.sem_alloc : memref<!tpu.dma_semaphore, #tpu.memory_space<semaphore_mem>>
      %dma_start3A = arith.constant 0 : i32
      %dma_start3A_162 = tpu.memref_slice %arg10[%add3A_38, %dma_start3A] : memref<10240x16xf32, #tpu.memory_space<vmem_shared>> -> memref<128x16xf32, #tpu.memory_space<vmem_shared>>
      %dma_start3A_163 = arith.constant 0 : i32
      %dma_start3A_164 = tpu.memref_slice %arg10[%add3A_38, %dma_start3A_163] : memref<10240x16xf32, #tpu.memory_space<vmem_shared>> -> memref<128x16xf32, #tpu.memory_space<vmem_shared>>
      tpu.enqueue_dma source(%arg9 : memref<128x16xf32, #tpu.memory_space<vmem>>) target(%dma_start3A_164 : memref<128x16xf32, #tpu.memory_space<vmem_shared>>) target_semaphore(%run_scoped3A : memref<!tpu.dma_semaphore, #tpu.memory_space<semaphore_mem>>)
      %dma_wait3A_165 = arith.constant 0 : i32
      %dma_wait3A_166 = tpu.memref_slice %arg10[%add3A_38, %dma_wait3A_165] : memref<10240x16xf32, #tpu.memory_space<vmem_shared>> -> memref<128x16xf32, #tpu.memory_space<vmem_shared>>
      %dma_wait3A_167 = arith.constant 0 : i32
      %dma_wait3A_168 = tpu.memref_slice %arg10[%add3A_38, %dma_wait3A_167] : memref<10240x16xf32, #tpu.memory_space<vmem_shared>> -> memref<128x16xf32, #tpu.memory_space<vmem_shared>>
      tpu.wait_dma2 semaphore(%run_scoped3A : memref<!tpu.dma_semaphore, #tpu.memory_space<semaphore_mem>>) src(%arg9 : memref<128x16xf32, #tpu.memory_space<vmem>>) dst(%dma_wait3A_168 : memref<128x16xf32, #tpu.memory_space<vmem_shared>>)
      tpu.yield
    }) : () -> ()
    %add3A_39 = arith.constant 384 : i32
    %add3A_40 = arith.addi %mul3A_24, %add3A_39 : i32
    "tpu.region"() ({
      %run_scoped3A = tpu.sem_alloc : memref<!tpu.dma_semaphore, #tpu.memory_space<semaphore_mem>>
      %dma_start3A = arith.constant 0 : i32
      %dma_start3A_162 = tpu.memref_slice %arg11[%add3A_40, %dma_start3A] : memref<10240x16xf32, #tpu.memory_space<vmem_shared>> -> memref<128x16xf32, #tpu.memory_space<vmem_shared>>
      %dma_start3A_163 = arith.constant 0 : i32
      %dma_start3A_164 = tpu.memref_slice %arg11[%add3A_40, %dma_start3A_163] : memref<10240x16xf32, #tpu.memory_space<vmem_shared>> -> memref<128x16xf32, #tpu.memory_space<vmem_shared>>
      tpu.enqueue_dma source(%arg9 : memref<128x16xf32, #tpu.memory_space<vmem>>) target(%dma_start3A_164 : memref<128x16xf32, #tpu.memory_space<vmem_shared>>) target_semaphore(%run_scoped3A : memref<!tpu.dma_semaphore, #tpu.memory_space<semaphore_mem>>)
      %dma_wait3A_165 = arith.constant 0 : i32
      %dma_wait3A_166 = tpu.memref_slice %arg11[%add3A_40, %dma_wait3A_165] : memref<10240x16xf32, #tpu.memory_space<vmem_shared>> -> memref<128x16xf32, #tpu.memory_space<vmem_shared>>
      %dma_wait3A_167 = arith.constant 0 : i32
      %dma_wait3A_168 = tpu.memref_slice %arg11[%add3A_40, %dma_wait3A_167] : memref<10240x16xf32, #tpu.memory_space<vmem_shared>> -> memref<128x16xf32, #tpu.memory_space<vmem_shared>>
      tpu.wait_dma2 semaphore(%run_scoped3A : memref<!tpu.dma_semaphore, #tpu.memory_space<semaphore_mem>>) src(%arg9 : memref<128x16xf32, #tpu.memory_space<vmem>>) dst(%dma_wait3A_168 : memref<128x16xf32, #tpu.memory_space<vmem_shared>>)
      tpu.yield
    }) : () -> ()
    %add3A_41 = arith.constant 512 : i32
    %add3A_42 = arith.addi %mul3A_24, %add3A_41 : i32
    "tpu.region"() ({
      %run_scoped3A = tpu.sem_alloc : memref<!tpu.dma_semaphore, #tpu.memory_space<semaphore_mem>>
      %dma_start3A = arith.constant 0 : i32
      %dma_start3A_162 = tpu.memref_slice %arg10[%add3A_42, %dma_start3A] : memref<10240x16xf32, #tpu.memory_space<vmem_shared>> -> memref<128x16xf32, #tpu.memory_space<vmem_shared>>
      %dma_start3A_163 = arith.constant 0 : i32
      %dma_start3A_164 = tpu.memref_slice %arg10[%add3A_42, %dma_start3A_163] : memref<10240x16xf32, #tpu.memory_space<vmem_shared>> -> memref<128x16xf32, #tpu.memory_space<vmem_shared>>
      tpu.enqueue_dma source(%arg9 : memref<128x16xf32, #tpu.memory_space<vmem>>) target(%dma_start3A_164 : memref<128x16xf32, #tpu.memory_space<vmem_shared>>) target_semaphore(%run_scoped3A : memref<!tpu.dma_semaphore, #tpu.memory_space<semaphore_mem>>)
      %dma_wait3A_165 = arith.constant 0 : i32
      %dma_wait3A_166 = tpu.memref_slice %arg10[%add3A_42, %dma_wait3A_165] : memref<10240x16xf32, #tpu.memory_space<vmem_shared>> -> memref<128x16xf32, #tpu.memory_space<vmem_shared>>
      %dma_wait3A_167 = arith.constant 0 : i32
      %dma_wait3A_168 = tpu.memref_slice %arg10[%add3A_42, %dma_wait3A_167] : memref<10240x16xf32, #tpu.memory_space<vmem_shared>> -> memref<128x16xf32, #tpu.memory_space<vmem_shared>>
      tpu.wait_dma2 semaphore(%run_scoped3A : memref<!tpu.dma_semaphore, #tpu.memory_space<semaphore_mem>>) src(%arg9 : memref<128x16xf32, #tpu.memory_space<vmem>>) dst(%dma_wait3A_168 : memref<128x16xf32, #tpu.memory_space<vmem_shared>>)
      tpu.yield
    }) : () -> ()
    %add3A_43 = arith.constant 512 : i32
    %add3A_44 = arith.addi %mul3A_24, %add3A_43 : i32
    "tpu.region"() ({
      %run_scoped3A = tpu.sem_alloc : memref<!tpu.dma_semaphore, #tpu.memory_space<semaphore_mem>>
      %dma_start3A = arith.constant 0 : i32
      %dma_start3A_162 = tpu.memref_slice %arg11[%add3A_44, %dma_start3A] : memref<10240x16xf32, #tpu.memory_space<vmem_shared>> -> memref<128x16xf32, #tpu.memory_space<vmem_shared>>
      %dma_start3A_163 = arith.constant 0 : i32
      %dma_start3A_164 = tpu.memref_slice %arg11[%add3A_44, %dma_start3A_163] : memref<10240x16xf32, #tpu.memory_space<vmem_shared>> -> memref<128x16xf32, #tpu.memory_space<vmem_shared>>
      tpu.enqueue_dma source(%arg9 : memref<128x16xf32, #tpu.memory_space<vmem>>) target(%dma_start3A_164 : memref<128x16xf32, #tpu.memory_space<vmem_shared>>) target_semaphore(%run_scoped3A : memref<!tpu.dma_semaphore, #tpu.memory_space<semaphore_mem>>)
      %dma_wait3A_165 = arith.constant 0 : i32
      %dma_wait3A_166 = tpu.memref_slice %arg11[%add3A_44, %dma_wait3A_165] : memref<10240x16xf32, #tpu.memory_space<vmem_shared>> -> memref<128x16xf32, #tpu.memory_space<vmem_shared>>
      %dma_wait3A_167 = arith.constant 0 : i32
      %dma_wait3A_168 = tpu.memref_slice %arg11[%add3A_44, %dma_wait3A_167] : memref<10240x16xf32, #tpu.memory_space<vmem_shared>> -> memref<128x16xf32, #tpu.memory_space<vmem_shared>>
      tpu.wait_dma2 semaphore(%run_scoped3A : memref<!tpu.dma_semaphore, #tpu.memory_space<semaphore_mem>>) src(%arg9 : memref<128x16xf32, #tpu.memory_space<vmem>>) dst(%dma_wait3A_168 : memref<128x16xf32, #tpu.memory_space<vmem_shared>>)
      tpu.yield
    }) : () -> ()
    %lt3A_45 = arith.constant 31 : i32
    %lt3A_46 = arith.cmpi slt, %add3A, %lt3A_45 : i32
    %convert_element_type3A_47 = arith.extui %lt3A_46 : i1 to i32
    %cond3A_48 = arith.constant 0 : i32
    %cond3A_49 = arith.cmpi ne, %convert_element_type3A_47, %cond3A_48 : i32
    scf.if %cond3A_49 {
      %dma_wait3A_162 = arith.constant 0 : i32
      %dma_wait3A_163 = arith.constant 0 : i32
      %dma_wait3A_164 = tpu.memref_slice %arg2[%dma_wait3A_162, %dma_wait3A_163] : memref<2500x128xi32, #tpu.memory_space<hbm>> -> memref<80x128xi32, #tpu.memory_space<hbm>>
      %dma_wait3A_165 = arith.constant 0 : i32
      %dma_wait3A_166 = arith.constant 0 : i32
      %dma_wait3A_167 = tpu.memref_slice %arg2[%dma_wait3A_165, %dma_wait3A_166] : memref<2500x128xi32, #tpu.memory_space<hbm>> -> memref<80x128xi32, #tpu.memory_space<hbm>>
      tpu.wait_dma2 semaphore(%arg12 : memref<!tpu.dma_semaphore, #tpu.memory_space<semaphore_mem>>) src(%dma_wait3A_167 : memref<80x128xi32, #tpu.memory_space<hbm>>) dst(%arg6 : memref<80x128xi32, #tpu.memory_space<vmem>>)
      %dma_wait3A_168 = arith.constant 0 : i32
      %dma_wait3A_169 = arith.constant 0 : i32
      %dma_wait3A_170 = tpu.memref_slice %arg2[%dma_wait3A_168, %dma_wait3A_169] : memref<2500x128xi32, #tpu.memory_space<hbm>> -> memref<80x128xi32, #tpu.memory_space<hbm>>
      %dma_wait3A_171 = arith.constant 0 : i32
      %dma_wait3A_172 = arith.constant 0 : i32
      %dma_wait3A_173 = tpu.memref_slice %arg2[%dma_wait3A_171, %dma_wait3A_172] : memref<2500x128xi32, #tpu.memory_space<hbm>> -> memref<80x128xi32, #tpu.memory_space<hbm>>
      tpu.wait_dma2 semaphore(%arg12 : memref<!tpu.dma_semaphore, #tpu.memory_space<semaphore_mem>>) src(%dma_wait3A_173 : memref<80x128xi32, #tpu.memory_space<hbm>>) dst(%arg7 : memref<80x128xi32, #tpu.memory_space<vmem>>)
    } else {
    }
    %eq3A_50 = arith.constant 31 : i32
    %eq3A_51 = arith.cmpi eq, %add3A, %eq3A_50 : i32
    %convert_element_type3A_52 = arith.extui %eq3A_51 : i1 to i32
    %cond3A_53 = arith.constant 0 : i32
    %cond3A_54 = arith.cmpi ne, %convert_element_type3A_52, %cond3A_53 : i32
    scf.if %cond3A_54 {
      %dma_wait3A_162 = arith.constant 0 : i32
      %dma_wait3A_163 = arith.constant 0 : i32
      %dma_wait3A_164 = tpu.memref_slice %arg6[%dma_wait3A_162, %dma_wait3A_163] : memref<80x128xi32, #tpu.memory_space<vmem>> -> memref<20x128xi32, #tpu.memory_space<vmem>>
      %dma_wait3A_165 = arith.constant 0 : i32
      %dma_wait3A_166 = arith.constant 0 : i32
      %dma_wait3A_167 = tpu.memref_slice %arg2[%dma_wait3A_165, %dma_wait3A_166] : memref<2500x128xi32, #tpu.memory_space<hbm>> -> memref<20x128xi32, #tpu.memory_space<hbm>>
      %dma_wait3A_168 = arith.constant 0 : i32
      %dma_wait3A_169 = arith.constant 0 : i32
      %dma_wait3A_170 = tpu.memref_slice %arg6[%dma_wait3A_168, %dma_wait3A_169] : memref<80x128xi32, #tpu.memory_space<vmem>> -> memref<20x128xi32, #tpu.memory_space<vmem>>
      %dma_wait3A_171 = arith.constant 0 : i32
      %dma_wait3A_172 = arith.constant 0 : i32
      %dma_wait3A_173 = tpu.memref_slice %arg2[%dma_wait3A_171, %dma_wait3A_172] : memref<2500x128xi32, #tpu.memory_space<hbm>> -> memref<20x128xi32, #tpu.memory_space<hbm>>
      tpu.wait_dma2 semaphore(%arg12 : memref<!tpu.dma_semaphore, #tpu.memory_space<semaphore_mem>>) src(%dma_wait3A_173 : memref<20x128xi32, #tpu.memory_space<hbm>>) dst(%dma_wait3A_170 : memref<20x128xi32, #tpu.memory_space<vmem>>)
      %dma_wait3A_174 = arith.constant 0 : i32
      %dma_wait3A_175 = arith.constant 0 : i32
      %dma_wait3A_176 = tpu.memref_slice %arg7[%dma_wait3A_174, %dma_wait3A_175] : memref<80x128xi32, #tpu.memory_space<vmem>> -> memref<20x128xi32, #tpu.memory_space<vmem>>
      %dma_wait3A_177 = arith.constant 0 : i32
      %dma_wait3A_178 = arith.constant 0 : i32
      %dma_wait3A_179 = tpu.memref_slice %arg2[%dma_wait3A_177, %dma_wait3A_178] : memref<2500x128xi32, #tpu.memory_space<hbm>> -> memref<20x128xi32, #tpu.memory_space<hbm>>
      %dma_wait3A_180 = arith.constant 0 : i32
      %dma_wait3A_181 = arith.constant 0 : i32
      %dma_wait3A_182 = tpu.memref_slice %arg7[%dma_wait3A_180, %dma_wait3A_181] : memref<80x128xi32, #tpu.memory_space<vmem>> -> memref<20x128xi32, #tpu.memory_space<vmem>>
      %dma_wait3A_183 = arith.constant 0 : i32
      %dma_wait3A_184 = arith.constant 0 : i32
      %dma_wait3A_185 = tpu.memref_slice %arg2[%dma_wait3A_183, %dma_wait3A_184] : memref<2500x128xi32, #tpu.memory_space<hbm>> -> memref<20x128xi32, #tpu.memory_space<hbm>>
      tpu.wait_dma2 semaphore(%arg12 : memref<!tpu.dma_semaphore, #tpu.memory_space<semaphore_mem>>) src(%dma_wait3A_185 : memref<20x128xi32, #tpu.memory_space<hbm>>) dst(%dma_wait3A_182 : memref<20x128xi32, #tpu.memory_space<vmem>>)
    } else {
    }
    %barrier3A = arith.constant 0 : index
    tpu.barrier barrier_id(%barrier3A)
    %jit3A_55 = arith.constant 5 : i32
    %div3A = arith.divsi %select_n3A, %jit3A_55 : i32
    %sign3A = arith.constant 0 : i32
    %sign3A_56 = arith.cmpi sgt, %select_n3A, %sign3A : i32
    %sign3A_57 = arith.extui %sign3A_56 : i1 to i32
    %sign3A_58 = arith.constant 0 : i32
    %sign3A_59 = arith.cmpi slt, %select_n3A, %sign3A_58 : i32
    %sign3A_60 = arith.extui %sign3A_59 : i1 to i32
    %sign3A_61 = arith.subi %sign3A_57, %sign3A_60 : i32
    %sign3A_62 = arith.constant 0 : i32
    %sign3A_63 = arith.cmpi sgt, %jit3A_55, %sign3A_62 : i32
    %sign3A_64 = arith.extui %sign3A_63 : i1 to i32
    %sign3A_65 = arith.constant 0 : i32
    %sign3A_66 = arith.cmpi slt, %jit3A_55, %sign3A_65 : i32
    %sign3A_67 = arith.extui %sign3A_66 : i1 to i32
    %sign3A_68 = arith.subi %sign3A_64, %sign3A_67 : i32
    %ne3A = arith.cmpi ne, %sign3A_61, %sign3A_68 : i32
    %rem3A = arith.remsi %select_n3A, %jit3A_55 : i32
    %ne3A_69 = arith.constant 0 : i32
    %ne3A_70 = arith.cmpi ne, %rem3A, %ne3A_69 : i32
    %and3A = arith.andi %ne3A, %ne3A_70 : i1
    %sub3A = arith.constant 1 : i32
    %sub3A_71 = arith.subi %div3A, %sub3A : i32
    %select_n3A_72 = arith.select %and3A, %sub3A_71, %div3A : i32
    %while3A = arith.constant 0 : i32
    %while3A_73 = arith.constant 0 : i32
    %while3A_74 = arith.subi %select_n3A_72, %while3A_73 : i32
    %while3A_75 = arith.addi %while3A_73, %while3A_74 : i32
    %while3A_76 = arith.constant 1 : i32
    %while3A_77 = arith.divsi %while3A_74, %while3A_76 : i32
    %while3A_78 = arith.muli %while3A_77, %while3A_76 : i32
    %while3A_79 = arith.addi %while3A_73, %while3A_78 : i32
    %while3A_80 = arith.constant 1 : i32
    scf.for %while3A_162 = %while3A_73 to %while3A_79 step %while3A_80  : i32 {
      %mul3A_163 = arith.constant 5 : i32
      %mul3A_164 = arith.muli %while3A_162, %mul3A_163 : i32
      %add3A_165 = arith.constant 0 : i32
      %add3A_166 = arith.addi %mul3A_164, %add3A_165 : i32
      %ge3A = arith.constant 5 : i32
      %ge3A_167 = arith.cmpi sge, %add3A_166, %ge3A : i32
      %convert_element_type3A_168 = arith.extui %ge3A_167 : i1 to i32
      %cond3A_169 = arith.constant 0 : i32
      %cond3A_170 = arith.cmpi ne, %convert_element_type3A_168, %cond3A_169 : i32
      scf.if %cond3A_170 {
        %dma_wait3A_266 = arith.constant 0 : i32
        %dma_wait3A_267 = arith.constant 0 : i32
        %dma_wait3A_268 = tpu.memref_slice %arg4[%arg0, %dma_wait3A_266, %dma_wait3A_267] : memref<2x10240x16xf32, #tpu.memory_space<hbm>> -> memref<1x128x16xf32, #tpu.memory_space<hbm>>
        %dma_wait3A_269 = tpu.memref_squeeze %dma_wait3A_268 : memref<1x128x16xf32, #tpu.memory_space<hbm>> -> memref<128x16xf32, #tpu.memory_space<hbm>>
        %dma_wait3A_270 = arith.constant 0 : i32
        %dma_wait3A_271 = arith.constant 0 : i32
        %dma_wait3A_272 = tpu.memref_slice %arg4[%arg0, %dma_wait3A_270, %dma_wait3A_271] : memref<2x10240x16xf32, #tpu.memory_space<hbm>> -> memref<1x128x16xf32, #tpu.memory_space<hbm>>
        %dma_wait3A_273 = tpu.memref_squeeze %dma_wait3A_272 : memref<1x128x16xf32, #tpu.memory_space<hbm>> -> memref<128x16xf32, #tpu.memory_space<hbm>>
        tpu.wait_dma2 semaphore(%arg13 : memref<!tpu.dma_semaphore, #tpu.memory_space<semaphore_mem>>) src(%dma_wait3A_273 : memref<128x16xf32, #tpu.memory_space<hbm>>) dst(%arg8 : memref<128x16xf32, #tpu.memory_space<vmem>>)
        %dma_wait3A_274 = arith.constant 0 : i32
        %dma_wait3A_275 = arith.constant 0 : i32
        %dma_wait3A_276 = tpu.memref_slice %arg4[%arg0, %dma_wait3A_274, %dma_wait3A_275] : memref<2x10240x16xf32, #tpu.memory_space<hbm>> -> memref<1x128x16xf32, #tpu.memory_space<hbm>>
        %dma_wait3A_277 = tpu.memref_squeeze %dma_wait3A_276 : memref<1x128x16xf32, #tpu.memory_space<hbm>> -> memref<128x16xf32, #tpu.memory_space<hbm>>
        %dma_wait3A_278 = arith.constant 0 : i32
        %dma_wait3A_279 = arith.constant 0 : i32
        %dma_wait3A_280 = tpu.memref_slice %arg4[%arg0, %dma_wait3A_278, %dma_wait3A_279] : memref<2x10240x16xf32, #tpu.memory_space<hbm>> -> memref<1x128x16xf32, #tpu.memory_space<hbm>>
        %dma_wait3A_281 = tpu.memref_squeeze %dma_wait3A_280 : memref<1x128x16xf32, #tpu.memory_space<hbm>> -> memref<128x16xf32, #tpu.memory_space<hbm>>
        tpu.wait_dma2 semaphore(%arg18 : memref<!tpu.dma_semaphore, #tpu.memory_space<semaphore_mem>>) src(%dma_wait3A_281 : memref<128x16xf32, #tpu.memory_space<hbm>>) dst(%arg8 : memref<128x16xf32, #tpu.memory_space<vmem>>)
      } else {
      }
      %dma_start3A = arith.constant 0 : i32
      %dma_start3A_171 = tpu.memref_slice %arg6[%add3A_166, %dma_start3A] : memref<80x128xi32, #tpu.memory_space<vmem>> -> memref<1x128xi32, #tpu.memory_space<vmem>>
      %dma_start3A_172 = tpu.memref_squeeze %dma_start3A_171 : memref<1x128xi32, #tpu.memory_space<vmem>> -> memref<128xi32, #tpu.memory_space<vmem>>
      %dma_start3A_173 = arith.constant 0 : i32
      %dma_start3A_174 = arith.constant 0 : i32
      %dma_start3A_175 = tpu.memref_slice %arg10[%dma_start3A_173, %dma_start3A_174] : memref<10240x16xf32, #tpu.memory_space<vmem_shared>> -> memref<10240x16xf32, #tpu.memory_space<vmem_shared>>
      tpu.enqueue_indirect_dma source(%arg8 : memref<128x16xf32, #tpu.memory_space<vmem>>) target(%dma_start3A_175 : memref<10240x16xf32, #tpu.memory_space<vmem_shared>>) offsets(%dma_start3A_172 : memref<128xi32, #tpu.memory_space<vmem>>) semaphore(%arg13 : memref<!tpu.dma_semaphore, #tpu.memory_space<semaphore_mem>>) {add = true}
      %dma_start3A_176 = arith.constant 0 : i32
      %dma_start3A_177 = tpu.memref_slice %arg7[%add3A_166, %dma_start3A_176] : memref<80x128xi32, #tpu.memory_space<vmem>> -> memref<1x128xi32, #tpu.memory_space<vmem>>
      %dma_start3A_178 = tpu.memref_squeeze %dma_start3A_177 : memref<1x128xi32, #tpu.memory_space<vmem>> -> memref<128xi32, #tpu.memory_space<vmem>>
      %dma_start3A_179 = arith.constant 0 : i32
      %dma_start3A_180 = arith.constant 0 : i32
      %dma_start3A_181 = tpu.memref_slice %arg11[%dma_start3A_179, %dma_start3A_180] : memref<10240x16xf32, #tpu.memory_space<vmem_shared>> -> memref<10240x16xf32, #tpu.memory_space<vmem_shared>>
      tpu.enqueue_indirect_dma source(%arg8 : memref<128x16xf32, #tpu.memory_space<vmem>>) target(%dma_start3A_181 : memref<10240x16xf32, #tpu.memory_space<vmem_shared>>) offsets(%dma_start3A_178 : memref<128xi32, #tpu.memory_space<vmem>>) semaphore(%arg18 : memref<!tpu.dma_semaphore, #tpu.memory_space<semaphore_mem>>) {add = true}
      %mul3A_182 = arith.constant 5 : i32
      %mul3A_183 = arith.muli %while3A_162, %mul3A_182 : i32
      %add3A_184 = arith.constant 1 : i32
      %add3A_185 = arith.addi %mul3A_183, %add3A_184 : i32
      %ge3A_186 = arith.constant 5 : i32
      %ge3A_187 = arith.cmpi sge, %add3A_185, %ge3A_186 : i32
      %convert_element_type3A_188 = arith.extui %ge3A_187 : i1 to i32
      %cond3A_189 = arith.constant 0 : i32
      %cond3A_190 = arith.cmpi ne, %convert_element_type3A_188, %cond3A_189 : i32
      scf.if %cond3A_190 {
        %dma_wait3A_266 = arith.constant 0 : i32
        %dma_wait3A_267 = arith.constant 0 : i32
        %dma_wait3A_268 = tpu.memref_slice %arg4[%arg0, %dma_wait3A_266, %dma_wait3A_267] : memref<2x10240x16xf32, #tpu.memory_space<hbm>> -> memref<1x128x16xf32, #tpu.memory_space<hbm>>
        %dma_wait3A_269 = tpu.memref_squeeze %dma_wait3A_268 : memref<1x128x16xf32, #tpu.memory_space<hbm>> -> memref<128x16xf32, #tpu.memory_space<hbm>>
        %dma_wait3A_270 = arith.constant 0 : i32
        %dma_wait3A_271 = arith.constant 0 : i32
        %dma_wait3A_272 = tpu.memref_slice %arg4[%arg0, %dma_wait3A_270, %dma_wait3A_271] : memref<2x10240x16xf32, #tpu.memory_space<hbm>> -> memref<1x128x16xf32, #tpu.memory_space<hbm>>
        %dma_wait3A_273 = tpu.memref_squeeze %dma_wait3A_272 : memref<1x128x16xf32, #tpu.memory_space<hbm>> -> memref<128x16xf32, #tpu.memory_space<hbm>>
        tpu.wait_dma2 semaphore(%arg14 : memref<!tpu.dma_semaphore, #tpu.memory_space<semaphore_mem>>) src(%dma_wait3A_273 : memref<128x16xf32, #tpu.memory_space<hbm>>) dst(%arg8 : memref<128x16xf32, #tpu.memory_space<vmem>>)
        %dma_wait3A_274 = arith.constant 0 : i32
        %dma_wait3A_275 = arith.constant 0 : i32
        %dma_wait3A_276 = tpu.memref_slice %arg4[%arg0, %dma_wait3A_274, %dma_wait3A_275] : memref<2x10240x16xf32, #tpu.memory_space<hbm>> -> memref<1x128x16xf32, #tpu.memory_space<hbm>>
        %dma_wait3A_277 = tpu.memref_squeeze %dma_wait3A_276 : memref<1x128x16xf32, #tpu.memory_space<hbm>> -> memref<128x16xf32, #tpu.memory_space<hbm>>
        %dma_wait3A_278 = arith.constant 0 : i32
        %dma_wait3A_279 = arith.constant 0 : i32
        %dma_wait3A_280 = tpu.memref_slice %arg4[%arg0, %dma_wait3A_278, %dma_wait3A_279] : memref<2x10240x16xf32, #tpu.memory_space<hbm>> -> memref<1x128x16xf32, #tpu.memory_space<hbm>>
        %dma_wait3A_281 = tpu.memref_squeeze %dma_wait3A_280 : memref<1x128x16xf32, #tpu.memory_space<hbm>> -> memref<128x16xf32, #tpu.memory_space<hbm>>
        tpu.wait_dma2 semaphore(%arg19 : memref<!tpu.dma_semaphore, #tpu.memory_space<semaphore_mem>>) src(%dma_wait3A_281 : memref<128x16xf32, #tpu.memory_space<hbm>>) dst(%arg8 : memref<128x16xf32, #tpu.memory_space<vmem>>)
      } else {
      }
      %dma_start3A_191 = arith.constant 0 : i32
      %dma_start3A_192 = tpu.memref_slice %arg6[%add3A_185, %dma_start3A_191] : memref<80x128xi32, #tpu.memory_space<vmem>> -> memref<1x128xi32, #tpu.memory_space<vmem>>
      %dma_start3A_193 = tpu.memref_squeeze %dma_start3A_192 : memref<1x128xi32, #tpu.memory_space<vmem>> -> memref<128xi32, #tpu.memory_space<vmem>>
      %dma_start3A_194 = arith.constant 0 : i32
      %dma_start3A_195 = arith.constant 0 : i32
      %dma_start3A_196 = tpu.memref_slice %arg10[%dma_start3A_194, %dma_start3A_195] : memref<10240x16xf32, #tpu.memory_space<vmem_shared>> -> memref<10240x16xf32, #tpu.memory_space<vmem_shared>>
      tpu.enqueue_indirect_dma source(%arg8 : memref<128x16xf32, #tpu.memory_space<vmem>>) target(%dma_start3A_196 : memref<10240x16xf32, #tpu.memory_space<vmem_shared>>) offsets(%dma_start3A_193 : memref<128xi32, #tpu.memory_space<vmem>>) semaphore(%arg14 : memref<!tpu.dma_semaphore, #tpu.memory_space<semaphore_mem>>) {add = true}
      %dma_start3A_197 = arith.constant 0 : i32
      %dma_start3A_198 = tpu.memref_slice %arg7[%add3A_185, %dma_start3A_197] : memref<80x128xi32, #tpu.memory_space<vmem>> -> memref<1x128xi32, #tpu.memory_space<vmem>>
      %dma_start3A_199 = tpu.memref_squeeze %dma_start3A_198 : memref<1x128xi32, #tpu.memory_space<vmem>> -> memref<128xi32, #tpu.memory_space<vmem>>
      %dma_start3A_200 = arith.constant 0 : i32
      %dma_start3A_201 = arith.constant 0 : i32
      %dma_start3A_202 = tpu.memref_slice %arg11[%dma_start3A_200, %dma_start3A_201] : memref<10240x16xf32, #tpu.memory_space<vmem_shared>> -> memref<10240x16xf32, #tpu.memory_space<vmem_shared>>
      tpu.enqueue_indirect_dma source(%arg8 : memref<128x16xf32, #tpu.memory_space<vmem>>) target(%dma_start3A_202 : memref<10240x16xf32, #tpu.memory_space<vmem_shared>>) offsets(%dma_start3A_199 : memref<128xi32, #tpu.memory_space<vmem>>) semaphore(%arg19 : memref<!tpu.dma_semaphore, #tpu.memory_space<semaphore_mem>>) {add = true}
      %mul3A_203 = arith.constant 5 : i32
      %mul3A_204 = arith.muli %while3A_162, %mul3A_203 : i32
      %add3A_205 = arith.constant 2 : i32
      %add3A_206 = arith.addi %mul3A_204, %add3A_205 : i32
      %ge3A_207 = arith.constant 5 : i32
      %ge3A_208 = arith.cmpi sge, %add3A_206, %ge3A_207 : i32
      %convert_element_type3A_209 = arith.extui %ge3A_208 : i1 to i32
      %cond3A_210 = arith.constant 0 : i32
      %cond3A_211 = arith.cmpi ne, %convert_element_type3A_209, %cond3A_210 : i32
      scf.if %cond3A_211 {
        %dma_wait3A_266 = arith.constant 0 : i32
        %dma_wait3A_267 = arith.constant 0 : i32
        %dma_wait3A_268 = tpu.memref_slice %arg4[%arg0, %dma_wait3A_266, %dma_wait3A_267] : memref<2x10240x16xf32, #tpu.memory_space<hbm>> -> memref<1x128x16xf32, #tpu.memory_space<hbm>>
        %dma_wait3A_269 = tpu.memref_squeeze %dma_wait3A_268 : memref<1x128x16xf32, #tpu.memory_space<hbm>> -> memref<128x16xf32, #tpu.memory_space<hbm>>
        %dma_wait3A_270 = arith.constant 0 : i32
        %dma_wait3A_271 = arith.constant 0 : i32
        %dma_wait3A_272 = tpu.memref_slice %arg4[%arg0, %dma_wait3A_270, %dma_wait3A_271] : memref<2x10240x16xf32, #tpu.memory_space<hbm>> -> memref<1x128x16xf32, #tpu.memory_space<hbm>>
        %dma_wait3A_273 = tpu.memref_squeeze %dma_wait3A_272 : memref<1x128x16xf32, #tpu.memory_space<hbm>> -> memref<128x16xf32, #tpu.memory_space<hbm>>
        tpu.wait_dma2 semaphore(%arg15 : memref<!tpu.dma_semaphore, #tpu.memory_space<semaphore_mem>>) src(%dma_wait3A_273 : memref<128x16xf32, #tpu.memory_space<hbm>>) dst(%arg8 : memref<128x16xf32, #tpu.memory_space<vmem>>)
        %dma_wait3A_274 = arith.constant 0 : i32
        %dma_wait3A_275 = arith.constant 0 : i32
        %dma_wait3A_276 = tpu.memref_slice %arg4[%arg0, %dma_wait3A_274, %dma_wait3A_275] : memref<2x10240x16xf32, #tpu.memory_space<hbm>> -> memref<1x128x16xf32, #tpu.memory_space<hbm>>
        %dma_wait3A_277 = tpu.memref_squeeze %dma_wait3A_276 : memref<1x128x16xf32, #tpu.memory_space<hbm>> -> memref<128x16xf32, #tpu.memory_space<hbm>>
        %dma_wait3A_278 = arith.constant 0 : i32
        %dma_wait3A_279 = arith.constant 0 : i32
        %dma_wait3A_280 = tpu.memref_slice %arg4[%arg0, %dma_wait3A_278, %dma_wait3A_279] : memref<2x10240x16xf32, #tpu.memory_space<hbm>> -> memref<1x128x16xf32, #tpu.memory_space<hbm>>
        %dma_wait3A_281 = tpu.memref_squeeze %dma_wait3A_280 : memref<1x128x16xf32, #tpu.memory_space<hbm>> -> memref<128x16xf32, #tpu.memory_space<hbm>>
        tpu.wait_dma2 semaphore(%arg20 : memref<!tpu.dma_semaphore, #tpu.memory_space<semaphore_mem>>) src(%dma_wait3A_281 : memref<128x16xf32, #tpu.memory_space<hbm>>) dst(%arg8 : memref<128x16xf32, #tpu.memory_space<vmem>>)
      } else {
      }
      %dma_start3A_212 = arith.constant 0 : i32
      %dma_start3A_213 = tpu.memref_slice %arg6[%add3A_206, %dma_start3A_212] : memref<80x128xi32, #tpu.memory_space<vmem>> -> memref<1x128xi32, #tpu.memory_space<vmem>>
      %dma_start3A_214 = tpu.memref_squeeze %dma_start3A_213 : memref<1x128xi32, #tpu.memory_space<vmem>> -> memref<128xi32, #tpu.memory_space<vmem>>
      %dma_start3A_215 = arith.constant 0 : i32
      %dma_start3A_216 = arith.constant 0 : i32
      %dma_start3A_217 = tpu.memref_slice %arg10[%dma_start3A_215, %dma_start3A_216] : memref<10240x16xf32, #tpu.memory_space<vmem_shared>> -> memref<10240x16xf32, #tpu.memory_space<vmem_shared>>
      tpu.enqueue_indirect_dma source(%arg8 : memref<128x16xf32, #tpu.memory_space<vmem>>) target(%dma_start3A_217 : memref<10240x16xf32, #tpu.memory_space<vmem_shared>>) offsets(%dma_start3A_214 : memref<128xi32, #tpu.memory_space<vmem>>) semaphore(%arg15 : memref<!tpu.dma_semaphore, #tpu.memory_space<semaphore_mem>>) {add = true}
      %dma_start3A_218 = arith.constant 0 : i32
      %dma_start3A_219 = tpu.memref_slice %arg7[%add3A_206, %dma_start3A_218] : memref<80x128xi32, #tpu.memory_space<vmem>> -> memref<1x128xi32, #tpu.memory_space<vmem>>
      %dma_start3A_220 = tpu.memref_squeeze %dma_start3A_219 : memref<1x128xi32, #tpu.memory_space<vmem>> -> memref<128xi32, #tpu.memory_space<vmem>>
      %dma_start3A_221 = arith.constant 0 : i32
      %dma_start3A_222 = arith.constant 0 : i32
      %dma_start3A_223 = tpu.memref_slice %arg11[%dma_start3A_221, %dma_start3A_222] : memref<10240x16xf32, #tpu.memory_space<vmem_shared>> -> memref<10240x16xf32, #tpu.memory_space<vmem_shared>>
      tpu.enqueue_indirect_dma source(%arg8 : memref<128x16xf32, #tpu.memory_space<vmem>>) target(%dma_start3A_223 : memref<10240x16xf32, #tpu.memory_space<vmem_shared>>) offsets(%dma_start3A_220 : memref<128xi32, #tpu.memory_space<vmem>>) semaphore(%arg20 : memref<!tpu.dma_semaphore, #tpu.memory_space<semaphore_mem>>) {add = true}
      %mul3A_224 = arith.constant 5 : i32
      %mul3A_225 = arith.muli %while3A_162, %mul3A_224 : i32
      %add3A_226 = arith.constant 3 : i32
      %add3A_227 = arith.addi %mul3A_225, %add3A_226 : i32
      %ge3A_228 = arith.constant 5 : i32
      %ge3A_229 = arith.cmpi sge, %add3A_227, %ge3A_228 : i32
      %convert_element_type3A_230 = arith.extui %ge3A_229 : i1 to i32
      %cond3A_231 = arith.constant 0 : i32
      %cond3A_232 = arith.cmpi ne, %convert_element_type3A_230, %cond3A_231 : i32
      scf.if %cond3A_232 {
        %dma_wait3A_266 = arith.constant 0 : i32
        %dma_wait3A_267 = arith.constant 0 : i32
        %dma_wait3A_268 = tpu.memref_slice %arg4[%arg0, %dma_wait3A_266, %dma_wait3A_267] : memref<2x10240x16xf32, #tpu.memory_space<hbm>> -> memref<1x128x16xf32, #tpu.memory_space<hbm>>
        %dma_wait3A_269 = tpu.memref_squeeze %dma_wait3A_268 : memref<1x128x16xf32, #tpu.memory_space<hbm>> -> memref<128x16xf32, #tpu.memory_space<hbm>>
        %dma_wait3A_270 = arith.constant 0 : i32
        %dma_wait3A_271 = arith.constant 0 : i32
        %dma_wait3A_272 = tpu.memref_slice %arg4[%arg0, %dma_wait3A_270, %dma_wait3A_271] : memref<2x10240x16xf32, #tpu.memory_space<hbm>> -> memref<1x128x16xf32, #tpu.memory_space<hbm>>
        %dma_wait3A_273 = tpu.memref_squeeze %dma_wait3A_272 : memref<1x128x16xf32, #tpu.memory_space<hbm>> -> memref<128x16xf32, #tpu.memory_space<hbm>>
        tpu.wait_dma2 semaphore(%arg16 : memref<!tpu.dma_semaphore, #tpu.memory_space<semaphore_mem>>) src(%dma_wait3A_273 : memref<128x16xf32, #tpu.memory_space<hbm>>) dst(%arg8 : memref<128x16xf32, #tpu.memory_space<vmem>>)
        %dma_wait3A_274 = arith.constant 0 : i32
        %dma_wait3A_275 = arith.constant 0 : i32
        %dma_wait3A_276 = tpu.memref_slice %arg4[%arg0, %dma_wait3A_274, %dma_wait3A_275] : memref<2x10240x16xf32, #tpu.memory_space<hbm>> -> memref<1x128x16xf32, #tpu.memory_space<hbm>>
        %dma_wait3A_277 = tpu.memref_squeeze %dma_wait3A_276 : memref<1x128x16xf32, #tpu.memory_space<hbm>> -> memref<128x16xf32, #tpu.memory_space<hbm>>
        %dma_wait3A_278 = arith.constant 0 : i32
        %dma_wait3A_279 = arith.constant 0 : i32
        %dma_wait3A_280 = tpu.memref_slice %arg4[%arg0, %dma_wait3A_278, %dma_wait3A_279] : memref<2x10240x16xf32, #tpu.memory_space<hbm>> -> memref<1x128x16xf32, #tpu.memory_space<hbm>>
        %dma_wait3A_281 = tpu.memref_squeeze %dma_wait3A_280 : memref<1x128x16xf32, #tpu.memory_space<hbm>> -> memref<128x16xf32, #tpu.memory_space<hbm>>
        tpu.wait_dma2 semaphore(%arg21 : memref<!tpu.dma_semaphore, #tpu.memory_space<semaphore_mem>>) src(%dma_wait3A_281 : memref<128x16xf32, #tpu.memory_space<hbm>>) dst(%arg8 : memref<128x16xf32, #tpu.memory_space<vmem>>)
      } else {
      }
      %dma_start3A_233 = arith.constant 0 : i32
      %dma_start3A_234 = tpu.memref_slice %arg6[%add3A_227, %dma_start3A_233] : memref<80x128xi32, #tpu.memory_space<vmem>> -> memref<1x128xi32, #tpu.memory_space<vmem>>
      %dma_start3A_235 = tpu.memref_squeeze %dma_start3A_234 : memref<1x128xi32, #tpu.memory_space<vmem>> -> memref<128xi32, #tpu.memory_space<vmem>>
      %dma_start3A_236 = arith.constant 0 : i32
      %dma_start3A_237 = arith.constant 0 : i32
      %dma_start3A_238 = tpu.memref_slice %arg10[%dma_start3A_236, %dma_start3A_237] : memref<10240x16xf32, #tpu.memory_space<vmem_shared>> -> memref<10240x16xf32, #tpu.memory_space<vmem_shared>>
      tpu.enqueue_indirect_dma source(%arg8 : memref<128x16xf32, #tpu.memory_space<vmem>>) target(%dma_start3A_238 : memref<10240x16xf32, #tpu.memory_space<vmem_shared>>) offsets(%dma_start3A_235 : memref<128xi32, #tpu.memory_space<vmem>>) semaphore(%arg16 : memref<!tpu.dma_semaphore, #tpu.memory_space<semaphore_mem>>) {add = true}
      %dma_start3A_239 = arith.constant 0 : i32
      %dma_start3A_240 = tpu.memref_slice %arg7[%add3A_227, %dma_start3A_239] : memref<80x128xi32, #tpu.memory_space<vmem>> -> memref<1x128xi32, #tpu.memory_space<vmem>>
      %dma_start3A_241 = tpu.memref_squeeze %dma_start3A_240 : memref<1x128xi32, #tpu.memory_space<vmem>> -> memref<128xi32, #tpu.memory_space<vmem>>
      %dma_start3A_242 = arith.constant 0 : i32
      %dma_start3A_243 = arith.constant 0 : i32
      %dma_start3A_244 = tpu.memref_slice %arg11[%dma_start3A_242, %dma_start3A_243] : memref<10240x16xf32, #tpu.memory_space<vmem_shared>> -> memref<10240x16xf32, #tpu.memory_space<vmem_shared>>
      tpu.enqueue_indirect_dma source(%arg8 : memref<128x16xf32, #tpu.memory_space<vmem>>) target(%dma_start3A_244 : memref<10240x16xf32, #tpu.memory_space<vmem_shared>>) offsets(%dma_start3A_241 : memref<128xi32, #tpu.memory_space<vmem>>) semaphore(%arg21 : memref<!tpu.dma_semaphore, #tpu.memory_space<semaphore_mem>>) {add = true}
      %mul3A_245 = arith.constant 5 : i32
      %mul3A_246 = arith.muli %while3A_162, %mul3A_245 : i32
      %add3A_247 = arith.constant 4 : i32
      %add3A_248 = arith.addi %mul3A_246, %add3A_247 : i32
      %ge3A_249 = arith.constant 5 : i32
      %ge3A_250 = arith.cmpi sge, %add3A_248, %ge3A_249 : i32
      %convert_element_type3A_251 = arith.extui %ge3A_250 : i1 to i32
      %cond3A_252 = arith.constant 0 : i32
      %cond3A_253 = arith.cmpi ne, %convert_element_type3A_251, %cond3A_252 : i32
      scf.if %cond3A_253 {
        %dma_wait3A_266 = arith.constant 0 : i32
        %dma_wait3A_267 = arith.constant 0 : i32
        %dma_wait3A_268 = tpu.memref_slice %arg4[%arg0, %dma_wait3A_266, %dma_wait3A_267] : memref<2x10240x16xf32, #tpu.memory_space<hbm>> -> memref<1x128x16xf32, #tpu.memory_space<hbm>>
        %dma_wait3A_269 = tpu.memref_squeeze %dma_wait3A_268 : memref<1x128x16xf32, #tpu.memory_space<hbm>> -> memref<128x16xf32, #tpu.memory_space<hbm>>
        %dma_wait3A_270 = arith.constant 0 : i32
        %dma_wait3A_271 = arith.constant 0 : i32
        %dma_wait3A_272 = tpu.memref_slice %arg4[%arg0, %dma_wait3A_270, %dma_wait3A_271] : memref<2x10240x16xf32, #tpu.memory_space<hbm>> -> memref<1x128x16xf32, #tpu.memory_space<hbm>>
        %dma_wait3A_273 = tpu.memref_squeeze %dma_wait3A_272 : memref<1x128x16xf32, #tpu.memory_space<hbm>> -> memref<128x16xf32, #tpu.memory_space<hbm>>
        tpu.wait_dma2 semaphore(%arg17 : memref<!tpu.dma_semaphore, #tpu.memory_space<semaphore_mem>>) src(%dma_wait3A_273 : memref<128x16xf32, #tpu.memory_space<hbm>>) dst(%arg8 : memref<128x16xf32, #tpu.memory_space<vmem>>)
        %dma_wait3A_274 = arith.constant 0 : i32
        %dma_wait3A_275 = arith.constant 0 : i32
        %dma_wait3A_276 = tpu.memref_slice %arg4[%arg0, %dma_wait3A_274, %dma_wait3A_275] : memref<2x10240x16xf32, #tpu.memory_space<hbm>> -> memref<1x128x16xf32, #tpu.memory_space<hbm>>
        %dma_wait3A_277 = tpu.memref_squeeze %dma_wait3A_276 : memref<1x128x16xf32, #tpu.memory_space<hbm>> -> memref<128x16xf32, #tpu.memory_space<hbm>>
        %dma_wait3A_278 = arith.constant 0 : i32
        %dma_wait3A_279 = arith.constant 0 : i32
        %dma_wait3A_280 = tpu.memref_slice %arg4[%arg0, %dma_wait3A_278, %dma_wait3A_279] : memref<2x10240x16xf32, #tpu.memory_space<hbm>> -> memref<1x128x16xf32, #tpu.memory_space<hbm>>
        %dma_wait3A_281 = tpu.memref_squeeze %dma_wait3A_280 : memref<1x128x16xf32, #tpu.memory_space<hbm>> -> memref<128x16xf32, #tpu.memory_space<hbm>>
        tpu.wait_dma2 semaphore(%arg22 : memref<!tpu.dma_semaphore, #tpu.memory_space<semaphore_mem>>) src(%dma_wait3A_281 : memref<128x16xf32, #tpu.memory_space<hbm>>) dst(%arg8 : memref<128x16xf32, #tpu.memory_space<vmem>>)
      } else {
      }
      %dma_start3A_254 = arith.constant 0 : i32
      %dma_start3A_255 = tpu.memref_slice %arg6[%add3A_248, %dma_start3A_254] : memref<80x128xi32, #tpu.memory_space<vmem>> -> memref<1x128xi32, #tpu.memory_space<vmem>>
      %dma_start3A_256 = tpu.memref_squeeze %dma_start3A_255 : memref<1x128xi32, #tpu.memory_space<vmem>> -> memref<128xi32, #tpu.memory_space<vmem>>
      %dma_start3A_257 = arith.constant 0 : i32
      %dma_start3A_258 = arith.constant 0 : i32
      %dma_start3A_259 = tpu.memref_slice %arg10[%dma_start3A_257, %dma_start3A_258] : memref<10240x16xf32, #tpu.memory_space<vmem_shared>> -> memref<10240x16xf32, #tpu.memory_space<vmem_shared>>
      tpu.enqueue_indirect_dma source(%arg8 : memref<128x16xf32, #tpu.memory_space<vmem>>) target(%dma_start3A_259 : memref<10240x16xf32, #tpu.memory_space<vmem_shared>>) offsets(%dma_start3A_256 : memref<128xi32, #tpu.memory_space<vmem>>) semaphore(%arg17 : memref<!tpu.dma_semaphore, #tpu.memory_space<semaphore_mem>>) {add = true}
      %dma_start3A_260 = arith.constant 0 : i32
      %dma_start3A_261 = tpu.memref_slice %arg7[%add3A_248, %dma_start3A_260] : memref<80x128xi32, #tpu.memory_space<vmem>> -> memref<1x128xi32, #tpu.memory_space<vmem>>
      %dma_start3A_262 = tpu.memref_squeeze %dma_start3A_261 : memref<1x128xi32, #tpu.memory_space<vmem>> -> memref<128xi32, #tpu.memory_space<vmem>>
      %dma_start3A_263 = arith.constant 0 : i32
      %dma_start3A_264 = arith.constant 0 : i32
      %dma_start3A_265 = tpu.memref_slice %arg11[%dma_start3A_263, %dma_start3A_264] : memref<10240x16xf32, #tpu.memory_space<vmem_shared>> -> memref<10240x16xf32, #tpu.memory_space<vmem_shared>>
      tpu.enqueue_indirect_dma source(%arg8 : memref<128x16xf32, #tpu.memory_space<vmem>>) target(%dma_start3A_265 : memref<10240x16xf32, #tpu.memory_space<vmem_shared>>) offsets(%dma_start3A_262 : memref<128xi32, #tpu.memory_space<vmem>>) semaphore(%arg22 : memref<!tpu.dma_semaphore, #tpu.memory_space<semaphore_mem>>) {add = true}
    }
    %while3A_81 = arith.constant 1 : i32
    scf.for %while3A_162 = %while3A_79 to %while3A_75 step %while3A_81  : i32 {
      %mul3A_163 = arith.constant 5 : i32
      %mul3A_164 = arith.muli %while3A_162, %mul3A_163 : i32
      %add3A_165 = arith.constant 0 : i32
      %add3A_166 = arith.addi %mul3A_164, %add3A_165 : i32
      %ge3A = arith.constant 5 : i32
      %ge3A_167 = arith.cmpi sge, %add3A_166, %ge3A : i32
      %convert_element_type3A_168 = arith.extui %ge3A_167 : i1 to i32
      %cond3A_169 = arith.constant 0 : i32
      %cond3A_170 = arith.cmpi ne, %convert_element_type3A_168, %cond3A_169 : i32
      scf.if %cond3A_170 {
        %dma_wait3A_266 = arith.constant 0 : i32
        %dma_wait3A_267 = arith.constant 0 : i32
        %dma_wait3A_268 = tpu.memref_slice %arg4[%arg0, %dma_wait3A_266, %dma_wait3A_267] : memref<2x10240x16xf32, #tpu.memory_space<hbm>> -> memref<1x128x16xf32, #tpu.memory_space<hbm>>
        %dma_wait3A_269 = tpu.memref_squeeze %dma_wait3A_268 : memref<1x128x16xf32, #tpu.memory_space<hbm>> -> memref<128x16xf32, #tpu.memory_space<hbm>>
        %dma_wait3A_270 = arith.constant 0 : i32
        %dma_wait3A_271 = arith.constant 0 : i32
        %dma_wait3A_272 = tpu.memref_slice %arg4[%arg0, %dma_wait3A_270, %dma_wait3A_271] : memref<2x10240x16xf32, #tpu.memory_space<hbm>> -> memref<1x128x16xf32, #tpu.memory_space<hbm>>
        %dma_wait3A_273 = tpu.memref_squeeze %dma_wait3A_272 : memref<1x128x16xf32, #tpu.memory_space<hbm>> -> memref<128x16xf32, #tpu.memory_space<hbm>>
        tpu.wait_dma2 semaphore(%arg13 : memref<!tpu.dma_semaphore, #tpu.memory_space<semaphore_mem>>) src(%dma_wait3A_273 : memref<128x16xf32, #tpu.memory_space<hbm>>) dst(%arg8 : memref<128x16xf32, #tpu.memory_space<vmem>>)
        %dma_wait3A_274 = arith.constant 0 : i32
        %dma_wait3A_275 = arith.constant 0 : i32
        %dma_wait3A_276 = tpu.memref_slice %arg4[%arg0, %dma_wait3A_274, %dma_wait3A_275] : memref<2x10240x16xf32, #tpu.memory_space<hbm>> -> memref<1x128x16xf32, #tpu.memory_space<hbm>>
        %dma_wait3A_277 = tpu.memref_squeeze %dma_wait3A_276 : memref<1x128x16xf32, #tpu.memory_space<hbm>> -> memref<128x16xf32, #tpu.memory_space<hbm>>
        %dma_wait3A_278 = arith.constant 0 : i32
        %dma_wait3A_279 = arith.constant 0 : i32
        %dma_wait3A_280 = tpu.memref_slice %arg4[%arg0, %dma_wait3A_278, %dma_wait3A_279] : memref<2x10240x16xf32, #tpu.memory_space<hbm>> -> memref<1x128x16xf32, #tpu.memory_space<hbm>>
        %dma_wait3A_281 = tpu.memref_squeeze %dma_wait3A_280 : memref<1x128x16xf32, #tpu.memory_space<hbm>> -> memref<128x16xf32, #tpu.memory_space<hbm>>
        tpu.wait_dma2 semaphore(%arg18 : memref<!tpu.dma_semaphore, #tpu.memory_space<semaphore_mem>>) src(%dma_wait3A_281 : memref<128x16xf32, #tpu.memory_space<hbm>>) dst(%arg8 : memref<128x16xf32, #tpu.memory_space<vmem>>)
      } else {
      }
      %dma_start3A = arith.constant 0 : i32
      %dma_start3A_171 = tpu.memref_slice %arg6[%add3A_166, %dma_start3A] : memref<80x128xi32, #tpu.memory_space<vmem>> -> memref<1x128xi32, #tpu.memory_space<vmem>>
      %dma_start3A_172 = tpu.memref_squeeze %dma_start3A_171 : memref<1x128xi32, #tpu.memory_space<vmem>> -> memref<128xi32, #tpu.memory_space<vmem>>
      %dma_start3A_173 = arith.constant 0 : i32
      %dma_start3A_174 = arith.constant 0 : i32
      %dma_start3A_175 = tpu.memref_slice %arg10[%dma_start3A_173, %dma_start3A_174] : memref<10240x16xf32, #tpu.memory_space<vmem_shared>> -> memref<10240x16xf32, #tpu.memory_space<vmem_shared>>
      tpu.enqueue_indirect_dma source(%arg8 : memref<128x16xf32, #tpu.memory_space<vmem>>) target(%dma_start3A_175 : memref<10240x16xf32, #tpu.memory_space<vmem_shared>>) offsets(%dma_start3A_172 : memref<128xi32, #tpu.memory_space<vmem>>) semaphore(%arg13 : memref<!tpu.dma_semaphore, #tpu.memory_space<semaphore_mem>>) {add = true}
      %dma_start3A_176 = arith.constant 0 : i32
      %dma_start3A_177 = tpu.memref_slice %arg7[%add3A_166, %dma_start3A_176] : memref<80x128xi32, #tpu.memory_space<vmem>> -> memref<1x128xi32, #tpu.memory_space<vmem>>
      %dma_start3A_178 = tpu.memref_squeeze %dma_start3A_177 : memref<1x128xi32, #tpu.memory_space<vmem>> -> memref<128xi32, #tpu.memory_space<vmem>>
      %dma_start3A_179 = arith.constant 0 : i32
      %dma_start3A_180 = arith.constant 0 : i32
      %dma_start3A_181 = tpu.memref_slice %arg11[%dma_start3A_179, %dma_start3A_180] : memref<10240x16xf32, #tpu.memory_space<vmem_shared>> -> memref<10240x16xf32, #tpu.memory_space<vmem_shared>>
      tpu.enqueue_indirect_dma source(%arg8 : memref<128x16xf32, #tpu.memory_space<vmem>>) target(%dma_start3A_181 : memref<10240x16xf32, #tpu.memory_space<vmem_shared>>) offsets(%dma_start3A_178 : memref<128xi32, #tpu.memory_space<vmem>>) semaphore(%arg18 : memref<!tpu.dma_semaphore, #tpu.memory_space<semaphore_mem>>) {add = true}
      %mul3A_182 = arith.constant 5 : i32
      %mul3A_183 = arith.muli %while3A_162, %mul3A_182 : i32
      %add3A_184 = arith.constant 1 : i32
      %add3A_185 = arith.addi %mul3A_183, %add3A_184 : i32
      %ge3A_186 = arith.constant 5 : i32
      %ge3A_187 = arith.cmpi sge, %add3A_185, %ge3A_186 : i32
      %convert_element_type3A_188 = arith.extui %ge3A_187 : i1 to i32
      %cond3A_189 = arith.constant 0 : i32
      %cond3A_190 = arith.cmpi ne, %convert_element_type3A_188, %cond3A_189 : i32
      scf.if %cond3A_190 {
        %dma_wait3A_266 = arith.constant 0 : i32
        %dma_wait3A_267 = arith.constant 0 : i32
        %dma_wait3A_268 = tpu.memref_slice %arg4[%arg0, %dma_wait3A_266, %dma_wait3A_267] : memref<2x10240x16xf32, #tpu.memory_space<hbm>> -> memref<1x128x16xf32, #tpu.memory_space<hbm>>
        %dma_wait3A_269 = tpu.memref_squeeze %dma_wait3A_268 : memref<1x128x16xf32, #tpu.memory_space<hbm>> -> memref<128x16xf32, #tpu.memory_space<hbm>>
        %dma_wait3A_270 = arith.constant 0 : i32
        %dma_wait3A_271 = arith.constant 0 : i32
        %dma_wait3A_272 = tpu.memref_slice %arg4[%arg0, %dma_wait3A_270, %dma_wait3A_271] : memref<2x10240x16xf32, #tpu.memory_space<hbm>> -> memref<1x128x16xf32, #tpu.memory_space<hbm>>
        %dma_wait3A_273 = tpu.memref_squeeze %dma_wait3A_272 : memref<1x128x16xf32, #tpu.memory_space<hbm>> -> memref<128x16xf32, #tpu.memory_space<hbm>>
        tpu.wait_dma2 semaphore(%arg14 : memref<!tpu.dma_semaphore, #tpu.memory_space<semaphore_mem>>) src(%dma_wait3A_273 : memref<128x16xf32, #tpu.memory_space<hbm>>) dst(%arg8 : memref<128x16xf32, #tpu.memory_space<vmem>>)
        %dma_wait3A_274 = arith.constant 0 : i32
        %dma_wait3A_275 = arith.constant 0 : i32
        %dma_wait3A_276 = tpu.memref_slice %arg4[%arg0, %dma_wait3A_274, %dma_wait3A_275] : memref<2x10240x16xf32, #tpu.memory_space<hbm>> -> memref<1x128x16xf32, #tpu.memory_space<hbm>>
        %dma_wait3A_277 = tpu.memref_squeeze %dma_wait3A_276 : memref<1x128x16xf32, #tpu.memory_space<hbm>> -> memref<128x16xf32, #tpu.memory_space<hbm>>
        %dma_wait3A_278 = arith.constant 0 : i32
        %dma_wait3A_279 = arith.constant 0 : i32
        %dma_wait3A_280 = tpu.memref_slice %arg4[%arg0, %dma_wait3A_278, %dma_wait3A_279] : memref<2x10240x16xf32, #tpu.memory_space<hbm>> -> memref<1x128x16xf32, #tpu.memory_space<hbm>>
        %dma_wait3A_281 = tpu.memref_squeeze %dma_wait3A_280 : memref<1x128x16xf32, #tpu.memory_space<hbm>> -> memref<128x16xf32, #tpu.memory_space<hbm>>
        tpu.wait_dma2 semaphore(%arg19 : memref<!tpu.dma_semaphore, #tpu.memory_space<semaphore_mem>>) src(%dma_wait3A_281 : memref<128x16xf32, #tpu.memory_space<hbm>>) dst(%arg8 : memref<128x16xf32, #tpu.memory_space<vmem>>)
      } else {
      }
      %dma_start3A_191 = arith.constant 0 : i32
      %dma_start3A_192 = tpu.memref_slice %arg6[%add3A_185, %dma_start3A_191] : memref<80x128xi32, #tpu.memory_space<vmem>> -> memref<1x128xi32, #tpu.memory_space<vmem>>
      %dma_start3A_193 = tpu.memref_squeeze %dma_start3A_192 : memref<1x128xi32, #tpu.memory_space<vmem>> -> memref<128xi32, #tpu.memory_space<vmem>>
      %dma_start3A_194 = arith.constant 0 : i32
      %dma_start3A_195 = arith.constant 0 : i32
      %dma_start3A_196 = tpu.memref_slice %arg10[%dma_start3A_194, %dma_start3A_195] : memref<10240x16xf32, #tpu.memory_space<vmem_shared>> -> memref<10240x16xf32, #tpu.memory_space<vmem_shared>>
      tpu.enqueue_indirect_dma source(%arg8 : memref<128x16xf32, #tpu.memory_space<vmem>>) target(%dma_start3A_196 : memref<10240x16xf32, #tpu.memory_space<vmem_shared>>) offsets(%dma_start3A_193 : memref<128xi32, #tpu.memory_space<vmem>>) semaphore(%arg14 : memref<!tpu.dma_semaphore, #tpu.memory_space<semaphore_mem>>) {add = true}
      %dma_start3A_197 = arith.constant 0 : i32
      %dma_start3A_198 = tpu.memref_slice %arg7[%add3A_185, %dma_start3A_197] : memref<80x128xi32, #tpu.memory_space<vmem>> -> memref<1x128xi32, #tpu.memory_space<vmem>>
      %dma_start3A_199 = tpu.memref_squeeze %dma_start3A_198 : memref<1x128xi32, #tpu.memory_space<vmem>> -> memref<128xi32, #tpu.memory_space<vmem>>
      %dma_start3A_200 = arith.constant 0 : i32
      %dma_start3A_201 = arith.constant 0 : i32
      %dma_start3A_202 = tpu.memref_slice %arg11[%dma_start3A_200, %dma_start3A_201] : memref<10240x16xf32, #tpu.memory_space<vmem_shared>> -> memref<10240x16xf32, #tpu.memory_space<vmem_shared>>
      tpu.enqueue_indirect_dma source(%arg8 : memref<128x16xf32, #tpu.memory_space<vmem>>) target(%dma_start3A_202 : memref<10240x16xf32, #tpu.memory_space<vmem_shared>>) offsets(%dma_start3A_199 : memref<128xi32, #tpu.memory_space<vmem>>) semaphore(%arg19 : memref<!tpu.dma_semaphore, #tpu.memory_space<semaphore_mem>>) {add = true}
      %mul3A_203 = arith.constant 5 : i32
      %mul3A_204 = arith.muli %while3A_162, %mul3A_203 : i32
      %add3A_205 = arith.constant 2 : i32
      %add3A_206 = arith.addi %mul3A_204, %add3A_205 : i32
      %ge3A_207 = arith.constant 5 : i32
      %ge3A_208 = arith.cmpi sge, %add3A_206, %ge3A_207 : i32
      %convert_element_type3A_209 = arith.extui %ge3A_208 : i1 to i32
      %cond3A_210 = arith.constant 0 : i32
      %cond3A_211 = arith.cmpi ne, %convert_element_type3A_209, %cond3A_210 : i32
      scf.if %cond3A_211 {
        %dma_wait3A_266 = arith.constant 0 : i32
        %dma_wait3A_267 = arith.constant 0 : i32
        %dma_wait3A_268 = tpu.memref_slice %arg4[%arg0, %dma_wait3A_266, %dma_wait3A_267] : memref<2x10240x16xf32, #tpu.memory_space<hbm>> -> memref<1x128x16xf32, #tpu.memory_space<hbm>>
        %dma_wait3A_269 = tpu.memref_squeeze %dma_wait3A_268 : memref<1x128x16xf32, #tpu.memory_space<hbm>> -> memref<128x16xf32, #tpu.memory_space<hbm>>
        %dma_wait3A_270 = arith.constant 0 : i32
        %dma_wait3A_271 = arith.constant 0 : i32
        %dma_wait3A_272 = tpu.memref_slice %arg4[%arg0, %dma_wait3A_270, %dma_wait3A_271] : memref<2x10240x16xf32, #tpu.memory_space<hbm>> -> memref<1x128x16xf32, #tpu.memory_space<hbm>>
        %dma_wait3A_273 = tpu.memref_squeeze %dma_wait3A_272 : memref<1x128x16xf32, #tpu.memory_space<hbm>> -> memref<128x16xf32, #tpu.memory_space<hbm>>
        tpu.wait_dma2 semaphore(%arg15 : memref<!tpu.dma_semaphore, #tpu.memory_space<semaphore_mem>>) src(%dma_wait3A_273 : memref<128x16xf32, #tpu.memory_space<hbm>>) dst(%arg8 : memref<128x16xf32, #tpu.memory_space<vmem>>)
        %dma_wait3A_274 = arith.constant 0 : i32
        %dma_wait3A_275 = arith.constant 0 : i32
        %dma_wait3A_276 = tpu.memref_slice %arg4[%arg0, %dma_wait3A_274, %dma_wait3A_275] : memref<2x10240x16xf32, #tpu.memory_space<hbm>> -> memref<1x128x16xf32, #tpu.memory_space<hbm>>
        %dma_wait3A_277 = tpu.memref_squeeze %dma_wait3A_276 : memref<1x128x16xf32, #tpu.memory_space<hbm>> -> memref<128x16xf32, #tpu.memory_space<hbm>>
        %dma_wait3A_278 = arith.constant 0 : i32
        %dma_wait3A_279 = arith.constant 0 : i32
        %dma_wait3A_280 = tpu.memref_slice %arg4[%arg0, %dma_wait3A_278, %dma_wait3A_279] : memref<2x10240x16xf32, #tpu.memory_space<hbm>> -> memref<1x128x16xf32, #tpu.memory_space<hbm>>
        %dma_wait3A_281 = tpu.memref_squeeze %dma_wait3A_280 : memref<1x128x16xf32, #tpu.memory_space<hbm>> -> memref<128x16xf32, #tpu.memory_space<hbm>>
        tpu.wait_dma2 semaphore(%arg20 : memref<!tpu.dma_semaphore, #tpu.memory_space<semaphore_mem>>) src(%dma_wait3A_281 : memref<128x16xf32, #tpu.memory_space<hbm>>) dst(%arg8 : memref<128x16xf32, #tpu.memory_space<vmem>>)
      } else {
      }
      %dma_start3A_212 = arith.constant 0 : i32
      %dma_start3A_213 = tpu.memref_slice %arg6[%add3A_206, %dma_start3A_212] : memref<80x128xi32, #tpu.memory_space<vmem>> -> memref<1x128xi32, #tpu.memory_space<vmem>>
      %dma_start3A_214 = tpu.memref_squeeze %dma_start3A_213 : memref<1x128xi32, #tpu.memory_space<vmem>> -> memref<128xi32, #tpu.memory_space<vmem>>
      %dma_start3A_215 = arith.constant 0 : i32
      %dma_start3A_216 = arith.constant 0 : i32
      %dma_start3A_217 = tpu.memref_slice %arg10[%dma_start3A_215, %dma_start3A_216] : memref<10240x16xf32, #tpu.memory_space<vmem_shared>> -> memref<10240x16xf32, #tpu.memory_space<vmem_shared>>
      tpu.enqueue_indirect_dma source(%arg8 : memref<128x16xf32, #tpu.memory_space<vmem>>) target(%dma_start3A_217 : memref<10240x16xf32, #tpu.memory_space<vmem_shared>>) offsets(%dma_start3A_214 : memref<128xi32, #tpu.memory_space<vmem>>) semaphore(%arg15 : memref<!tpu.dma_semaphore, #tpu.memory_space<semaphore_mem>>) {add = true}
      %dma_start3A_218 = arith.constant 0 : i32
      %dma_start3A_219 = tpu.memref_slice %arg7[%add3A_206, %dma_start3A_218] : memref<80x128xi32, #tpu.memory_space<vmem>> -> memref<1x128xi32, #tpu.memory_space<vmem>>
      %dma_start3A_220 = tpu.memref_squeeze %dma_start3A_219 : memref<1x128xi32, #tpu.memory_space<vmem>> -> memref<128xi32, #tpu.memory_space<vmem>>
      %dma_start3A_221 = arith.constant 0 : i32
      %dma_start3A_222 = arith.constant 0 : i32
      %dma_start3A_223 = tpu.memref_slice %arg11[%dma_start3A_221, %dma_start3A_222] : memref<10240x16xf32, #tpu.memory_space<vmem_shared>> -> memref<10240x16xf32, #tpu.memory_space<vmem_shared>>
      tpu.enqueue_indirect_dma source(%arg8 : memref<128x16xf32, #tpu.memory_space<vmem>>) target(%dma_start3A_223 : memref<10240x16xf32, #tpu.memory_space<vmem_shared>>) offsets(%dma_start3A_220 : memref<128xi32, #tpu.memory_space<vmem>>) semaphore(%arg20 : memref<!tpu.dma_semaphore, #tpu.memory_space<semaphore_mem>>) {add = true}
      %mul3A_224 = arith.constant 5 : i32
      %mul3A_225 = arith.muli %while3A_162, %mul3A_224 : i32
      %add3A_226 = arith.constant 3 : i32
      %add3A_227 = arith.addi %mul3A_225, %add3A_226 : i32
      %ge3A_228 = arith.constant 5 : i32
      %ge3A_229 = arith.cmpi sge, %add3A_227, %ge3A_228 : i32
      %convert_element_type3A_230 = arith.extui %ge3A_229 : i1 to i32
      %cond3A_231 = arith.constant 0 : i32
      %cond3A_232 = arith.cmpi ne, %convert_element_type3A_230, %cond3A_231 : i32
      scf.if %cond3A_232 {
        %dma_wait3A_266 = arith.constant 0 : i32
        %dma_wait3A_267 = arith.constant 0 : i32
        %dma_wait3A_268 = tpu.memref_slice %arg4[%arg0, %dma_wait3A_266, %dma_wait3A_267] : memref<2x10240x16xf32, #tpu.memory_space<hbm>> -> memref<1x128x16xf32, #tpu.memory_space<hbm>>
        %dma_wait3A_269 = tpu.memref_squeeze %dma_wait3A_268 : memref<1x128x16xf32, #tpu.memory_space<hbm>> -> memref<128x16xf32, #tpu.memory_space<hbm>>
        %dma_wait3A_270 = arith.constant 0 : i32
        %dma_wait3A_271 = arith.constant 0 : i32
        %dma_wait3A_272 = tpu.memref_slice %arg4[%arg0, %dma_wait3A_270, %dma_wait3A_271] : memref<2x10240x16xf32, #tpu.memory_space<hbm>> -> memref<1x128x16xf32, #tpu.memory_space<hbm>>
        %dma_wait3A_273 = tpu.memref_squeeze %dma_wait3A_272 : memref<1x128x16xf32, #tpu.memory_space<hbm>> -> memref<128x16xf32, #tpu.memory_space<hbm>>
        tpu.wait_dma2 semaphore(%arg16 : memref<!tpu.dma_semaphore, #tpu.memory_space<semaphore_mem>>) src(%dma_wait3A_273 : memref<128x16xf32, #tpu.memory_space<hbm>>) dst(%arg8 : memref<128x16xf32, #tpu.memory_space<vmem>>)
        %dma_wait3A_274 = arith.constant 0 : i32
        %dma_wait3A_275 = arith.constant 0 : i32
        %dma_wait3A_276 = tpu.memref_slice %arg4[%arg0, %dma_wait3A_274, %dma_wait3A_275] : memref<2x10240x16xf32, #tpu.memory_space<hbm>> -> memref<1x128x16xf32, #tpu.memory_space<hbm>>
        %dma_wait3A_277 = tpu.memref_squeeze %dma_wait3A_276 : memref<1x128x16xf32, #tpu.memory_space<hbm>> -> memref<128x16xf32, #tpu.memory_space<hbm>>
        %dma_wait3A_278 = arith.constant 0 : i32
        %dma_wait3A_279 = arith.constant 0 : i32
        %dma_wait3A_280 = tpu.memref_slice %arg4[%arg0, %dma_wait3A_278, %dma_wait3A_279] : memref<2x10240x16xf32, #tpu.memory_space<hbm>> -> memref<1x128x16xf32, #tpu.memory_space<hbm>>
        %dma_wait3A_281 = tpu.memref_squeeze %dma_wait3A_280 : memref<1x128x16xf32, #tpu.memory_space<hbm>> -> memref<128x16xf32, #tpu.memory_space<hbm>>
        tpu.wait_dma2 semaphore(%arg21 : memref<!tpu.dma_semaphore, #tpu.memory_space<semaphore_mem>>) src(%dma_wait3A_281 : memref<128x16xf32, #tpu.memory_space<hbm>>) dst(%arg8 : memref<128x16xf32, #tpu.memory_space<vmem>>)
      } else {
      }
      %dma_start3A_233 = arith.constant 0 : i32
      %dma_start3A_234 = tpu.memref_slice %arg6[%add3A_227, %dma_start3A_233] : memref<80x128xi32, #tpu.memory_space<vmem>> -> memref<1x128xi32, #tpu.memory_space<vmem>>
      %dma_start3A_235 = tpu.memref_squeeze %dma_start3A_234 : memref<1x128xi32, #tpu.memory_space<vmem>> -> memref<128xi32, #tpu.memory_space<vmem>>
      %dma_start3A_236 = arith.constant 0 : i32
      %dma_start3A_237 = arith.constant 0 : i32
      %dma_start3A_238 = tpu.memref_slice %arg10[%dma_start3A_236, %dma_start3A_237] : memref<10240x16xf32, #tpu.memory_space<vmem_shared>> -> memref<10240x16xf32, #tpu.memory_space<vmem_shared>>
      tpu.enqueue_indirect_dma source(%arg8 : memref<128x16xf32, #tpu.memory_space<vmem>>) target(%dma_start3A_238 : memref<10240x16xf32, #tpu.memory_space<vmem_shared>>) offsets(%dma_start3A_235 : memref<128xi32, #tpu.memory_space<vmem>>) semaphore(%arg16 : memref<!tpu.dma_semaphore, #tpu.memory_space<semaphore_mem>>) {add = true}
      %dma_start3A_239 = arith.constant 0 : i32
      %dma_start3A_240 = tpu.memref_slice %arg7[%add3A_227, %dma_start3A_239] : memref<80x128xi32, #tpu.memory_space<vmem>> -> memref<1x128xi32, #tpu.memory_space<vmem>>
      %dma_start3A_241 = tpu.memref_squeeze %dma_start3A_240 : memref<1x128xi32, #tpu.memory_space<vmem>> -> memref<128xi32, #tpu.memory_space<vmem>>
      %dma_start3A_242 = arith.constant 0 : i32
      %dma_start3A_243 = arith.constant 0 : i32
      %dma_start3A_244 = tpu.memref_slice %arg11[%dma_start3A_242, %dma_start3A_243] : memref<10240x16xf32, #tpu.memory_space<vmem_shared>> -> memref<10240x16xf32, #tpu.memory_space<vmem_shared>>
      tpu.enqueue_indirect_dma source(%arg8 : memref<128x16xf32, #tpu.memory_space<vmem>>) target(%dma_start3A_244 : memref<10240x16xf32, #tpu.memory_space<vmem_shared>>) offsets(%dma_start3A_241 : memref<128xi32, #tpu.memory_space<vmem>>) semaphore(%arg21 : memref<!tpu.dma_semaphore, #tpu.memory_space<semaphore_mem>>) {add = true}
      %mul3A_245 = arith.constant 5 : i32
      %mul3A_246 = arith.muli %while3A_162, %mul3A_245 : i32
      %add3A_247 = arith.constant 4 : i32
      %add3A_248 = arith.addi %mul3A_246, %add3A_247 : i32
      %ge3A_249 = arith.constant 5 : i32
      %ge3A_250 = arith.cmpi sge, %add3A_248, %ge3A_249 : i32
      %convert_element_type3A_251 = arith.extui %ge3A_250 : i1 to i32
      %cond3A_252 = arith.constant 0 : i32
      %cond3A_253 = arith.cmpi ne, %convert_element_type3A_251, %cond3A_252 : i32
      scf.if %cond3A_253 {
        %dma_wait3A_266 = arith.constant 0 : i32
        %dma_wait3A_267 = arith.constant 0 : i32
        %dma_wait3A_268 = tpu.memref_slice %arg4[%arg0, %dma_wait3A_266, %dma_wait3A_267] : memref<2x10240x16xf32, #tpu.memory_space<hbm>> -> memref<1x128x16xf32, #tpu.memory_space<hbm>>
        %dma_wait3A_269 = tpu.memref_squeeze %dma_wait3A_268 : memref<1x128x16xf32, #tpu.memory_space<hbm>> -> memref<128x16xf32, #tpu.memory_space<hbm>>
        %dma_wait3A_270 = arith.constant 0 : i32
        %dma_wait3A_271 = arith.constant 0 : i32
        %dma_wait3A_272 = tpu.memref_slice %arg4[%arg0, %dma_wait3A_270, %dma_wait3A_271] : memref<2x10240x16xf32, #tpu.memory_space<hbm>> -> memref<1x128x16xf32, #tpu.memory_space<hbm>>
        %dma_wait3A_273 = tpu.memref_squeeze %dma_wait3A_272 : memref<1x128x16xf32, #tpu.memory_space<hbm>> -> memref<128x16xf32, #tpu.memory_space<hbm>>
        tpu.wait_dma2 semaphore(%arg17 : memref<!tpu.dma_semaphore, #tpu.memory_space<semaphore_mem>>) src(%dma_wait3A_273 : memref<128x16xf32, #tpu.memory_space<hbm>>) dst(%arg8 : memref<128x16xf32, #tpu.memory_space<vmem>>)
        %dma_wait3A_274 = arith.constant 0 : i32
        %dma_wait3A_275 = arith.constant 0 : i32
        %dma_wait3A_276 = tpu.memref_slice %arg4[%arg0, %dma_wait3A_274, %dma_wait3A_275] : memref<2x10240x16xf32, #tpu.memory_space<hbm>> -> memref<1x128x16xf32, #tpu.memory_space<hbm>>
        %dma_wait3A_277 = tpu.memref_squeeze %dma_wait3A_276 : memref<1x128x16xf32, #tpu.memory_space<hbm>> -> memref<128x16xf32, #tpu.memory_space<hbm>>
        %dma_wait3A_278 = arith.constant 0 : i32
        %dma_wait3A_279 = arith.constant 0 : i32
        %dma_wait3A_280 = tpu.memref_slice %arg4[%arg0, %dma_wait3A_278, %dma_wait3A_279] : memref<2x10240x16xf32, #tpu.memory_space<hbm>> -> memref<1x128x16xf32, #tpu.memory_space<hbm>>
        %dma_wait3A_281 = tpu.memref_squeeze %dma_wait3A_280 : memref<1x128x16xf32, #tpu.memory_space<hbm>> -> memref<128x16xf32, #tpu.memory_space<hbm>>
        tpu.wait_dma2 semaphore(%arg22 : memref<!tpu.dma_semaphore, #tpu.memory_space<semaphore_mem>>) src(%dma_wait3A_281 : memref<128x16xf32, #tpu.memory_space<hbm>>) dst(%arg8 : memref<128x16xf32, #tpu.memory_space<vmem>>)
      } else {
      }
      %dma_start3A_254 = arith.constant 0 : i32
      %dma_start3A_255 = tpu.memref_slice %arg6[%add3A_248, %dma_start3A_254] : memref<80x128xi32, #tpu.memory_space<vmem>> -> memref<1x128xi32, #tpu.memory_space<vmem>>
      %dma_start3A_256 = tpu.memref_squeeze %dma_start3A_255 : memref<1x128xi32, #tpu.memory_space<vmem>> -> memref<128xi32, #tpu.memory_space<vmem>>
      %dma_start3A_257 = arith.constant 0 : i32
      %dma_start3A_258 = arith.constant 0 : i32
      %dma_start3A_259 = tpu.memref_slice %arg10[%dma_start3A_257, %dma_start3A_258] : memref<10240x16xf32, #tpu.memory_space<vmem_shared>> -> memref<10240x16xf32, #tpu.memory_space<vmem_shared>>
      tpu.enqueue_indirect_dma source(%arg8 : memref<128x16xf32, #tpu.memory_space<vmem>>) target(%dma_start3A_259 : memref<10240x16xf32, #tpu.memory_space<vmem_shared>>) offsets(%dma_start3A_256 : memref<128xi32, #tpu.memory_space<vmem>>) semaphore(%arg17 : memref<!tpu.dma_semaphore, #tpu.memory_space<semaphore_mem>>) {add = true}
      %dma_start3A_260 = arith.constant 0 : i32
      %dma_start3A_261 = tpu.memref_slice %arg7[%add3A_248, %dma_start3A_260] : memref<80x128xi32, #tpu.memory_space<vmem>> -> memref<1x128xi32, #tpu.memory_space<vmem>>
      %dma_start3A_262 = tpu.memref_squeeze %dma_start3A_261 : memref<1x128xi32, #tpu.memory_space<vmem>> -> memref<128xi32, #tpu.memory_space<vmem>>
      %dma_start3A_263 = arith.constant 0 : i32
      %dma_start3A_264 = arith.constant 0 : i32
      %dma_start3A_265 = tpu.memref_slice %arg11[%dma_start3A_263, %dma_start3A_264] : memref<10240x16xf32, #tpu.memory_space<vmem_shared>> -> memref<10240x16xf32, #tpu.memory_space<vmem_shared>>
      tpu.enqueue_indirect_dma source(%arg8 : memref<128x16xf32, #tpu.memory_space<vmem>>) target(%dma_start3A_265 : memref<10240x16xf32, #tpu.memory_space<vmem_shared>>) offsets(%dma_start3A_262 : memref<128xi32, #tpu.memory_space<vmem>>) semaphore(%arg22 : memref<!tpu.dma_semaphore, #tpu.memory_space<semaphore_mem>>) {add = true}
    }
    %dma_wait3A = arith.constant 0 : i32
    %dma_wait3A_82 = arith.constant 0 : i32
    %dma_wait3A_83 = tpu.memref_slice %arg4[%arg0, %dma_wait3A, %dma_wait3A_82] : memref<2x10240x16xf32, #tpu.memory_space<hbm>> -> memref<1x128x16xf32, #tpu.memory_space<hbm>>
    %dma_wait3A_84 = tpu.memref_squeeze %dma_wait3A_83 : memref<1x128x16xf32, #tpu.memory_space<hbm>> -> memref<128x16xf32, #tpu.memory_space<hbm>>
    %dma_wait3A_85 = arith.constant 0 : i32
    %dma_wait3A_86 = arith.constant 0 : i32
    %dma_wait3A_87 = tpu.memref_slice %arg4[%arg0, %dma_wait3A_85, %dma_wait3A_86] : memref<2x10240x16xf32, #tpu.memory_space<hbm>> -> memref<1x128x16xf32, #tpu.memory_space<hbm>>
    %dma_wait3A_88 = tpu.memref_squeeze %dma_wait3A_87 : memref<1x128x16xf32, #tpu.memory_space<hbm>> -> memref<128x16xf32, #tpu.memory_space<hbm>>
    tpu.wait_dma2 semaphore(%arg13 : memref<!tpu.dma_semaphore, #tpu.memory_space<semaphore_mem>>) src(%dma_wait3A_88 : memref<128x16xf32, #tpu.memory_space<hbm>>) dst(%arg8 : memref<128x16xf32, #tpu.memory_space<vmem>>)
    %dma_wait3A_89 = arith.constant 0 : i32
    %dma_wait3A_90 = arith.constant 0 : i32
    %dma_wait3A_91 = tpu.memref_slice %arg4[%arg0, %dma_wait3A_89, %dma_wait3A_90] : memref<2x10240x16xf32, #tpu.memory_space<hbm>> -> memref<1x128x16xf32, #tpu.memory_space<hbm>>
    %dma_wait3A_92 = tpu.memref_squeeze %dma_wait3A_91 : memref<1x128x16xf32, #tpu.memory_space<hbm>> -> memref<128x16xf32, #tpu.memory_space<hbm>>
    %dma_wait3A_93 = arith.constant 0 : i32
    %dma_wait3A_94 = arith.constant 0 : i32
    %dma_wait3A_95 = tpu.memref_slice %arg4[%arg0, %dma_wait3A_93, %dma_wait3A_94] : memref<2x10240x16xf32, #tpu.memory_space<hbm>> -> memref<1x128x16xf32, #tpu.memory_space<hbm>>
    %dma_wait3A_96 = tpu.memref_squeeze %dma_wait3A_95 : memref<1x128x16xf32, #tpu.memory_space<hbm>> -> memref<128x16xf32, #tpu.memory_space<hbm>>
    tpu.wait_dma2 semaphore(%arg18 : memref<!tpu.dma_semaphore, #tpu.memory_space<semaphore_mem>>) src(%dma_wait3A_96 : memref<128x16xf32, #tpu.memory_space<hbm>>) dst(%arg8 : memref<128x16xf32, #tpu.memory_space<vmem>>)
    %dma_wait3A_97 = arith.constant 0 : i32
    %dma_wait3A_98 = arith.constant 0 : i32
    %dma_wait3A_99 = tpu.memref_slice %arg4[%arg0, %dma_wait3A_97, %dma_wait3A_98] : memref<2x10240x16xf32, #tpu.memory_space<hbm>> -> memref<1x128x16xf32, #tpu.memory_space<hbm>>
    %dma_wait3A_100 = tpu.memref_squeeze %dma_wait3A_99 : memref<1x128x16xf32, #tpu.memory_space<hbm>> -> memref<128x16xf32, #tpu.memory_space<hbm>>
    %dma_wait3A_101 = arith.constant 0 : i32
    %dma_wait3A_102 = arith.constant 0 : i32
    %dma_wait3A_103 = tpu.memref_slice %arg4[%arg0, %dma_wait3A_101, %dma_wait3A_102] : memref<2x10240x16xf32, #tpu.memory_space<hbm>> -> memref<1x128x16xf32, #tpu.memory_space<hbm>>
    %dma_wait3A_104 = tpu.memref_squeeze %dma_wait3A_103 : memref<1x128x16xf32, #tpu.memory_space<hbm>> -> memref<128x16xf32, #tpu.memory_space<hbm>>
    tpu.wait_dma2 semaphore(%arg14 : memref<!tpu.dma_semaphore, #tpu.memory_space<semaphore_mem>>) src(%dma_wait3A_104 : memref<128x16xf32, #tpu.memory_space<hbm>>) dst(%arg8 : memref<128x16xf32, #tpu.memory_space<vmem>>)
    %dma_wait3A_105 = arith.constant 0 : i32
    %dma_wait3A_106 = arith.constant 0 : i32
    %dma_wait3A_107 = tpu.memref_slice %arg4[%arg0, %dma_wait3A_105, %dma_wait3A_106] : memref<2x10240x16xf32, #tpu.memory_space<hbm>> -> memref<1x128x16xf32, #tpu.memory_space<hbm>>
    %dma_wait3A_108 = tpu.memref_squeeze %dma_wait3A_107 : memref<1x128x16xf32, #tpu.memory_space<hbm>> -> memref<128x16xf32, #tpu.memory_space<hbm>>
    %dma_wait3A_109 = arith.constant 0 : i32
    %dma_wait3A_110 = arith.constant 0 : i32
    %dma_wait3A_111 = tpu.memref_slice %arg4[%arg0, %dma_wait3A_109, %dma_wait3A_110] : memref<2x10240x16xf32, #tpu.memory_space<hbm>> -> memref<1x128x16xf32, #tpu.memory_space<hbm>>
    %dma_wait3A_112 = tpu.memref_squeeze %dma_wait3A_111 : memref<1x128x16xf32, #tpu.memory_space<hbm>> -> memref<128x16xf32, #tpu.memory_space<hbm>>
    tpu.wait_dma2 semaphore(%arg19 : memref<!tpu.dma_semaphore, #tpu.memory_space<semaphore_mem>>) src(%dma_wait3A_112 : memref<128x16xf32, #tpu.memory_space<hbm>>) dst(%arg8 : memref<128x16xf32, #tpu.memory_space<vmem>>)
    %dma_wait3A_113 = arith.constant 0 : i32
    %dma_wait3A_114 = arith.constant 0 : i32
    %dma_wait3A_115 = tpu.memref_slice %arg4[%arg0, %dma_wait3A_113, %dma_wait3A_114] : memref<2x10240x16xf32, #tpu.memory_space<hbm>> -> memref<1x128x16xf32, #tpu.memory_space<hbm>>
    %dma_wait3A_116 = tpu.memref_squeeze %dma_wait3A_115 : memref<1x128x16xf32, #tpu.memory_space<hbm>> -> memref<128x16xf32, #tpu.memory_space<hbm>>
    %dma_wait3A_117 = arith.constant 0 : i32
    %dma_wait3A_118 = arith.constant 0 : i32
    %dma_wait3A_119 = tpu.memref_slice %arg4[%arg0, %dma_wait3A_117, %dma_wait3A_118] : memref<2x10240x16xf32, #tpu.memory_space<hbm>> -> memref<1x128x16xf32, #tpu.memory_space<hbm>>
    %dma_wait3A_120 = tpu.memref_squeeze %dma_wait3A_119 : memref<1x128x16xf32, #tpu.memory_space<hbm>> -> memref<128x16xf32, #tpu.memory_space<hbm>>
    tpu.wait_dma2 semaphore(%arg15 : memref<!tpu.dma_semaphore, #tpu.memory_space<semaphore_mem>>) src(%dma_wait3A_120 : memref<128x16xf32, #tpu.memory_space<hbm>>) dst(%arg8 : memref<128x16xf32, #tpu.memory_space<vmem>>)
    %dma_wait3A_121 = arith.constant 0 : i32
    %dma_wait3A_122 = arith.constant 0 : i32
    %dma_wait3A_123 = tpu.memref_slice %arg4[%arg0, %dma_wait3A_121, %dma_wait3A_122] : memref<2x10240x16xf32, #tpu.memory_space<hbm>> -> memref<1x128x16xf32, #tpu.memory_space<hbm>>
    %dma_wait3A_124 = tpu.memref_squeeze %dma_wait3A_123 : memref<1x128x16xf32, #tpu.memory_space<hbm>> -> memref<128x16xf32, #tpu.memory_space<hbm>>
    %dma_wait3A_125 = arith.constant 0 : i32
    %dma_wait3A_126 = arith.constant 0 : i32
    %dma_wait3A_127 = tpu.memref_slice %arg4[%arg0, %dma_wait3A_125, %dma_wait3A_126] : memref<2x10240x16xf32, #tpu.memory_space<hbm>> -> memref<1x128x16xf32, #tpu.memory_space<hbm>>
    %dma_wait3A_128 = tpu.memref_squeeze %dma_wait3A_127 : memref<1x128x16xf32, #tpu.memory_space<hbm>> -> memref<128x16xf32, #tpu.memory_space<hbm>>
    tpu.wait_dma2 semaphore(%arg20 : memref<!tpu.dma_semaphore, #tpu.memory_space<semaphore_mem>>) src(%dma_wait3A_128 : memref<128x16xf32, #tpu.memory_space<hbm>>) dst(%arg8 : memref<128x16xf32, #tpu.memory_space<vmem>>)
    %dma_wait3A_129 = arith.constant 0 : i32
    %dma_wait3A_130 = arith.constant 0 : i32
    %dma_wait3A_131 = tpu.memref_slice %arg4[%arg0, %dma_wait3A_129, %dma_wait3A_130] : memref<2x10240x16xf32, #tpu.memory_space<hbm>> -> memref<1x128x16xf32, #tpu.memory_space<hbm>>
    %dma_wait3A_132 = tpu.memref_squeeze %dma_wait3A_131 : memref<1x128x16xf32, #tpu.memory_space<hbm>> -> memref<128x16xf32, #tpu.memory_space<hbm>>
    %dma_wait3A_133 = arith.constant 0 : i32
    %dma_wait3A_134 = arith.constant 0 : i32
    %dma_wait3A_135 = tpu.memref_slice %arg4[%arg0, %dma_wait3A_133, %dma_wait3A_134] : memref<2x10240x16xf32, #tpu.memory_space<hbm>> -> memref<1x128x16xf32, #tpu.memory_space<hbm>>
    %dma_wait3A_136 = tpu.memref_squeeze %dma_wait3A_135 : memref<1x128x16xf32, #tpu.memory_space<hbm>> -> memref<128x16xf32, #tpu.memory_space<hbm>>
    tpu.wait_dma2 semaphore(%arg16 : memref<!tpu.dma_semaphore, #tpu.memory_space<semaphore_mem>>) src(%dma_wait3A_136 : memref<128x16xf32, #tpu.memory_space<hbm>>) dst(%arg8 : memref<128x16xf32, #tpu.memory_space<vmem>>)
    %dma_wait3A_137 = arith.constant 0 : i32
    %dma_wait3A_138 = arith.constant 0 : i32
    %dma_wait3A_139 = tpu.memref_slice %arg4[%arg0, %dma_wait3A_137, %dma_wait3A_138] : memref<2x10240x16xf32, #tpu.memory_space<hbm>> -> memref<1x128x16xf32, #tpu.memory_space<hbm>>
    %dma_wait3A_140 = tpu.memref_squeeze %dma_wait3A_139 : memref<1x128x16xf32, #tpu.memory_space<hbm>> -> memref<128x16xf32, #tpu.memory_space<hbm>>
    %dma_wait3A_141 = arith.constant 0 : i32
    %dma_wait3A_142 = arith.constant 0 : i32
    %dma_wait3A_143 = tpu.memref_slice %arg4[%arg0, %dma_wait3A_141, %dma_wait3A_142] : memref<2x10240x16xf32, #tpu.memory_space<hbm>> -> memref<1x128x16xf32, #tpu.memory_space<hbm>>
    %dma_wait3A_144 = tpu.memref_squeeze %dma_wait3A_143 : memref<1x128x16xf32, #tpu.memory_space<hbm>> -> memref<128x16xf32, #tpu.memory_space<hbm>>
    tpu.wait_dma2 semaphore(%arg21 : memref<!tpu.dma_semaphore, #tpu.memory_space<semaphore_mem>>) src(%dma_wait3A_144 : memref<128x16xf32, #tpu.memory_space<hbm>>) dst(%arg8 : memref<128x16xf32, #tpu.memory_space<vmem>>)
    %dma_wait3A_145 = arith.constant 0 : i32
    %dma_wait3A_146 = arith.constant 0 : i32
    %dma_wait3A_147 = tpu.memref_slice %arg4[%arg0, %dma_wait3A_145, %dma_wait3A_146] : memref<2x10240x16xf32, #tpu.memory_space<hbm>> -> memref<1x128x16xf32, #tpu.memory_space<hbm>>
    %dma_wait3A_148 = tpu.memref_squeeze %dma_wait3A_147 : memref<1x128x16xf32, #tpu.memory_space<hbm>> -> memref<128x16xf32, #tpu.memory_space<hbm>>
    %dma_wait3A_149 = arith.constant 0 : i32
    %dma_wait3A_150 = arith.constant 0 : i32
    %dma_wait3A_151 = tpu.memref_slice %arg4[%arg0, %dma_wait3A_149, %dma_wait3A_150] : memref<2x10240x16xf32, #tpu.memory_space<hbm>> -> memref<1x128x16xf32, #tpu.memory_space<hbm>>
    %dma_wait3A_152 = tpu.memref_squeeze %dma_wait3A_151 : memref<1x128x16xf32, #tpu.memory_space<hbm>> -> memref<128x16xf32, #tpu.memory_space<hbm>>
    tpu.wait_dma2 semaphore(%arg17 : memref<!tpu.dma_semaphore, #tpu.memory_space<semaphore_mem>>) src(%dma_wait3A_152 : memref<128x16xf32, #tpu.memory_space<hbm>>) dst(%arg8 : memref<128x16xf32, #tpu.memory_space<vmem>>)
    %dma_wait3A_153 = arith.constant 0 : i32
    %dma_wait3A_154 = arith.constant 0 : i32
    %dma_wait3A_155 = tpu.memref_slice %arg4[%arg0, %dma_wait3A_153, %dma_wait3A_154] : memref<2x10240x16xf32, #tpu.memory_space<hbm>> -> memref<1x128x16xf32, #tpu.memory_space<hbm>>
    %dma_wait3A_156 = tpu.memref_squeeze %dma_wait3A_155 : memref<1x128x16xf32, #tpu.memory_space<hbm>> -> memref<128x16xf32, #tpu.memory_space<hbm>>
    %dma_wait3A_157 = arith.constant 0 : i32
    %dma_wait3A_158 = arith.constant 0 : i32
    %dma_wait3A_159 = tpu.memref_slice %arg4[%arg0, %dma_wait3A_157, %dma_wait3A_158] : memref<2x10240x16xf32, #tpu.memory_space<hbm>> -> memref<1x128x16xf32, #tpu.memory_space<hbm>>
    %dma_wait3A_160 = tpu.memref_squeeze %dma_wait3A_159 : memref<1x128x16xf32, #tpu.memory_space<hbm>> -> memref<128x16xf32, #tpu.memory_space<hbm>>
    tpu.wait_dma2 semaphore(%arg22 : memref<!tpu.dma_semaphore, #tpu.memory_space<semaphore_mem>>) src(%dma_wait3A_160 : memref<128x16xf32, #tpu.memory_space<hbm>>) dst(%arg8 : memref<128x16xf32, #tpu.memory_space<vmem>>)
    %barrier3A_161 = arith.constant 0 : index
    tpu.barrier barrier_id(%barrier3A_161)
    "tpu.region"() ({
      %run_scoped3A = tpu.sem_alloc : memref<!tpu.dma_semaphore, #tpu.memory_space<semaphore_mem>>
      %dma_start3A = arith.constant 0 : i32
      %dma_start3A_162 = tpu.memref_slice %arg4[%arg0, %mul3A_24, %dma_start3A] : memref<2x10240x16xf32, #tpu.memory_space<hbm>> -> memref<1x640x16xf32, #tpu.memory_space<hbm>>
      %dma_start3A_163 = tpu.memref_squeeze %dma_start3A_162 : memref<1x640x16xf32, #tpu.memory_space<hbm>> -> memref<640x16xf32, #tpu.memory_space<hbm>>
      %dma_start3A_164 = arith.constant 0 : i32
      %dma_start3A_165 = tpu.memref_slice %arg10[%mul3A_24, %dma_start3A_164] : memref<10240x16xf32, #tpu.memory_space<vmem_shared>> -> memref<640x16xf32, #tpu.memory_space<vmem_shared>>
      tpu.enqueue_dma source(%dma_start3A_165 : memref<640x16xf32, #tpu.memory_space<vmem_shared>>) target(%dma_start3A_163 : memref<640x16xf32, #tpu.memory_space<hbm>>) target_semaphore(%run_scoped3A : memref<!tpu.dma_semaphore, #tpu.memory_space<semaphore_mem>>)
      %dma_wait3A_166 = arith.constant 0 : i32
      %dma_wait3A_167 = tpu.memref_slice %arg4[%arg0, %mul3A_24, %dma_wait3A_166] : memref<2x10240x16xf32, #tpu.memory_space<hbm>> -> memref<1x640x16xf32, #tpu.memory_space<hbm>>
      %dma_wait3A_168 = tpu.memref_squeeze %dma_wait3A_167 : memref<1x640x16xf32, #tpu.memory_space<hbm>> -> memref<640x16xf32, #tpu.memory_space<hbm>>
      %dma_wait3A_169 = arith.constant 0 : i32
      %dma_wait3A_170 = tpu.memref_slice %arg10[%mul3A_24, %dma_wait3A_169] : memref<10240x16xf32, #tpu.memory_space<vmem_shared>> -> memref<640x16xf32, #tpu.memory_space<vmem_shared>>
      tpu.wait_dma2 semaphore(%run_scoped3A : memref<!tpu.dma_semaphore, #tpu.memory_space<semaphore_mem>>) src(%dma_wait3A_170 : memref<640x16xf32, #tpu.memory_space<vmem_shared>>) dst(%dma_wait3A_168 : memref<640x16xf32, #tpu.memory_space<hbm>>)
      tpu.yield
    }) : () -> ()
    "tpu.region"() ({
      %run_scoped3A = tpu.sem_alloc : memref<!tpu.dma_semaphore, #tpu.memory_space<semaphore_mem>>
      %dma_start3A = arith.constant 0 : i32
      %dma_start3A_162 = tpu.memref_slice %arg5[%arg0, %mul3A_24, %dma_start3A] : memref<2x10240x16xf32, #tpu.memory_space<hbm>> -> memref<1x640x16xf32, #tpu.memory_space<hbm>>
      %dma_start3A_163 = tpu.memref_squeeze %dma_start3A_162 : memref<1x640x16xf32, #tpu.memory_space<hbm>> -> memref<640x16xf32, #tpu.memory_space<hbm>>
      %dma_start3A_164 = arith.constant 0 : i32
      %dma_start3A_165 = tpu.memref_slice %arg11[%mul3A_24, %dma_start3A_164] : memref<10240x16xf32, #tpu.memory_space<vmem_shared>> -> memref<640x16xf32, #tpu.memory_space<vmem_shared>>
      tpu.enqueue_dma source(%dma_start3A_165 : memref<640x16xf32, #tpu.memory_space<vmem_shared>>) target(%dma_start3A_163 : memref<640x16xf32, #tpu.memory_space<hbm>>) target_semaphore(%run_scoped3A : memref<!tpu.dma_semaphore, #tpu.memory_space<semaphore_mem>>)
      %dma_wait3A_166 = arith.constant 0 : i32
      %dma_wait3A_167 = tpu.memref_slice %arg5[%arg0, %mul3A_24, %dma_wait3A_166] : memref<2x10240x16xf32, #tpu.memory_space<hbm>> -> memref<1x640x16xf32, #tpu.memory_space<hbm>>
      %dma_wait3A_168 = tpu.memref_squeeze %dma_wait3A_167 : memref<1x640x16xf32, #tpu.memory_space<hbm>> -> memref<640x16xf32, #tpu.memory_space<hbm>>
      %dma_wait3A_169 = arith.constant 0 : i32
      %dma_wait3A_170 = tpu.memref_slice %arg11[%mul3A_24, %dma_wait3A_169] : memref<10240x16xf32, #tpu.memory_space<vmem_shared>> -> memref<640x16xf32, #tpu.memory_space<vmem_shared>>
      tpu.wait_dma2 semaphore(%run_scoped3A : memref<!tpu.dma_semaphore, #tpu.memory_space<semaphore_mem>>) src(%dma_wait3A_170 : memref<640x16xf32, #tpu.memory_space<vmem_shared>>) dst(%dma_wait3A_168 : memref<640x16xf32, #tpu.memory_space<hbm>>)
      tpu.yield
    }) : () -> ()
    return
  }
}

#map = affine_map<(d0, d1) -> (0, 0)>
#map1 = affine_map<(d0, d1) -> (0, 0, 0)>
module attributes {stable_mosaic.version = 14 : i64} {
  func.func @k(%arg0: i32, %arg1: i32, %arg2: memref<10240x64xbf16, #tpu.memory_space<hbm>>, %arg3: memref<2500x128xi32, #tpu.memory_space<hbm>>, %arg4: memref<2500x128xi32, #tpu.memory_space<hbm>>, %arg5: memref<2x10240x64xbf16, #tpu.memory_space<hbm>>, %arg6: memref<80x128xi32, #tpu.memory_space<vmem>>, %arg7: memref<80x128xi32, #tpu.memory_space<vmem>>, %arg8: memref<128x64xbf16, #tpu.memory_space<vmem>>, %arg9: memref<128x64xbf16, #tpu.memory_space<vmem>>, %arg10: memref<128x64xbf16, #tpu.memory_space<vmem>>, %arg11: memref<128x64xbf16, #tpu.memory_space<vmem>>, %arg12: memref<128x64xbf16, #tpu.memory_space<vmem>>, %arg13: memref<128x64xbf16, #tpu.memory_space<vmem>>, %arg14: memref<128x64xbf16, #tpu.memory_space<vmem>>, %arg15: memref<128x64xbf16, #tpu.memory_space<vmem>>, %arg16: memref<128x64xbf16, #tpu.memory_space<vmem>>, %arg17: memref<128x64xbf16, #tpu.memory_space<vmem>>, %arg18: memref<!tpu.dma_semaphore, #tpu.memory_space<semaphore_mem>>, %arg19: memref<!tpu.dma_semaphore, #tpu.memory_space<semaphore_mem>>, %arg20: memref<!tpu.dma_semaphore, #tpu.memory_space<semaphore_mem>>, %arg21: memref<!tpu.dma_semaphore, #tpu.memory_space<semaphore_mem>>, %arg22: memref<!tpu.dma_semaphore, #tpu.memory_space<semaphore_mem>>, %arg23: memref<!tpu.dma_semaphore, #tpu.memory_space<semaphore_mem>>, %arg24: memref<!tpu.dma_semaphore, #tpu.memory_space<semaphore_mem>>, %arg25: memref<!tpu.dma_semaphore, #tpu.memory_space<semaphore_mem>>, %arg26: memref<!tpu.dma_semaphore, #tpu.memory_space<semaphore_mem>>, %arg27: memref<!tpu.dma_semaphore, #tpu.memory_space<semaphore_mem>>, %arg28: memref<!tpu.dma_semaphore, #tpu.memory_space<semaphore_mem>>, %arg29: memref<!tpu.dma_semaphore, #tpu.memory_space<semaphore_mem>>, %arg30: memref<!tpu.dma_semaphore, #tpu.memory_space<semaphore_mem>>, %arg31: memref<!tpu.dma_semaphore, #tpu.memory_space<semaphore_mem>>, %arg32: memref<!tpu.dma_semaphore, #tpu.memory_space<semaphore_mem>>, %arg33: memref<!tpu.dma_semaphore, #tpu.memory_space<semaphore_mem>>, %arg34: memref<!tpu.dma_semaphore, #tpu.memory_space<semaphore_mem>>, %arg35: memref<!tpu.dma_semaphore, #tpu.memory_space<semaphore_mem>>, %arg36: memref<!tpu.dma_semaphore, #tpu.memory_space<semaphore_mem>>, %arg37: memref<!tpu.dma_semaphore, #tpu.memory_space<semaphore_mem>>, %arg38: memref<!tpu.dma_semaphore, #tpu.memory_space<semaphore_mem>>, %arg39: memref<10240x64xbf16, #tpu.memory_space<vmem_shared>>) attributes {dimension_semantics = [#tpu.dimension_semantics<core_parallel>, #tpu.dimension_semantics<subcore_parallel>], iteration_bounds = array<i64: 2, 16>, scalar_prefetch = 0 : i64, scratch_operands = 34 : i64, tpu.core_type = #tpu.core_type<sc_vector_subcore>, window_params = [{transform_indices = #map}, {transform_indices = #map}, {transform_indices = #map}, {transform_indices = #map1}]} {
    %mul3A = arith.constant 16 : i32
    %mul3A_0 = arith.muli %arg0, %mul3A : i32
    %add3A = arith.addi %mul3A_0, %arg1 : i32
    %mul3A_1 = arith.constant 80 : i32
    %mul3A_2 = arith.muli %add3A, %mul3A_1 : i32
    %eq3A = arith.constant 31 : i32
    %eq3A_3 = arith.cmpi eq, %add3A, %eq3A : i32
    %jit3A = arith.constant 20 : i32
    %jit3A_4 = arith.constant 80 : i32
    %select_n3A = arith.select %eq3A_3, %jit3A, %jit3A_4 : i32
    %lt3A = arith.constant 31 : i32
    %lt3A_5 = arith.cmpi slt, %add3A, %lt3A : i32
    %convert_element_type3A = arith.extui %lt3A_5 : i1 to i32
    %cond3A = arith.constant 0 : i32
    %cond3A_6 = arith.cmpi ne, %convert_element_type3A, %cond3A : i32
    scf.if %cond3A_6 {
      %dma_start3A_141 = arith.constant 0 : i32
      %dma_start3A_142 = tpu.memref_slice %arg3[%mul3A_2, %dma_start3A_141] : memref<2500x128xi32, #tpu.memory_space<hbm>> -> memref<80x128xi32, #tpu.memory_space<hbm>>
      %dma_start3A_143 = arith.constant 0 : i32
      %dma_start3A_144 = tpu.memref_slice %arg3[%mul3A_2, %dma_start3A_143] : memref<2500x128xi32, #tpu.memory_space<hbm>> -> memref<80x128xi32, #tpu.memory_space<hbm>>
      tpu.enqueue_dma source(%dma_start3A_144 : memref<80x128xi32, #tpu.memory_space<hbm>>) target(%arg6 : memref<80x128xi32, #tpu.memory_space<vmem>>) target_semaphore(%arg18 : memref<!tpu.dma_semaphore, #tpu.memory_space<semaphore_mem>>)
      %dma_start3A_145 = arith.constant 0 : i32
      %dma_start3A_146 = tpu.memref_slice %arg4[%mul3A_2, %dma_start3A_145] : memref<2500x128xi32, #tpu.memory_space<hbm>> -> memref<80x128xi32, #tpu.memory_space<hbm>>
      %dma_start3A_147 = arith.constant 0 : i32
      %dma_start3A_148 = tpu.memref_slice %arg4[%mul3A_2, %dma_start3A_147] : memref<2500x128xi32, #tpu.memory_space<hbm>> -> memref<80x128xi32, #tpu.memory_space<hbm>>
      tpu.enqueue_dma source(%dma_start3A_148 : memref<80x128xi32, #tpu.memory_space<hbm>>) target(%arg7 : memref<80x128xi32, #tpu.memory_space<vmem>>) target_semaphore(%arg18 : memref<!tpu.dma_semaphore, #tpu.memory_space<semaphore_mem>>)
    } else {
    }
    %eq3A_7 = arith.constant 31 : i32
    %eq3A_8 = arith.cmpi eq, %add3A, %eq3A_7 : i32
    %convert_element_type3A_9 = arith.extui %eq3A_8 : i1 to i32
    %cond3A_10 = arith.constant 0 : i32
    %cond3A_11 = arith.cmpi ne, %convert_element_type3A_9, %cond3A_10 : i32
    scf.if %cond3A_11 {
      %dma_start3A_141 = arith.constant 0 : i32
      %dma_start3A_142 = arith.constant 0 : i32
      %dma_start3A_143 = tpu.memref_slice %arg6[%dma_start3A_141, %dma_start3A_142] : memref<80x128xi32, #tpu.memory_space<vmem>> -> memref<20x128xi32, #tpu.memory_space<vmem>>
      %dma_start3A_144 = arith.constant 0 : i32
      %dma_start3A_145 = tpu.memref_slice %arg3[%mul3A_2, %dma_start3A_144] : memref<2500x128xi32, #tpu.memory_space<hbm>> -> memref<20x128xi32, #tpu.memory_space<hbm>>
      %dma_start3A_146 = arith.constant 0 : i32
      %dma_start3A_147 = arith.constant 0 : i32
      %dma_start3A_148 = tpu.memref_slice %arg6[%dma_start3A_146, %dma_start3A_147] : memref<80x128xi32, #tpu.memory_space<vmem>> -> memref<20x128xi32, #tpu.memory_space<vmem>>
      %dma_start3A_149 = arith.constant 0 : i32
      %dma_start3A_150 = tpu.memref_slice %arg3[%mul3A_2, %dma_start3A_149] : memref<2500x128xi32, #tpu.memory_space<hbm>> -> memref<20x128xi32, #tpu.memory_space<hbm>>
      tpu.enqueue_dma source(%dma_start3A_150 : memref<20x128xi32, #tpu.memory_space<hbm>>) target(%dma_start3A_148 : memref<20x128xi32, #tpu.memory_space<vmem>>) target_semaphore(%arg18 : memref<!tpu.dma_semaphore, #tpu.memory_space<semaphore_mem>>)
      %dma_start3A_151 = arith.constant 0 : i32
      %dma_start3A_152 = arith.constant 0 : i32
      %dma_start3A_153 = tpu.memref_slice %arg7[%dma_start3A_151, %dma_start3A_152] : memref<80x128xi32, #tpu.memory_space<vmem>> -> memref<20x128xi32, #tpu.memory_space<vmem>>
      %dma_start3A_154 = arith.constant 0 : i32
      %dma_start3A_155 = tpu.memref_slice %arg4[%mul3A_2, %dma_start3A_154] : memref<2500x128xi32, #tpu.memory_space<hbm>> -> memref<20x128xi32, #tpu.memory_space<hbm>>
      %dma_start3A_156 = arith.constant 0 : i32
      %dma_start3A_157 = arith.constant 0 : i32
      %dma_start3A_158 = tpu.memref_slice %arg7[%dma_start3A_156, %dma_start3A_157] : memref<80x128xi32, #tpu.memory_space<vmem>> -> memref<20x128xi32, #tpu.memory_space<vmem>>
      %dma_start3A_159 = arith.constant 0 : i32
      %dma_start3A_160 = tpu.memref_slice %arg4[%mul3A_2, %dma_start3A_159] : memref<2500x128xi32, #tpu.memory_space<hbm>> -> memref<20x128xi32, #tpu.memory_space<hbm>>
      tpu.enqueue_dma source(%dma_start3A_160 : memref<20x128xi32, #tpu.memory_space<hbm>>) target(%dma_start3A_158 : memref<20x128xi32, #tpu.memory_space<vmem>>) target_semaphore(%arg18 : memref<!tpu.dma_semaphore, #tpu.memory_space<semaphore_mem>>)
    } else {
    }
    %scan3A = arith.constant 0 : i32
    %scan3A_12 = arith.constant 0 : i32
    %scan3A_13 = arith.constant 256 : i32
    %scan3A_14 = arith.addi %scan3A_12, %scan3A_13 : i32
    %scan3A_15 = arith.constant 1 : i32
    scf.for %scan3A_141 = %scan3A_12 to %scan3A_14 step %scan3A_15  : i32 {
      %broadcast_in_dim3A = arith.constant 0.000000e+00 : bf16
      %broadcast_in_dim3A_142 = vector.broadcast %broadcast_in_dim3A : bf16 to vector<32xbf16>
      %jit3A_143 = arith.constant 2 : i32
      %div3A_144 = arith.divsi %scan3A_141, %jit3A_143 : i32
      %sign3A_145 = arith.constant 0 : i32
      %sign3A_146 = arith.cmpi sgt, %scan3A_141, %sign3A_145 : i32
      %sign3A_147 = arith.extui %sign3A_146 : i1 to i32
      %sign3A_148 = arith.constant 0 : i32
      %sign3A_149 = arith.cmpi slt, %scan3A_141, %sign3A_148 : i32
      %sign3A_150 = arith.extui %sign3A_149 : i1 to i32
      %sign3A_151 = arith.subi %sign3A_147, %sign3A_150 : i32
      %sign3A_152 = arith.constant 0 : i32
      %sign3A_153 = arith.cmpi sgt, %jit3A_143, %sign3A_152 : i32
      %sign3A_154 = arith.extui %sign3A_153 : i1 to i32
      %sign3A_155 = arith.constant 0 : i32
      %sign3A_156 = arith.cmpi slt, %jit3A_143, %sign3A_155 : i32
      %sign3A_157 = arith.extui %sign3A_156 : i1 to i32
      %sign3A_158 = arith.subi %sign3A_154, %sign3A_157 : i32
      %ne3A_159 = arith.cmpi ne, %sign3A_151, %sign3A_158 : i32
      %rem3A_160 = arith.remsi %scan3A_141, %jit3A_143 : i32
      %ne3A_161 = arith.constant 0 : i32
      %ne3A_162 = arith.cmpi ne, %rem3A_160, %ne3A_161 : i32
      %and3A_163 = arith.andi %ne3A_159, %ne3A_162 : i1
      %sub3A_164 = arith.constant 1 : i32
      %sub3A_165 = arith.subi %div3A_144, %sub3A_164 : i32
      %select_n3A_166 = arith.select %and3A_163, %sub3A_165, %div3A_144 : i32
      %jit3A_167 = arith.constant 2 : i32
      %eq3A_168 = arith.constant 0 : i32
      %eq3A_169 = arith.cmpi eq, %jit3A_167, %eq3A_168 : i32
      %jit3A_170 = arith.constant 1 : i32
      %select_n3A_171 = arith.select %eq3A_169, %jit3A_170, %jit3A_167 : i32
      %rem3A_172 = arith.remsi %scan3A_141, %select_n3A_171 : i32
      %ne3A_173 = arith.constant 0 : i32
      %ne3A_174 = arith.cmpi ne, %rem3A_172, %ne3A_173 : i32
      %lt3A_175 = arith.constant 0 : i32
      %lt3A_176 = arith.cmpi slt, %rem3A_172, %lt3A_175 : i32
      %lt3A_177 = arith.constant 0 : i32
      %lt3A_178 = arith.cmpi slt, %select_n3A_171, %lt3A_177 : i32
      %ne3A_179 = arith.xori %lt3A_176, %lt3A_178 : i1
      %and3A_180 = arith.andi %ne3A_179, %ne3A_174 : i1
      %add3A_181 = arith.addi %rem3A_172, %select_n3A_171 : i32
      %select_n3A_182 = arith.select %and3A_180, %add3A_181, %rem3A_172 : i32
      %mul3A_183 = arith.constant 32 : i32
      %mul3A_184 = arith.muli %select_n3A_182, %mul3A_183 : i32
      %swap3A = arith.index_cast %select_n3A_166 : i32 to index
      %swap3A_185 = arith.index_cast %mul3A_184 : i32 to index
      %swap3A_186 = tpu.vector_load %arg8[%swap3A, %swap3A_185] {strides = array<i32>} : memref<128x64xbf16, #tpu.memory_space<vmem>>, vector<1x32xbf16>,
      %swap3A_187 = vector.shape_cast %swap3A_186 : vector<1x32xbf16> to vector<32xbf16>
      %swap3A_188 = vector.shape_cast %broadcast_in_dim3A_142 : vector<32xbf16> to vector<1x32xbf16>
      tpu.vector_store %arg8[%swap3A, %swap3A_185], %swap3A_188 {strides = array<i32>} : memref<128x64xbf16, #tpu.memory_space<vmem>>, vector<1x32xbf16>,
    }
    %scan3A_16 = arith.constant 256 : i32
    %mul3A_17 = arith.constant 640 : i32
    %mul3A_18 = arith.muli %arg1, %mul3A_17 : i32
    %add3A_19 = arith.constant 0 : i32
    %add3A_20 = arith.addi %mul3A_18, %add3A_19 : i32
    "tpu.region"() ({
      %run_scoped3A = tpu.sem_alloc : memref<!tpu.dma_semaphore, #tpu.memory_space<semaphore_mem>>
      %dma_start3A_141 = arith.constant 0 : i32
      %dma_start3A_142 = tpu.memref_slice %arg39[%add3A_20, %dma_start3A_141] : memref<10240x64xbf16, #tpu.memory_space<vmem_shared>> -> memref<128x64xbf16, #tpu.memory_space<vmem_shared>>
      %dma_start3A_143 = arith.constant 0 : i32
      %dma_start3A_144 = tpu.memref_slice %arg39[%add3A_20, %dma_start3A_143] : memref<10240x64xbf16, #tpu.memory_space<vmem_shared>> -> memref<128x64xbf16, #tpu.memory_space<vmem_shared>>
      tpu.enqueue_dma source(%arg8 : memref<128x64xbf16, #tpu.memory_space<vmem>>) target(%dma_start3A_144 : memref<128x64xbf16, #tpu.memory_space<vmem_shared>>) target_semaphore(%run_scoped3A : memref<!tpu.dma_semaphore, #tpu.memory_space<semaphore_mem>>)
      %dma_wait3A_145 = arith.constant 0 : i32
      %dma_wait3A_146 = tpu.memref_slice %arg39[%add3A_20, %dma_wait3A_145] : memref<10240x64xbf16, #tpu.memory_space<vmem_shared>> -> memref<128x64xbf16, #tpu.memory_space<vmem_shared>>
      %dma_wait3A_147 = arith.constant 0 : i32
      %dma_wait3A_148 = tpu.memref_slice %arg39[%add3A_20, %dma_wait3A_147] : memref<10240x64xbf16, #tpu.memory_space<vmem_shared>> -> memref<128x64xbf16, #tpu.memory_space<vmem_shared>>
      tpu.wait_dma2 semaphore(%run_scoped3A : memref<!tpu.dma_semaphore, #tpu.memory_space<semaphore_mem>>) src(%arg8 : memref<128x64xbf16, #tpu.memory_space<vmem>>) dst(%dma_wait3A_148 : memref<128x64xbf16, #tpu.memory_space<vmem_shared>>)
      tpu.yield
    }) : () -> ()
    %add3A_21 = arith.constant 128 : i32
    %add3A_22 = arith.addi %mul3A_18, %add3A_21 : i32
    "tpu.region"() ({
      %run_scoped3A = tpu.sem_alloc : memref<!tpu.dma_semaphore, #tpu.memory_space<semaphore_mem>>
      %dma_start3A_141 = arith.constant 0 : i32
      %dma_start3A_142 = tpu.memref_slice %arg39[%add3A_22, %dma_start3A_141] : memref<10240x64xbf16, #tpu.memory_space<vmem_shared>> -> memref<128x64xbf16, #tpu.memory_space<vmem_shared>>
      %dma_start3A_143 = arith.constant 0 : i32
      %dma_start3A_144 = tpu.memref_slice %arg39[%add3A_22, %dma_start3A_143] : memref<10240x64xbf16, #tpu.memory_space<vmem_shared>> -> memref<128x64xbf16, #tpu.memory_space<vmem_shared>>
      tpu.enqueue_dma source(%arg8 : memref<128x64xbf16, #tpu.memory_space<vmem>>) target(%dma_start3A_144 : memref<128x64xbf16, #tpu.memory_space<vmem_shared>>) target_semaphore(%run_scoped3A : memref<!tpu.dma_semaphore, #tpu.memory_space<semaphore_mem>>)
      %dma_wait3A_145 = arith.constant 0 : i32
      %dma_wait3A_146 = tpu.memref_slice %arg39[%add3A_22, %dma_wait3A_145] : memref<10240x64xbf16, #tpu.memory_space<vmem_shared>> -> memref<128x64xbf16, #tpu.memory_space<vmem_shared>>
      %dma_wait3A_147 = arith.constant 0 : i32
      %dma_wait3A_148 = tpu.memref_slice %arg39[%add3A_22, %dma_wait3A_147] : memref<10240x64xbf16, #tpu.memory_space<vmem_shared>> -> memref<128x64xbf16, #tpu.memory_space<vmem_shared>>
      tpu.wait_dma2 semaphore(%run_scoped3A : memref<!tpu.dma_semaphore, #tpu.memory_space<semaphore_mem>>) src(%arg8 : memref<128x64xbf16, #tpu.memory_space<vmem>>) dst(%dma_wait3A_148 : memref<128x64xbf16, #tpu.memory_space<vmem_shared>>)
      tpu.yield
    }) : () -> ()
    %add3A_23 = arith.constant 256 : i32
    %add3A_24 = arith.addi %mul3A_18, %add3A_23 : i32
    "tpu.region"() ({
      %run_scoped3A = tpu.sem_alloc : memref<!tpu.dma_semaphore, #tpu.memory_space<semaphore_mem>>
      %dma_start3A_141 = arith.constant 0 : i32
      %dma_start3A_142 = tpu.memref_slice %arg39[%add3A_24, %dma_start3A_141] : memref<10240x64xbf16, #tpu.memory_space<vmem_shared>> -> memref<128x64xbf16, #tpu.memory_space<vmem_shared>>
      %dma_start3A_143 = arith.constant 0 : i32
      %dma_start3A_144 = tpu.memref_slice %arg39[%add3A_24, %dma_start3A_143] : memref<10240x64xbf16, #tpu.memory_space<vmem_shared>> -> memref<128x64xbf16, #tpu.memory_space<vmem_shared>>
      tpu.enqueue_dma source(%arg8 : memref<128x64xbf16, #tpu.memory_space<vmem>>) target(%dma_start3A_144 : memref<128x64xbf16, #tpu.memory_space<vmem_shared>>) target_semaphore(%run_scoped3A : memref<!tpu.dma_semaphore, #tpu.memory_space<semaphore_mem>>)
      %dma_wait3A_145 = arith.constant 0 : i32
      %dma_wait3A_146 = tpu.memref_slice %arg39[%add3A_24, %dma_wait3A_145] : memref<10240x64xbf16, #tpu.memory_space<vmem_shared>> -> memref<128x64xbf16, #tpu.memory_space<vmem_shared>>
      %dma_wait3A_147 = arith.constant 0 : i32
      %dma_wait3A_148 = tpu.memref_slice %arg39[%add3A_24, %dma_wait3A_147] : memref<10240x64xbf16, #tpu.memory_space<vmem_shared>> -> memref<128x64xbf16, #tpu.memory_space<vmem_shared>>
      tpu.wait_dma2 semaphore(%run_scoped3A : memref<!tpu.dma_semaphore, #tpu.memory_space<semaphore_mem>>) src(%arg8 : memref<128x64xbf16, #tpu.memory_space<vmem>>) dst(%dma_wait3A_148 : memref<128x64xbf16, #tpu.memory_space<vmem_shared>>)
      tpu.yield
    }) : () -> ()
    %add3A_25 = arith.constant 384 : i32
    %add3A_26 = arith.addi %mul3A_18, %add3A_25 : i32
    "tpu.region"() ({
      %run_scoped3A = tpu.sem_alloc : memref<!tpu.dma_semaphore, #tpu.memory_space<semaphore_mem>>
      %dma_start3A_141 = arith.constant 0 : i32
      %dma_start3A_142 = tpu.memref_slice %arg39[%add3A_26, %dma_start3A_141] : memref<10240x64xbf16, #tpu.memory_space<vmem_shared>> -> memref<128x64xbf16, #tpu.memory_space<vmem_shared>>
      %dma_start3A_143 = arith.constant 0 : i32
      %dma_start3A_144 = tpu.memref_slice %arg39[%add3A_26, %dma_start3A_143] : memref<10240x64xbf16, #tpu.memory_space<vmem_shared>> -> memref<128x64xbf16, #tpu.memory_space<vmem_shared>>
      tpu.enqueue_dma source(%arg8 : memref<128x64xbf16, #tpu.memory_space<vmem>>) target(%dma_start3A_144 : memref<128x64xbf16, #tpu.memory_space<vmem_shared>>) target_semaphore(%run_scoped3A : memref<!tpu.dma_semaphore, #tpu.memory_space<semaphore_mem>>)
      %dma_wait3A_145 = arith.constant 0 : i32
      %dma_wait3A_146 = tpu.memref_slice %arg39[%add3A_26, %dma_wait3A_145] : memref<10240x64xbf16, #tpu.memory_space<vmem_shared>> -> memref<128x64xbf16, #tpu.memory_space<vmem_shared>>
      %dma_wait3A_147 = arith.constant 0 : i32
      %dma_wait3A_148 = tpu.memref_slice %arg39[%add3A_26, %dma_wait3A_147] : memref<10240x64xbf16, #tpu.memory_space<vmem_shared>> -> memref<128x64xbf16, #tpu.memory_space<vmem_shared>>
      tpu.wait_dma2 semaphore(%run_scoped3A : memref<!tpu.dma_semaphore, #tpu.memory_space<semaphore_mem>>) src(%arg8 : memref<128x64xbf16, #tpu.memory_space<vmem>>) dst(%dma_wait3A_148 : memref<128x64xbf16, #tpu.memory_space<vmem_shared>>)
      tpu.yield
    }) : () -> ()
    %add3A_27 = arith.constant 512 : i32
    %add3A_28 = arith.addi %mul3A_18, %add3A_27 : i32
    "tpu.region"() ({
      %run_scoped3A = tpu.sem_alloc : memref<!tpu.dma_semaphore, #tpu.memory_space<semaphore_mem>>
      %dma_start3A_141 = arith.constant 0 : i32
      %dma_start3A_142 = tpu.memref_slice %arg39[%add3A_28, %dma_start3A_141] : memref<10240x64xbf16, #tpu.memory_space<vmem_shared>> -> memref<128x64xbf16, #tpu.memory_space<vmem_shared>>
      %dma_start3A_143 = arith.constant 0 : i32
      %dma_start3A_144 = tpu.memref_slice %arg39[%add3A_28, %dma_start3A_143] : memref<10240x64xbf16, #tpu.memory_space<vmem_shared>> -> memref<128x64xbf16, #tpu.memory_space<vmem_shared>>
      tpu.enqueue_dma source(%arg8 : memref<128x64xbf16, #tpu.memory_space<vmem>>) target(%dma_start3A_144 : memref<128x64xbf16, #tpu.memory_space<vmem_shared>>) target_semaphore(%run_scoped3A : memref<!tpu.dma_semaphore, #tpu.memory_space<semaphore_mem>>)
      %dma_wait3A_145 = arith.constant 0 : i32
      %dma_wait3A_146 = tpu.memref_slice %arg39[%add3A_28, %dma_wait3A_145] : memref<10240x64xbf16, #tpu.memory_space<vmem_shared>> -> memref<128x64xbf16, #tpu.memory_space<vmem_shared>>
      %dma_wait3A_147 = arith.constant 0 : i32
      %dma_wait3A_148 = tpu.memref_slice %arg39[%add3A_28, %dma_wait3A_147] : memref<10240x64xbf16, #tpu.memory_space<vmem_shared>> -> memref<128x64xbf16, #tpu.memory_space<vmem_shared>>
      tpu.wait_dma2 semaphore(%run_scoped3A : memref<!tpu.dma_semaphore, #tpu.memory_space<semaphore_mem>>) src(%arg8 : memref<128x64xbf16, #tpu.memory_space<vmem>>) dst(%dma_wait3A_148 : memref<128x64xbf16, #tpu.memory_space<vmem_shared>>)
      tpu.yield
    }) : () -> ()
    %lt3A_29 = arith.constant 31 : i32
    %lt3A_30 = arith.cmpi slt, %add3A, %lt3A_29 : i32
    %convert_element_type3A_31 = arith.extui %lt3A_30 : i1 to i32
    %cond3A_32 = arith.constant 0 : i32
    %cond3A_33 = arith.cmpi ne, %convert_element_type3A_31, %cond3A_32 : i32
    scf.if %cond3A_33 {
      %dma_wait3A_141 = arith.constant 0 : i32
      %dma_wait3A_142 = arith.constant 0 : i32
      %dma_wait3A_143 = tpu.memref_slice %arg3[%dma_wait3A_141, %dma_wait3A_142] : memref<2500x128xi32, #tpu.memory_space<hbm>> -> memref<80x128xi32, #tpu.memory_space<hbm>>
      %dma_wait3A_144 = arith.constant 0 : i32
      %dma_wait3A_145 = arith.constant 0 : i32
      %dma_wait3A_146 = tpu.memref_slice %arg3[%dma_wait3A_144, %dma_wait3A_145] : memref<2500x128xi32, #tpu.memory_space<hbm>> -> memref<80x128xi32, #tpu.memory_space<hbm>>
      tpu.wait_dma2 semaphore(%arg18 : memref<!tpu.dma_semaphore, #tpu.memory_space<semaphore_mem>>) src(%dma_wait3A_146 : memref<80x128xi32, #tpu.memory_space<hbm>>) dst(%arg6 : memref<80x128xi32, #tpu.memory_space<vmem>>)
      %dma_wait3A_147 = arith.constant 0 : i32
      %dma_wait3A_148 = arith.constant 0 : i32
      %dma_wait3A_149 = tpu.memref_slice %arg3[%dma_wait3A_147, %dma_wait3A_148] : memref<2500x128xi32, #tpu.memory_space<hbm>> -> memref<80x128xi32, #tpu.memory_space<hbm>>
      %dma_wait3A_150 = arith.constant 0 : i32
      %dma_wait3A_151 = arith.constant 0 : i32
      %dma_wait3A_152 = tpu.memref_slice %arg3[%dma_wait3A_150, %dma_wait3A_151] : memref<2500x128xi32, #tpu.memory_space<hbm>> -> memref<80x128xi32, #tpu.memory_space<hbm>>
      tpu.wait_dma2 semaphore(%arg18 : memref<!tpu.dma_semaphore, #tpu.memory_space<semaphore_mem>>) src(%dma_wait3A_152 : memref<80x128xi32, #tpu.memory_space<hbm>>) dst(%arg7 : memref<80x128xi32, #tpu.memory_space<vmem>>)
    } else {
    }
    %eq3A_34 = arith.constant 31 : i32
    %eq3A_35 = arith.cmpi eq, %add3A, %eq3A_34 : i32
    %convert_element_type3A_36 = arith.extui %eq3A_35 : i1 to i32
    %cond3A_37 = arith.constant 0 : i32
    %cond3A_38 = arith.cmpi ne, %convert_element_type3A_36, %cond3A_37 : i32
    scf.if %cond3A_38 {
      %dma_wait3A_141 = arith.constant 0 : i32
      %dma_wait3A_142 = arith.constant 0 : i32
      %dma_wait3A_143 = tpu.memref_slice %arg6[%dma_wait3A_141, %dma_wait3A_142] : memref<80x128xi32, #tpu.memory_space<vmem>> -> memref<20x128xi32, #tpu.memory_space<vmem>>
      %dma_wait3A_144 = arith.constant 0 : i32
      %dma_wait3A_145 = arith.constant 0 : i32
      %dma_wait3A_146 = tpu.memref_slice %arg3[%dma_wait3A_144, %dma_wait3A_145] : memref<2500x128xi32, #tpu.memory_space<hbm>> -> memref<20x128xi32, #tpu.memory_space<hbm>>
      %dma_wait3A_147 = arith.constant 0 : i32
      %dma_wait3A_148 = arith.constant 0 : i32
      %dma_wait3A_149 = tpu.memref_slice %arg6[%dma_wait3A_147, %dma_wait3A_148] : memref<80x128xi32, #tpu.memory_space<vmem>> -> memref<20x128xi32, #tpu.memory_space<vmem>>
      %dma_wait3A_150 = arith.constant 0 : i32
      %dma_wait3A_151 = arith.constant 0 : i32
      %dma_wait3A_152 = tpu.memref_slice %arg3[%dma_wait3A_150, %dma_wait3A_151] : memref<2500x128xi32, #tpu.memory_space<hbm>> -> memref<20x128xi32, #tpu.memory_space<hbm>>
      tpu.wait_dma2 semaphore(%arg18 : memref<!tpu.dma_semaphore, #tpu.memory_space<semaphore_mem>>) src(%dma_wait3A_152 : memref<20x128xi32, #tpu.memory_space<hbm>>) dst(%dma_wait3A_149 : memref<20x128xi32, #tpu.memory_space<vmem>>)
      %dma_wait3A_153 = arith.constant 0 : i32
      %dma_wait3A_154 = arith.constant 0 : i32
      %dma_wait3A_155 = tpu.memref_slice %arg7[%dma_wait3A_153, %dma_wait3A_154] : memref<80x128xi32, #tpu.memory_space<vmem>> -> memref<20x128xi32, #tpu.memory_space<vmem>>
      %dma_wait3A_156 = arith.constant 0 : i32
      %dma_wait3A_157 = arith.constant 0 : i32
      %dma_wait3A_158 = tpu.memref_slice %arg3[%dma_wait3A_156, %dma_wait3A_157] : memref<2500x128xi32, #tpu.memory_space<hbm>> -> memref<20x128xi32, #tpu.memory_space<hbm>>
      %dma_wait3A_159 = arith.constant 0 : i32
      %dma_wait3A_160 = arith.constant 0 : i32
      %dma_wait3A_161 = tpu.memref_slice %arg7[%dma_wait3A_159, %dma_wait3A_160] : memref<80x128xi32, #tpu.memory_space<vmem>> -> memref<20x128xi32, #tpu.memory_space<vmem>>
      %dma_wait3A_162 = arith.constant 0 : i32
      %dma_wait3A_163 = arith.constant 0 : i32
      %dma_wait3A_164 = tpu.memref_slice %arg3[%dma_wait3A_162, %dma_wait3A_163] : memref<2500x128xi32, #tpu.memory_space<hbm>> -> memref<20x128xi32, #tpu.memory_space<hbm>>
      tpu.wait_dma2 semaphore(%arg18 : memref<!tpu.dma_semaphore, #tpu.memory_space<semaphore_mem>>) src(%dma_wait3A_164 : memref<20x128xi32, #tpu.memory_space<hbm>>) dst(%dma_wait3A_161 : memref<20x128xi32, #tpu.memory_space<vmem>>)
    } else {
    }
    %barrier3A = arith.constant 0 : index
    tpu.barrier barrier_id(%barrier3A)
    %dma_start3A = arith.constant 0 : i32
    %dma_start3A_39 = arith.constant 0 : i32
    %dma_start3A_40 = tpu.memref_slice %arg6[%dma_start3A, %dma_start3A_39] : memref<80x128xi32, #tpu.memory_space<vmem>> -> memref<1x128xi32, #tpu.memory_space<vmem>>
    %dma_start3A_41 = tpu.memref_squeeze %dma_start3A_40 : memref<1x128xi32, #tpu.memory_space<vmem>> -> memref<128xi32, #tpu.memory_space<vmem>>
    %dma_start3A_42 = arith.constant 0 : i32
    %dma_start3A_43 = arith.constant 0 : i32
    %dma_start3A_44 = tpu.memref_slice %arg2[%dma_start3A_42, %dma_start3A_43] : memref<10240x64xbf16, #tpu.memory_space<hbm>> -> memref<10240x64xbf16, #tpu.memory_space<hbm>>
    tpu.enqueue_indirect_dma source(%dma_start3A_44 : memref<10240x64xbf16, #tpu.memory_space<hbm>>) target(%arg8 : memref<128x64xbf16, #tpu.memory_space<vmem>>) offsets(%dma_start3A_41 : memref<128xi32, #tpu.memory_space<vmem>>) semaphore(%arg19 : memref<!tpu.dma_semaphore, #tpu.memory_space<semaphore_mem>>)
    %dma_start3A_45 = arith.constant 1 : i32
    %dma_start3A_46 = arith.constant 0 : i32
    %dma_start3A_47 = tpu.memref_slice %arg6[%dma_start3A_45, %dma_start3A_46] : memref<80x128xi32, #tpu.memory_space<vmem>> -> memref<1x128xi32, #tpu.memory_space<vmem>>
    %dma_start3A_48 = tpu.memref_squeeze %dma_start3A_47 : memref<1x128xi32, #tpu.memory_space<vmem>> -> memref<128xi32, #tpu.memory_space<vmem>>
    %dma_start3A_49 = arith.constant 0 : i32
    %dma_start3A_50 = arith.constant 0 : i32
    %dma_start3A_51 = tpu.memref_slice %arg2[%dma_start3A_49, %dma_start3A_50] : memref<10240x64xbf16, #tpu.memory_space<hbm>> -> memref<10240x64xbf16, #tpu.memory_space<hbm>>
    tpu.enqueue_indirect_dma source(%dma_start3A_51 : memref<10240x64xbf16, #tpu.memory_space<hbm>>) target(%arg9 : memref<128x64xbf16, #tpu.memory_space<vmem>>) offsets(%dma_start3A_48 : memref<128xi32, #tpu.memory_space<vmem>>) semaphore(%arg20 : memref<!tpu.dma_semaphore, #tpu.memory_space<semaphore_mem>>)
    %dma_start3A_52 = arith.constant 2 : i32
    %dma_start3A_53 = arith.constant 0 : i32
    %dma_start3A_54 = tpu.memref_slice %arg6[%dma_start3A_52, %dma_start3A_53] : memref<80x128xi32, #tpu.memory_space<vmem>> -> memref<1x128xi32, #tpu.memory_space<vmem>>
    %dma_start3A_55 = tpu.memref_squeeze %dma_start3A_54 : memref<1x128xi32, #tpu.memory_space<vmem>> -> memref<128xi32, #tpu.memory_space<vmem>>
    %dma_start3A_56 = arith.constant 0 : i32
    %dma_start3A_57 = arith.constant 0 : i32
    %dma_start3A_58 = tpu.memref_slice %arg2[%dma_start3A_56, %dma_start3A_57] : memref<10240x64xbf16, #tpu.memory_space<hbm>> -> memref<10240x64xbf16, #tpu.memory_space<hbm>>
    tpu.enqueue_indirect_dma source(%dma_start3A_58 : memref<10240x64xbf16, #tpu.memory_space<hbm>>) target(%arg10 : memref<128x64xbf16, #tpu.memory_space<vmem>>) offsets(%dma_start3A_55 : memref<128xi32, #tpu.memory_space<vmem>>) semaphore(%arg21 : memref<!tpu.dma_semaphore, #tpu.memory_space<semaphore_mem>>)
    %dma_start3A_59 = arith.constant 3 : i32
    %dma_start3A_60 = arith.constant 0 : i32
    %dma_start3A_61 = tpu.memref_slice %arg6[%dma_start3A_59, %dma_start3A_60] : memref<80x128xi32, #tpu.memory_space<vmem>> -> memref<1x128xi32, #tpu.memory_space<vmem>>
    %dma_start3A_62 = tpu.memref_squeeze %dma_start3A_61 : memref<1x128xi32, #tpu.memory_space<vmem>> -> memref<128xi32, #tpu.memory_space<vmem>>
    %dma_start3A_63 = arith.constant 0 : i32
    %dma_start3A_64 = arith.constant 0 : i32
    %dma_start3A_65 = tpu.memref_slice %arg2[%dma_start3A_63, %dma_start3A_64] : memref<10240x64xbf16, #tpu.memory_space<hbm>> -> memref<10240x64xbf16, #tpu.memory_space<hbm>>
    tpu.enqueue_indirect_dma source(%dma_start3A_65 : memref<10240x64xbf16, #tpu.memory_space<hbm>>) target(%arg11 : memref<128x64xbf16, #tpu.memory_space<vmem>>) offsets(%dma_start3A_62 : memref<128xi32, #tpu.memory_space<vmem>>) semaphore(%arg22 : memref<!tpu.dma_semaphore, #tpu.memory_space<semaphore_mem>>)
    %dma_start3A_66 = arith.constant 4 : i32
    %dma_start3A_67 = arith.constant 0 : i32
    %dma_start3A_68 = tpu.memref_slice %arg6[%dma_start3A_66, %dma_start3A_67] : memref<80x128xi32, #tpu.memory_space<vmem>> -> memref<1x128xi32, #tpu.memory_space<vmem>>
    %dma_start3A_69 = tpu.memref_squeeze %dma_start3A_68 : memref<1x128xi32, #tpu.memory_space<vmem>> -> memref<128xi32, #tpu.memory_space<vmem>>
    %dma_start3A_70 = arith.constant 0 : i32
    %dma_start3A_71 = arith.constant 0 : i32
    %dma_start3A_72 = tpu.memref_slice %arg2[%dma_start3A_70, %dma_start3A_71] : memref<10240x64xbf16, #tpu.memory_space<hbm>> -> memref<10240x64xbf16, #tpu.memory_space<hbm>>
    tpu.enqueue_indirect_dma source(%dma_start3A_72 : memref<10240x64xbf16, #tpu.memory_space<hbm>>) target(%arg12 : memref<128x64xbf16, #tpu.memory_space<vmem>>) offsets(%dma_start3A_69 : memref<128xi32, #tpu.memory_space<vmem>>) semaphore(%arg23 : memref<!tpu.dma_semaphore, #tpu.memory_space<semaphore_mem>>)
    %dma_start3A_73 = arith.constant 5 : i32
    %dma_start3A_74 = arith.constant 0 : i32
    %dma_start3A_75 = tpu.memref_slice %arg6[%dma_start3A_73, %dma_start3A_74] : memref<80x128xi32, #tpu.memory_space<vmem>> -> memref<1x128xi32, #tpu.memory_space<vmem>>
    %dma_start3A_76 = tpu.memref_squeeze %dma_start3A_75 : memref<1x128xi32, #tpu.memory_space<vmem>> -> memref<128xi32, #tpu.memory_space<vmem>>
    %dma_start3A_77 = arith.constant 0 : i32
    %dma_start3A_78 = arith.constant 0 : i32
    %dma_start3A_79 = tpu.memref_slice %arg2[%dma_start3A_77, %dma_start3A_78] : memref<10240x64xbf16, #tpu.memory_space<hbm>> -> memref<10240x64xbf16, #tpu.memory_space<hbm>>
    tpu.enqueue_indirect_dma source(%dma_start3A_79 : memref<10240x64xbf16, #tpu.memory_space<hbm>>) target(%arg13 : memref<128x64xbf16, #tpu.memory_space<vmem>>) offsets(%dma_start3A_76 : memref<128xi32, #tpu.memory_space<vmem>>) semaphore(%arg24 : memref<!tpu.dma_semaphore, #tpu.memory_space<semaphore_mem>>)
    %dma_start3A_80 = arith.constant 6 : i32
    %dma_start3A_81 = arith.constant 0 : i32
    %dma_start3A_82 = tpu.memref_slice %arg6[%dma_start3A_80, %dma_start3A_81] : memref<80x128xi32, #tpu.memory_space<vmem>> -> memref<1x128xi32, #tpu.memory_space<vmem>>
    %dma_start3A_83 = tpu.memref_squeeze %dma_start3A_82 : memref<1x128xi32, #tpu.memory_space<vmem>> -> memref<128xi32, #tpu.memory_space<vmem>>
    %dma_start3A_84 = arith.constant 0 : i32
    %dma_start3A_85 = arith.constant 0 : i32
    %dma_start3A_86 = tpu.memref_slice %arg2[%dma_start3A_84, %dma_start3A_85] : memref<10240x64xbf16, #tpu.memory_space<hbm>> -> memref<10240x64xbf16, #tpu.memory_space<hbm>>
    tpu.enqueue_indirect_dma source(%dma_start3A_86 : memref<10240x64xbf16, #tpu.memory_space<hbm>>) target(%arg14 : memref<128x64xbf16, #tpu.memory_space<vmem>>) offsets(%dma_start3A_83 : memref<128xi32, #tpu.memory_space<vmem>>) semaphore(%arg25 : memref<!tpu.dma_semaphore, #tpu.memory_space<semaphore_mem>>)
    %dma_start3A_87 = arith.constant 7 : i32
    %dma_start3A_88 = arith.constant 0 : i32
    %dma_start3A_89 = tpu.memref_slice %arg6[%dma_start3A_87, %dma_start3A_88] : memref<80x128xi32, #tpu.memory_space<vmem>> -> memref<1x128xi32, #tpu.memory_space<vmem>>
    %dma_start3A_90 = tpu.memref_squeeze %dma_start3A_89 : memref<1x128xi32, #tpu.memory_space<vmem>> -> memref<128xi32, #tpu.memory_space<vmem>>
    %dma_start3A_91 = arith.constant 0 : i32
    %dma_start3A_92 = arith.constant 0 : i32
    %dma_start3A_93 = tpu.memref_slice %arg2[%dma_start3A_91, %dma_start3A_92] : memref<10240x64xbf16, #tpu.memory_space<hbm>> -> memref<10240x64xbf16, #tpu.memory_space<hbm>>
    tpu.enqueue_indirect_dma source(%dma_start3A_93 : memref<10240x64xbf16, #tpu.memory_space<hbm>>) target(%arg15 : memref<128x64xbf16, #tpu.memory_space<vmem>>) offsets(%dma_start3A_90 : memref<128xi32, #tpu.memory_space<vmem>>) semaphore(%arg26 : memref<!tpu.dma_semaphore, #tpu.memory_space<semaphore_mem>>)
    %dma_start3A_94 = arith.constant 8 : i32
    %dma_start3A_95 = arith.constant 0 : i32
    %dma_start3A_96 = tpu.memref_slice %arg6[%dma_start3A_94, %dma_start3A_95] : memref<80x128xi32, #tpu.memory_space<vmem>> -> memref<1x128xi32, #tpu.memory_space<vmem>>
    %dma_start3A_97 = tpu.memref_squeeze %dma_start3A_96 : memref<1x128xi32, #tpu.memory_space<vmem>> -> memref<128xi32, #tpu.memory_space<vmem>>
    %dma_start3A_98 = arith.constant 0 : i32
    %dma_start3A_99 = arith.constant 0 : i32
    %dma_start3A_100 = tpu.memref_slice %arg2[%dma_start3A_98, %dma_start3A_99] : memref<10240x64xbf16, #tpu.memory_space<hbm>> -> memref<10240x64xbf16, #tpu.memory_space<hbm>>
    tpu.enqueue_indirect_dma source(%dma_start3A_100 : memref<10240x64xbf16, #tpu.memory_space<hbm>>) target(%arg16 : memref<128x64xbf16, #tpu.memory_space<vmem>>) offsets(%dma_start3A_97 : memref<128xi32, #tpu.memory_space<vmem>>) semaphore(%arg27 : memref<!tpu.dma_semaphore, #tpu.memory_space<semaphore_mem>>)
    %dma_start3A_101 = arith.constant 9 : i32
    %dma_start3A_102 = arith.constant 0 : i32
    %dma_start3A_103 = tpu.memref_slice %arg6[%dma_start3A_101, %dma_start3A_102] : memref<80x128xi32, #tpu.memory_space<vmem>> -> memref<1x128xi32, #tpu.memory_space<vmem>>
    %dma_start3A_104 = tpu.memref_squeeze %dma_start3A_103 : memref<1x128xi32, #tpu.memory_space<vmem>> -> memref<128xi32, #tpu.memory_space<vmem>>
    %dma_start3A_105 = arith.constant 0 : i32
    %dma_start3A_106 = arith.constant 0 : i32
    %dma_start3A_107 = tpu.memref_slice %arg2[%dma_start3A_105, %dma_start3A_106] : memref<10240x64xbf16, #tpu.memory_space<hbm>> -> memref<10240x64xbf16, #tpu.memory_space<hbm>>
    tpu.enqueue_indirect_dma source(%dma_start3A_107 : memref<10240x64xbf16, #tpu.memory_space<hbm>>) target(%arg17 : memref<128x64xbf16, #tpu.memory_space<vmem>>) offsets(%dma_start3A_104 : memref<128xi32, #tpu.memory_space<vmem>>) semaphore(%arg28 : memref<!tpu.dma_semaphore, #tpu.memory_space<semaphore_mem>>)
    %jit3A_108 = arith.constant 10 : i32
    %div3A = arith.divsi %select_n3A, %jit3A_108 : i32
    %sign3A = arith.constant 0 : i32
    %sign3A_109 = arith.cmpi sgt, %select_n3A, %sign3A : i32
    %sign3A_110 = arith.extui %sign3A_109 : i1 to i32
    %sign3A_111 = arith.constant 0 : i32
    %sign3A_112 = arith.cmpi slt, %select_n3A, %sign3A_111 : i32
    %sign3A_113 = arith.extui %sign3A_112 : i1 to i32
    %sign3A_114 = arith.subi %sign3A_110, %sign3A_113 : i32
    %sign3A_115 = arith.constant 0 : i32
    %sign3A_116 = arith.cmpi sgt, %jit3A_108, %sign3A_115 : i32
    %sign3A_117 = arith.extui %sign3A_116 : i1 to i32
    %sign3A_118 = arith.constant 0 : i32
    %sign3A_119 = arith.cmpi slt, %jit3A_108, %sign3A_118 : i32
    %sign3A_120 = arith.extui %sign3A_119 : i1 to i32
    %sign3A_121 = arith.subi %sign3A_117, %sign3A_120 : i32
    %ne3A = arith.cmpi ne, %sign3A_114, %sign3A_121 : i32
    %rem3A = arith.remsi %select_n3A, %jit3A_108 : i32
    %ne3A_122 = arith.constant 0 : i32
    %ne3A_123 = arith.cmpi ne, %rem3A, %ne3A_122 : i32
    %and3A = arith.andi %ne3A, %ne3A_123 : i1
    %sub3A = arith.constant 1 : i32
    %sub3A_124 = arith.subi %div3A, %sub3A : i32
    %select_n3A_125 = arith.select %and3A, %sub3A_124, %div3A : i32
    %while3A = arith.constant 0 : i32
    %while3A_126 = arith.constant 0 : i32
    %while3A_127 = arith.subi %select_n3A_125, %while3A_126 : i32
    %while3A_128 = arith.addi %while3A_126, %while3A_127 : i32
    %while3A_129 = arith.constant 1 : i32
    %while3A_130 = arith.divsi %while3A_127, %while3A_129 : i32
    %while3A_131 = arith.muli %while3A_130, %while3A_129 : i32
    %while3A_132 = arith.addi %while3A_126, %while3A_131 : i32
    %while3A_133 = arith.constant 1 : i32
    scf.for %while3A_141 = %while3A_126 to %while3A_132 step %while3A_133  : i32 {
      %mul3A_142 = arith.constant 10 : i32
      %mul3A_143 = arith.muli %while3A_141, %mul3A_142 : i32
      %add3A_144 = arith.constant 0 : i32
      %add3A_145 = arith.addi %mul3A_143, %add3A_144 : i32
      %ge3A = arith.constant 1 : i32
      %ge3A_146 = arith.cmpi sge, %add3A_145, %ge3A : i32
      %convert_element_type3A_147 = arith.extui %ge3A_146 : i1 to i32
      %cond3A_148 = arith.constant 0 : i32
      %cond3A_149 = arith.cmpi ne, %convert_element_type3A_147, %cond3A_148 : i32
      scf.if %cond3A_149 {
        %dma_wait3A_461 = arith.constant 0 : i32
        %dma_wait3A_462 = arith.constant 0 : i32
        %dma_wait3A_463 = tpu.memref_slice %arg2[%dma_wait3A_461, %dma_wait3A_462] : memref<10240x64xbf16, #tpu.memory_space<hbm>> -> memref<128x64xbf16, #tpu.memory_space<hbm>>
        %dma_wait3A_464 = arith.constant 0 : i32
        %dma_wait3A_465 = arith.constant 0 : i32
        %dma_wait3A_466 = tpu.memref_slice %arg2[%dma_wait3A_464, %dma_wait3A_465] : memref<10240x64xbf16, #tpu.memory_space<hbm>> -> memref<128x64xbf16, #tpu.memory_space<hbm>>
        tpu.wait_dma2 semaphore(%arg38 : memref<!tpu.dma_semaphore, #tpu.memory_space<semaphore_mem>>) src(%dma_wait3A_466 : memref<128x64xbf16, #tpu.memory_space<hbm>>) dst(%arg17 : memref<128x64xbf16, #tpu.memory_space<vmem>>)
      } else {
      }
      %ge3A_150 = arith.constant 1 : i32
      %ge3A_151 = arith.cmpi sge, %add3A_145, %ge3A_150 : i32
      %add3A_152 = arith.constant 10 : i32
      %add3A_153 = arith.addi %add3A_145, %add3A_152 : i32
      %sub3A_154 = arith.constant 1 : i32
      %sub3A_155 = arith.subi %add3A_153, %sub3A_154 : i32
      %lt3A_156 = arith.cmpi slt, %sub3A_155, %select_n3A : i32
      %and3A_157 = arith.andi %ge3A_151, %lt3A_156 : i1
      %convert_element_type3A_158 = arith.extui %and3A_157 : i1 to i32
      %cond3A_159 = arith.constant 0 : i32
      %cond3A_160 = arith.cmpi ne, %convert_element_type3A_158, %cond3A_159 : i32
      scf.if %cond3A_160 {
        %add3A_461 = arith.constant 10 : i32
        %add3A_462 = arith.addi %add3A_145, %add3A_461 : i32
        %sub3A_463 = arith.constant 1 : i32
        %sub3A_464 = arith.subi %add3A_462, %sub3A_463 : i32
        %dma_start3A_465 = arith.constant 0 : i32
        %dma_start3A_466 = tpu.memref_slice %arg6[%sub3A_464, %dma_start3A_465] : memref<80x128xi32, #tpu.memory_space<vmem>> -> memref<1x128xi32, #tpu.memory_space<vmem>>
        %dma_start3A_467 = tpu.memref_squeeze %dma_start3A_466 : memref<1x128xi32, #tpu.memory_space<vmem>> -> memref<128xi32, #tpu.memory_space<vmem>>
        %dma_start3A_468 = arith.constant 0 : i32
        %dma_start3A_469 = arith.constant 0 : i32
        %dma_start3A_470 = tpu.memref_slice %arg2[%dma_start3A_468, %dma_start3A_469] : memref<10240x64xbf16, #tpu.memory_space<hbm>> -> memref<10240x64xbf16, #tpu.memory_space<hbm>>
        tpu.enqueue_indirect_dma source(%dma_start3A_470 : memref<10240x64xbf16, #tpu.memory_space<hbm>>) target(%arg17 : memref<128x64xbf16, #tpu.memory_space<vmem>>) offsets(%dma_start3A_467 : memref<128xi32, #tpu.memory_space<vmem>>) semaphore(%arg28 : memref<!tpu.dma_semaphore, #tpu.memory_space<semaphore_mem>>)
      } else {
      }
      %dma_wait3A_161 = arith.constant 0 : i32
      %dma_wait3A_162 = arith.constant 0 : i32
      %dma_wait3A_163 = tpu.memref_slice %arg2[%dma_wait3A_161, %dma_wait3A_162] : memref<10240x64xbf16, #tpu.memory_space<hbm>> -> memref<128x64xbf16, #tpu.memory_space<hbm>>
      %dma_wait3A_164 = arith.constant 0 : i32
      %dma_wait3A_165 = arith.constant 0 : i32
      %dma_wait3A_166 = tpu.memref_slice %arg2[%dma_wait3A_164, %dma_wait3A_165] : memref<10240x64xbf16, #tpu.memory_space<hbm>> -> memref<128x64xbf16, #tpu.memory_space<hbm>>
      tpu.wait_dma2 semaphore(%arg19 : memref<!tpu.dma_semaphore, #tpu.memory_space<semaphore_mem>>) src(%dma_wait3A_166 : memref<128x64xbf16, #tpu.memory_space<hbm>>) dst(%arg8 : memref<128x64xbf16, #tpu.memory_space<vmem>>)
      %dma_start3A_167 = arith.constant 0 : i32
      %dma_start3A_168 = tpu.memref_slice %arg7[%add3A_145, %dma_start3A_167] : memref<80x128xi32, #tpu.memory_space<vmem>> -> memref<1x128xi32, #tpu.memory_space<vmem>>
      %dma_start3A_169 = tpu.memref_squeeze %dma_start3A_168 : memref<1x128xi32, #tpu.memory_space<vmem>> -> memref<128xi32, #tpu.memory_space<vmem>>
      %dma_start3A_170 = arith.constant 0 : i32
      %dma_start3A_171 = arith.constant 0 : i32
      %dma_start3A_172 = tpu.memref_slice %arg39[%dma_start3A_170, %dma_start3A_171] : memref<10240x64xbf16, #tpu.memory_space<vmem_shared>> -> memref<10240x64xbf16, #tpu.memory_space<vmem_shared>>
      tpu.enqueue_indirect_dma source(%arg8 : memref<128x64xbf16, #tpu.memory_space<vmem>>) target(%dma_start3A_172 : memref<10240x64xbf16, #tpu.memory_space<vmem_shared>>) offsets(%dma_start3A_169 : memref<128xi32, #tpu.memory_space<vmem>>) semaphore(%arg29 : memref<!tpu.dma_semaphore, #tpu.memory_space<semaphore_mem>>) {add = true}
      %mul3A_173 = arith.constant 10 : i32
      %mul3A_174 = arith.muli %while3A_141, %mul3A_173 : i32
      %add3A_175 = arith.constant 1 : i32
      %add3A_176 = arith.addi %mul3A_174, %add3A_175 : i32
      %ge3A_177 = arith.constant 1 : i32
      %ge3A_178 = arith.cmpi sge, %add3A_176, %ge3A_177 : i32
      %convert_element_type3A_179 = arith.extui %ge3A_178 : i1 to i32
      %cond3A_180 = arith.constant 0 : i32
      %cond3A_181 = arith.cmpi ne, %convert_element_type3A_179, %cond3A_180 : i32
      scf.if %cond3A_181 {
        %dma_wait3A_461 = arith.constant 0 : i32
        %dma_wait3A_462 = arith.constant 0 : i32
        %dma_wait3A_463 = tpu.memref_slice %arg2[%dma_wait3A_461, %dma_wait3A_462] : memref<10240x64xbf16, #tpu.memory_space<hbm>> -> memref<128x64xbf16, #tpu.memory_space<hbm>>
        %dma_wait3A_464 = arith.constant 0 : i32
        %dma_wait3A_465 = arith.constant 0 : i32
        %dma_wait3A_466 = tpu.memref_slice %arg2[%dma_wait3A_464, %dma_wait3A_465] : memref<10240x64xbf16, #tpu.memory_space<hbm>> -> memref<128x64xbf16, #tpu.memory_space<hbm>>
        tpu.wait_dma2 semaphore(%arg29 : memref<!tpu.dma_semaphore, #tpu.memory_space<semaphore_mem>>) src(%dma_wait3A_466 : memref<128x64xbf16, #tpu.memory_space<hbm>>) dst(%arg8 : memref<128x64xbf16, #tpu.memory_space<vmem>>)
      } else {
      }
      %ge3A_182 = arith.constant 1 : i32
      %ge3A_183 = arith.cmpi sge, %add3A_176, %ge3A_182 : i32
      %add3A_184 = arith.constant 10 : i32
      %add3A_185 = arith.addi %add3A_176, %add3A_184 : i32
      %sub3A_186 = arith.constant 1 : i32
      %sub3A_187 = arith.subi %add3A_185, %sub3A_186 : i32
      %lt3A_188 = arith.cmpi slt, %sub3A_187, %select_n3A : i32
      %and3A_189 = arith.andi %ge3A_183, %lt3A_188 : i1
      %convert_element_type3A_190 = arith.extui %and3A_189 : i1 to i32
      %cond3A_191 = arith.constant 0 : i32
      %cond3A_192 = arith.cmpi ne, %convert_element_type3A_190, %cond3A_191 : i32
      scf.if %cond3A_192 {
        %add3A_461 = arith.constant 10 : i32
        %add3A_462 = arith.addi %add3A_176, %add3A_461 : i32
        %sub3A_463 = arith.constant 1 : i32
        %sub3A_464 = arith.subi %add3A_462, %sub3A_463 : i32
        %dma_start3A_465 = arith.constant 0 : i32
        %dma_start3A_466 = tpu.memref_slice %arg6[%sub3A_464, %dma_start3A_465] : memref<80x128xi32, #tpu.memory_space<vmem>> -> memref<1x128xi32, #tpu.memory_space<vmem>>
        %dma_start3A_467 = tpu.memref_squeeze %dma_start3A_466 : memref<1x128xi32, #tpu.memory_space<vmem>> -> memref<128xi32, #tpu.memory_space<vmem>>
        %dma_start3A_468 = arith.constant 0 : i32
        %dma_start3A_469 = arith.constant 0 : i32
        %dma_start3A_470 = tpu.memref_slice %arg2[%dma_start3A_468, %dma_start3A_469] : memref<10240x64xbf16, #tpu.memory_space<hbm>> -> memref<10240x64xbf16, #tpu.memory_space<hbm>>
        tpu.enqueue_indirect_dma source(%dma_start3A_470 : memref<10240x64xbf16, #tpu.memory_space<hbm>>) target(%arg8 : memref<128x64xbf16, #tpu.memory_space<vmem>>) offsets(%dma_start3A_467 : memref<128xi32, #tpu.memory_space<vmem>>) semaphore(%arg19 : memref<!tpu.dma_semaphore, #tpu.memory_space<semaphore_mem>>)
      } else {
      }
      %dma_wait3A_193 = arith.constant 0 : i32
      %dma_wait3A_194 = arith.constant 0 : i32
      %dma_wait3A_195 = tpu.memref_slice %arg2[%dma_wait3A_193, %dma_wait3A_194] : memref<10240x64xbf16, #tpu.memory_space<hbm>> -> memref<128x64xbf16, #tpu.memory_space<hbm>>
      %dma_wait3A_196 = arith.constant 0 : i32
      %dma_wait3A_197 = arith.constant 0 : i32
      %dma_wait3A_198 = tpu.memref_slice %arg2[%dma_wait3A_196, %dma_wait3A_197] : memref<10240x64xbf16, #tpu.memory_space<hbm>> -> memref<128x64xbf16, #tpu.memory_space<hbm>>
      tpu.wait_dma2 semaphore(%arg20 : memref<!tpu.dma_semaphore, #tpu.memory_space<semaphore_mem>>) src(%dma_wait3A_198 : memref<128x64xbf16, #tpu.memory_space<hbm>>) dst(%arg9 : memref<128x64xbf16, #tpu.memory_space<vmem>>)
      %dma_start3A_199 = arith.constant 0 : i32
      %dma_start3A_200 = tpu.memref_slice %arg7[%add3A_176, %dma_start3A_199] : memref<80x128xi32, #tpu.memory_space<vmem>> -> memref<1x128xi32, #tpu.memory_space<vmem>>
      %dma_start3A_201 = tpu.memref_squeeze %dma_start3A_200 : memref<1x128xi32, #tpu.memory_space<vmem>> -> memref<128xi32, #tpu.memory_space<vmem>>
      %dma_start3A_202 = arith.constant 0 : i32
      %dma_start3A_203 = arith.constant 0 : i32
      %dma_start3A_204 = tpu.memref_slice %arg39[%dma_start3A_202, %dma_start3A_203] : memref<10240x64xbf16, #tpu.memory_space<vmem_shared>> -> memref<10240x64xbf16, #tpu.memory_space<vmem_shared>>
      tpu.enqueue_indirect_dma source(%arg9 : memref<128x64xbf16, #tpu.memory_space<vmem>>) target(%dma_start3A_204 : memref<10240x64xbf16, #tpu.memory_space<vmem_shared>>) offsets(%dma_start3A_201 : memref<128xi32, #tpu.memory_space<vmem>>) semaphore(%arg30 : memref<!tpu.dma_semaphore, #tpu.memory_space<semaphore_mem>>) {add = true}
      %mul3A_205 = arith.constant 10 : i32
      %mul3A_206 = arith.muli %while3A_141, %mul3A_205 : i32
      %add3A_207 = arith.constant 2 : i32
      %add3A_208 = arith.addi %mul3A_206, %add3A_207 : i32
      %ge3A_209 = arith.constant 1 : i32
      %ge3A_210 = arith.cmpi sge, %add3A_208, %ge3A_209 : i32
      %convert_element_type3A_211 = arith.extui %ge3A_210 : i1 to i32
      %cond3A_212 = arith.constant 0 : i32
      %cond3A_213 = arith.cmpi ne, %convert_element_type3A_211, %cond3A_212 : i32
      scf.if %cond3A_213 {
        %dma_wait3A_461 = arith.constant 0 : i32
        %dma_wait3A_462 = arith.constant 0 : i32
        %dma_wait3A_463 = tpu.memref_slice %arg2[%dma_wait3A_461, %dma_wait3A_462] : memref<10240x64xbf16, #tpu.memory_space<hbm>> -> memref<128x64xbf16, #tpu.memory_space<hbm>>
        %dma_wait3A_464 = arith.constant 0 : i32
        %dma_wait3A_465 = arith.constant 0 : i32
        %dma_wait3A_466 = tpu.memref_slice %arg2[%dma_wait3A_464, %dma_wait3A_465] : memref<10240x64xbf16, #tpu.memory_space<hbm>> -> memref<128x64xbf16, #tpu.memory_space<hbm>>
        tpu.wait_dma2 semaphore(%arg30 : memref<!tpu.dma_semaphore, #tpu.memory_space<semaphore_mem>>) src(%dma_wait3A_466 : memref<128x64xbf16, #tpu.memory_space<hbm>>) dst(%arg9 : memref<128x64xbf16, #tpu.memory_space<vmem>>)
      } else {
      }
      %ge3A_214 = arith.constant 1 : i32
      %ge3A_215 = arith.cmpi sge, %add3A_208, %ge3A_214 : i32
      %add3A_216 = arith.constant 10 : i32
      %add3A_217 = arith.addi %add3A_208, %add3A_216 : i32
      %sub3A_218 = arith.constant 1 : i32
      %sub3A_219 = arith.subi %add3A_217, %sub3A_218 : i32
      %lt3A_220 = arith.cmpi slt, %sub3A_219, %select_n3A : i32
      %and3A_221 = arith.andi %ge3A_215, %lt3A_220 : i1
      %convert_element_type3A_222 = arith.extui %and3A_221 : i1 to i32
      %cond3A_223 = arith.constant 0 : i32
      %cond3A_224 = arith.cmpi ne, %convert_element_type3A_222, %cond3A_223 : i32
      scf.if %cond3A_224 {
        %add3A_461 = arith.constant 10 : i32
        %add3A_462 = arith.addi %add3A_208, %add3A_461 : i32
        %sub3A_463 = arith.constant 1 : i32
        %sub3A_464 = arith.subi %add3A_462, %sub3A_463 : i32
        %dma_start3A_465 = arith.constant 0 : i32
        %dma_start3A_466 = tpu.memref_slice %arg6[%sub3A_464, %dma_start3A_465] : memref<80x128xi32, #tpu.memory_space<vmem>> -> memref<1x128xi32, #tpu.memory_space<vmem>>
        %dma_start3A_467 = tpu.memref_squeeze %dma_start3A_466 : memref<1x128xi32, #tpu.memory_space<vmem>> -> memref<128xi32, #tpu.memory_space<vmem>>
        %dma_start3A_468 = arith.constant 0 : i32
        %dma_start3A_469 = arith.constant 0 : i32
        %dma_start3A_470 = tpu.memref_slice %arg2[%dma_start3A_468, %dma_start3A_469] : memref<10240x64xbf16, #tpu.memory_space<hbm>> -> memref<10240x64xbf16, #tpu.memory_space<hbm>>
        tpu.enqueue_indirect_dma source(%dma_start3A_470 : memref<10240x64xbf16, #tpu.memory_space<hbm>>) target(%arg9 : memref<128x64xbf16, #tpu.memory_space<vmem>>) offsets(%dma_start3A_467 : memref<128xi32, #tpu.memory_space<vmem>>) semaphore(%arg20 : memref<!tpu.dma_semaphore, #tpu.memory_space<semaphore_mem>>)
      } else {
      }
      %dma_wait3A_225 = arith.constant 0 : i32
      %dma_wait3A_226 = arith.constant 0 : i32
      %dma_wait3A_227 = tpu.memref_slice %arg2[%dma_wait3A_225, %dma_wait3A_226] : memref<10240x64xbf16, #tpu.memory_space<hbm>> -> memref<128x64xbf16, #tpu.memory_space<hbm>>
      %dma_wait3A_228 = arith.constant 0 : i32
      %dma_wait3A_229 = arith.constant 0 : i32
      %dma_wait3A_230 = tpu.memref_slice %arg2[%dma_wait3A_228, %dma_wait3A_229] : memref<10240x64xbf16, #tpu.memory_space<hbm>> -> memref<128x64xbf16, #tpu.memory_space<hbm>>
      tpu.wait_dma2 semaphore(%arg21 : memref<!tpu.dma_semaphore, #tpu.memory_space<semaphore_mem>>) src(%dma_wait3A_230 : memref<128x64xbf16, #tpu.memory_space<hbm>>) dst(%arg10 : memref<128x64xbf16, #tpu.memory_space<vmem>>)
      %dma_start3A_231 = arith.constant 0 : i32
      %dma_start3A_232 = tpu.memref_slice %arg7[%add3A_208, %dma_start3A_231] : memref<80x128xi32, #tpu.memory_space<vmem>> -> memref<1x128xi32, #tpu.memory_space<vmem>>
      %dma_start3A_233 = tpu.memref_squeeze %dma_start3A_232 : memref<1x128xi32, #tpu.memory_space<vmem>> -> memref<128xi32, #tpu.memory_space<vmem>>
      %dma_start3A_234 = arith.constant 0 : i32
      %dma_start3A_235 = arith.constant 0 : i32
      %dma_start3A_236 = tpu.memref_slice %arg39[%dma_start3A_234, %dma_start3A_235] : memref<10240x64xbf16, #tpu.memory_space<vmem_shared>> -> memref<10240x64xbf16, #tpu.memory_space<vmem_shared>>
      tpu.enqueue_indirect_dma source(%arg10 : memref<128x64xbf16, #tpu.memory_space<vmem>>) target(%dma_start3A_236 : memref<10240x64xbf16, #tpu.memory_space<vmem_shared>>) offsets(%dma_start3A_233 : memref<128xi32, #tpu.memory_space<vmem>>) semaphore(%arg31 : memref<!tpu.dma_semaphore, #tpu.memory_space<semaphore_mem>>) {add = true}
      %mul3A_237 = arith.constant 10 : i32
      %mul3A_238 = arith.muli %while3A_141, %mul3A_237 : i32
      %add3A_239 = arith.constant 3 : i32
      %add3A_240 = arith.addi %mul3A_238, %add3A_239 : i32
      %ge3A_241 = arith.constant 1 : i32
      %ge3A_242 = arith.cmpi sge, %add3A_240, %ge3A_241 : i32
      %convert_element_type3A_243 = arith.extui %ge3A_242 : i1 to i32
      %cond3A_244 = arith.constant 0 : i32
      %cond3A_245 = arith.cmpi ne, %convert_element_type3A_243, %cond3A_244 : i32
      scf.if %cond3A_245 {
        %dma_wait3A_461 = arith.constant 0 : i32
        %dma_wait3A_462 = arith.constant 0 : i32
        %dma_wait3A_463 = tpu.memref_slice %arg2[%dma_wait3A_461, %dma_wait3A_462] : memref<10240x64xbf16, #tpu.memory_space<hbm>> -> memref<128x64xbf16, #tpu.memory_space<hbm>>
        %dma_wait3A_464 = arith.constant 0 : i32
        %dma_wait3A_465 = arith.constant 0 : i32
        %dma_wait3A_466 = tpu.memref_slice %arg2[%dma_wait3A_464, %dma_wait3A_465] : memref<10240x64xbf16, #tpu.memory_space<hbm>> -> memref<128x64xbf16, #tpu.memory_space<hbm>>
        tpu.wait_dma2 semaphore(%arg31 : memref<!tpu.dma_semaphore, #tpu.memory_space<semaphore_mem>>) src(%dma_wait3A_466 : memref<128x64xbf16, #tpu.memory_space<hbm>>) dst(%arg10 : memref<128x64xbf16, #tpu.memory_space<vmem>>)
      } else {
      }
      %ge3A_246 = arith.constant 1 : i32
      %ge3A_247 = arith.cmpi sge, %add3A_240, %ge3A_246 : i32
      %add3A_248 = arith.constant 10 : i32
      %add3A_249 = arith.addi %add3A_240, %add3A_248 : i32
      %sub3A_250 = arith.constant 1 : i32
      %sub3A_251 = arith.subi %add3A_249, %sub3A_250 : i32
      %lt3A_252 = arith.cmpi slt, %sub3A_251, %select_n3A : i32
      %and3A_253 = arith.andi %ge3A_247, %lt3A_252 : i1
      %convert_element_type3A_254 = arith.extui %and3A_253 : i1 to i32
      %cond3A_255 = arith.constant 0 : i32
      %cond3A_256 = arith.cmpi ne, %convert_element_type3A_254, %cond3A_255 : i32
      scf.if %cond3A_256 {
        %add3A_461 = arith.constant 10 : i32
        %add3A_462 = arith.addi %add3A_240, %add3A_461 : i32
        %sub3A_463 = arith.constant 1 : i32
        %sub3A_464 = arith.subi %add3A_462, %sub3A_463 : i32
        %dma_start3A_465 = arith.constant 0 : i32
        %dma_start3A_466 = tpu.memref_slice %arg6[%sub3A_464, %dma_start3A_465] : memref<80x128xi32, #tpu.memory_space<vmem>> -> memref<1x128xi32, #tpu.memory_space<vmem>>
        %dma_start3A_467 = tpu.memref_squeeze %dma_start3A_466 : memref<1x128xi32, #tpu.memory_space<vmem>> -> memref<128xi32, #tpu.memory_space<vmem>>
        %dma_start3A_468 = arith.constant 0 : i32
        %dma_start3A_469 = arith.constant 0 : i32
        %dma_start3A_470 = tpu.memref_slice %arg2[%dma_start3A_468, %dma_start3A_469] : memref<10240x64xbf16, #tpu.memory_space<hbm>> -> memref<10240x64xbf16, #tpu.memory_space<hbm>>
        tpu.enqueue_indirect_dma source(%dma_start3A_470 : memref<10240x64xbf16, #tpu.memory_space<hbm>>) target(%arg10 : memref<128x64xbf16, #tpu.memory_space<vmem>>) offsets(%dma_start3A_467 : memref<128xi32, #tpu.memory_space<vmem>>) semaphore(%arg21 : memref<!tpu.dma_semaphore, #tpu.memory_space<semaphore_mem>>)
      } else {
      }
      %dma_wait3A_257 = arith.constant 0 : i32
      %dma_wait3A_258 = arith.constant 0 : i32
      %dma_wait3A_259 = tpu.memref_slice %arg2[%dma_wait3A_257, %dma_wait3A_258] : memref<10240x64xbf16, #tpu.memory_space<hbm>> -> memref<128x64xbf16, #tpu.memory_space<hbm>>
      %dma_wait3A_260 = arith.constant 0 : i32
      %dma_wait3A_261 = arith.constant 0 : i32
      %dma_wait3A_262 = tpu.memref_slice %arg2[%dma_wait3A_260, %dma_wait3A_261] : memref<10240x64xbf16, #tpu.memory_space<hbm>> -> memref<128x64xbf16, #tpu.memory_space<hbm>>
      tpu.wait_dma2 semaphore(%arg22 : memref<!tpu.dma_semaphore, #tpu.memory_space<semaphore_mem>>) src(%dma_wait3A_262 : memref<128x64xbf16, #tpu.memory_space<hbm>>) dst(%arg11 : memref<128x64xbf16, #tpu.memory_space<vmem>>)
      %dma_start3A_263 = arith.constant 0 : i32
      %dma_start3A_264 = tpu.memref_slice %arg7[%add3A_240, %dma_start3A_263] : memref<80x128xi32, #tpu.memory_space<vmem>> -> memref<1x128xi32, #tpu.memory_space<vmem>>
      %dma_start3A_265 = tpu.memref_squeeze %dma_start3A_264 : memref<1x128xi32, #tpu.memory_space<vmem>> -> memref<128xi32, #tpu.memory_space<vmem>>
      %dma_start3A_266 = arith.constant 0 : i32
      %dma_start3A_267 = arith.constant 0 : i32
      %dma_start3A_268 = tpu.memref_slice %arg39[%dma_start3A_266, %dma_start3A_267] : memref<10240x64xbf16, #tpu.memory_space<vmem_shared>> -> memref<10240x64xbf16, #tpu.memory_space<vmem_shared>>
      tpu.enqueue_indirect_dma source(%arg11 : memref<128x64xbf16, #tpu.memory_space<vmem>>) target(%dma_start3A_268 : memref<10240x64xbf16, #tpu.memory_space<vmem_shared>>) offsets(%dma_start3A_265 : memref<128xi32, #tpu.memory_space<vmem>>) semaphore(%arg32 : memref<!tpu.dma_semaphore, #tpu.memory_space<semaphore_mem>>) {add = true}
      %mul3A_269 = arith.constant 10 : i32
      %mul3A_270 = arith.muli %while3A_141, %mul3A_269 : i32
      %add3A_271 = arith.constant 4 : i32
      %add3A_272 = arith.addi %mul3A_270, %add3A_271 : i32
      %ge3A_273 = arith.constant 1 : i32
      %ge3A_274 = arith.cmpi sge, %add3A_272, %ge3A_273 : i32
      %convert_element_type3A_275 = arith.extui %ge3A_274 : i1 to i32
      %cond3A_276 = arith.constant 0 : i32
      %cond3A_277 = arith.cmpi ne, %convert_element_type3A_275, %cond3A_276 : i32
      scf.if %cond3A_277 {
        %dma_wait3A_461 = arith.constant 0 : i32
        %dma_wait3A_462 = arith.constant 0 : i32
        %dma_wait3A_463 = tpu.memref_slice %arg2[%dma_wait3A_461, %dma_wait3A_462] : memref<10240x64xbf16, #tpu.memory_space<hbm>> -> memref<128x64xbf16, #tpu.memory_space<hbm>>
        %dma_wait3A_464 = arith.constant 0 : i32
        %dma_wait3A_465 = arith.constant 0 : i32
        %dma_wait3A_466 = tpu.memref_slice %arg2[%dma_wait3A_464, %dma_wait3A_465] : memref<10240x64xbf16, #tpu.memory_space<hbm>> -> memref<128x64xbf16, #tpu.memory_space<hbm>>
        tpu.wait_dma2 semaphore(%arg32 : memref<!tpu.dma_semaphore, #tpu.memory_space<semaphore_mem>>) src(%dma_wait3A_466 : memref<128x64xbf16, #tpu.memory_space<hbm>>) dst(%arg11 : memref<128x64xbf16, #tpu.memory_space<vmem>>)
      } else {
      }
      %ge3A_278 = arith.constant 1 : i32
      %ge3A_279 = arith.cmpi sge, %add3A_272, %ge3A_278 : i32
      %add3A_280 = arith.constant 10 : i32
      %add3A_281 = arith.addi %add3A_272, %add3A_280 : i32
      %sub3A_282 = arith.constant 1 : i32
      %sub3A_283 = arith.subi %add3A_281, %sub3A_282 : i32
      %lt3A_284 = arith.cmpi slt, %sub3A_283, %select_n3A : i32
      %and3A_285 = arith.andi %ge3A_279, %lt3A_284 : i1
      %convert_element_type3A_286 = arith.extui %and3A_285 : i1 to i32
      %cond3A_287 = arith.constant 0 : i32
      %cond3A_288 = arith.cmpi ne, %convert_element_type3A_286, %cond3A_287 : i32
      scf.if %cond3A_288 {
        %add3A_461 = arith.constant 10 : i32
        %add3A_462 = arith.addi %add3A_272, %add3A_461 : i32
        %sub3A_463 = arith.constant 1 : i32
        %sub3A_464 = arith.subi %add3A_462, %sub3A_463 : i32
        %dma_start3A_465 = arith.constant 0 : i32
        %dma_start3A_466 = tpu.memref_slice %arg6[%sub3A_464, %dma_start3A_465] : memref<80x128xi32, #tpu.memory_space<vmem>> -> memref<1x128xi32, #tpu.memory_space<vmem>>
        %dma_start3A_467 = tpu.memref_squeeze %dma_start3A_466 : memref<1x128xi32, #tpu.memory_space<vmem>> -> memref<128xi32, #tpu.memory_space<vmem>>
        %dma_start3A_468 = arith.constant 0 : i32
        %dma_start3A_469 = arith.constant 0 : i32
        %dma_start3A_470 = tpu.memref_slice %arg2[%dma_start3A_468, %dma_start3A_469] : memref<10240x64xbf16, #tpu.memory_space<hbm>> -> memref<10240x64xbf16, #tpu.memory_space<hbm>>
        tpu.enqueue_indirect_dma source(%dma_start3A_470 : memref<10240x64xbf16, #tpu.memory_space<hbm>>) target(%arg11 : memref<128x64xbf16, #tpu.memory_space<vmem>>) offsets(%dma_start3A_467 : memref<128xi32, #tpu.memory_space<vmem>>) semaphore(%arg22 : memref<!tpu.dma_semaphore, #tpu.memory_space<semaphore_mem>>)
      } else {
      }
      %dma_wait3A_289 = arith.constant 0 : i32
      %dma_wait3A_290 = arith.constant 0 : i32
      %dma_wait3A_291 = tpu.memref_slice %arg2[%dma_wait3A_289, %dma_wait3A_290] : memref<10240x64xbf16, #tpu.memory_space<hbm>> -> memref<128x64xbf16, #tpu.memory_space<hbm>>
      %dma_wait3A_292 = arith.constant 0 : i32
      %dma_wait3A_293 = arith.constant 0 : i32
      %dma_wait3A_294 = tpu.memref_slice %arg2[%dma_wait3A_292, %dma_wait3A_293] : memref<10240x64xbf16, #tpu.memory_space<hbm>> -> memref<128x64xbf16, #tpu.memory_space<hbm>>
      tpu.wait_dma2 semaphore(%arg23 : memref<!tpu.dma_semaphore, #tpu.memory_space<semaphore_mem>>) src(%dma_wait3A_294 : memref<128x64xbf16, #tpu.memory_space<hbm>>) dst(%arg12 : memref<128x64xbf16, #tpu.memory_space<vmem>>)
      %dma_start3A_295 = arith.constant 0 : i32
      %dma_start3A_296 = tpu.memref_slice %arg7[%add3A_272, %dma_start3A_295] : memref<80x128xi32, #tpu.memory_space<vmem>> -> memref<1x128xi32, #tpu.memory_space<vmem>>
      %dma_start3A_297 = tpu.memref_squeeze %dma_start3A_296 : memref<1x128xi32, #tpu.memory_space<vmem>> -> memref<128xi32, #tpu.memory_space<vmem>>
      %dma_start3A_298 = arith.constant 0 : i32
      %dma_start3A_299 = arith.constant 0 : i32
      %dma_start3A_300 = tpu.memref_slice %arg39[%dma_start3A_298, %dma_start3A_299] : memref<10240x64xbf16, #tpu.memory_space<vmem_shared>> -> memref<10240x64xbf16, #tpu.memory_space<vmem_shared>>
      tpu.enqueue_indirect_dma source(%arg12 : memref<128x64xbf16, #tpu.memory_space<vmem>>) target(%dma_start3A_300 : memref<10240x64xbf16, #tpu.memory_space<vmem_shared>>) offsets(%dma_start3A_297 : memref<128xi32, #tpu.memory_space<vmem>>) semaphore(%arg33 : memref<!tpu.dma_semaphore, #tpu.memory_space<semaphore_mem>>) {add = true}
      %mul3A_301 = arith.constant 10 : i32
      %mul3A_302 = arith.muli %while3A_141, %mul3A_301 : i32
      %add3A_303 = arith.constant 5 : i32
      %add3A_304 = arith.addi %mul3A_302, %add3A_303 : i32
      %ge3A_305 = arith.constant 1 : i32
      %ge3A_306 = arith.cmpi sge, %add3A_304, %ge3A_305 : i32
      %convert_element_type3A_307 = arith.extui %ge3A_306 : i1 to i32
      %cond3A_308 = arith.constant 0 : i32
      %cond3A_309 = arith.cmpi ne, %convert_element_type3A_307, %cond3A_308 : i32
      scf.if %cond3A_309 {
        %dma_wait3A_461 = arith.constant 0 : i32
        %dma_wait3A_462 = arith.constant 0 : i32
        %dma_wait3A_463 = tpu.memref_slice %arg2[%dma_wait3A_461, %dma_wait3A_462] : memref<10240x64xbf16, #tpu.memory_space<hbm>> -> memref<128x64xbf16, #tpu.memory_space<hbm>>
        %dma_wait3A_464 = arith.constant 0 : i32
        %dma_wait3A_465 = arith.constant 0 : i32
        %dma_wait3A_466 = tpu.memref_slice %arg2[%dma_wait3A_464, %dma_wait3A_465] : memref<10240x64xbf16, #tpu.memory_space<hbm>> -> memref<128x64xbf16, #tpu.memory_space<hbm>>
        tpu.wait_dma2 semaphore(%arg33 : memref<!tpu.dma_semaphore, #tpu.memory_space<semaphore_mem>>) src(%dma_wait3A_466 : memref<128x64xbf16, #tpu.memory_space<hbm>>) dst(%arg12 : memref<128x64xbf16, #tpu.memory_space<vmem>>)
      } else {
      }
      %ge3A_310 = arith.constant 1 : i32
      %ge3A_311 = arith.cmpi sge, %add3A_304, %ge3A_310 : i32
      %add3A_312 = arith.constant 10 : i32
      %add3A_313 = arith.addi %add3A_304, %add3A_312 : i32
      %sub3A_314 = arith.constant 1 : i32
      %sub3A_315 = arith.subi %add3A_313, %sub3A_314 : i32
      %lt3A_316 = arith.cmpi slt, %sub3A_315, %select_n3A : i32
      %and3A_317 = arith.andi %ge3A_311, %lt3A_316 : i1
      %convert_element_type3A_318 = arith.extui %and3A_317 : i1 to i32
      %cond3A_319 = arith.constant 0 : i32
      %cond3A_320 = arith.cmpi ne, %convert_element_type3A_318, %cond3A_319 : i32
      scf.if %cond3A_320 {
        %add3A_461 = arith.constant 10 : i32
        %add3A_462 = arith.addi %add3A_304, %add3A_461 : i32
        %sub3A_463 = arith.constant 1 : i32
        %sub3A_464 = arith.subi %add3A_462, %sub3A_463 : i32
        %dma_start3A_465 = arith.constant 0 : i32
        %dma_start3A_466 = tpu.memref_slice %arg6[%sub3A_464, %dma_start3A_465] : memref<80x128xi32, #tpu.memory_space<vmem>> -> memref<1x128xi32, #tpu.memory_space<vmem>>
        %dma_start3A_467 = tpu.memref_squeeze %dma_start3A_466 : memref<1x128xi32, #tpu.memory_space<vmem>> -> memref<128xi32, #tpu.memory_space<vmem>>
        %dma_start3A_468 = arith.constant 0 : i32
        %dma_start3A_469 = arith.constant 0 : i32
        %dma_start3A_470 = tpu.memref_slice %arg2[%dma_start3A_468, %dma_start3A_469] : memref<10240x64xbf16, #tpu.memory_space<hbm>> -> memref<10240x64xbf16, #tpu.memory_space<hbm>>
        tpu.enqueue_indirect_dma source(%dma_start3A_470 : memref<10240x64xbf16, #tpu.memory_space<hbm>>) target(%arg12 : memref<128x64xbf16, #tpu.memory_space<vmem>>) offsets(%dma_start3A_467 : memref<128xi32, #tpu.memory_space<vmem>>) semaphore(%arg23 : memref<!tpu.dma_semaphore, #tpu.memory_space<semaphore_mem>>)
      } else {
      }
      %dma_wait3A_321 = arith.constant 0 : i32
      %dma_wait3A_322 = arith.constant 0 : i32
      %dma_wait3A_323 = tpu.memref_slice %arg2[%dma_wait3A_321, %dma_wait3A_322] : memref<10240x64xbf16, #tpu.memory_space<hbm>> -> memref<128x64xbf16, #tpu.memory_space<hbm>>
      %dma_wait3A_324 = arith.constant 0 : i32
      %dma_wait3A_325 = arith.constant 0 : i32
      %dma_wait3A_326 = tpu.memref_slice %arg2[%dma_wait3A_324, %dma_wait3A_325] : memref<10240x64xbf16, #tpu.memory_space<hbm>> -> memref<128x64xbf16, #tpu.memory_space<hbm>>
      tpu.wait_dma2 semaphore(%arg24 : memref<!tpu.dma_semaphore, #tpu.memory_space<semaphore_mem>>) src(%dma_wait3A_326 : memref<128x64xbf16, #tpu.memory_space<hbm>>) dst(%arg13 : memref<128x64xbf16, #tpu.memory_space<vmem>>)
      %dma_start3A_327 = arith.constant 0 : i32
      %dma_start3A_328 = tpu.memref_slice %arg7[%add3A_304, %dma_start3A_327] : memref<80x128xi32, #tpu.memory_space<vmem>> -> memref<1x128xi32, #tpu.memory_space<vmem>>
      %dma_start3A_329 = tpu.memref_squeeze %dma_start3A_328 : memref<1x128xi32, #tpu.memory_space<vmem>> -> memref<128xi32, #tpu.memory_space<vmem>>
      %dma_start3A_330 = arith.constant 0 : i32
      %dma_start3A_331 = arith.constant 0 : i32
      %dma_start3A_332 = tpu.memref_slice %arg39[%dma_start3A_330, %dma_start3A_331] : memref<10240x64xbf16, #tpu.memory_space<vmem_shared>> -> memref<10240x64xbf16, #tpu.memory_space<vmem_shared>>
      tpu.enqueue_indirect_dma source(%arg13 : memref<128x64xbf16, #tpu.memory_space<vmem>>) target(%dma_start3A_332 : memref<10240x64xbf16, #tpu.memory_space<vmem_shared>>) offsets(%dma_start3A_329 : memref<128xi32, #tpu.memory_space<vmem>>) semaphore(%arg34 : memref<!tpu.dma_semaphore, #tpu.memory_space<semaphore_mem>>) {add = true}
      %mul3A_333 = arith.constant 10 : i32
      %mul3A_334 = arith.muli %while3A_141, %mul3A_333 : i32
      %add3A_335 = arith.constant 6 : i32
      %add3A_336 = arith.addi %mul3A_334, %add3A_335 : i32
      %ge3A_337 = arith.constant 1 : i32
      %ge3A_338 = arith.cmpi sge, %add3A_336, %ge3A_337 : i32
      %convert_element_type3A_339 = arith.extui %ge3A_338 : i1 to i32
      %cond3A_340 = arith.constant 0 : i32
      %cond3A_341 = arith.cmpi ne, %convert_element_type3A_339, %cond3A_340 : i32
      scf.if %cond3A_341 {
        %dma_wait3A_461 = arith.constant 0 : i32
        %dma_wait3A_462 = arith.constant 0 : i32
        %dma_wait3A_463 = tpu.memref_slice %arg2[%dma_wait3A_461, %dma_wait3A_462] : memref<10240x64xbf16, #tpu.memory_space<hbm>> -> memref<128x64xbf16, #tpu.memory_space<hbm>>
        %dma_wait3A_464 = arith.constant 0 : i32
        %dma_wait3A_465 = arith.constant 0 : i32
        %dma_wait3A_466 = tpu.memref_slice %arg2[%dma_wait3A_464, %dma_wait3A_465] : memref<10240x64xbf16, #tpu.memory_space<hbm>> -> memref<128x64xbf16, #tpu.memory_space<hbm>>
        tpu.wait_dma2 semaphore(%arg34 : memref<!tpu.dma_semaphore, #tpu.memory_space<semaphore_mem>>) src(%dma_wait3A_466 : memref<128x64xbf16, #tpu.memory_space<hbm>>) dst(%arg13 : memref<128x64xbf16, #tpu.memory_space<vmem>>)
      } else {
      }
      %ge3A_342 = arith.constant 1 : i32
      %ge3A_343 = arith.cmpi sge, %add3A_336, %ge3A_342 : i32
      %add3A_344 = arith.constant 10 : i32
      %add3A_345 = arith.addi %add3A_336, %add3A_344 : i32
      %sub3A_346 = arith.constant 1 : i32
      %sub3A_347 = arith.subi %add3A_345, %sub3A_346 : i32
      %lt3A_348 = arith.cmpi slt, %sub3A_347, %select_n3A : i32
      %and3A_349 = arith.andi %ge3A_343, %lt3A_348 : i1
      %convert_element_type3A_350 = arith.extui %and3A_349 : i1 to i32
      %cond3A_351 = arith.constant 0 : i32
      %cond3A_352 = arith.cmpi ne, %convert_element_type3A_350, %cond3A_351 : i32
      scf.if %cond3A_352 {
        %add3A_461 = arith.constant 10 : i32
        %add3A_462 = arith.addi %add3A_336, %add3A_461 : i32
        %sub3A_463 = arith.constant 1 : i32
        %sub3A_464 = arith.subi %add3A_462, %sub3A_463 : i32
        %dma_start3A_465 = arith.constant 0 : i32
        %dma_start3A_466 = tpu.memref_slice %arg6[%sub3A_464, %dma_start3A_465] : memref<80x128xi32, #tpu.memory_space<vmem>> -> memref<1x128xi32, #tpu.memory_space<vmem>>
        %dma_start3A_467 = tpu.memref_squeeze %dma_start3A_466 : memref<1x128xi32, #tpu.memory_space<vmem>> -> memref<128xi32, #tpu.memory_space<vmem>>
        %dma_start3A_468 = arith.constant 0 : i32
        %dma_start3A_469 = arith.constant 0 : i32
        %dma_start3A_470 = tpu.memref_slice %arg2[%dma_start3A_468, %dma_start3A_469] : memref<10240x64xbf16, #tpu.memory_space<hbm>> -> memref<10240x64xbf16, #tpu.memory_space<hbm>>
        tpu.enqueue_indirect_dma source(%dma_start3A_470 : memref<10240x64xbf16, #tpu.memory_space<hbm>>) target(%arg13 : memref<128x64xbf16, #tpu.memory_space<vmem>>) offsets(%dma_start3A_467 : memref<128xi32, #tpu.memory_space<vmem>>) semaphore(%arg24 : memref<!tpu.dma_semaphore, #tpu.memory_space<semaphore_mem>>)
      } else {
      }
      %dma_wait3A_353 = arith.constant 0 : i32
      %dma_wait3A_354 = arith.constant 0 : i32
      %dma_wait3A_355 = tpu.memref_slice %arg2[%dma_wait3A_353, %dma_wait3A_354] : memref<10240x64xbf16, #tpu.memory_space<hbm>> -> memref<128x64xbf16, #tpu.memory_space<hbm>>
      %dma_wait3A_356 = arith.constant 0 : i32
      %dma_wait3A_357 = arith.constant 0 : i32
      %dma_wait3A_358 = tpu.memref_slice %arg2[%dma_wait3A_356, %dma_wait3A_357] : memref<10240x64xbf16, #tpu.memory_space<hbm>> -> memref<128x64xbf16, #tpu.memory_space<hbm>>
      tpu.wait_dma2 semaphore(%arg25 : memref<!tpu.dma_semaphore, #tpu.memory_space<semaphore_mem>>) src(%dma_wait3A_358 : memref<128x64xbf16, #tpu.memory_space<hbm>>) dst(%arg14 : memref<128x64xbf16, #tpu.memory_space<vmem>>)
      %dma_start3A_359 = arith.constant 0 : i32
      %dma_start3A_360 = tpu.memref_slice %arg7[%add3A_336, %dma_start3A_359] : memref<80x128xi32, #tpu.memory_space<vmem>> -> memref<1x128xi32, #tpu.memory_space<vmem>>
      %dma_start3A_361 = tpu.memref_squeeze %dma_start3A_360 : memref<1x128xi32, #tpu.memory_space<vmem>> -> memref<128xi32, #tpu.memory_space<vmem>>
      %dma_start3A_362 = arith.constant 0 : i32
      %dma_start3A_363 = arith.constant 0 : i32
      %dma_start3A_364 = tpu.memref_slice %arg39[%dma_start3A_362, %dma_start3A_363] : memref<10240x64xbf16, #tpu.memory_space<vmem_shared>> -> memref<10240x64xbf16, #tpu.memory_space<vmem_shared>>
      tpu.enqueue_indirect_dma source(%arg14 : memref<128x64xbf16, #tpu.memory_space<vmem>>) target(%dma_start3A_364 : memref<10240x64xbf16, #tpu.memory_space<vmem_shared>>) offsets(%dma_start3A_361 : memref<128xi32, #tpu.memory_space<vmem>>) semaphore(%arg35 : memref<!tpu.dma_semaphore, #tpu.memory_space<semaphore_mem>>) {add = true}
      %mul3A_365 = arith.constant 10 : i32
      %mul3A_366 = arith.muli %while3A_141, %mul3A_365 : i32
      %add3A_367 = arith.constant 7 : i32
      %add3A_368 = arith.addi %mul3A_366, %add3A_367 : i32
      %ge3A_369 = arith.constant 1 : i32
      %ge3A_370 = arith.cmpi sge, %add3A_368, %ge3A_369 : i32
      %convert_element_type3A_371 = arith.extui %ge3A_370 : i1 to i32
      %cond3A_372 = arith.constant 0 : i32
      %cond3A_373 = arith.cmpi ne, %convert_element_type3A_371, %cond3A_372 : i32
      scf.if %cond3A_373 {
        %dma_wait3A_461 = arith.constant 0 : i32
        %dma_wait3A_462 = arith.constant 0 : i32
        %dma_wait3A_463 = tpu.memref_slice %arg2[%dma_wait3A_461, %dma_wait3A_462] : memref<10240x64xbf16, #tpu.memory_space<hbm>> -> memref<128x64xbf16, #tpu.memory_space<hbm>>
        %dma_wait3A_464 = arith.constant 0 : i32
        %dma_wait3A_465 = arith.constant 0 : i32
        %dma_wait3A_466 = tpu.memref_slice %arg2[%dma_wait3A_464, %dma_wait3A_465] : memref<10240x64xbf16, #tpu.memory_space<hbm>> -> memref<128x64xbf16, #tpu.memory_space<hbm>>
        tpu.wait_dma2 semaphore(%arg35 : memref<!tpu.dma_semaphore, #tpu.memory_space<semaphore_mem>>) src(%dma_wait3A_466 : memref<128x64xbf16, #tpu.memory_space<hbm>>) dst(%arg14 : memref<128x64xbf16, #tpu.memory_space<vmem>>)
      } else {
      }
      %ge3A_374 = arith.constant 1 : i32
      %ge3A_375 = arith.cmpi sge, %add3A_368, %ge3A_374 : i32
      %add3A_376 = arith.constant 10 : i32
      %add3A_377 = arith.addi %add3A_368, %add3A_376 : i32
      %sub3A_378 = arith.constant 1 : i32
      %sub3A_379 = arith.subi %add3A_377, %sub3A_378 : i32
      %lt3A_380 = arith.cmpi slt, %sub3A_379, %select_n3A : i32
      %and3A_381 = arith.andi %ge3A_375, %lt3A_380 : i1
      %convert_element_type3A_382 = arith.extui %and3A_381 : i1 to i32
      %cond3A_383 = arith.constant 0 : i32
      %cond3A_384 = arith.cmpi ne, %convert_element_type3A_382, %cond3A_383 : i32
      scf.if %cond3A_384 {
        %add3A_461 = arith.constant 10 : i32
        %add3A_462 = arith.addi %add3A_368, %add3A_461 : i32
        %sub3A_463 = arith.constant 1 : i32
        %sub3A_464 = arith.subi %add3A_462, %sub3A_463 : i32
        %dma_start3A_465 = arith.constant 0 : i32
        %dma_start3A_466 = tpu.memref_slice %arg6[%sub3A_464, %dma_start3A_465] : memref<80x128xi32, #tpu.memory_space<vmem>> -> memref<1x128xi32, #tpu.memory_space<vmem>>
        %dma_start3A_467 = tpu.memref_squeeze %dma_start3A_466 : memref<1x128xi32, #tpu.memory_space<vmem>> -> memref<128xi32, #tpu.memory_space<vmem>>
        %dma_start3A_468 = arith.constant 0 : i32
        %dma_start3A_469 = arith.constant 0 : i32
        %dma_start3A_470 = tpu.memref_slice %arg2[%dma_start3A_468, %dma_start3A_469] : memref<10240x64xbf16, #tpu.memory_space<hbm>> -> memref<10240x64xbf16, #tpu.memory_space<hbm>>
        tpu.enqueue_indirect_dma source(%dma_start3A_470 : memref<10240x64xbf16, #tpu.memory_space<hbm>>) target(%arg14 : memref<128x64xbf16, #tpu.memory_space<vmem>>) offsets(%dma_start3A_467 : memref<128xi32, #tpu.memory_space<vmem>>) semaphore(%arg25 : memref<!tpu.dma_semaphore, #tpu.memory_space<semaphore_mem>>)
      } else {
      }
      %dma_wait3A_385 = arith.constant 0 : i32
      %dma_wait3A_386 = arith.constant 0 : i32
      %dma_wait3A_387 = tpu.memref_slice %arg2[%dma_wait3A_385, %dma_wait3A_386] : memref<10240x64xbf16, #tpu.memory_space<hbm>> -> memref<128x64xbf16, #tpu.memory_space<hbm>>
      %dma_wait3A_388 = arith.constant 0 : i32
      %dma_wait3A_389 = arith.constant 0 : i32
      %dma_wait3A_390 = tpu.memref_slice %arg2[%dma_wait3A_388, %dma_wait3A_389] : memref<10240x64xbf16, #tpu.memory_space<hbm>> -> memref<128x64xbf16, #tpu.memory_space<hbm>>
      tpu.wait_dma2 semaphore(%arg26 : memref<!tpu.dma_semaphore, #tpu.memory_space<semaphore_mem>>) src(%dma_wait3A_390 : memref<128x64xbf16, #tpu.memory_space<hbm>>) dst(%arg15 : memref<128x64xbf16, #tpu.memory_space<vmem>>)
      %dma_start3A_391 = arith.constant 0 : i32
      %dma_start3A_392 = tpu.memref_slice %arg7[%add3A_368, %dma_start3A_391] : memref<80x128xi32, #tpu.memory_space<vmem>> -> memref<1x128xi32, #tpu.memory_space<vmem>>
      %dma_start3A_393 = tpu.memref_squeeze %dma_start3A_392 : memref<1x128xi32, #tpu.memory_space<vmem>> -> memref<128xi32, #tpu.memory_space<vmem>>
      %dma_start3A_394 = arith.constant 0 : i32
      %dma_start3A_395 = arith.constant 0 : i32
      %dma_start3A_396 = tpu.memref_slice %arg39[%dma_start3A_394, %dma_start3A_395] : memref<10240x64xbf16, #tpu.memory_space<vmem_shared>> -> memref<10240x64xbf16, #tpu.memory_space<vmem_shared>>
      tpu.enqueue_indirect_dma source(%arg15 : memref<128x64xbf16, #tpu.memory_space<vmem>>) target(%dma_start3A_396 : memref<10240x64xbf16, #tpu.memory_space<vmem_shared>>) offsets(%dma_start3A_393 : memref<128xi32, #tpu.memory_space<vmem>>) semaphore(%arg36 : memref<!tpu.dma_semaphore, #tpu.memory_space<semaphore_mem>>) {add = true}
      %mul3A_397 = arith.constant 10 : i32
      %mul3A_398 = arith.muli %while3A_141, %mul3A_397 : i32
      %add3A_399 = arith.constant 8 : i32
      %add3A_400 = arith.addi %mul3A_398, %add3A_399 : i32
      %ge3A_401 = arith.constant 1 : i32
      %ge3A_402 = arith.cmpi sge, %add3A_400, %ge3A_401 : i32
      %convert_element_type3A_403 = arith.extui %ge3A_402 : i1 to i32
      %cond3A_404 = arith.constant 0 : i32
      %cond3A_405 = arith.cmpi ne, %convert_element_type3A_403, %cond3A_404 : i32
      scf.if %cond3A_405 {
        %dma_wait3A_461 = arith.constant 0 : i32
        %dma_wait3A_462 = arith.constant 0 : i32
        %dma_wait3A_463 = tpu.memref_slice %arg2[%dma_wait3A_461, %dma_wait3A_462] : memref<10240x64xbf16, #tpu.memory_space<hbm>> -> memref<128x64xbf16, #tpu.memory_space<hbm>>
        %dma_wait3A_464 = arith.constant 0 : i32
        %dma_wait3A_465 = arith.constant 0 : i32
        %dma_wait3A_466 = tpu.memref_slice %arg2[%dma_wait3A_464, %dma_wait3A_465] : memref<10240x64xbf16, #tpu.memory_space<hbm>> -> memref<128x64xbf16, #tpu.memory_space<hbm>>
        tpu.wait_dma2 semaphore(%arg36 : memref<!tpu.dma_semaphore, #tpu.memory_space<semaphore_mem>>) src(%dma_wait3A_466 : memref<128x64xbf16, #tpu.memory_space<hbm>>) dst(%arg15 : memref<128x64xbf16, #tpu.memory_space<vmem>>)
      } else {
      }
      %ge3A_406 = arith.constant 1 : i32
      %ge3A_407 = arith.cmpi sge, %add3A_400, %ge3A_406 : i32
      %add3A_408 = arith.constant 10 : i32
      %add3A_409 = arith.addi %add3A_400, %add3A_408 : i32
      %sub3A_410 = arith.constant 1 : i32
      %sub3A_411 = arith.subi %add3A_409, %sub3A_410 : i32
      %lt3A_412 = arith.cmpi slt, %sub3A_411, %select_n3A : i32
      %and3A_413 = arith.andi %ge3A_407, %lt3A_412 : i1
      %convert_element_type3A_414 = arith.extui %and3A_413 : i1 to i32
      %cond3A_415 = arith.constant 0 : i32
      %cond3A_416 = arith.cmpi ne, %convert_element_type3A_414, %cond3A_415 : i32
      scf.if %cond3A_416 {
        %add3A_461 = arith.constant 10 : i32
        %add3A_462 = arith.addi %add3A_400, %add3A_461 : i32
        %sub3A_463 = arith.constant 1 : i32
        %sub3A_464 = arith.subi %add3A_462, %sub3A_463 : i32
        %dma_start3A_465 = arith.constant 0 : i32
        %dma_start3A_466 = tpu.memref_slice %arg6[%sub3A_464, %dma_start3A_465] : memref<80x128xi32, #tpu.memory_space<vmem>> -> memref<1x128xi32, #tpu.memory_space<vmem>>
        %dma_start3A_467 = tpu.memref_squeeze %dma_start3A_466 : memref<1x128xi32, #tpu.memory_space<vmem>> -> memref<128xi32, #tpu.memory_space<vmem>>
        %dma_start3A_468 = arith.constant 0 : i32
        %dma_start3A_469 = arith.constant 0 : i32
        %dma_start3A_470 = tpu.memref_slice %arg2[%dma_start3A_468, %dma_start3A_469] : memref<10240x64xbf16, #tpu.memory_space<hbm>> -> memref<10240x64xbf16, #tpu.memory_space<hbm>>
        tpu.enqueue_indirect_dma source(%dma_start3A_470 : memref<10240x64xbf16, #tpu.memory_space<hbm>>) target(%arg15 : memref<128x64xbf16, #tpu.memory_space<vmem>>) offsets(%dma_start3A_467 : memref<128xi32, #tpu.memory_space<vmem>>) semaphore(%arg26 : memref<!tpu.dma_semaphore, #tpu.memory_space<semaphore_mem>>)
      } else {
      }
      %dma_wait3A_417 = arith.constant 0 : i32
      %dma_wait3A_418 = arith.constant 0 : i32
      %dma_wait3A_419 = tpu.memref_slice %arg2[%dma_wait3A_417, %dma_wait3A_418] : memref<10240x64xbf16, #tpu.memory_space<hbm>> -> memref<128x64xbf16, #tpu.memory_space<hbm>>
      %dma_wait3A_420 = arith.constant 0 : i32
      %dma_wait3A_421 = arith.constant 0 : i32
      %dma_wait3A_422 = tpu.memref_slice %arg2[%dma_wait3A_420, %dma_wait3A_421] : memref<10240x64xbf16, #tpu.memory_space<hbm>> -> memref<128x64xbf16, #tpu.memory_space<hbm>>
      tpu.wait_dma2 semaphore(%arg27 : memref<!tpu.dma_semaphore, #tpu.memory_space<semaphore_mem>>) src(%dma_wait3A_422 : memref<128x64xbf16, #tpu.memory_space<hbm>>) dst(%arg16 : memref<128x64xbf16, #tpu.memory_space<vmem>>)
      %dma_start3A_423 = arith.constant 0 : i32
      %dma_start3A_424 = tpu.memref_slice %arg7[%add3A_400, %dma_start3A_423] : memref<80x128xi32, #tpu.memory_space<vmem>> -> memref<1x128xi32, #tpu.memory_space<vmem>>
      %dma_start3A_425 = tpu.memref_squeeze %dma_start3A_424 : memref<1x128xi32, #tpu.memory_space<vmem>> -> memref<128xi32, #tpu.memory_space<vmem>>
      %dma_start3A_426 = arith.constant 0 : i32
      %dma_start3A_427 = arith.constant 0 : i32
      %dma_start3A_428 = tpu.memref_slice %arg39[%dma_start3A_426, %dma_start3A_427] : memref<10240x64xbf16, #tpu.memory_space<vmem_shared>> -> memref<10240x64xbf16, #tpu.memory_space<vmem_shared>>
      tpu.enqueue_indirect_dma source(%arg16 : memref<128x64xbf16, #tpu.memory_space<vmem>>) target(%dma_start3A_428 : memref<10240x64xbf16, #tpu.memory_space<vmem_shared>>) offsets(%dma_start3A_425 : memref<128xi32, #tpu.memory_space<vmem>>) semaphore(%arg37 : memref<!tpu.dma_semaphore, #tpu.memory_space<semaphore_mem>>) {add = true}
      %mul3A_429 = arith.constant 10 : i32
      %mul3A_430 = arith.muli %while3A_141, %mul3A_429 : i32
      %add3A_431 = arith.constant 9 : i32
      %add3A_432 = arith.addi %mul3A_430, %add3A_431 : i32
      %ge3A_433 = arith.constant 1 : i32
      %ge3A_434 = arith.cmpi sge, %add3A_432, %ge3A_433 : i32
      %convert_element_type3A_435 = arith.extui %ge3A_434 : i1 to i32
      %cond3A_436 = arith.constant 0 : i32
      %cond3A_437 = arith.cmpi ne, %convert_element_type3A_435, %cond3A_436 : i32
      scf.if %cond3A_437 {
        %dma_wait3A_461 = arith.constant 0 : i32
        %dma_wait3A_462 = arith.constant 0 : i32
        %dma_wait3A_463 = tpu.memref_slice %arg2[%dma_wait3A_461, %dma_wait3A_462] : memref<10240x64xbf16, #tpu.memory_space<hbm>> -> memref<128x64xbf16, #tpu.memory_space<hbm>>
        %dma_wait3A_464 = arith.constant 0 : i32
        %dma_wait3A_465 = arith.constant 0 : i32
        %dma_wait3A_466 = tpu.memref_slice %arg2[%dma_wait3A_464, %dma_wait3A_465] : memref<10240x64xbf16, #tpu.memory_space<hbm>> -> memref<128x64xbf16, #tpu.memory_space<hbm>>
        tpu.wait_dma2 semaphore(%arg37 : memref<!tpu.dma_semaphore, #tpu.memory_space<semaphore_mem>>) src(%dma_wait3A_466 : memref<128x64xbf16, #tpu.memory_space<hbm>>) dst(%arg16 : memref<128x64xbf16, #tpu.memory_space<vmem>>)
      } else {
      }
      %ge3A_438 = arith.constant 1 : i32
      %ge3A_439 = arith.cmpi sge, %add3A_432, %ge3A_438 : i32
      %add3A_440 = arith.constant 10 : i32
      %add3A_441 = arith.addi %add3A_432, %add3A_440 : i32
      %sub3A_442 = arith.constant 1 : i32
      %sub3A_443 = arith.subi %add3A_441, %sub3A_442 : i32
      %lt3A_444 = arith.cmpi slt, %sub3A_443, %select_n3A : i32
      %and3A_445 = arith.andi %ge3A_439, %lt3A_444 : i1
      %convert_element_type3A_446 = arith.extui %and3A_445 : i1 to i32
      %cond3A_447 = arith.constant 0 : i32
      %cond3A_448 = arith.cmpi ne, %convert_element_type3A_446, %cond3A_447 : i32
      scf.if %cond3A_448 {
        %add3A_461 = arith.constant 10 : i32
        %add3A_462 = arith.addi %add3A_432, %add3A_461 : i32
        %sub3A_463 = arith.constant 1 : i32
        %sub3A_464 = arith.subi %add3A_462, %sub3A_463 : i32
        %dma_start3A_465 = arith.constant 0 : i32
        %dma_start3A_466 = tpu.memref_slice %arg6[%sub3A_464, %dma_start3A_465] : memref<80x128xi32, #tpu.memory_space<vmem>> -> memref<1x128xi32, #tpu.memory_space<vmem>>
        %dma_start3A_467 = tpu.memref_squeeze %dma_start3A_466 : memref<1x128xi32, #tpu.memory_space<vmem>> -> memref<128xi32, #tpu.memory_space<vmem>>
        %dma_start3A_468 = arith.constant 0 : i32
        %dma_start3A_469 = arith.constant 0 : i32
        %dma_start3A_470 = tpu.memref_slice %arg2[%dma_start3A_468, %dma_start3A_469] : memref<10240x64xbf16, #tpu.memory_space<hbm>> -> memref<10240x64xbf16, #tpu.memory_space<hbm>>
        tpu.enqueue_indirect_dma source(%dma_start3A_470 : memref<10240x64xbf16, #tpu.memory_space<hbm>>) target(%arg16 : memref<128x64xbf16, #tpu.memory_space<vmem>>) offsets(%dma_start3A_467 : memref<128xi32, #tpu.memory_space<vmem>>) semaphore(%arg27 : memref<!tpu.dma_semaphore, #tpu.memory_space<semaphore_mem>>)
      } else {
      }
      %dma_wait3A_449 = arith.constant 0 : i32
      %dma_wait3A_450 = arith.constant 0 : i32
      %dma_wait3A_451 = tpu.memref_slice %arg2[%dma_wait3A_449, %dma_wait3A_450] : memref<10240x64xbf16, #tpu.memory_space<hbm>> -> memref<128x64xbf16, #tpu.memory_space<hbm>>
      %dma_wait3A_452 = arith.constant 0 : i32
      %dma_wait3A_453 = arith.constant 0 : i32
      %dma_wait3A_454 = tpu.memref_slice %arg2[%dma_wait3A_452, %dma_wait3A_453] : memref<10240x64xbf16, #tpu.memory_space<hbm>> -> memref<128x64xbf16, #tpu.memory_space<hbm>>
      tpu.wait_dma2 semaphore(%arg28 : memref<!tpu.dma_semaphore, #tpu.memory_space<semaphore_mem>>) src(%dma_wait3A_454 : memref<128x64xbf16, #tpu.memory_space<hbm>>) dst(%arg17 : memref<128x64xbf16, #tpu.memory_space<vmem>>)
      %dma_start3A_455 = arith.constant 0 : i32
      %dma_start3A_456 = tpu.memref_slice %arg7[%add3A_432, %dma_start3A_455] : memref<80x128xi32, #tpu.memory_space<vmem>> -> memref<1x128xi32, #tpu.memory_space<vmem>>
      %dma_start3A_457 = tpu.memref_squeeze %dma_start3A_456 : memref<1x128xi32, #tpu.memory_space<vmem>> -> memref<128xi32, #tpu.memory_space<vmem>>
      %dma_start3A_458 = arith.constant 0 : i32
      %dma_start3A_459 = arith.constant 0 : i32
      %dma_start3A_460 = tpu.memref_slice %arg39[%dma_start3A_458, %dma_start3A_459] : memref<10240x64xbf16, #tpu.memory_space<vmem_shared>> -> memref<10240x64xbf16, #tpu.memory_space<vmem_shared>>
      tpu.enqueue_indirect_dma source(%arg17 : memref<128x64xbf16, #tpu.memory_space<vmem>>) target(%dma_start3A_460 : memref<10240x64xbf16, #tpu.memory_space<vmem_shared>>) offsets(%dma_start3A_457 : memref<128xi32, #tpu.memory_space<vmem>>) semaphore(%arg38 : memref<!tpu.dma_semaphore, #tpu.memory_space<semaphore_mem>>) {add = true}
    }
    %while3A_134 = arith.constant 1 : i32
    scf.for %while3A_141 = %while3A_132 to %while3A_128 step %while3A_134  : i32 {
      %mul3A_142 = arith.constant 10 : i32
      %mul3A_143 = arith.muli %while3A_141, %mul3A_142 : i32
      %add3A_144 = arith.constant 0 : i32
      %add3A_145 = arith.addi %mul3A_143, %add3A_144 : i32
      %ge3A = arith.constant 1 : i32
      %ge3A_146 = arith.cmpi sge, %add3A_145, %ge3A : i32
      %convert_element_type3A_147 = arith.extui %ge3A_146 : i1 to i32
      %cond3A_148 = arith.constant 0 : i32
      %cond3A_149 = arith.cmpi ne, %convert_element_type3A_147, %cond3A_148 : i32
      scf.if %cond3A_149 {
        %dma_wait3A_461 = arith.constant 0 : i32
        %dma_wait3A_462 = arith.constant 0 : i32
        %dma_wait3A_463 = tpu.memref_slice %arg2[%dma_wait3A_461, %dma_wait3A_462] : memref<10240x64xbf16, #tpu.memory_space<hbm>> -> memref<128x64xbf16, #tpu.memory_space<hbm>>
        %dma_wait3A_464 = arith.constant 0 : i32
        %dma_wait3A_465 = arith.constant 0 : i32
        %dma_wait3A_466 = tpu.memref_slice %arg2[%dma_wait3A_464, %dma_wait3A_465] : memref<10240x64xbf16, #tpu.memory_space<hbm>> -> memref<128x64xbf16, #tpu.memory_space<hbm>>
        tpu.wait_dma2 semaphore(%arg38 : memref<!tpu.dma_semaphore, #tpu.memory_space<semaphore_mem>>) src(%dma_wait3A_466 : memref<128x64xbf16, #tpu.memory_space<hbm>>) dst(%arg17 : memref<128x64xbf16, #tpu.memory_space<vmem>>)
      } else {
      }
      %ge3A_150 = arith.constant 1 : i32
      %ge3A_151 = arith.cmpi sge, %add3A_145, %ge3A_150 : i32
      %add3A_152 = arith.constant 10 : i32
      %add3A_153 = arith.addi %add3A_145, %add3A_152 : i32
      %sub3A_154 = arith.constant 1 : i32
      %sub3A_155 = arith.subi %add3A_153, %sub3A_154 : i32
      %lt3A_156 = arith.cmpi slt, %sub3A_155, %select_n3A : i32
      %and3A_157 = arith.andi %ge3A_151, %lt3A_156 : i1
      %convert_element_type3A_158 = arith.extui %and3A_157 : i1 to i32
      %cond3A_159 = arith.constant 0 : i32
      %cond3A_160 = arith.cmpi ne, %convert_element_type3A_158, %cond3A_159 : i32
      scf.if %cond3A_160 {
        %add3A_461 = arith.constant 10 : i32
        %add3A_462 = arith.addi %add3A_145, %add3A_461 : i32
        %sub3A_463 = arith.constant 1 : i32
        %sub3A_464 = arith.subi %add3A_462, %sub3A_463 : i32
        %dma_start3A_465 = arith.constant 0 : i32
        %dma_start3A_466 = tpu.memref_slice %arg6[%sub3A_464, %dma_start3A_465] : memref<80x128xi32, #tpu.memory_space<vmem>> -> memref<1x128xi32, #tpu.memory_space<vmem>>
        %dma_start3A_467 = tpu.memref_squeeze %dma_start3A_466 : memref<1x128xi32, #tpu.memory_space<vmem>> -> memref<128xi32, #tpu.memory_space<vmem>>
        %dma_start3A_468 = arith.constant 0 : i32
        %dma_start3A_469 = arith.constant 0 : i32
        %dma_start3A_470 = tpu.memref_slice %arg2[%dma_start3A_468, %dma_start3A_469] : memref<10240x64xbf16, #tpu.memory_space<hbm>> -> memref<10240x64xbf16, #tpu.memory_space<hbm>>
        tpu.enqueue_indirect_dma source(%dma_start3A_470 : memref<10240x64xbf16, #tpu.memory_space<hbm>>) target(%arg17 : memref<128x64xbf16, #tpu.memory_space<vmem>>) offsets(%dma_start3A_467 : memref<128xi32, #tpu.memory_space<vmem>>) semaphore(%arg28 : memref<!tpu.dma_semaphore, #tpu.memory_space<semaphore_mem>>)
      } else {
      }
      %dma_wait3A_161 = arith.constant 0 : i32
      %dma_wait3A_162 = arith.constant 0 : i32
      %dma_wait3A_163 = tpu.memref_slice %arg2[%dma_wait3A_161, %dma_wait3A_162] : memref<10240x64xbf16, #tpu.memory_space<hbm>> -> memref<128x64xbf16, #tpu.memory_space<hbm>>
      %dma_wait3A_164 = arith.constant 0 : i32
      %dma_wait3A_165 = arith.constant 0 : i32
      %dma_wait3A_166 = tpu.memref_slice %arg2[%dma_wait3A_164, %dma_wait3A_165] : memref<10240x64xbf16, #tpu.memory_space<hbm>> -> memref<128x64xbf16, #tpu.memory_space<hbm>>
      tpu.wait_dma2 semaphore(%arg19 : memref<!tpu.dma_semaphore, #tpu.memory_space<semaphore_mem>>) src(%dma_wait3A_166 : memref<128x64xbf16, #tpu.memory_space<hbm>>) dst(%arg8 : memref<128x64xbf16, #tpu.memory_space<vmem>>)
      %dma_start3A_167 = arith.constant 0 : i32
      %dma_start3A_168 = tpu.memref_slice %arg7[%add3A_145, %dma_start3A_167] : memref<80x128xi32, #tpu.memory_space<vmem>> -> memref<1x128xi32, #tpu.memory_space<vmem>>
      %dma_start3A_169 = tpu.memref_squeeze %dma_start3A_168 : memref<1x128xi32, #tpu.memory_space<vmem>> -> memref<128xi32, #tpu.memory_space<vmem>>
      %dma_start3A_170 = arith.constant 0 : i32
      %dma_start3A_171 = arith.constant 0 : i32
      %dma_start3A_172 = tpu.memref_slice %arg39[%dma_start3A_170, %dma_start3A_171] : memref<10240x64xbf16, #tpu.memory_space<vmem_shared>> -> memref<10240x64xbf16, #tpu.memory_space<vmem_shared>>
      tpu.enqueue_indirect_dma source(%arg8 : memref<128x64xbf16, #tpu.memory_space<vmem>>) target(%dma_start3A_172 : memref<10240x64xbf16, #tpu.memory_space<vmem_shared>>) offsets(%dma_start3A_169 : memref<128xi32, #tpu.memory_space<vmem>>) semaphore(%arg29 : memref<!tpu.dma_semaphore, #tpu.memory_space<semaphore_mem>>) {add = true}
      %mul3A_173 = arith.constant 10 : i32
      %mul3A_174 = arith.muli %while3A_141, %mul3A_173 : i32
      %add3A_175 = arith.constant 1 : i32
      %add3A_176 = arith.addi %mul3A_174, %add3A_175 : i32
      %ge3A_177 = arith.constant 1 : i32
      %ge3A_178 = arith.cmpi sge, %add3A_176, %ge3A_177 : i32
      %convert_element_type3A_179 = arith.extui %ge3A_178 : i1 to i32
      %cond3A_180 = arith.constant 0 : i32
      %cond3A_181 = arith.cmpi ne, %convert_element_type3A_179, %cond3A_180 : i32
      scf.if %cond3A_181 {
        %dma_wait3A_461 = arith.constant 0 : i32
        %dma_wait3A_462 = arith.constant 0 : i32
        %dma_wait3A_463 = tpu.memref_slice %arg2[%dma_wait3A_461, %dma_wait3A_462] : memref<10240x64xbf16, #tpu.memory_space<hbm>> -> memref<128x64xbf16, #tpu.memory_space<hbm>>
        %dma_wait3A_464 = arith.constant 0 : i32
        %dma_wait3A_465 = arith.constant 0 : i32
        %dma_wait3A_466 = tpu.memref_slice %arg2[%dma_wait3A_464, %dma_wait3A_465] : memref<10240x64xbf16, #tpu.memory_space<hbm>> -> memref<128x64xbf16, #tpu.memory_space<hbm>>
        tpu.wait_dma2 semaphore(%arg29 : memref<!tpu.dma_semaphore, #tpu.memory_space<semaphore_mem>>) src(%dma_wait3A_466 : memref<128x64xbf16, #tpu.memory_space<hbm>>) dst(%arg8 : memref<128x64xbf16, #tpu.memory_space<vmem>>)
      } else {
      }
      %ge3A_182 = arith.constant 1 : i32
      %ge3A_183 = arith.cmpi sge, %add3A_176, %ge3A_182 : i32
      %add3A_184 = arith.constant 10 : i32
      %add3A_185 = arith.addi %add3A_176, %add3A_184 : i32
      %sub3A_186 = arith.constant 1 : i32
      %sub3A_187 = arith.subi %add3A_185, %sub3A_186 : i32
      %lt3A_188 = arith.cmpi slt, %sub3A_187, %select_n3A : i32
      %and3A_189 = arith.andi %ge3A_183, %lt3A_188 : i1
      %convert_element_type3A_190 = arith.extui %and3A_189 : i1 to i32
      %cond3A_191 = arith.constant 0 : i32
      %cond3A_192 = arith.cmpi ne, %convert_element_type3A_190, %cond3A_191 : i32
      scf.if %cond3A_192 {
        %add3A_461 = arith.constant 10 : i32
        %add3A_462 = arith.addi %add3A_176, %add3A_461 : i32
        %sub3A_463 = arith.constant 1 : i32
        %sub3A_464 = arith.subi %add3A_462, %sub3A_463 : i32
        %dma_start3A_465 = arith.constant 0 : i32
        %dma_start3A_466 = tpu.memref_slice %arg6[%sub3A_464, %dma_start3A_465] : memref<80x128xi32, #tpu.memory_space<vmem>> -> memref<1x128xi32, #tpu.memory_space<vmem>>
        %dma_start3A_467 = tpu.memref_squeeze %dma_start3A_466 : memref<1x128xi32, #tpu.memory_space<vmem>> -> memref<128xi32, #tpu.memory_space<vmem>>
        %dma_start3A_468 = arith.constant 0 : i32
        %dma_start3A_469 = arith.constant 0 : i32
        %dma_start3A_470 = tpu.memref_slice %arg2[%dma_start3A_468, %dma_start3A_469] : memref<10240x64xbf16, #tpu.memory_space<hbm>> -> memref<10240x64xbf16, #tpu.memory_space<hbm>>
        tpu.enqueue_indirect_dma source(%dma_start3A_470 : memref<10240x64xbf16, #tpu.memory_space<hbm>>) target(%arg8 : memref<128x64xbf16, #tpu.memory_space<vmem>>) offsets(%dma_start3A_467 : memref<128xi32, #tpu.memory_space<vmem>>) semaphore(%arg19 : memref<!tpu.dma_semaphore, #tpu.memory_space<semaphore_mem>>)
      } else {
      }
      %dma_wait3A_193 = arith.constant 0 : i32
      %dma_wait3A_194 = arith.constant 0 : i32
      %dma_wait3A_195 = tpu.memref_slice %arg2[%dma_wait3A_193, %dma_wait3A_194] : memref<10240x64xbf16, #tpu.memory_space<hbm>> -> memref<128x64xbf16, #tpu.memory_space<hbm>>
      %dma_wait3A_196 = arith.constant 0 : i32
      %dma_wait3A_197 = arith.constant 0 : i32
      %dma_wait3A_198 = tpu.memref_slice %arg2[%dma_wait3A_196, %dma_wait3A_197] : memref<10240x64xbf16, #tpu.memory_space<hbm>> -> memref<128x64xbf16, #tpu.memory_space<hbm>>
      tpu.wait_dma2 semaphore(%arg20 : memref<!tpu.dma_semaphore, #tpu.memory_space<semaphore_mem>>) src(%dma_wait3A_198 : memref<128x64xbf16, #tpu.memory_space<hbm>>) dst(%arg9 : memref<128x64xbf16, #tpu.memory_space<vmem>>)
      %dma_start3A_199 = arith.constant 0 : i32
      %dma_start3A_200 = tpu.memref_slice %arg7[%add3A_176, %dma_start3A_199] : memref<80x128xi32, #tpu.memory_space<vmem>> -> memref<1x128xi32, #tpu.memory_space<vmem>>
      %dma_start3A_201 = tpu.memref_squeeze %dma_start3A_200 : memref<1x128xi32, #tpu.memory_space<vmem>> -> memref<128xi32, #tpu.memory_space<vmem>>
      %dma_start3A_202 = arith.constant 0 : i32
      %dma_start3A_203 = arith.constant 0 : i32
      %dma_start3A_204 = tpu.memref_slice %arg39[%dma_start3A_202, %dma_start3A_203] : memref<10240x64xbf16, #tpu.memory_space<vmem_shared>> -> memref<10240x64xbf16, #tpu.memory_space<vmem_shared>>
      tpu.enqueue_indirect_dma source(%arg9 : memref<128x64xbf16, #tpu.memory_space<vmem>>) target(%dma_start3A_204 : memref<10240x64xbf16, #tpu.memory_space<vmem_shared>>) offsets(%dma_start3A_201 : memref<128xi32, #tpu.memory_space<vmem>>) semaphore(%arg30 : memref<!tpu.dma_semaphore, #tpu.memory_space<semaphore_mem>>) {add = true}
      %mul3A_205 = arith.constant 10 : i32
      %mul3A_206 = arith.muli %while3A_141, %mul3A_205 : i32
      %add3A_207 = arith.constant 2 : i32
      %add3A_208 = arith.addi %mul3A_206, %add3A_207 : i32
      %ge3A_209 = arith.constant 1 : i32
      %ge3A_210 = arith.cmpi sge, %add3A_208, %ge3A_209 : i32
      %convert_element_type3A_211 = arith.extui %ge3A_210 : i1 to i32
      %cond3A_212 = arith.constant 0 : i32
      %cond3A_213 = arith.cmpi ne, %convert_element_type3A_211, %cond3A_212 : i32
      scf.if %cond3A_213 {
        %dma_wait3A_461 = arith.constant 0 : i32
        %dma_wait3A_462 = arith.constant 0 : i32
        %dma_wait3A_463 = tpu.memref_slice %arg2[%dma_wait3A_461, %dma_wait3A_462] : memref<10240x64xbf16, #tpu.memory_space<hbm>> -> memref<128x64xbf16, #tpu.memory_space<hbm>>
        %dma_wait3A_464 = arith.constant 0 : i32
        %dma_wait3A_465 = arith.constant 0 : i32
        %dma_wait3A_466 = tpu.memref_slice %arg2[%dma_wait3A_464, %dma_wait3A_465] : memref<10240x64xbf16, #tpu.memory_space<hbm>> -> memref<128x64xbf16, #tpu.memory_space<hbm>>
        tpu.wait_dma2 semaphore(%arg30 : memref<!tpu.dma_semaphore, #tpu.memory_space<semaphore_mem>>) src(%dma_wait3A_466 : memref<128x64xbf16, #tpu.memory_space<hbm>>) dst(%arg9 : memref<128x64xbf16, #tpu.memory_space<vmem>>)
      } else {
      }
      %ge3A_214 = arith.constant 1 : i32
      %ge3A_215 = arith.cmpi sge, %add3A_208, %ge3A_214 : i32
      %add3A_216 = arith.constant 10 : i32
      %add3A_217 = arith.addi %add3A_208, %add3A_216 : i32
      %sub3A_218 = arith.constant 1 : i32
      %sub3A_219 = arith.subi %add3A_217, %sub3A_218 : i32
      %lt3A_220 = arith.cmpi slt, %sub3A_219, %select_n3A : i32
      %and3A_221 = arith.andi %ge3A_215, %lt3A_220 : i1
      %convert_element_type3A_222 = arith.extui %and3A_221 : i1 to i32
      %cond3A_223 = arith.constant 0 : i32
      %cond3A_224 = arith.cmpi ne, %convert_element_type3A_222, %cond3A_223 : i32
      scf.if %cond3A_224 {
        %add3A_461 = arith.constant 10 : i32
        %add3A_462 = arith.addi %add3A_208, %add3A_461 : i32
        %sub3A_463 = arith.constant 1 : i32
        %sub3A_464 = arith.subi %add3A_462, %sub3A_463 : i32
        %dma_start3A_465 = arith.constant 0 : i32
        %dma_start3A_466 = tpu.memref_slice %arg6[%sub3A_464, %dma_start3A_465] : memref<80x128xi32, #tpu.memory_space<vmem>> -> memref<1x128xi32, #tpu.memory_space<vmem>>
        %dma_start3A_467 = tpu.memref_squeeze %dma_start3A_466 : memref<1x128xi32, #tpu.memory_space<vmem>> -> memref<128xi32, #tpu.memory_space<vmem>>
        %dma_start3A_468 = arith.constant 0 : i32
        %dma_start3A_469 = arith.constant 0 : i32
        %dma_start3A_470 = tpu.memref_slice %arg2[%dma_start3A_468, %dma_start3A_469] : memref<10240x64xbf16, #tpu.memory_space<hbm>> -> memref<10240x64xbf16, #tpu.memory_space<hbm>>
        tpu.enqueue_indirect_dma source(%dma_start3A_470 : memref<10240x64xbf16, #tpu.memory_space<hbm>>) target(%arg9 : memref<128x64xbf16, #tpu.memory_space<vmem>>) offsets(%dma_start3A_467 : memref<128xi32, #tpu.memory_space<vmem>>) semaphore(%arg20 : memref<!tpu.dma_semaphore, #tpu.memory_space<semaphore_mem>>)
      } else {
      }
      %dma_wait3A_225 = arith.constant 0 : i32
      %dma_wait3A_226 = arith.constant 0 : i32
      %dma_wait3A_227 = tpu.memref_slice %arg2[%dma_wait3A_225, %dma_wait3A_226] : memref<10240x64xbf16, #tpu.memory_space<hbm>> -> memref<128x64xbf16, #tpu.memory_space<hbm>>
      %dma_wait3A_228 = arith.constant 0 : i32
      %dma_wait3A_229 = arith.constant 0 : i32
      %dma_wait3A_230 = tpu.memref_slice %arg2[%dma_wait3A_228, %dma_wait3A_229] : memref<10240x64xbf16, #tpu.memory_space<hbm>> -> memref<128x64xbf16, #tpu.memory_space<hbm>>
      tpu.wait_dma2 semaphore(%arg21 : memref<!tpu.dma_semaphore, #tpu.memory_space<semaphore_mem>>) src(%dma_wait3A_230 : memref<128x64xbf16, #tpu.memory_space<hbm>>) dst(%arg10 : memref<128x64xbf16, #tpu.memory_space<vmem>>)
      %dma_start3A_231 = arith.constant 0 : i32
      %dma_start3A_232 = tpu.memref_slice %arg7[%add3A_208, %dma_start3A_231] : memref<80x128xi32, #tpu.memory_space<vmem>> -> memref<1x128xi32, #tpu.memory_space<vmem>>
      %dma_start3A_233 = tpu.memref_squeeze %dma_start3A_232 : memref<1x128xi32, #tpu.memory_space<vmem>> -> memref<128xi32, #tpu.memory_space<vmem>>
      %dma_start3A_234 = arith.constant 0 : i32
      %dma_start3A_235 = arith.constant 0 : i32
      %dma_start3A_236 = tpu.memref_slice %arg39[%dma_start3A_234, %dma_start3A_235] : memref<10240x64xbf16, #tpu.memory_space<vmem_shared>> -> memref<10240x64xbf16, #tpu.memory_space<vmem_shared>>
      tpu.enqueue_indirect_dma source(%arg10 : memref<128x64xbf16, #tpu.memory_space<vmem>>) target(%dma_start3A_236 : memref<10240x64xbf16, #tpu.memory_space<vmem_shared>>) offsets(%dma_start3A_233 : memref<128xi32, #tpu.memory_space<vmem>>) semaphore(%arg31 : memref<!tpu.dma_semaphore, #tpu.memory_space<semaphore_mem>>) {add = true}
      %mul3A_237 = arith.constant 10 : i32
      %mul3A_238 = arith.muli %while3A_141, %mul3A_237 : i32
      %add3A_239 = arith.constant 3 : i32
      %add3A_240 = arith.addi %mul3A_238, %add3A_239 : i32
      %ge3A_241 = arith.constant 1 : i32
      %ge3A_242 = arith.cmpi sge, %add3A_240, %ge3A_241 : i32
      %convert_element_type3A_243 = arith.extui %ge3A_242 : i1 to i32
      %cond3A_244 = arith.constant 0 : i32
      %cond3A_245 = arith.cmpi ne, %convert_element_type3A_243, %cond3A_244 : i32
      scf.if %cond3A_245 {
        %dma_wait3A_461 = arith.constant 0 : i32
        %dma_wait3A_462 = arith.constant 0 : i32
        %dma_wait3A_463 = tpu.memref_slice %arg2[%dma_wait3A_461, %dma_wait3A_462] : memref<10240x64xbf16, #tpu.memory_space<hbm>> -> memref<128x64xbf16, #tpu.memory_space<hbm>>
        %dma_wait3A_464 = arith.constant 0 : i32
        %dma_wait3A_465 = arith.constant 0 : i32
        %dma_wait3A_466 = tpu.memref_slice %arg2[%dma_wait3A_464, %dma_wait3A_465] : memref<10240x64xbf16, #tpu.memory_space<hbm>> -> memref<128x64xbf16, #tpu.memory_space<hbm>>
        tpu.wait_dma2 semaphore(%arg31 : memref<!tpu.dma_semaphore, #tpu.memory_space<semaphore_mem>>) src(%dma_wait3A_466 : memref<128x64xbf16, #tpu.memory_space<hbm>>) dst(%arg10 : memref<128x64xbf16, #tpu.memory_space<vmem>>)
      } else {
      }
      %ge3A_246 = arith.constant 1 : i32
      %ge3A_247 = arith.cmpi sge, %add3A_240, %ge3A_246 : i32
      %add3A_248 = arith.constant 10 : i32
      %add3A_249 = arith.addi %add3A_240, %add3A_248 : i32
      %sub3A_250 = arith.constant 1 : i32
      %sub3A_251 = arith.subi %add3A_249, %sub3A_250 : i32
      %lt3A_252 = arith.cmpi slt, %sub3A_251, %select_n3A : i32
      %and3A_253 = arith.andi %ge3A_247, %lt3A_252 : i1
      %convert_element_type3A_254 = arith.extui %and3A_253 : i1 to i32
      %cond3A_255 = arith.constant 0 : i32
      %cond3A_256 = arith.cmpi ne, %convert_element_type3A_254, %cond3A_255 : i32
      scf.if %cond3A_256 {
        %add3A_461 = arith.constant 10 : i32
        %add3A_462 = arith.addi %add3A_240, %add3A_461 : i32
        %sub3A_463 = arith.constant 1 : i32
        %sub3A_464 = arith.subi %add3A_462, %sub3A_463 : i32
        %dma_start3A_465 = arith.constant 0 : i32
        %dma_start3A_466 = tpu.memref_slice %arg6[%sub3A_464, %dma_start3A_465] : memref<80x128xi32, #tpu.memory_space<vmem>> -> memref<1x128xi32, #tpu.memory_space<vmem>>
        %dma_start3A_467 = tpu.memref_squeeze %dma_start3A_466 : memref<1x128xi32, #tpu.memory_space<vmem>> -> memref<128xi32, #tpu.memory_space<vmem>>
        %dma_start3A_468 = arith.constant 0 : i32
        %dma_start3A_469 = arith.constant 0 : i32
        %dma_start3A_470 = tpu.memref_slice %arg2[%dma_start3A_468, %dma_start3A_469] : memref<10240x64xbf16, #tpu.memory_space<hbm>> -> memref<10240x64xbf16, #tpu.memory_space<hbm>>
        tpu.enqueue_indirect_dma source(%dma_start3A_470 : memref<10240x64xbf16, #tpu.memory_space<hbm>>) target(%arg10 : memref<128x64xbf16, #tpu.memory_space<vmem>>) offsets(%dma_start3A_467 : memref<128xi32, #tpu.memory_space<vmem>>) semaphore(%arg21 : memref<!tpu.dma_semaphore, #tpu.memory_space<semaphore_mem>>)
      } else {
      }
      %dma_wait3A_257 = arith.constant 0 : i32
      %dma_wait3A_258 = arith.constant 0 : i32
      %dma_wait3A_259 = tpu.memref_slice %arg2[%dma_wait3A_257, %dma_wait3A_258] : memref<10240x64xbf16, #tpu.memory_space<hbm>> -> memref<128x64xbf16, #tpu.memory_space<hbm>>
      %dma_wait3A_260 = arith.constant 0 : i32
      %dma_wait3A_261 = arith.constant 0 : i32
      %dma_wait3A_262 = tpu.memref_slice %arg2[%dma_wait3A_260, %dma_wait3A_261] : memref<10240x64xbf16, #tpu.memory_space<hbm>> -> memref<128x64xbf16, #tpu.memory_space<hbm>>
      tpu.wait_dma2 semaphore(%arg22 : memref<!tpu.dma_semaphore, #tpu.memory_space<semaphore_mem>>) src(%dma_wait3A_262 : memref<128x64xbf16, #tpu.memory_space<hbm>>) dst(%arg11 : memref<128x64xbf16, #tpu.memory_space<vmem>>)
      %dma_start3A_263 = arith.constant 0 : i32
      %dma_start3A_264 = tpu.memref_slice %arg7[%add3A_240, %dma_start3A_263] : memref<80x128xi32, #tpu.memory_space<vmem>> -> memref<1x128xi32, #tpu.memory_space<vmem>>
      %dma_start3A_265 = tpu.memref_squeeze %dma_start3A_264 : memref<1x128xi32, #tpu.memory_space<vmem>> -> memref<128xi32, #tpu.memory_space<vmem>>
      %dma_start3A_266 = arith.constant 0 : i32
      %dma_start3A_267 = arith.constant 0 : i32
      %dma_start3A_268 = tpu.memref_slice %arg39[%dma_start3A_266, %dma_start3A_267] : memref<10240x64xbf16, #tpu.memory_space<vmem_shared>> -> memref<10240x64xbf16, #tpu.memory_space<vmem_shared>>
      tpu.enqueue_indirect_dma source(%arg11 : memref<128x64xbf16, #tpu.memory_space<vmem>>) target(%dma_start3A_268 : memref<10240x64xbf16, #tpu.memory_space<vmem_shared>>) offsets(%dma_start3A_265 : memref<128xi32, #tpu.memory_space<vmem>>) semaphore(%arg32 : memref<!tpu.dma_semaphore, #tpu.memory_space<semaphore_mem>>) {add = true}
      %mul3A_269 = arith.constant 10 : i32
      %mul3A_270 = arith.muli %while3A_141, %mul3A_269 : i32
      %add3A_271 = arith.constant 4 : i32
      %add3A_272 = arith.addi %mul3A_270, %add3A_271 : i32
      %ge3A_273 = arith.constant 1 : i32
      %ge3A_274 = arith.cmpi sge, %add3A_272, %ge3A_273 : i32
      %convert_element_type3A_275 = arith.extui %ge3A_274 : i1 to i32
      %cond3A_276 = arith.constant 0 : i32
      %cond3A_277 = arith.cmpi ne, %convert_element_type3A_275, %cond3A_276 : i32
      scf.if %cond3A_277 {
        %dma_wait3A_461 = arith.constant 0 : i32
        %dma_wait3A_462 = arith.constant 0 : i32
        %dma_wait3A_463 = tpu.memref_slice %arg2[%dma_wait3A_461, %dma_wait3A_462] : memref<10240x64xbf16, #tpu.memory_space<hbm>> -> memref<128x64xbf16, #tpu.memory_space<hbm>>
        %dma_wait3A_464 = arith.constant 0 : i32
        %dma_wait3A_465 = arith.constant 0 : i32
        %dma_wait3A_466 = tpu.memref_slice %arg2[%dma_wait3A_464, %dma_wait3A_465] : memref<10240x64xbf16, #tpu.memory_space<hbm>> -> memref<128x64xbf16, #tpu.memory_space<hbm>>
        tpu.wait_dma2 semaphore(%arg32 : memref<!tpu.dma_semaphore, #tpu.memory_space<semaphore_mem>>) src(%dma_wait3A_466 : memref<128x64xbf16, #tpu.memory_space<hbm>>) dst(%arg11 : memref<128x64xbf16, #tpu.memory_space<vmem>>)
      } else {
      }
      %ge3A_278 = arith.constant 1 : i32
      %ge3A_279 = arith.cmpi sge, %add3A_272, %ge3A_278 : i32
      %add3A_280 = arith.constant 10 : i32
      %add3A_281 = arith.addi %add3A_272, %add3A_280 : i32
      %sub3A_282 = arith.constant 1 : i32
      %sub3A_283 = arith.subi %add3A_281, %sub3A_282 : i32
      %lt3A_284 = arith.cmpi slt, %sub3A_283, %select_n3A : i32
      %and3A_285 = arith.andi %ge3A_279, %lt3A_284 : i1
      %convert_element_type3A_286 = arith.extui %and3A_285 : i1 to i32
      %cond3A_287 = arith.constant 0 : i32
      %cond3A_288 = arith.cmpi ne, %convert_element_type3A_286, %cond3A_287 : i32
      scf.if %cond3A_288 {
        %add3A_461 = arith.constant 10 : i32
        %add3A_462 = arith.addi %add3A_272, %add3A_461 : i32
        %sub3A_463 = arith.constant 1 : i32
        %sub3A_464 = arith.subi %add3A_462, %sub3A_463 : i32
        %dma_start3A_465 = arith.constant 0 : i32
        %dma_start3A_466 = tpu.memref_slice %arg6[%sub3A_464, %dma_start3A_465] : memref<80x128xi32, #tpu.memory_space<vmem>> -> memref<1x128xi32, #tpu.memory_space<vmem>>
        %dma_start3A_467 = tpu.memref_squeeze %dma_start3A_466 : memref<1x128xi32, #tpu.memory_space<vmem>> -> memref<128xi32, #tpu.memory_space<vmem>>
        %dma_start3A_468 = arith.constant 0 : i32
        %dma_start3A_469 = arith.constant 0 : i32
        %dma_start3A_470 = tpu.memref_slice %arg2[%dma_start3A_468, %dma_start3A_469] : memref<10240x64xbf16, #tpu.memory_space<hbm>> -> memref<10240x64xbf16, #tpu.memory_space<hbm>>
        tpu.enqueue_indirect_dma source(%dma_start3A_470 : memref<10240x64xbf16, #tpu.memory_space<hbm>>) target(%arg11 : memref<128x64xbf16, #tpu.memory_space<vmem>>) offsets(%dma_start3A_467 : memref<128xi32, #tpu.memory_space<vmem>>) semaphore(%arg22 : memref<!tpu.dma_semaphore, #tpu.memory_space<semaphore_mem>>)
      } else {
      }
      %dma_wait3A_289 = arith.constant 0 : i32
      %dma_wait3A_290 = arith.constant 0 : i32
      %dma_wait3A_291 = tpu.memref_slice %arg2[%dma_wait3A_289, %dma_wait3A_290] : memref<10240x64xbf16, #tpu.memory_space<hbm>> -> memref<128x64xbf16, #tpu.memory_space<hbm>>
      %dma_wait3A_292 = arith.constant 0 : i32
      %dma_wait3A_293 = arith.constant 0 : i32
      %dma_wait3A_294 = tpu.memref_slice %arg2[%dma_wait3A_292, %dma_wait3A_293] : memref<10240x64xbf16, #tpu.memory_space<hbm>> -> memref<128x64xbf16, #tpu.memory_space<hbm>>
      tpu.wait_dma2 semaphore(%arg23 : memref<!tpu.dma_semaphore, #tpu.memory_space<semaphore_mem>>) src(%dma_wait3A_294 : memref<128x64xbf16, #tpu.memory_space<hbm>>) dst(%arg12 : memref<128x64xbf16, #tpu.memory_space<vmem>>)
      %dma_start3A_295 = arith.constant 0 : i32
      %dma_start3A_296 = tpu.memref_slice %arg7[%add3A_272, %dma_start3A_295] : memref<80x128xi32, #tpu.memory_space<vmem>> -> memref<1x128xi32, #tpu.memory_space<vmem>>
      %dma_start3A_297 = tpu.memref_squeeze %dma_start3A_296 : memref<1x128xi32, #tpu.memory_space<vmem>> -> memref<128xi32, #tpu.memory_space<vmem>>
      %dma_start3A_298 = arith.constant 0 : i32
      %dma_start3A_299 = arith.constant 0 : i32
      %dma_start3A_300 = tpu.memref_slice %arg39[%dma_start3A_298, %dma_start3A_299] : memref<10240x64xbf16, #tpu.memory_space<vmem_shared>> -> memref<10240x64xbf16, #tpu.memory_space<vmem_shared>>
      tpu.enqueue_indirect_dma source(%arg12 : memref<128x64xbf16, #tpu.memory_space<vmem>>) target(%dma_start3A_300 : memref<10240x64xbf16, #tpu.memory_space<vmem_shared>>) offsets(%dma_start3A_297 : memref<128xi32, #tpu.memory_space<vmem>>) semaphore(%arg33 : memref<!tpu.dma_semaphore, #tpu.memory_space<semaphore_mem>>) {add = true}
      %mul3A_301 = arith.constant 10 : i32
      %mul3A_302 = arith.muli %while3A_141, %mul3A_301 : i32
      %add3A_303 = arith.constant 5 : i32
      %add3A_304 = arith.addi %mul3A_302, %add3A_303 : i32
      %ge3A_305 = arith.constant 1 : i32
      %ge3A_306 = arith.cmpi sge, %add3A_304, %ge3A_305 : i32
      %convert_element_type3A_307 = arith.extui %ge3A_306 : i1 to i32
      %cond3A_308 = arith.constant 0 : i32
      %cond3A_309 = arith.cmpi ne, %convert_element_type3A_307, %cond3A_308 : i32
      scf.if %cond3A_309 {
        %dma_wait3A_461 = arith.constant 0 : i32
        %dma_wait3A_462 = arith.constant 0 : i32
        %dma_wait3A_463 = tpu.memref_slice %arg2[%dma_wait3A_461, %dma_wait3A_462] : memref<10240x64xbf16, #tpu.memory_space<hbm>> -> memref<128x64xbf16, #tpu.memory_space<hbm>>
        %dma_wait3A_464 = arith.constant 0 : i32
        %dma_wait3A_465 = arith.constant 0 : i32
        %dma_wait3A_466 = tpu.memref_slice %arg2[%dma_wait3A_464, %dma_wait3A_465] : memref<10240x64xbf16, #tpu.memory_space<hbm>> -> memref<128x64xbf16, #tpu.memory_space<hbm>>
        tpu.wait_dma2 semaphore(%arg33 : memref<!tpu.dma_semaphore, #tpu.memory_space<semaphore_mem>>) src(%dma_wait3A_466 : memref<128x64xbf16, #tpu.memory_space<hbm>>) dst(%arg12 : memref<128x64xbf16, #tpu.memory_space<vmem>>)
      } else {
      }
      %ge3A_310 = arith.constant 1 : i32
      %ge3A_311 = arith.cmpi sge, %add3A_304, %ge3A_310 : i32
      %add3A_312 = arith.constant 10 : i32
      %add3A_313 = arith.addi %add3A_304, %add3A_312 : i32
      %sub3A_314 = arith.constant 1 : i32
      %sub3A_315 = arith.subi %add3A_313, %sub3A_314 : i32
      %lt3A_316 = arith.cmpi slt, %sub3A_315, %select_n3A : i32
      %and3A_317 = arith.andi %ge3A_311, %lt3A_316 : i1
      %convert_element_type3A_318 = arith.extui %and3A_317 : i1 to i32
      %cond3A_319 = arith.constant 0 : i32
      %cond3A_320 = arith.cmpi ne, %convert_element_type3A_318, %cond3A_319 : i32
      scf.if %cond3A_320 {
        %add3A_461 = arith.constant 10 : i32
        %add3A_462 = arith.addi %add3A_304, %add3A_461 : i32
        %sub3A_463 = arith.constant 1 : i32
        %sub3A_464 = arith.subi %add3A_462, %sub3A_463 : i32
        %dma_start3A_465 = arith.constant 0 : i32
        %dma_start3A_466 = tpu.memref_slice %arg6[%sub3A_464, %dma_start3A_465] : memref<80x128xi32, #tpu.memory_space<vmem>> -> memref<1x128xi32, #tpu.memory_space<vmem>>
        %dma_start3A_467 = tpu.memref_squeeze %dma_start3A_466 : memref<1x128xi32, #tpu.memory_space<vmem>> -> memref<128xi32, #tpu.memory_space<vmem>>
        %dma_start3A_468 = arith.constant 0 : i32
        %dma_start3A_469 = arith.constant 0 : i32
        %dma_start3A_470 = tpu.memref_slice %arg2[%dma_start3A_468, %dma_start3A_469] : memref<10240x64xbf16, #tpu.memory_space<hbm>> -> memref<10240x64xbf16, #tpu.memory_space<hbm>>
        tpu.enqueue_indirect_dma source(%dma_start3A_470 : memref<10240x64xbf16, #tpu.memory_space<hbm>>) target(%arg12 : memref<128x64xbf16, #tpu.memory_space<vmem>>) offsets(%dma_start3A_467 : memref<128xi32, #tpu.memory_space<vmem>>) semaphore(%arg23 : memref<!tpu.dma_semaphore, #tpu.memory_space<semaphore_mem>>)
      } else {
      }
      %dma_wait3A_321 = arith.constant 0 : i32
      %dma_wait3A_322 = arith.constant 0 : i32
      %dma_wait3A_323 = tpu.memref_slice %arg2[%dma_wait3A_321, %dma_wait3A_322] : memref<10240x64xbf16, #tpu.memory_space<hbm>> -> memref<128x64xbf16, #tpu.memory_space<hbm>>
      %dma_wait3A_324 = arith.constant 0 : i32
      %dma_wait3A_325 = arith.constant 0 : i32
      %dma_wait3A_326 = tpu.memref_slice %arg2[%dma_wait3A_324, %dma_wait3A_325] : memref<10240x64xbf16, #tpu.memory_space<hbm>> -> memref<128x64xbf16, #tpu.memory_space<hbm>>
      tpu.wait_dma2 semaphore(%arg24 : memref<!tpu.dma_semaphore, #tpu.memory_space<semaphore_mem>>) src(%dma_wait3A_326 : memref<128x64xbf16, #tpu.memory_space<hbm>>) dst(%arg13 : memref<128x64xbf16, #tpu.memory_space<vmem>>)
      %dma_start3A_327 = arith.constant 0 : i32
      %dma_start3A_328 = tpu.memref_slice %arg7[%add3A_304, %dma_start3A_327] : memref<80x128xi32, #tpu.memory_space<vmem>> -> memref<1x128xi32, #tpu.memory_space<vmem>>
      %dma_start3A_329 = tpu.memref_squeeze %dma_start3A_328 : memref<1x128xi32, #tpu.memory_space<vmem>> -> memref<128xi32, #tpu.memory_space<vmem>>
      %dma_start3A_330 = arith.constant 0 : i32
      %dma_start3A_331 = arith.constant 0 : i32
      %dma_start3A_332 = tpu.memref_slice %arg39[%dma_start3A_330, %dma_start3A_331] : memref<10240x64xbf16, #tpu.memory_space<vmem_shared>> -> memref<10240x64xbf16, #tpu.memory_space<vmem_shared>>
      tpu.enqueue_indirect_dma source(%arg13 : memref<128x64xbf16, #tpu.memory_space<vmem>>) target(%dma_start3A_332 : memref<10240x64xbf16, #tpu.memory_space<vmem_shared>>) offsets(%dma_start3A_329 : memref<128xi32, #tpu.memory_space<vmem>>) semaphore(%arg34 : memref<!tpu.dma_semaphore, #tpu.memory_space<semaphore_mem>>) {add = true}
      %mul3A_333 = arith.constant 10 : i32
      %mul3A_334 = arith.muli %while3A_141, %mul3A_333 : i32
      %add3A_335 = arith.constant 6 : i32
      %add3A_336 = arith.addi %mul3A_334, %add3A_335 : i32
      %ge3A_337 = arith.constant 1 : i32
      %ge3A_338 = arith.cmpi sge, %add3A_336, %ge3A_337 : i32
      %convert_element_type3A_339 = arith.extui %ge3A_338 : i1 to i32
      %cond3A_340 = arith.constant 0 : i32
      %cond3A_341 = arith.cmpi ne, %convert_element_type3A_339, %cond3A_340 : i32
      scf.if %cond3A_341 {
        %dma_wait3A_461 = arith.constant 0 : i32
        %dma_wait3A_462 = arith.constant 0 : i32
        %dma_wait3A_463 = tpu.memref_slice %arg2[%dma_wait3A_461, %dma_wait3A_462] : memref<10240x64xbf16, #tpu.memory_space<hbm>> -> memref<128x64xbf16, #tpu.memory_space<hbm>>
        %dma_wait3A_464 = arith.constant 0 : i32
        %dma_wait3A_465 = arith.constant 0 : i32
        %dma_wait3A_466 = tpu.memref_slice %arg2[%dma_wait3A_464, %dma_wait3A_465] : memref<10240x64xbf16, #tpu.memory_space<hbm>> -> memref<128x64xbf16, #tpu.memory_space<hbm>>
        tpu.wait_dma2 semaphore(%arg34 : memref<!tpu.dma_semaphore, #tpu.memory_space<semaphore_mem>>) src(%dma_wait3A_466 : memref<128x64xbf16, #tpu.memory_space<hbm>>) dst(%arg13 : memref<128x64xbf16, #tpu.memory_space<vmem>>)
      } else {
      }
      %ge3A_342 = arith.constant 1 : i32
      %ge3A_343 = arith.cmpi sge, %add3A_336, %ge3A_342 : i32
      %add3A_344 = arith.constant 10 : i32
      %add3A_345 = arith.addi %add3A_336, %add3A_344 : i32
      %sub3A_346 = arith.constant 1 : i32
      %sub3A_347 = arith.subi %add3A_345, %sub3A_346 : i32
      %lt3A_348 = arith.cmpi slt, %sub3A_347, %select_n3A : i32
      %and3A_349 = arith.andi %ge3A_343, %lt3A_348 : i1
      %convert_element_type3A_350 = arith.extui %and3A_349 : i1 to i32
      %cond3A_351 = arith.constant 0 : i32
      %cond3A_352 = arith.cmpi ne, %convert_element_type3A_350, %cond3A_351 : i32
      scf.if %cond3A_352 {
        %add3A_461 = arith.constant 10 : i32
        %add3A_462 = arith.addi %add3A_336, %add3A_461 : i32
        %sub3A_463 = arith.constant 1 : i32
        %sub3A_464 = arith.subi %add3A_462, %sub3A_463 : i32
        %dma_start3A_465 = arith.constant 0 : i32
        %dma_start3A_466 = tpu.memref_slice %arg6[%sub3A_464, %dma_start3A_465] : memref<80x128xi32, #tpu.memory_space<vmem>> -> memref<1x128xi32, #tpu.memory_space<vmem>>
        %dma_start3A_467 = tpu.memref_squeeze %dma_start3A_466 : memref<1x128xi32, #tpu.memory_space<vmem>> -> memref<128xi32, #tpu.memory_space<vmem>>
        %dma_start3A_468 = arith.constant 0 : i32
        %dma_start3A_469 = arith.constant 0 : i32
        %dma_start3A_470 = tpu.memref_slice %arg2[%dma_start3A_468, %dma_start3A_469] : memref<10240x64xbf16, #tpu.memory_space<hbm>> -> memref<10240x64xbf16, #tpu.memory_space<hbm>>
        tpu.enqueue_indirect_dma source(%dma_start3A_470 : memref<10240x64xbf16, #tpu.memory_space<hbm>>) target(%arg13 : memref<128x64xbf16, #tpu.memory_space<vmem>>) offsets(%dma_start3A_467 : memref<128xi32, #tpu.memory_space<vmem>>) semaphore(%arg24 : memref<!tpu.dma_semaphore, #tpu.memory_space<semaphore_mem>>)
      } else {
      }
      %dma_wait3A_353 = arith.constant 0 : i32
      %dma_wait3A_354 = arith.constant 0 : i32
      %dma_wait3A_355 = tpu.memref_slice %arg2[%dma_wait3A_353, %dma_wait3A_354] : memref<10240x64xbf16, #tpu.memory_space<hbm>> -> memref<128x64xbf16, #tpu.memory_space<hbm>>
      %dma_wait3A_356 = arith.constant 0 : i32
      %dma_wait3A_357 = arith.constant 0 : i32
      %dma_wait3A_358 = tpu.memref_slice %arg2[%dma_wait3A_356, %dma_wait3A_357] : memref<10240x64xbf16, #tpu.memory_space<hbm>> -> memref<128x64xbf16, #tpu.memory_space<hbm>>
      tpu.wait_dma2 semaphore(%arg25 : memref<!tpu.dma_semaphore, #tpu.memory_space<semaphore_mem>>) src(%dma_wait3A_358 : memref<128x64xbf16, #tpu.memory_space<hbm>>) dst(%arg14 : memref<128x64xbf16, #tpu.memory_space<vmem>>)
      %dma_start3A_359 = arith.constant 0 : i32
      %dma_start3A_360 = tpu.memref_slice %arg7[%add3A_336, %dma_start3A_359] : memref<80x128xi32, #tpu.memory_space<vmem>> -> memref<1x128xi32, #tpu.memory_space<vmem>>
      %dma_start3A_361 = tpu.memref_squeeze %dma_start3A_360 : memref<1x128xi32, #tpu.memory_space<vmem>> -> memref<128xi32, #tpu.memory_space<vmem>>
      %dma_start3A_362 = arith.constant 0 : i32
      %dma_start3A_363 = arith.constant 0 : i32
      %dma_start3A_364 = tpu.memref_slice %arg39[%dma_start3A_362, %dma_start3A_363] : memref<10240x64xbf16, #tpu.memory_space<vmem_shared>> -> memref<10240x64xbf16, #tpu.memory_space<vmem_shared>>
      tpu.enqueue_indirect_dma source(%arg14 : memref<128x64xbf16, #tpu.memory_space<vmem>>) target(%dma_start3A_364 : memref<10240x64xbf16, #tpu.memory_space<vmem_shared>>) offsets(%dma_start3A_361 : memref<128xi32, #tpu.memory_space<vmem>>) semaphore(%arg35 : memref<!tpu.dma_semaphore, #tpu.memory_space<semaphore_mem>>) {add = true}
      %mul3A_365 = arith.constant 10 : i32
      %mul3A_366 = arith.muli %while3A_141, %mul3A_365 : i32
      %add3A_367 = arith.constant 7 : i32
      %add3A_368 = arith.addi %mul3A_366, %add3A_367 : i32
      %ge3A_369 = arith.constant 1 : i32
      %ge3A_370 = arith.cmpi sge, %add3A_368, %ge3A_369 : i32
      %convert_element_type3A_371 = arith.extui %ge3A_370 : i1 to i32
      %cond3A_372 = arith.constant 0 : i32
      %cond3A_373 = arith.cmpi ne, %convert_element_type3A_371, %cond3A_372 : i32
      scf.if %cond3A_373 {
        %dma_wait3A_461 = arith.constant 0 : i32
        %dma_wait3A_462 = arith.constant 0 : i32
        %dma_wait3A_463 = tpu.memref_slice %arg2[%dma_wait3A_461, %dma_wait3A_462] : memref<10240x64xbf16, #tpu.memory_space<hbm>> -> memref<128x64xbf16, #tpu.memory_space<hbm>>
        %dma_wait3A_464 = arith.constant 0 : i32
        %dma_wait3A_465 = arith.constant 0 : i32
        %dma_wait3A_466 = tpu.memref_slice %arg2[%dma_wait3A_464, %dma_wait3A_465] : memref<10240x64xbf16, #tpu.memory_space<hbm>> -> memref<128x64xbf16, #tpu.memory_space<hbm>>
        tpu.wait_dma2 semaphore(%arg35 : memref<!tpu.dma_semaphore, #tpu.memory_space<semaphore_mem>>) src(%dma_wait3A_466 : memref<128x64xbf16, #tpu.memory_space<hbm>>) dst(%arg14 : memref<128x64xbf16, #tpu.memory_space<vmem>>)
      } else {
      }
      %ge3A_374 = arith.constant 1 : i32
      %ge3A_375 = arith.cmpi sge, %add3A_368, %ge3A_374 : i32
      %add3A_376 = arith.constant 10 : i32
      %add3A_377 = arith.addi %add3A_368, %add3A_376 : i32
      %sub3A_378 = arith.constant 1 : i32
      %sub3A_379 = arith.subi %add3A_377, %sub3A_378 : i32
      %lt3A_380 = arith.cmpi slt, %sub3A_379, %select_n3A : i32
      %and3A_381 = arith.andi %ge3A_375, %lt3A_380 : i1
      %convert_element_type3A_382 = arith.extui %and3A_381 : i1 to i32
      %cond3A_383 = arith.constant 0 : i32
      %cond3A_384 = arith.cmpi ne, %convert_element_type3A_382, %cond3A_383 : i32
      scf.if %cond3A_384 {
        %add3A_461 = arith.constant 10 : i32
        %add3A_462 = arith.addi %add3A_368, %add3A_461 : i32
        %sub3A_463 = arith.constant 1 : i32
        %sub3A_464 = arith.subi %add3A_462, %sub3A_463 : i32
        %dma_start3A_465 = arith.constant 0 : i32
        %dma_start3A_466 = tpu.memref_slice %arg6[%sub3A_464, %dma_start3A_465] : memref<80x128xi32, #tpu.memory_space<vmem>> -> memref<1x128xi32, #tpu.memory_space<vmem>>
        %dma_start3A_467 = tpu.memref_squeeze %dma_start3A_466 : memref<1x128xi32, #tpu.memory_space<vmem>> -> memref<128xi32, #tpu.memory_space<vmem>>
        %dma_start3A_468 = arith.constant 0 : i32
        %dma_start3A_469 = arith.constant 0 : i32
        %dma_start3A_470 = tpu.memref_slice %arg2[%dma_start3A_468, %dma_start3A_469] : memref<10240x64xbf16, #tpu.memory_space<hbm>> -> memref<10240x64xbf16, #tpu.memory_space<hbm>>
        tpu.enqueue_indirect_dma source(%dma_start3A_470 : memref<10240x64xbf16, #tpu.memory_space<hbm>>) target(%arg14 : memref<128x64xbf16, #tpu.memory_space<vmem>>) offsets(%dma_start3A_467 : memref<128xi32, #tpu.memory_space<vmem>>) semaphore(%arg25 : memref<!tpu.dma_semaphore, #tpu.memory_space<semaphore_mem>>)
      } else {
      }
      %dma_wait3A_385 = arith.constant 0 : i32
      %dma_wait3A_386 = arith.constant 0 : i32
      %dma_wait3A_387 = tpu.memref_slice %arg2[%dma_wait3A_385, %dma_wait3A_386] : memref<10240x64xbf16, #tpu.memory_space<hbm>> -> memref<128x64xbf16, #tpu.memory_space<hbm>>
      %dma_wait3A_388 = arith.constant 0 : i32
      %dma_wait3A_389 = arith.constant 0 : i32
      %dma_wait3A_390 = tpu.memref_slice %arg2[%dma_wait3A_388, %dma_wait3A_389] : memref<10240x64xbf16, #tpu.memory_space<hbm>> -> memref<128x64xbf16, #tpu.memory_space<hbm>>
      tpu.wait_dma2 semaphore(%arg26 : memref<!tpu.dma_semaphore, #tpu.memory_space<semaphore_mem>>) src(%dma_wait3A_390 : memref<128x64xbf16, #tpu.memory_space<hbm>>) dst(%arg15 : memref<128x64xbf16, #tpu.memory_space<vmem>>)
      %dma_start3A_391 = arith.constant 0 : i32
      %dma_start3A_392 = tpu.memref_slice %arg7[%add3A_368, %dma_start3A_391] : memref<80x128xi32, #tpu.memory_space<vmem>> -> memref<1x128xi32, #tpu.memory_space<vmem>>
      %dma_start3A_393 = tpu.memref_squeeze %dma_start3A_392 : memref<1x128xi32, #tpu.memory_space<vmem>> -> memref<128xi32, #tpu.memory_space<vmem>>
      %dma_start3A_394 = arith.constant 0 : i32
      %dma_start3A_395 = arith.constant 0 : i32
      %dma_start3A_396 = tpu.memref_slice %arg39[%dma_start3A_394, %dma_start3A_395] : memref<10240x64xbf16, #tpu.memory_space<vmem_shared>> -> memref<10240x64xbf16, #tpu.memory_space<vmem_shared>>
      tpu.enqueue_indirect_dma source(%arg15 : memref<128x64xbf16, #tpu.memory_space<vmem>>) target(%dma_start3A_396 : memref<10240x64xbf16, #tpu.memory_space<vmem_shared>>) offsets(%dma_start3A_393 : memref<128xi32, #tpu.memory_space<vmem>>) semaphore(%arg36 : memref<!tpu.dma_semaphore, #tpu.memory_space<semaphore_mem>>) {add = true}
      %mul3A_397 = arith.constant 10 : i32
      %mul3A_398 = arith.muli %while3A_141, %mul3A_397 : i32
      %add3A_399 = arith.constant 8 : i32
      %add3A_400 = arith.addi %mul3A_398, %add3A_399 : i32
      %ge3A_401 = arith.constant 1 : i32
      %ge3A_402 = arith.cmpi sge, %add3A_400, %ge3A_401 : i32
      %convert_element_type3A_403 = arith.extui %ge3A_402 : i1 to i32
      %cond3A_404 = arith.constant 0 : i32
      %cond3A_405 = arith.cmpi ne, %convert_element_type3A_403, %cond3A_404 : i32
      scf.if %cond3A_405 {
        %dma_wait3A_461 = arith.constant 0 : i32
        %dma_wait3A_462 = arith.constant 0 : i32
        %dma_wait3A_463 = tpu.memref_slice %arg2[%dma_wait3A_461, %dma_wait3A_462] : memref<10240x64xbf16, #tpu.memory_space<hbm>> -> memref<128x64xbf16, #tpu.memory_space<hbm>>
        %dma_wait3A_464 = arith.constant 0 : i32
        %dma_wait3A_465 = arith.constant 0 : i32
        %dma_wait3A_466 = tpu.memref_slice %arg2[%dma_wait3A_464, %dma_wait3A_465] : memref<10240x64xbf16, #tpu.memory_space<hbm>> -> memref<128x64xbf16, #tpu.memory_space<hbm>>
        tpu.wait_dma2 semaphore(%arg36 : memref<!tpu.dma_semaphore, #tpu.memory_space<semaphore_mem>>) src(%dma_wait3A_466 : memref<128x64xbf16, #tpu.memory_space<hbm>>) dst(%arg15 : memref<128x64xbf16, #tpu.memory_space<vmem>>)
      } else {
      }
      %ge3A_406 = arith.constant 1 : i32
      %ge3A_407 = arith.cmpi sge, %add3A_400, %ge3A_406 : i32
      %add3A_408 = arith.constant 10 : i32
      %add3A_409 = arith.addi %add3A_400, %add3A_408 : i32
      %sub3A_410 = arith.constant 1 : i32
      %sub3A_411 = arith.subi %add3A_409, %sub3A_410 : i32
      %lt3A_412 = arith.cmpi slt, %sub3A_411, %select_n3A : i32
      %and3A_413 = arith.andi %ge3A_407, %lt3A_412 : i1
      %convert_element_type3A_414 = arith.extui %and3A_413 : i1 to i32
      %cond3A_415 = arith.constant 0 : i32
      %cond3A_416 = arith.cmpi ne, %convert_element_type3A_414, %cond3A_415 : i32
      scf.if %cond3A_416 {
        %add3A_461 = arith.constant 10 : i32
        %add3A_462 = arith.addi %add3A_400, %add3A_461 : i32
        %sub3A_463 = arith.constant 1 : i32
        %sub3A_464 = arith.subi %add3A_462, %sub3A_463 : i32
        %dma_start3A_465 = arith.constant 0 : i32
        %dma_start3A_466 = tpu.memref_slice %arg6[%sub3A_464, %dma_start3A_465] : memref<80x128xi32, #tpu.memory_space<vmem>> -> memref<1x128xi32, #tpu.memory_space<vmem>>
        %dma_start3A_467 = tpu.memref_squeeze %dma_start3A_466 : memref<1x128xi32, #tpu.memory_space<vmem>> -> memref<128xi32, #tpu.memory_space<vmem>>
        %dma_start3A_468 = arith.constant 0 : i32
        %dma_start3A_469 = arith.constant 0 : i32
        %dma_start3A_470 = tpu.memref_slice %arg2[%dma_start3A_468, %dma_start3A_469] : memref<10240x64xbf16, #tpu.memory_space<hbm>> -> memref<10240x64xbf16, #tpu.memory_space<hbm>>
        tpu.enqueue_indirect_dma source(%dma_start3A_470 : memref<10240x64xbf16, #tpu.memory_space<hbm>>) target(%arg15 : memref<128x64xbf16, #tpu.memory_space<vmem>>) offsets(%dma_start3A_467 : memref<128xi32, #tpu.memory_space<vmem>>) semaphore(%arg26 : memref<!tpu.dma_semaphore, #tpu.memory_space<semaphore_mem>>)
      } else {
      }
      %dma_wait3A_417 = arith.constant 0 : i32
      %dma_wait3A_418 = arith.constant 0 : i32
      %dma_wait3A_419 = tpu.memref_slice %arg2[%dma_wait3A_417, %dma_wait3A_418] : memref<10240x64xbf16, #tpu.memory_space<hbm>> -> memref<128x64xbf16, #tpu.memory_space<hbm>>
      %dma_wait3A_420 = arith.constant 0 : i32
      %dma_wait3A_421 = arith.constant 0 : i32
      %dma_wait3A_422 = tpu.memref_slice %arg2[%dma_wait3A_420, %dma_wait3A_421] : memref<10240x64xbf16, #tpu.memory_space<hbm>> -> memref<128x64xbf16, #tpu.memory_space<hbm>>
      tpu.wait_dma2 semaphore(%arg27 : memref<!tpu.dma_semaphore, #tpu.memory_space<semaphore_mem>>) src(%dma_wait3A_422 : memref<128x64xbf16, #tpu.memory_space<hbm>>) dst(%arg16 : memref<128x64xbf16, #tpu.memory_space<vmem>>)
      %dma_start3A_423 = arith.constant 0 : i32
      %dma_start3A_424 = tpu.memref_slice %arg7[%add3A_400, %dma_start3A_423] : memref<80x128xi32, #tpu.memory_space<vmem>> -> memref<1x128xi32, #tpu.memory_space<vmem>>
      %dma_start3A_425 = tpu.memref_squeeze %dma_start3A_424 : memref<1x128xi32, #tpu.memory_space<vmem>> -> memref<128xi32, #tpu.memory_space<vmem>>
      %dma_start3A_426 = arith.constant 0 : i32
      %dma_start3A_427 = arith.constant 0 : i32
      %dma_start3A_428 = tpu.memref_slice %arg39[%dma_start3A_426, %dma_start3A_427] : memref<10240x64xbf16, #tpu.memory_space<vmem_shared>> -> memref<10240x64xbf16, #tpu.memory_space<vmem_shared>>
      tpu.enqueue_indirect_dma source(%arg16 : memref<128x64xbf16, #tpu.memory_space<vmem>>) target(%dma_start3A_428 : memref<10240x64xbf16, #tpu.memory_space<vmem_shared>>) offsets(%dma_start3A_425 : memref<128xi32, #tpu.memory_space<vmem>>) semaphore(%arg37 : memref<!tpu.dma_semaphore, #tpu.memory_space<semaphore_mem>>) {add = true}
      %mul3A_429 = arith.constant 10 : i32
      %mul3A_430 = arith.muli %while3A_141, %mul3A_429 : i32
      %add3A_431 = arith.constant 9 : i32
      %add3A_432 = arith.addi %mul3A_430, %add3A_431 : i32
      %ge3A_433 = arith.constant 1 : i32
      %ge3A_434 = arith.cmpi sge, %add3A_432, %ge3A_433 : i32
      %convert_element_type3A_435 = arith.extui %ge3A_434 : i1 to i32
      %cond3A_436 = arith.constant 0 : i32
      %cond3A_437 = arith.cmpi ne, %convert_element_type3A_435, %cond3A_436 : i32
      scf.if %cond3A_437 {
        %dma_wait3A_461 = arith.constant 0 : i32
        %dma_wait3A_462 = arith.constant 0 : i32
        %dma_wait3A_463 = tpu.memref_slice %arg2[%dma_wait3A_461, %dma_wait3A_462] : memref<10240x64xbf16, #tpu.memory_space<hbm>> -> memref<128x64xbf16, #tpu.memory_space<hbm>>
        %dma_wait3A_464 = arith.constant 0 : i32
        %dma_wait3A_465 = arith.constant 0 : i32
        %dma_wait3A_466 = tpu.memref_slice %arg2[%dma_wait3A_464, %dma_wait3A_465] : memref<10240x64xbf16, #tpu.memory_space<hbm>> -> memref<128x64xbf16, #tpu.memory_space<hbm>>
        tpu.wait_dma2 semaphore(%arg37 : memref<!tpu.dma_semaphore, #tpu.memory_space<semaphore_mem>>) src(%dma_wait3A_466 : memref<128x64xbf16, #tpu.memory_space<hbm>>) dst(%arg16 : memref<128x64xbf16, #tpu.memory_space<vmem>>)
      } else {
      }
      %ge3A_438 = arith.constant 1 : i32
      %ge3A_439 = arith.cmpi sge, %add3A_432, %ge3A_438 : i32
      %add3A_440 = arith.constant 10 : i32
      %add3A_441 = arith.addi %add3A_432, %add3A_440 : i32
      %sub3A_442 = arith.constant 1 : i32
      %sub3A_443 = arith.subi %add3A_441, %sub3A_442 : i32
      %lt3A_444 = arith.cmpi slt, %sub3A_443, %select_n3A : i32
      %and3A_445 = arith.andi %ge3A_439, %lt3A_444 : i1
      %convert_element_type3A_446 = arith.extui %and3A_445 : i1 to i32
      %cond3A_447 = arith.constant 0 : i32
      %cond3A_448 = arith.cmpi ne, %convert_element_type3A_446, %cond3A_447 : i32
      scf.if %cond3A_448 {
        %add3A_461 = arith.constant 10 : i32
        %add3A_462 = arith.addi %add3A_432, %add3A_461 : i32
        %sub3A_463 = arith.constant 1 : i32
        %sub3A_464 = arith.subi %add3A_462, %sub3A_463 : i32
        %dma_start3A_465 = arith.constant 0 : i32
        %dma_start3A_466 = tpu.memref_slice %arg6[%sub3A_464, %dma_start3A_465] : memref<80x128xi32, #tpu.memory_space<vmem>> -> memref<1x128xi32, #tpu.memory_space<vmem>>
        %dma_start3A_467 = tpu.memref_squeeze %dma_start3A_466 : memref<1x128xi32, #tpu.memory_space<vmem>> -> memref<128xi32, #tpu.memory_space<vmem>>
        %dma_start3A_468 = arith.constant 0 : i32
        %dma_start3A_469 = arith.constant 0 : i32
        %dma_start3A_470 = tpu.memref_slice %arg2[%dma_start3A_468, %dma_start3A_469] : memref<10240x64xbf16, #tpu.memory_space<hbm>> -> memref<10240x64xbf16, #tpu.memory_space<hbm>>
        tpu.enqueue_indirect_dma source(%dma_start3A_470 : memref<10240x64xbf16, #tpu.memory_space<hbm>>) target(%arg16 : memref<128x64xbf16, #tpu.memory_space<vmem>>) offsets(%dma_start3A_467 : memref<128xi32, #tpu.memory_space<vmem>>) semaphore(%arg27 : memref<!tpu.dma_semaphore, #tpu.memory_space<semaphore_mem>>)
      } else {
      }
      %dma_wait3A_449 = arith.constant 0 : i32
      %dma_wait3A_450 = arith.constant 0 : i32
      %dma_wait3A_451 = tpu.memref_slice %arg2[%dma_wait3A_449, %dma_wait3A_450] : memref<10240x64xbf16, #tpu.memory_space<hbm>> -> memref<128x64xbf16, #tpu.memory_space<hbm>>
      %dma_wait3A_452 = arith.constant 0 : i32
      %dma_wait3A_453 = arith.constant 0 : i32
      %dma_wait3A_454 = tpu.memref_slice %arg2[%dma_wait3A_452, %dma_wait3A_453] : memref<10240x64xbf16, #tpu.memory_space<hbm>> -> memref<128x64xbf16, #tpu.memory_space<hbm>>
      tpu.wait_dma2 semaphore(%arg28 : memref<!tpu.dma_semaphore, #tpu.memory_space<semaphore_mem>>) src(%dma_wait3A_454 : memref<128x64xbf16, #tpu.memory_space<hbm>>) dst(%arg17 : memref<128x64xbf16, #tpu.memory_space<vmem>>)
      %dma_start3A_455 = arith.constant 0 : i32
      %dma_start3A_456 = tpu.memref_slice %arg7[%add3A_432, %dma_start3A_455] : memref<80x128xi32, #tpu.memory_space<vmem>> -> memref<1x128xi32, #tpu.memory_space<vmem>>
      %dma_start3A_457 = tpu.memref_squeeze %dma_start3A_456 : memref<1x128xi32, #tpu.memory_space<vmem>> -> memref<128xi32, #tpu.memory_space<vmem>>
      %dma_start3A_458 = arith.constant 0 : i32
      %dma_start3A_459 = arith.constant 0 : i32
      %dma_start3A_460 = tpu.memref_slice %arg39[%dma_start3A_458, %dma_start3A_459] : memref<10240x64xbf16, #tpu.memory_space<vmem_shared>> -> memref<10240x64xbf16, #tpu.memory_space<vmem_shared>>
      tpu.enqueue_indirect_dma source(%arg17 : memref<128x64xbf16, #tpu.memory_space<vmem>>) target(%dma_start3A_460 : memref<10240x64xbf16, #tpu.memory_space<vmem_shared>>) offsets(%dma_start3A_457 : memref<128xi32, #tpu.memory_space<vmem>>) semaphore(%arg38 : memref<!tpu.dma_semaphore, #tpu.memory_space<semaphore_mem>>) {add = true}
    }
    %dma_wait3A = arith.constant 0 : i32
    %dma_wait3A_135 = arith.constant 0 : i32
    %dma_wait3A_136 = tpu.memref_slice %arg2[%dma_wait3A, %dma_wait3A_135] : memref<10240x64xbf16, #tpu.memory_space<hbm>> -> memref<128x64xbf16, #tpu.memory_space<hbm>>
    %dma_wait3A_137 = arith.constant 0 : i32
    %dma_wait3A_138 = arith.constant 0 : i32
    %dma_wait3A_139 = tpu.memref_slice %arg2[%dma_wait3A_137, %dma_wait3A_138] : memref<10240x64xbf16, #tpu.memory_space<hbm>> -> memref<128x64xbf16, #tpu.memory_space<hbm>>
    tpu.wait_dma2 semaphore(%arg38 : memref<!tpu.dma_semaphore, #tpu.memory_space<semaphore_mem>>) src(%dma_wait3A_139 : memref<128x64xbf16, #tpu.memory_space<hbm>>) dst(%arg17 : memref<128x64xbf16, #tpu.memory_space<vmem>>)
    %barrier3A_140 = arith.constant 0 : index
    tpu.barrier barrier_id(%barrier3A_140)
    "tpu.region"() ({
      %run_scoped3A = tpu.sem_alloc : memref<!tpu.dma_semaphore, #tpu.memory_space<semaphore_mem>>
      %dma_start3A_141 = arith.constant 0 : i32
      %dma_start3A_142 = tpu.memref_slice %arg5[%arg0, %mul3A_18, %dma_start3A_141] : memref<2x10240x64xbf16, #tpu.memory_space<hbm>> -> memref<1x640x64xbf16, #tpu.memory_space<hbm>>
      %dma_start3A_143 = tpu.memref_squeeze %dma_start3A_142 : memref<1x640x64xbf16, #tpu.memory_space<hbm>> -> memref<640x64xbf16, #tpu.memory_space<hbm>>
      %dma_start3A_144 = arith.constant 0 : i32
      %dma_start3A_145 = tpu.memref_slice %arg39[%mul3A_18, %dma_start3A_144] : memref<10240x64xbf16, #tpu.memory_space<vmem_shared>> -> memref<640x64xbf16, #tpu.memory_space<vmem_shared>>
      tpu.enqueue_dma source(%dma_start3A_145 : memref<640x64xbf16, #tpu.memory_space<vmem_shared>>) target(%dma_start3A_143 : memref<640x64xbf16, #tpu.memory_space<hbm>>) target_semaphore(%run_scoped3A : memref<!tpu.dma_semaphore, #tpu.memory_space<semaphore_mem>>)
      %dma_wait3A_146 = arith.constant 0 : i32
      %dma_wait3A_147 = tpu.memref_slice %arg5[%arg0, %mul3A_18, %dma_wait3A_146] : memref<2x10240x64xbf16, #tpu.memory_space<hbm>> -> memref<1x640x64xbf16, #tpu.memory_space<hbm>>
      %dma_wait3A_148 = tpu.memref_squeeze %dma_wait3A_147 : memref<1x640x64xbf16, #tpu.memory_space<hbm>> -> memref<640x64xbf16, #tpu.memory_space<hbm>>
      %dma_wait3A_149 = arith.constant 0 : i32
      %dma_wait3A_150 = tpu.memref_slice %arg39[%mul3A_18, %dma_wait3A_149] : memref<10240x64xbf16, #tpu.memory_space<vmem_shared>> -> memref<640x64xbf16, #tpu.memory_space<vmem_shared>>
      tpu.wait_dma2 semaphore(%run_scoped3A : memref<!tpu.dma_semaphore, #tpu.memory_space<semaphore_mem>>) src(%dma_wait3A_150 : memref<640x64xbf16, #tpu.memory_space<vmem_shared>>) dst(%dma_wait3A_148 : memref<640x64xbf16, #tpu.memory_space<hbm>>)
      tpu.yield
    }) : () -> ()
    return
  }
}

module attributes {stable_mosaic.version = 14 : i64} {
  func.func @_scale_body(%arg0: memref<10000x128xf32, #tpu.memory_space<vmem>>, %arg1: memref<2x10240x16xf32, #tpu.memory_space<vmem>>, %arg2: memref<10240x128xbf16, #tpu.memory_space<vmem>>) attributes {dimension_semantics = [], scalar_prefetch = 0 : i64, scratch_operands = 0 : i64, tpu.core_type = #tpu.core_type<tc>} {
    %get3A = arith.constant 0 : index
    %get3A_0 = arith.constant 0 : index
    %get3A_1 = arith.constant 0 : index
    %get3A_2 = vector.load %arg1[%get3A, %get3A_0, %get3A_1] : memref<2x10240x16xf32, #tpu.memory_space<vmem>>, vector<1x10000x1xf32>
    %get3A_3 = vector.shape_cast %get3A_2 : vector<1x10000x1xf32> to vector<10000x1xf32>
    %get3A_4 = arith.constant 1 : index
    %get3A_5 = arith.constant 0 : index
    %get3A_6 = arith.constant 0 : index
    %get3A_7 = vector.load %arg1[%get3A_4, %get3A_5, %get3A_6] : memref<2x10240x16xf32, #tpu.memory_space<vmem>>, vector<1x10000x1xf32>
    %get3A_8 = vector.shape_cast %get3A_7 : vector<1x10000x1xf32> to vector<10000x1xf32>
    %add3A = arith.addf %get3A_3, %get3A_8 : vector<10000x1xf32>
    %max3A = arith.constant 1.000000e+00 : f32
    %max3A_9 = vector.broadcast %max3A : f32 to vector<10000x1xf32>
    %max3A_10 = arith.maximumf %add3A, %max3A_9 : vector<10000x1xf32>
    %rsqrt3A = math.rsqrt %max3A_10 : vector<10000x1xf32>
    %get3A_11 = arith.constant 0 : index
    %get3A_12 = arith.constant 0 : index
    %get3A_13 = vector.load %arg0[%get3A_11, %get3A_12] : memref<10000x128xf32, #tpu.memory_space<vmem>>, vector<10000x128xf32>
    %mul3A = vector.broadcast %rsqrt3A : vector<10000x1xf32> to vector<10000x128xf32>
    %mul3A_14 = arith.mulf %get3A_13, %mul3A : vector<10000x128xf32>
    %convert_element_type3A = arith.truncf %mul3A_14 : vector<10000x128xf32> to vector<10000x128xbf16>
    %broadcast_in_dim3A = arith.constant 0.000000e+00 : bf16
    %broadcast_in_dim3A_15 = vector.broadcast %broadcast_in_dim3A : bf16 to vector<240x128xbf16>
    %concatenate3A = tpu.concatenate %convert_element_type3A, %broadcast_in_dim3A_15 in 0 : vector<10000x128xbf16>, vector<240x128xbf16> -> vector<10240x128xbf16>
    %swap3A = arith.constant 0 : index
    %swap3A_16 = arith.constant 0 : index
    %swap3A_17 = vector.load %arg2[%swap3A, %swap3A_16] : memref<10240x128xbf16, #tpu.memory_space<vmem>>, vector<10240x128xbf16>
    tpu.vector_store %arg2[%swap3A, %swap3A_16], %concatenate3A {strides = array<i32>} : memref<10240x128xbf16, #tpu.memory_space<vmem>>, vector<10240x128xbf16>,
    return
  }
}

module attributes {stable_mosaic.version = 14 : i64} {
  func.func @_mid_body(%arg0: memref<2x10240x128xbf16, #tpu.memory_space<vmem>>, %arg1: memref<2x10240x16xf32, #tpu.memory_space<vmem>>, %arg2: memref<2x10240x16xf32, #tpu.memory_space<vmem>>, %arg3: memref<128x128xf32, #tpu.memory_space<vmem>>, %arg4: memref<128x64xf32, #tpu.memory_space<vmem>>, %arg5: memref<10240x64xbf16, #tpu.memory_space<vmem>>) attributes {dimension_semantics = [], scalar_prefetch = 0 : i64, scratch_operands = 0 : i64, tpu.core_type = #tpu.core_type<tc>} {
    %get3A = arith.constant 0 : index
    %get3A_0 = arith.constant 0 : index
    %get3A_1 = arith.constant 0 : index
    %get3A_2 = vector.load %arg1[%get3A, %get3A_0, %get3A_1] : memref<2x10240x16xf32, #tpu.memory_space<vmem>>, vector<1x10240x1xf32>
    %get3A_3 = vector.shape_cast %get3A_2 : vector<1x10240x1xf32> to vector<10240x1xf32>
    %get3A_4 = arith.constant 1 : index
    %get3A_5 = arith.constant 0 : index
    %get3A_6 = arith.constant 0 : index
    %get3A_7 = vector.load %arg1[%get3A_4, %get3A_5, %get3A_6] : memref<2x10240x16xf32, #tpu.memory_space<vmem>>, vector<1x10240x1xf32>
    %get3A_8 = vector.shape_cast %get3A_7 : vector<1x10240x1xf32> to vector<10240x1xf32>
    %add3A = arith.addf %get3A_3, %get3A_8 : vector<10240x1xf32>
    %max3A = arith.constant 1.000000e+00 : f32
    %max3A_9 = vector.broadcast %max3A : f32 to vector<10240x1xf32>
    %max3A_10 = arith.maximumf %add3A, %max3A_9 : vector<10240x1xf32>
    %rsqrt3A = math.rsqrt %max3A_10 : vector<10240x1xf32>
    %get3A_11 = arith.constant 0 : index
    %get3A_12 = arith.constant 0 : index
    %get3A_13 = arith.constant 0 : index
    %get3A_14 = vector.load %arg0[%get3A_11, %get3A_12, %get3A_13] : memref<2x10240x128xbf16, #tpu.memory_space<vmem>>, vector<1x10240x128xbf16>
    %get3A_15 = vector.shape_cast %get3A_14 : vector<1x10240x128xbf16> to vector<10240x128xbf16>
    %convert_element_type3A = arith.extf %get3A_15 : vector<10240x128xbf16> to vector<10240x128xf32>
    %get3A_16 = arith.constant 1 : index
    %get3A_17 = arith.constant 0 : index
    %get3A_18 = arith.constant 0 : index
    %get3A_19 = vector.load %arg0[%get3A_16, %get3A_17, %get3A_18] : memref<2x10240x128xbf16, #tpu.memory_space<vmem>>, vector<1x10240x128xbf16>
    %get3A_20 = vector.shape_cast %get3A_19 : vector<1x10240x128xbf16> to vector<10240x128xbf16>
    %convert_element_type3A_21 = arith.extf %get3A_20 : vector<10240x128xbf16> to vector<10240x128xf32>
    %add3A_22 = arith.addf %convert_element_type3A, %convert_element_type3A_21 : vector<10240x128xf32>
    %mul3A = vector.broadcast %rsqrt3A : vector<10240x1xf32> to vector<10240x128xf32>
    %mul3A_23 = arith.mulf %add3A_22, %mul3A : vector<10240x128xf32>
    %get3A_24 = arith.constant 0 : index
    %get3A_25 = arith.constant 0 : index
    %get3A_26 = vector.load %arg3[%get3A_24, %get3A_25] : memref<128x128xf32, #tpu.memory_space<vmem>>, vector<128x128xf32>
    %dot_general3A = arith.constant dense<0.000000e+00> : vector<10240x128xf32>
    %dot_general3A_27 = tpu.matmul %mul3A_23, %get3A_26, %dot_general3A {dimension_numbers = #tpu.dot_dimension_numbers<[1], [0], [0], [1], [0, 0, 1, 1], [], []>, transpose_lhs_hint = false} : vector<10240x128xf32>, vector<128x128xf32>, vector<10240x128xf32> -> vector<10240x128xf32>
    %ge3A = arith.constant 0.000000e+00 : f32
    %ge3A_28 = vector.broadcast %ge3A : f32 to vector<10240x128xf32>
    %ge3A_29 = arith.cmpf oge, %dot_general3A_27, %ge3A_28 : vector<10240x128xf32>
    %mul3A_30 = arith.constant 0.00999999977 : f32
    %mul3A_31 = vector.broadcast %mul3A_30 : f32 to vector<10240x128xf32>
    %mul3A_32 = arith.mulf %mul3A_31, %dot_general3A_27 : vector<10240x128xf32>
    %select_n3A = arith.select %ge3A_29, %dot_general3A_27, %mul3A_32 : vector<10240x128xi1>, vector<10240x128xf32>
    %get3A_33 = arith.constant 0 : index
    %get3A_34 = arith.constant 0 : index
    %get3A_35 = arith.constant 0 : index
    %get3A_36 = vector.load %arg2[%get3A_33, %get3A_34, %get3A_35] : memref<2x10240x16xf32, #tpu.memory_space<vmem>>, vector<1x10240x1xf32>
    %get3A_37 = vector.shape_cast %get3A_36 : vector<1x10240x1xf32> to vector<10240x1xf32>
    %get3A_38 = arith.constant 1 : index
    %get3A_39 = arith.constant 0 : index
    %get3A_40 = arith.constant 0 : index
    %get3A_41 = vector.load %arg2[%get3A_38, %get3A_39, %get3A_40] : memref<2x10240x16xf32, #tpu.memory_space<vmem>>, vector<1x10240x1xf32>
    %get3A_42 = vector.shape_cast %get3A_41 : vector<1x10240x1xf32> to vector<10240x1xf32>
    %add3A_43 = arith.addf %get3A_37, %get3A_42 : vector<10240x1xf32>
    %max3A_44 = arith.constant 1.000000e+00 : f32
    %max3A_45 = vector.broadcast %max3A_44 : f32 to vector<10240x1xf32>
    %max3A_46 = arith.maximumf %add3A_43, %max3A_45 : vector<10240x1xf32>
    %rsqrt3A_47 = math.rsqrt %max3A_46 : vector<10240x1xf32>
    %get3A_48 = arith.constant 0 : index
    %get3A_49 = arith.constant 0 : index
    %get3A_50 = vector.load %arg4[%get3A_48, %get3A_49] : memref<128x64xf32, #tpu.memory_space<vmem>>, vector<128x64xf32>
    %dot_general3A_51 = arith.constant dense<0.000000e+00> : vector<10240x64xf32>
    %dot_general3A_52 = tpu.matmul %select_n3A, %get3A_50, %dot_general3A_51 {dimension_numbers = #tpu.dot_dimension_numbers<[1], [0], [0], [1], [0, 0, 1, 1], [], []>, transpose_lhs_hint = false} : vector<10240x128xf32>, vector<128x64xf32>, vector<10240x64xf32> -> vector<10240x64xf32>
    %mul3A_53 = vector.broadcast %rsqrt3A_47 : vector<10240x1xf32> to vector<10240x64xf32>
    %mul3A_54 = arith.mulf %dot_general3A_52, %mul3A_53 : vector<10240x64xf32>
    %convert_element_type3A_55 = arith.truncf %mul3A_54 : vector<10240x64xf32> to vector<10240x64xbf16>
    %swap3A = arith.constant 0 : index
    %swap3A_56 = arith.constant 0 : index
    %swap3A_57 = vector.load %arg5[%swap3A, %swap3A_56] : memref<10240x64xbf16, #tpu.memory_space<vmem>>, vector<10240x64xbf16>
    tpu.vector_store %arg5[%swap3A, %swap3A_56], %convert_element_type3A_55 {strides = array<i32>} : memref<10240x64xbf16, #tpu.memory_space<vmem>>, vector<10240x64xbf16>,
    return
  }
}

module attributes {stable_mosaic.version = 14 : i64} {
  func.func @_fin_body(%arg0: memref<2x10240x64xbf16, #tpu.memory_space<vmem>>, %arg1: memref<2x10240x16xf32, #tpu.memory_space<vmem>>, %arg2: memref<64x16xf32, #tpu.memory_space<vmem>>, %arg3: memref<1x16xf32, #tpu.memory_space<vmem>>) attributes {dimension_semantics = [], scalar_prefetch = 0 : i64, scratch_operands = 0 : i64, tpu.core_type = #tpu.core_type<tc>} {
    %get3A = arith.constant 0 : index
    %get3A_0 = arith.constant 0 : index
    %get3A_1 = arith.constant 0 : index
    %get3A_2 = vector.load %arg1[%get3A, %get3A_0, %get3A_1] : memref<2x10240x16xf32, #tpu.memory_space<vmem>>, vector<1x10240x1xf32>
    %get3A_3 = vector.shape_cast %get3A_2 : vector<1x10240x1xf32> to vector<10240x1xf32>
    %get3A_4 = arith.constant 1 : index
    %get3A_5 = arith.constant 0 : index
    %get3A_6 = arith.constant 0 : index
    %get3A_7 = vector.load %arg1[%get3A_4, %get3A_5, %get3A_6] : memref<2x10240x16xf32, #tpu.memory_space<vmem>>, vector<1x10240x1xf32>
    %get3A_8 = vector.shape_cast %get3A_7 : vector<1x10240x1xf32> to vector<10240x1xf32>
    %add3A = arith.addf %get3A_3, %get3A_8 : vector<10240x1xf32>
    %max3A = arith.constant 1.000000e+00 : f32
    %max3A_9 = vector.broadcast %max3A : f32 to vector<10240x1xf32>
    %max3A_10 = arith.maximumf %add3A, %max3A_9 : vector<10240x1xf32>
    %rsqrt3A = math.rsqrt %max3A_10 : vector<10240x1xf32>
    %get3A_11 = arith.constant 0 : index
    %get3A_12 = arith.constant 0 : index
    %get3A_13 = arith.constant 0 : index
    %get3A_14 = vector.load %arg0[%get3A_11, %get3A_12, %get3A_13] : memref<2x10240x64xbf16, #tpu.memory_space<vmem>>, vector<1x10240x64xbf16>
    %get3A_15 = vector.shape_cast %get3A_14 : vector<1x10240x64xbf16> to vector<10240x64xbf16>
    %convert_element_type3A = arith.extf %get3A_15 : vector<10240x64xbf16> to vector<10240x64xf32>
    %get3A_16 = arith.constant 1 : index
    %get3A_17 = arith.constant 0 : index
    %get3A_18 = arith.constant 0 : index
    %get3A_19 = vector.load %arg0[%get3A_16, %get3A_17, %get3A_18] : memref<2x10240x64xbf16, #tpu.memory_space<vmem>>, vector<1x10240x64xbf16>
    %get3A_20 = vector.shape_cast %get3A_19 : vector<1x10240x64xbf16> to vector<10240x64xbf16>
    %convert_element_type3A_21 = arith.extf %get3A_20 : vector<10240x64xbf16> to vector<10240x64xf32>
    %add3A_22 = arith.addf %convert_element_type3A, %convert_element_type3A_21 : vector<10240x64xf32>
    %mul3A = vector.broadcast %rsqrt3A : vector<10240x1xf32> to vector<10240x64xf32>
    %mul3A_23 = arith.mulf %add3A_22, %mul3A : vector<10240x64xf32>
    %ge3A = arith.constant 0.000000e+00 : f32
    %ge3A_24 = vector.broadcast %ge3A : f32 to vector<10240x64xf32>
    %ge3A_25 = arith.cmpf oge, %mul3A_23, %ge3A_24 : vector<10240x64xf32>
    %mul3A_26 = arith.constant 0.00999999977 : f32
    %mul3A_27 = vector.broadcast %mul3A_26 : f32 to vector<10240x64xf32>
    %mul3A_28 = arith.mulf %mul3A_27, %mul3A_23 : vector<10240x64xf32>
    %select_n3A = arith.select %ge3A_25, %mul3A_23, %mul3A_28 : vector<10240x64xi1>, vector<10240x64xf32>
    %reduce_sum3A = arith.constant dense<0.000000e+00> : vector<64xf32>
    %reduce_sum3A_29 = vector.multi_reduction <add>, %select_n3A, %reduce_sum3A [0] : vector<10240x64xf32> to vector<64xf32>
    %broadcast_in_dim3A = vector.shape_cast %reduce_sum3A_29 : vector<64xf32> to vector<1x64xf32>
    %mul3A_30 = arith.constant 9.99999974E-5 : f32
    %mul3A_31 = vector.broadcast %mul3A_30 : f32 to vector<1x64xf32>
    %mul3A_32 = arith.mulf %broadcast_in_dim3A, %mul3A_31 : vector<1x64xf32>
    %get3A_33 = arith.constant 0 : index
    %get3A_34 = arith.constant 0 : index
    %get3A_35 = vector.load %arg2[%get3A_33, %get3A_34] : memref<64x16xf32, #tpu.memory_space<vmem>>, vector<64x16xf32>
    %dot_general3A = arith.constant dense<0.000000e+00> : vector<1x16xf32>
    %dot_general3A_36 = tpu.matmul %mul3A_32, %get3A_35, %dot_general3A {dimension_numbers = #tpu.dot_dimension_numbers<[1], [0], [0], [1], [0, 0, 1, 1], [], []>, transpose_lhs_hint = false} : vector<1x64xf32>, vector<64x16xf32>, vector<1x16xf32> -> vector<1x16xf32>
    %swap3A = arith.constant 0 : index
    %swap3A_37 = arith.constant 0 : index
    %swap3A_38 = vector.load %arg3[%swap3A, %swap3A_37] : memref<1x16xf32, #tpu.memory_space<vmem>>, vector<1x16xf32>
    tpu.vector_store %arg3[%swap3A, %swap3A_37], %dot_general3A_36 {strides = array<i32>} : memref<1x16xf32, #tpu.memory_space<vmem>>, vector<1x16xf32>,
    return
  }
}

</mosaic_0001>

<sc_bundles>
// kernel: kernel.11.cloned.1.call-start
scs
__scs_entry_jumppad:
0x0: {  	(pc) =	sbr.rel $0x88, $3  }
0x1: {  	(tag) =	ssettag $0x0;
	lr =	simm.s32 $0x1  }
0x2: {  	[smem:$0x3F9C] =	sst lr;
	_ =	strace $0xD0000000  }
0x3: {  	_ = 	snop  }
0x4: {  	_ = 	snop  }
0x5: {  	_ = 	snop  }
0x6: {  	_ = 	snop  }
0x7: {  	_ = 	snop  }
__scs_overlays_trampoline_lowered:
0x8: {  	[smem:$0x3FAB] =	sst s0  }
0x9: {  	[smem:$0x3FAC] =	sst s1  }
0xa: {  	[smem:$0x3FAD] =	sst s2  }
0xb: {  	[smem:$0x3FAE] =	sst s3  }
0xc: {  	[smem:$0x3FAF] =	sst s4  }
0xd: {  	[smem:$0x3FB0] =	sst s5  }
0xe: {  	[smem:$0x3FB1] =	sst s6  }
0xf: {  	[smem:$0x3FB2] =	sst s7  }
0x10: {  	[smem:$0x3FB3] =	sst s8  }
0x11: {  	[smem:$0x3FB4] =	sst s9;
	s0 =	simm.s32 @!p0 $0x0  }
0x12: {  	s1 =	sld [smem:$0x3F9A];
	s0 =	simm.s32 @p0 $0x1  }
0x13: {  	[smem:$0x3FB5] =	sst s0;
	s0 =	simm.s32 @!p1 $0x0  }
0x14: {  	s2 =	sld [smem:$0x3F99];
	s0 =	simm.s32 @p1 $0x1  }
0x15: {  	[smem:$0x3FB6] =	sst s0;
	s0 =	simm.s32 @!p2 $0x0  }
0x16: {  	s3 =	sld [smem:$0x3FDB];
	s0 =	simm.s32 @p2 $0x1  }
0x17: {  	s4 =	simm.s32 $0x1BF5;
	[smem:$0x3FB8] =	sst s0  }
0x18: {  	s0 =	sld [smem:$0x3F9B];
	_ =	swait.ge [sflag:s4], $0x0  }
0x19: {  	s7 =	sld [smem:$0x3F9C]  }
0x1a: {  	s8 =	sadd.s32 $0xFFFFE003, lr  }
0x1b: {  	s9 =	sadd.s32 $0xFFFFFEF7, lr;
	s5 =	simm.s32 $0xFFFFFFFF;
	p2 =	slt.u32 s8, $0xFFFFF086  }
0x1c: {  	p1 =	slt.u32 s9, $0xF7A;
	s5 =	simm.s32 @!p2 $0x0  }
0x1d: {  	s5 =	simm.s32 @p1 $0x1;
	p0 =	seq.s32 s7, s2  }
0x1e: {  	s7 =	smul.u32 @!p0 $0xF7A, s2;
	p2 =	seq.s32 @!p0 s5, $0x0  }
0x1f: {  	s9 =	smul.u32 $0xF7A, s1;
	s8 =	simm.s32 @!p0 $0x1BF5;
	p2 =	por !p2, p0  }
0x20: {  	[sflag:s8] =	ssyncset.s32 @!p0 $0xFFFFF086;
	s6 =	sadd.s32 @!p0 s3, s7;
	s7 =	simm.s32 @!p0 $0x108  }
0x21: {  	s3 =	sadd.s32 s3, s9;
	s6 =	sadd.s32 @!p0 $0x88, s6;
	s7 =	simm.s32 @p2 $0x1082  }
0x22: {  	[simem:s7], [sflag:s8] =	dma.local @!p0 [hbm:s6], $0xF7A  }
0x23: {  	s9 =	sor.u32 $0xD0000000, s2;
	s6 =	simm.s32 $0x108;
	_ =	swait.ge @!p0 [sflag:s8], $0x0  }
0x24: {  	s3 =	sadd.s32 $0x88, s3;
	s6 =	simm.s32 @!p1 $0x1082;
	[sflag:s4] =	ssyncset.s32 $0xFFFFF086  }
0x25: {  	[simem:s6], [sflag:s4] =	dma.local [hbm:s3], $0xF7A  }
0x26: {  	[smem:$0x3F9C] =	sst s1;
	(tag) =	ssettag s2;
	_ =	strace s9  }
0x27: {  	s1 =	sld [smem:$0x3FAC]  }
0x28: {  	s2 =	sld [smem:$0x3FAD]  }
0x29: {  	s4 =	sld [smem:$0x3FAF]  }
0x2a: {  	p0 =	seq.s32 s5, $0x0;
	s5 =	sld [smem:$0x3FB0]  }
0x2b: {  	s6 =	sld [smem:$0x3FB1]  }
0x2c: {  	s7 =	sld [smem:$0x3FB2]  }
0x2d: {  	s3 =	simm.s32 $0x108;
	s8 =	sld [smem:$0x3FB3]  }
0x2e: {  	s3 =	simm.s32 @!p0 $0x1082;
	s9 =	sld [smem:$0x3FB4]  }
0x2f: {  	lr =	sadd.s32 s0, s3;
	s0 =	sld [smem:$0x3FAB]  }
0x30: {  	s3 =	sld [smem:$0x3FAE]  }
0x31: {  	[smem:$0x3FB7] =	sst s10  }
0x32: {  	s10 =	sld [smem:$0x3FB5];
	_ =	sdelay $0x3  }
0x33: {  	p0 =	seq.s32 s10, $0x1;
	s10 =	sld [smem:$0x3FB7];
	_ =	sdelay $0x3  }
0x34: {  	[smem:$0x3FB7] =	sst s10  }
0x35: {  	s10 =	sld [smem:$0x3FB6];
	_ =	sdelay $0x3  }
0x36: {  	p1 =	seq.s32 s10, $0x1;
	s10 =	sld [smem:$0x3FB7];
	_ =	sdelay $0x3  }
0x37: {  	[smem:$0x3FB7] =	sst s10  }
0x38: {  	s10 =	sld [smem:$0x3FB8]  }
0x39: {  	_ = 	snop;
	(pc) =	sbr.ind lr, $3  }
0x3a: {  	_ = 	snop  }
0x3b: {  	_ = 	snop  }
0x3c: {  	p2 =	seq.s32 s10, $0x1;
	s10 =	sld [smem:$0x3FB7]  }
0x3d: {  	_ =	shalt  }
0x3e: {  	_ =	shalt  }
0x3f: {  	_ =	shalt  }
0x40: {  	_ =	shalt  }
0x41: {  	_ =	shalt  }
0x42: {  	_ =	shalt  }
0x43: {  	_ =	shalt  }
0x44: {  	_ =	shalt  }
0x45: {  	_ =	shalt  }
0x46: {  	_ =	shalt  }
0x47: {  	_ =	shalt  }
0x48: {  	_ =	shalt  }
0x49: {  	_ =	shalt  }
0x4a: {  	_ =	shalt  }
0x4b: {  	_ =	shalt  }
0x4c: {  	_ =	shalt  }
0x4d: {  	_ =	shalt  }
0x4e: {  	_ =	shalt  }
0x4f: {  	_ =	shalt  }
0x50: {  	_ =	shalt  }
0x51: {  	_ =	shalt  }
0x52: {  	_ =	shalt  }
0x53: {  	_ =	shalt  }
0x54: {  	_ =	shalt  }
0x55: {  	_ =	shalt  }
0x56: {  	_ =	shalt  }
0x57: {  	_ =	shalt  }
0x58: {  	_ =	shalt  }
0x59: {  	_ =	shalt  }
0x5a: {  	_ =	shalt  }
0x5b: {  	_ =	shalt  }
0x5c: {  	_ =	shalt  }
0x5d: {  	_ =	shalt  }
0x5e: {  	_ =	shalt  }
0x5f: {  	_ =	shalt  }
0x60: {  	_ =	shalt  }
0x61: {  	_ =	shalt  }
0x62: {  	_ =	shalt  }
0x63: {  	_ =	shalt  }
0x64: {  	_ =	shalt  }
0x65: {  	_ =	shalt  }
0x66: {  	_ =	shalt  }
0x67: {  	_ =	shalt  }
0x68: {  	_ =	shalt  }
0x69: {  	_ =	shalt  }
0x6a: {  	_ =	shalt  }
0x6b: {  	_ =	shalt  }
0x6c: {  	_ =	shalt  }
0x6d: {  	_ =	shalt  }
0x6e: {  	_ =	shalt  }
0x6f: {  	_ =	shalt  }
0x70: {  	_ =	shalt  }
0x71: {  	_ =	shalt  }
0x72: {  	_ =	shalt  }
0x73: {  	_ =	shalt  }
0x74: {  	_ =	shalt  }
0x75: {  	_ =	shalt  }
0x76: {  	_ =	shalt  }
0x77: {  	_ =	shalt  }
0x78: {  	_ =	shalt  }
0x79: {  	_ =	shalt  }
0x7a: {  	_ =	shalt  }
0x7b: {  	_ =	shalt  }
0x7c: {  	_ =	shalt  }
0x7d: {  	_ =	shalt  }
0x7e: {  	_ =	shalt  }
0x7f: {  	_ =	shalt  }
0x80: {  	_ =	shalt  }
0x81: {  	_ =	shalt  }
0x82: {  	_ =	shalt  }
0x83: {  	_ =	shalt  }
0x84: {  	_ =	shalt  }
0x85: {  	_ =	shalt  }
0x86: {  	_ =	shalt  }
0x87: {  	_ =	shalt  }
.Lfunc_end0:
.L_simem_size_0:
called_computation.1_lowered:
.L_overlay_start_0:
0x88: {  	s2 =	sld [smem:$0x3FD9]  }
0x89: {  	s3 =	sld [smem:$0x3FFE];
	_ =	sdelay $0x1  }
0x8a: {  	s1 =	srdreg.scid  }
0x8b: {  	s0 =	sand.u32 $0x1, s1  }
0x8c: {  	s16 =	sshll.u32 s0, $0xA;
	s2 =	sadd.s32 s3, s2  }
0x8d: {  	s2 =	sadd.s32 s2, s16  }
0x8e: {  	[smem:$0x3FC3] =	sst s2  }
0x8f: {  	_ = 	snop  }
0x90: {  	(tm) =	ssettm $0x1  }
0x91: {  	s17 =	sld [smem:$0x3FFB];
	_ =	sdelay $0x3  }
0x92: {  	_ =	strace s17  }
0x93: {  	s2 =	sld [smem:$0x3FFC];
	_ =	sdelay $0x3  }
0x94: {  	_ =	strace s2  }
0x95: {  	s2 =	sld [smem:$0x3FFD];
	_ =	sdelay $0x3  }
0x96: {  	_ =	strace s2  }
0x97: {  	_ =	strace $0x8FFFFFFF  }
0x98: {  	s18 =	sld [smem:$0x3FDB];
	_ =	sdelay $0x1  }
0x99: {  	s19 =	simm.s32 $_scs_section_size  }
0x9a: {  	s4 =	simm.s32 $_size__tile_overlayer_lowered;
	s5 =	simm.s32 $_tile_overlayer_lowered  }
0x9b: {  	s22 =	simm.s32 $0x1BFF;
	s21 =	sshll.u32 s5, $0x1;
	s2 =	sadd.s32 s19, s18  }
0x9c: {  	s6 =	simm.s32 $0x0;
	s20 =	sshll.u32 s4, $0x1;
	s4 =	sadd.s32 s21, s2  }
0x9d: {  	[timem:s6], [sflag:s22] =	dma.local [hbm:s4], s20  }
0x9e: {  	_ =	swait.ge [sflag:s22], s20  }
0x9f: {  	s3 =	ssub.s32 $0x0, s20;
	[sflag:s22] =	ssyncset.done $0x0  }
0xa0: {  	[sflag:s22] =	ssyncadd.s32 s3;
	_ =	sdelay $0x1  }
0xa1: {  	s23 =	simm.s32 $0x1B8B  }
0xa2: {  	_ =	swait.ge [sflag:s23], $0x1  }
0xa3: {  	[sflag:s23] =	ssyncset.done $0x0  }
0xa4: {  	s25 =	simm.s32 $0x1B8E;
	s24 =	sld [smem:$0x3FFE];
	[sflag:s23] =	ssyncadd.s32 $0xFFFFFFFF  }
0xa5: {  	s26 =	simm.s32 $execute0_lowered;
	[smem:$0x3FD2] =	sst s25  }
0xa6: {  	s4 =	sshll.u32 s26, $0x1;
	_ =	strace $0x80000049;
	[dreg:$0x1] =	wrdreg $0xFFFFFFFF  }
0xa7: {  	s28 =	simm.s32 $_size_execute0_lowered;
	s2 =	sadd.s32 s2, s4;
	[dreg:$0x0] =	wrdreg $0x0  }
0xa8: {  	s4 =	sshll.u32 s28, $0x1;
	[dreg:$0x2] =	wrdreg s2  }
0xa9: {  	[dreg:$0x3] =	wrdreg s4  }
0xaa: {  	[dreg:$0x4] =	wrdreg $0xC0  }
0xab: {  	_ =	task [dreg:s6], $0x5FFFF  }
0xac: {  	[dreg:$0x1] =	wrdreg $0xFFFFFFFF  }
0xad: {  	[dreg:$0x0] =	wrdreg $0x60  }
0xae: {  	[dreg:$0x2] =	wrdreg s24  }
0xaf: {  	[dreg:$0x3] =	wrdreg $0xF0000  }
0xb0: {  	[dreg:$0x4] =	wrdreg $0x9  }
0xb1: {  	_ =	task.clear_ibuf [dreg:s6], $0x5FFFF;
	_ =	strace $0x90000049  }
0xb2: {  	s29 =	simm.s32 $0x9;
	_ =	strace $0x8000004B  }
0xb3: {  	_ =	swait.ge [sflag:s29], $0x1  }
0xb4: {  	[sflag:s29] =	ssyncadd.s32 $0xFFFFFFFF  }
0xb5: {  	_ =	strace $0x9000004B  }
0xb6: {  	_ =	sfence  }
0xb7: {  	s30 =	sld [smem:$0x0];
	_ =	sdelay $0x2  }
0xb8: {  	s31 =	sshll.u32 s1, $0xD;
	s1 =	sshrl.u32 s1, $0x2  }
0xb9: {  	s3 =	sand.u32 $0x4000, s31;
	s1 =	sadd.s32 s1, s30  }
0xba: {  	s0 =	sor.u32 s3, s0;
	s1 =	sshll.u32 s1, $0x11  }
0xbb: {  	s0 =	sor.u32 s1, s0  }
0xbc: {  	s0 =	sadd.s32 $0x8F2B, s0  }
0xbd: {  	[sflag:s0] =	ssyncadd.remote.s32 $0x1  }
0xbe: {  	_ =	sfence.sel $0xFFFF  }
0xbf: {  	[dreg:$0x0] =	wrdreg $0xFFFFFFFF;
	(pc) =	sbr.abs _section_cstart, $3  }
0xc0: {  	[dreg:$0x1] =	wrdreg $0xFFFFFFFF  }
0xc1: {  	_ =	task.clear_ibuf [dreg:s6], $0x2FFFF;
	_ =	strace $0x9FFFFFFF  }
0xc2: {  	(tm) =	ssettm $0x7FFFFFFF  }
0xc3: {  	_ =	shalt  }
tec
execute0_lowered:
.L_overlay_start_1:
0x0: {  	(tag) =	ssettag $0x1  }
0x1: {  	s0 =	rddreg [dreg:$0x0]  }
0x2: {  	s1 =	srdreg.scid;
	s2 =	rddreg [dreg:$0x1]  }
0x3: {  	s9 =	stileid.u32;
	s5 =	simm.s32 $0x0;
	s28 =	simm.s32 $0x2  }
0x4: {  	s30 =	simm.s32 $0x7;
	s29 =	simm.s32 $0xA;
	s31 =	simm.s32 $0xB  }
0x5: {  	s1 =	sand.u32 $0x1, s1;
	s6 =	smul.u32 $0x14000, s9;
	[smem:$0x7FF] =	sst s5  }
0x6: {  	s5 =	simm.s32 $0x14;
	s10 =	smul.u32 $0x28000, s9;
	s21 =	sadd.s32 $0x15300, s0  }
0x7: {  	s3 =	sshll.u32 s1, $0x4;
	s4 =	smul.u32 $0x140000, s1;
	_ =	strace $0x8000004A  }
0x8: {  	s1 =	ssub.s32 $0x2, s1;
	[dreg:$0x6] =	wrdreg s21;
	s21 =	simm.s32 $0x8  }
0x9: {  	s3 =	sor.u32 s9, s3;
	s18 =	sshrl.u32 s1, $0x1;
	s22 =	sshrl.u32 s10, $0x2  }
0xa: {  	s17 =	smul.u32 $0x500, s3;
	s7 =	sadd.s32 s6, s4;
	s4 =	sadd.s32 $0x79600, s0  }
0xb: {  	p0 =	seq.s32 s3, $0x1F;
	s1 =	ssub.s32 s1, s18;
	s6 =	sshrl.u32 s6, $0x1  }
0xc: {  	s18 =	simm.s32 $0xC;
	s7 =	sshrl.u32 s7, $0x4;
	s5 =	simm.s32 @!p0 $0x50  }
0xd: {  	s10 =	sadd.s32 s6, s2;
	s16 =	smax.u32 s1, $0x1;
	s1 =	simm.s32 $0x5  }
0xe: {  	s6 =	simm.s32 $0x0;
	s8 =	sadd.s32 s17, s0;
	s7 =	sadd.s32 s7, s0  }
0xf: {  	s19 =	smul.u32 $0x67, s5;
	s0 =	sadd.s32 $0xB500, s0;
	s17 =	simm.s32 $0x5000  }
0x10: {  	s20 =	sadd.s32 $0xB800, s8;
	s8 =	sadd.s32 $0x1A00, s8;
	[dreg:$0x7] =	wrdreg s0  }
0x11: {  	s0 =	sadd.s32 s22, s2;
	s15 =	sadd.s32 $0x8D600, s7;
	[dreg:$0x4] =	wrdreg s20  }
0x12: {  	s22 =	simm.s32 $0x9000;
	[dreg:$0x5] =	wrdreg s8;
	s3 =	sshrl.u32 s19, $0x9  }
0x13: {  	s23 =	sadd.s32 $0x2000, s0;
	s24 =	sadd.s32 $0x4000, s0;
	s25 =	sadd.s32 $0x6000, s0  }
0x14: {  	s14 =	sadd.s32 $0x8000, s0;
	s19 =	simm.s32 $0x80;
	[dreg:$0x8] =	wrdreg s23  }
0x15: {  	s20 =	simm.s32 $0x7000;
	s3 =	smul.u32 $0xA00, s3;
	[dreg:$0x9] =	wrdreg s24  }
0x16: {  	s0 =	simm.s32 $0x3;
	[dreg:$0xa] =	wrdreg s25;
	s24 =	simm.s32 $0xB000  }
0x17: {  	s25 =	simm.s32 $0x4;
	s23 =	simm.s32 $0x6;
	s26 =	sadd.s32 $0xFFFFF600, s3  }
0x18: {  	v0 =	vimm.bf16 $0.0e+00;
	s3 =	simm.s32 $0x9;
	[dreg:$0x3] =	wrdreg s26;
	s26 =	simm.s32 $0xD000  }
.LBB2_1:
0x19: {  	s7 =	simm.s32 @p0 $0x0;
	s8 =	rddreg [dreg:$0x6]  }
0x1a: {  	[tilespmem:s7], [sflag:$0x1] =	stream.linear.gather @p0 [hbm4b:s8+s7], $0xA00, $0x38;
	[tilespmem:$0x19000] =	vst v63  }
0x1b: {  	s9 =	rddreg [dreg:$0x7];
	s8 =	simm.s32 @p0 $0x2800  }
0x1c: {  	[tilespmem:s8], [sflag:$0x1] =	stream.linear.gather @p0 [hbm4b:s9+s7], $0xA00, $0x38;
	[tilespmem:$0x19000] =	vst v63  }
0x1d: {  	s7 =	simm.s32 @!p0 $0x0;
	s8 =	rddreg [dreg:$0x4]  }
0x1e: {  	[tilespmem:s7], [sflag:$0x1] =	stream.linear.gather @!p0 [hbm4b:s8+s7], $0x2800, $0x38;
	[tilespmem:$0x19000] =	vst v63  }
0x1f: {  	s12 =	simm.s32 $0x0;
	s9 =	rddreg [dreg:$0x5];
	s8 =	simm.s32 @!p0 $0x2800  }
0x20: {  	[tilespmem:s8], [sflag:$0x1] =	stream.linear.gather @!p0 [hbm4b:s9+s7], $0x2800, $0x38;
	[tilespmem:$0x19000] =	vst v63  }
0x21: {  	s13 =	sand.u32 $0x7F00, s12;
	s8 =	sand.u32 $0x60, s12  }
0x22: {  	s7 =	sshrl.u32 s13, $0x2;
	s8 =	sshrl.u32 s8, $0x1  }
0x23: {  	s8 =	sor.u32 s8, s7  }
0x24: {  	s7 =	simm.s32 $0x40;
	[tilespmem:s8+$0x5000] =	vst v0;
	s8 =	simm.s32 $0x0  }
.LBB2_2:
0x25: {  	p1 =	sne.s32 s7, $0x7FC0  }
.Ltmp0:
0x26: {  	s9 =	sand.u32 $0x7F00, s7;
	s8 =	sadd.s32 $0x20, s8;
	(pc) =	sbr.rel @p1 .LBB2_2-.Ltmp0, $4  }
0x27: {  	s7 =	sadd.s32 $0x40, s7;
	s11 =	sand.u32 $0x60, s8  }
0x28: {  	s9 =	sshrl.u32 s9, $0x2;
	s11 =	sshrl.u32 s11, $0x1  }
0x29: {  	s9 =	sor.u32 s11, s9  }
0x2a: {  	[tilespmem:s9+$0x5000] =	vst v0  }
0x2b: {  	[spmem:s10] =	stream.linear.scatter [tilespmem:s17], [sflag:$0xC], $0x2000, $0x38;
	[tilespmem:$0x19000] =	vst v63  }
0x2c: {  	_ =	swait.ge [sflag:s18], $0x2000  }
0x2d: {  	[sflag:s18] =	ssyncset.done $0x0  }
0x2e: {  	s7 =	rddreg [dreg:$0x8];
	[sflag:s18] =	ssyncadd.s32 $0xFFFFE000  }
0x2f: {  	[spmem:s7] =	stream.linear.scatter [tilespmem:s17], [sflag:$0xC], $0x2000, $0x38;
	[tilespmem:$0x19000] =	vst v63  }
0x30: {  	_ =	swait.ge [sflag:s18], $0x2000  }
0x31: {  	[sflag:s18] =	ssyncset.done $0x0  }
0x32: {  	s9 =	rddreg [dreg:$0x9];
	[sflag:s18] =	ssyncadd.s32 $0xFFFFE000  }
0x33: {  	[spmem:s9] =	stream.linear.scatter [tilespmem:s17], [sflag:$0xC], $0x2000, $0x38;
	[tilespmem:$0x19000] =	vst v63  }
0x34: {  	_ =	swait.ge [sflag:s18], $0x2000  }
0x35: {  	[sflag:s18] =	ssyncset.done $0x0  }
0x36: {  	s11 =	rddreg [dreg:$0xa];
	[sflag:s18] =	ssyncadd.s32 $0xFFFFE000  }
0x37: {  	[spmem:s11] =	stream.linear.scatter [tilespmem:s17], [sflag:$0xC], $0x2000, $0x38;
	[tilespmem:$0x19000] =	vst v63  }
0x38: {  	_ =	swait.ge [sflag:s18], $0x2000  }
0x39: {  	[sflag:s18] =	ssyncset.done $0x0  }
0x3a: {  	[sflag:s18] =	ssyncadd.s32 $0xFFFFE000  }
0x3b: {  	[spmem:s14] =	stream.linear.scatter [tilespmem:s17], [sflag:$0xC], $0x2000, $0x38;
	[tilespmem:$0x19000] =	vst v63  }
0x3c: {  	_ =	swait.ge [sflag:s18], $0x2000  }
0x3d: {  	[sflag:s18] =	ssyncset.done $0x0  }
0x3e: {  	s7 =	simm.s32 @p0 $0x1;
	[sflag:s18] =	ssyncadd.s32 $0xFFFFE000  }
0x3f: {  	_ =	swait.ge @p0 [sflag:s7], $0xA00  }
0x40: {  	[sflag:s7] =	ssyncset.done @p0 $0x0  }
0x41: {  	[sflag:s7] =	ssyncadd.s32 @p0 $0xFFFFF600  }
0x42: {  	_ =	swait.ge @p0 [sflag:s7], $0xA00  }
0x43: {  	[sflag:s7] =	ssyncset.done @p0 $0x0  }
0x44: {  	[sflag:s7] =	ssyncadd.s32 @p0 $0xFFFFF600;
	s7 =	simm.s32 @!p0 $0x1  }
0x45: {  	_ =	swait.ge @!p0 [sflag:s7], $0x2800  }
0x46: {  	[sflag:s7] =	ssyncset.done @!p0 $0x0  }
0x47: {  	[sflag:s7] =	ssyncadd.s32 @!p0 $0xFFFFD800  }
0x48: {  	_ =	swait.ge @!p0 [sflag:s7], $0x2800  }
0x49: {  	[sflag:s7] =	ssyncset.done @!p0 $0x0  }
0x4a: {  	[sflag:s7] =	ssyncadd.s32 @!p0 $0xFFFFD800  }
0x4b: {  	s7 =	simm.s32 $0x0;
	[bflag:$0x0] =	sbarrier.arrive $0xFFFF  }
0x4c: {  	[tilespmem:s17], [sflag:$0x2] =	stream.indirect.gather [hbm4b:s4+s19], $0x40, s7, s19, $0xb8;
	[tilespmem:$0x19000] =	vst v63  }
0x4d: {  	_ = 	snop  }
0x4e: {  	[tilespmem:s20], [sflag:$0x3] =	stream.indirect.gather [hbm4b:s4+s19], $0x40, s19, s19, $0xb8;
	[tilespmem:$0x19000] =	vst v63  }
0x4f: {  	s8 =	simm.s32 $0x100  }
0x50: {  	[tilespmem:s22], [sflag:$0x4] =	stream.indirect.gather [hbm4b:s4+s19], $0x40, s8, s19, $0xb8;
	[tilespmem:$0x19000] =	vst v63  }
0x51: {  	s12 =	simm.s32 $0x180  }
0x52: {  	[tilespmem:s24], [sflag:$0x5] =	stream.indirect.gather [hbm4b:s4+s19], $0x40, s12, s19, $0xb8;
	[tilespmem:$0x19000] =	vst v63  }
0x53: {  	s13 =	simm.s32 $0x200  }
0x54: {  	[tilespmem:s26], [sflag:$0x6] =	stream.indirect.gather [hbm4b:s4+s19], $0x40, s13, s19, $0xb8;
	[tilespmem:$0x19000] =	vst v63  }
0x55: {  	_ =	swait.ge [sflag:s28], $0x2000  }
0x56: {  	[sflag:s28] =	ssyncset.done $0x0  }
0x57: {  	s9 =	simm.s32 $0x2800;
	[sflag:s28] =	ssyncadd.s32 $0xFFFFE000  }
0x58: {  	[spmem:s2] =	stream.indirect.scatter.add.bf16 [tilespmem:s17], [sflag:$0x7], $0x40, s9, s19, $0xb8;
	[tilespmem:$0x19000] =	vst v63  }
0x59: {  	_ =	swait.ge [sflag:s30], $0x2000  }
0x5a: {  	[sflag:s30] =	ssyncset.done $0x0  }
0x5b: {  	s11 =	simm.s32 $0x280;
	[sflag:s30] =	ssyncadd.s32 $0xFFFFE000  }
0x5c: {  	[tilespmem:s17], [sflag:$0x2] =	stream.indirect.gather [hbm4b:s4+s19], $0x40, s11, s19, $0xb8;
	[tilespmem:$0x19000] =	vst v63  }
0x5d: {  	_ =	swait.ge [sflag:s0], $0x2000  }
0x5e: {  	[sflag:s0] =	ssyncset.done $0x0  }
0x5f: {  	s12 =	simm.s32 $0x2880;
	[sflag:s0] =	ssyncadd.s32 $0xFFFFE000  }
0x60: {  	[spmem:s2] =	stream.indirect.scatter.add.bf16 [tilespmem:s20], [sflag:$0x8], $0x40, s12, s19, $0xb8;
	[tilespmem:$0x19000] =	vst v63  }
0x61: {  	_ =	swait.ge [sflag:s21], $0x2000  }
0x62: {  	[sflag:s21] =	ssyncset.done $0x0  }
0x63: {  	s13 =	simm.s32 $0x300;
	[sflag:s21] =	ssyncadd.s32 $0xFFFFE000  }
0x64: {  	[tilespmem:s20], [sflag:$0x3] =	stream.indirect.gather [hbm4b:s4+s19], $0x40, s13, s19, $0xb8;
	[tilespmem:$0x19000] =	vst v63  }
0x65: {  	_ =	swait.ge [sflag:s25], $0x2000  }
0x66: {  	[sflag:s25] =	ssyncset.done $0x0  }
0x67: {  	s8 =	simm.s32 $0x9;
	s9 =	simm.s32 $0x2900;
	[sflag:s25] =	ssyncadd.s32 $0xFFFFE000  }
0x68: {  	[spmem:s2] =	stream.indirect.scatter.add.bf16 [tilespmem:s22], [sflag:$0x9], $0x40, s9, s19, $0xb8;
	[tilespmem:$0x19000] =	vst v63  }
0x69: {  	_ =	swait.ge [sflag:s8], $0x2000  }
0x6a: {  	[sflag:s8] =	ssyncset.done $0x0  }
0x6b: {  	s9 =	simm.s32 $0x380;
	[sflag:s8] =	ssyncadd.s32 $0xFFFFE000  }
0x6c: {  	[tilespmem:s22], [sflag:$0x4] =	stream.indirect.gather [hbm4b:s4+s19], $0x40, s9, s19, $0xb8;
	[tilespmem:$0x19000] =	vst v63  }
0x6d: {  	_ =	swait.ge [sflag:s1], $0x2000  }
0x6e: {  	[sflag:s1] =	ssyncset.done $0x0  }
0x6f: {  	s11 =	simm.s32 $0x2980;
	[sflag:s1] =	ssyncadd.s32 $0xFFFFE000  }
0x70: {  	[spmem:s2] =	stream.indirect.scatter.add.bf16 [tilespmem:s24], [sflag:$0xA], $0x40, s11, s19, $0xb8;
	[tilespmem:$0x19000] =	vst v63  }
0x71: {  	_ =	swait.ge [sflag:s29], $0x2000  }
0x72: {  	[sflag:s29] =	ssyncset.done $0x0  }
0x73: {  	s12 =	simm.s32 $0x400;
	[sflag:s29] =	ssyncadd.s32 $0xFFFFE000  }
0x74: {  	[tilespmem:s24], [sflag:$0x5] =	stream.indirect.gather [hbm4b:s4+s19], $0x40, s12, s19, $0xb8;
	[tilespmem:$0x19000] =	vst v63  }
0x75: {  	_ =	swait.ge [sflag:s23], $0x2000  }
0x76: {  	[sflag:s23] =	ssyncset.done $0x0  }
0x77: {  	s13 =	simm.s32 $0x2A00;
	[sflag:s23] =	ssyncadd.s32 $0xFFFFE000  }
0x78: {  	[spmem:s2] =	stream.indirect.scatter.add.bf16 [tilespmem:s26], [sflag:$0xB], $0x40, s13, s19, $0xb8;
	[tilespmem:$0x19000] =	vst v63  }
.LBB2_4:
0x79: {  	_ =	swait.ge [sflag:s31], $0x2000;
	p1 =	sge.u32 s8, s5  }
0x7a: {  	[sflag:s31] =	ssyncset.done $0x0;
	s9 =	sshra.s32 @!p1 s7, $0x2;
	s11 =	simm.s32 @!p1 $0x80  }
0x7b: {  	s12 =	simm.s32 @!p1 $0xD000;
	[sflag:s31] =	ssyncadd.s32 $0xFFFFE000;
	s9 =	sadd.s32 @!p1 $0x480, s9  }
0x7c: {  	[tilespmem:s12], [sflag:$0x6] =	stream.indirect.gather @!p1 [hbm4b:s4+s11], $0x40, s9, s11, $0xb8;
	[tilespmem:$0x19000] =	vst v63  }
0x7d: {  	_ =	swait.ge [sflag:s28], $0x2000  }
0x7e: {  	s9 =	sshra.s32 s7, $0x2;
	[sflag:s28] =	ssyncset.done $0x0  }
0x7f: {  	s12 =	sadd.s32 $0x1, s8;
	s13 =	sadd.s32 $0x2A80, s9;
	[sflag:s28] =	ssyncadd.s32 $0xFFFFE000  }
0x80: {  	[spmem:s2] =	stream.indirect.scatter.add.bf16 [tilespmem:s17], [sflag:$0x7], $0x40, s13, s19, $0xb8;
	[tilespmem:$0x19000] =	vst v63  }
0x81: {  	p1 =	sge.u32 s12, s5;
	_ =	swait.ge [sflag:s30], $0x2000  }
0x82: {  	s11 =	sshra.s32 @!p1 s7, $0x2;
	s12 =	simm.s32 @!p1 $0x80;
	[sflag:s30] =	ssyncset.done $0x0  }
0x83: {  	s11 =	sadd.s32 @!p1 $0x500, s11;
	s13 =	simm.s32 @!p1 $0x5000;
	[sflag:s30] =	ssyncadd.s32 $0xFFFFE000  }
0x84: {  	[tilespmem:s13], [sflag:$0x2] =	stream.indirect.gather @!p1 [hbm4b:s4+s12], $0x40, s11, s12, $0xb8;
	[tilespmem:$0x19000] =	vst v63  }
0x85: {  	_ =	swait.ge [sflag:s0], $0x2000  }
0x86: {  	[sflag:s0] =	ssyncset.done $0x0  }
0x87: {  	s13 =	sadd.s32 $0x2B00, s9;
	s12 =	sadd.s32 $0x2, s8;
	[sflag:s0] =	ssyncadd.s32 $0xFFFFE000  }
0x88: {  	[spmem:s2] =	stream.indirect.scatter.add.bf16 [tilespmem:s20], [sflag:$0x8], $0x40, s13, s19, $0xb8;
	[tilespmem:$0x19000] =	vst v63  }
0x89: {  	p1 =	sge.u32 s12, s5;
	_ =	swait.ge [sflag:s21], $0x2000  }
0x8a: {  	s11 =	sshra.s32 @!p1 s7, $0x2;
	s12 =	simm.s32 @!p1 $0x80;
	[sflag:s21] =	ssyncset.done $0x0  }
0x8b: {  	s11 =	sadd.s32 @!p1 $0x580, s11;
	s13 =	simm.s32 @!p1 $0x7000;
	[sflag:s21] =	ssyncadd.s32 $0xFFFFE000  }
0x8c: {  	[tilespmem:s13], [sflag:$0x3] =	stream.indirect.gather @!p1 [hbm4b:s4+s12], $0x40, s11, s12, $0xb8;
	[tilespmem:$0x19000] =	vst v63  }
0x8d: {  	_ =	swait.ge [sflag:s25], $0x2000  }
0x8e: {  	[sflag:s25] =	ssyncset.done $0x0  }
0x8f: {  	s13 =	sadd.s32 $0x2B80, s9;
	s12 =	sadd.s32 $0x3, s8;
	[sflag:s25] =	ssyncadd.s32 $0xFFFFE000  }
0x90: {  	[spmem:s2] =	stream.indirect.scatter.add.bf16 [tilespmem:s22], [sflag:$0x9], $0x40, s13, s19, $0xb8;
	[tilespmem:$0x19000] =	vst v63  }
0x91: {  	p1 =	sge.u32 s12, s5;
	_ =	swait.ge [sflag:s3], $0x2000  }
0x92: {  	s11 =	sshra.s32 @!p1 s7, $0x2;
	s12 =	simm.s32 @!p1 $0x80;
	[sflag:s3] =	ssyncset.done $0x0  }
0x93: {  	s11 =	sadd.s32 @!p1 $0x600, s11;
	s13 =	simm.s32 @!p1 $0x9000;
	[sflag:s3] =	ssyncadd.s32 $0xFFFFE000  }
0x94: {  	[tilespmem:s13], [sflag:$0x4] =	stream.indirect.gather @!p1 [hbm4b:s4+s12], $0x40, s11, s12, $0xb8;
	[tilespmem:$0x19000] =	vst v63  }
0x95: {  	_ =	swait.ge [sflag:s1], $0x2000  }
0x96: {  	[sflag:s1] =	ssyncset.done $0x0  }
0x97: {  	s13 =	sadd.s32 $0x2C00, s9;
	s12 =	sadd.s32 $0x4, s8;
	[sflag:s1] =	ssyncadd.s32 $0xFFFFE000  }
0x98: {  	[spmem:s2] =	stream.indirect.scatter.add.bf16 [tilespmem:s24], [sflag:$0xA], $0x40, s13, s19, $0xb8;
	[tilespmem:$0x19000] =	vst v63  }
0x99: {  	p1 =	sge.u32 s12, s5;
	_ =	swait.ge [sflag:s29], $0x2000  }
0x9a: {  	s11 =	sshra.s32 @!p1 s7, $0x2;
	s12 =	simm.s32 @!p1 $0x80;
	[sflag:s29] =	ssyncset.done $0x0  }
0x9b: {  	s11 =	sadd.s32 @!p1 $0x680, s11;
	s13 =	simm.s32 @!p1 $0xB000;
	[sflag:s29] =	ssyncadd.s32 $0xFFFFE000  }
0x9c: {  	[tilespmem:s13], [sflag:$0x5] =	stream.indirect.gather @!p1 [hbm4b:s4+s12], $0x40, s11, s12, $0xb8;
	[tilespmem:$0x19000] =	vst v63  }
0x9d: {  	_ =	swait.ge [sflag:s23], $0x2000  }
0x9e: {  	s7 =	sadd.s32 $0xA00, s7;
	s13 =	rddreg [dreg:$0x3]  }
0x9f: {  	p1 =	sne.s32 s13, s7  }
.Ltmp1:
0xa0: {  	_ = 	snop;
	(pc) =	sbr.rel @p1 .LBB2_4-.Ltmp1, $4  }
0xa1: {  	_ = 	snop  }
0xa2: {  	[sflag:s23] =	ssyncset.done $0x0  }
0xa3: {  	s9 =	sadd.s32 $0x2C80, s9;
	s8 =	sadd.s32 $0x5, s8;
	[sflag:s23] =	ssyncadd.s32 $0xFFFFE000  }
0xa4: {  	[spmem:s2] =	stream.indirect.scatter.add.bf16 [tilespmem:s26], [sflag:$0xB], $0x40, s9, s19, $0xb8;
	[tilespmem:$0x19000] =	vst v63  }
0xa5: {  	_ =	swait.ge [sflag:s31], $0x2000;
	s7 =	stileid.u32  }
0xa6: {  	s8 =	sshrl.u32 s10, $0x3;
	s6 =	sadd.s32 $0x1, s6;
	[sflag:s31] =	ssyncset.done $0x0  }
0xa7: {  	s7 =	sshll.u32 s7, $0x6;
	p1 =	sne.s32 s6, s16;
	[sflag:s31] =	ssyncadd.s32 $0xFFFFE000  }
.Ltmp2:
0xa8: {  	s7 =	sor.u32 $0x1C0C, s7;
	[bflag:$0x0] =	sbarrier.arrive $0xFFFF;
	(pc) =	sbr.rel @p1 .LBB2_1-.Ltmp2, $4  }
0xa9: {  	[hbm:s15], [sflag:s7] =	dma.local [spmem:s8], $0x1400  }
0xaa: {  	_ =	swait.ge [sflag:s18], $0x1400  }
0xab: {  	[sflag:s18] =	ssyncset.done $0x0  }
0xac: {  	[sflag:s18] =	ssyncadd.s32 $0xFFFFEC00  }
0xad: {  	_ =	sfence.sel $0x180000  }
0xae: {  	[bflag:$0x0] =	sbarrier.arrive $0xFFFF  }
0xaf: {  	_ =	strace $0x9000004A  }
0xb0: {  	s0 =	stileid.u32;
	[bflag:$0x2] =	sbarrier.arrive $0xFFFF  }
0xb1: {  	p0 =	sne.s32 s0, $0x0;
	s0 =	rddreg [dreg:$0x2]  }
0xb2: {  	s0 =	sadd.s32 @!p0 $0x100000, s0  }
0xb3: {  	[sflag:s0] =	ssyncadd.tile.s32 @!p0 $0x1;
	_ =	shalt  }
.Lfunc_end2:
_tile_overlayer_lowered:
.L_overlay_start_2:
0xb4: {  	(tag) =	ssettag $0x2  }
0xb5: {  	s0 =	rddreg [dreg:$0x0];
	s2 =	stileid.u32  }
0xb6: {  	s1 =	rddreg [dreg:$0x1];
	p0 =	sne.s32 s2, $0x0  }
0xb7: {  	s3 =	rddreg [dreg:$0x2];
	[bflag:$0x3] =	sbarrier.arrive $0xFFFF;
	s2 =	simm.s32 @!p0 $0x1C0C  }
0xb8: {  	[timem:s3], [sflag:s2] =	dma.local @!p0 [hbm:s0], s1  }
0xb9: {  	s0 =	simm.s32 @!p0 $0xC  }
0xba: {  	_ =	swait.ge @!p0 [sflag:s0], s1  }
0xbb: {  	s1 =	ssub.s32 @!p0 $0x0, s1;
	[sflag:s0] =	ssyncset.done @!p0 $0x0  }
0xbc: {  	[sflag:s0] =	ssyncadd.s32 @!p0 s1  }
0xbd: {  	[bflag:$0x3] =	sbarrier.arrive $0xFFFF  }
0xbe: {  	_ =	shalt  }

// kernel: kernel.14.cloned.1.call-start
scs
__scs_entry_jumppad:
0x0: {  	(pc) =	sbr.rel $0x88, $3  }
0x1: {  	(tag) =	ssettag $0x0;
	lr =	simm.s32 $0x1  }
0x2: {  	[smem:$0x3F9C] =	sst lr;
	_ =	strace $0xD0000000  }
0x3: {  	_ = 	snop  }
0x4: {  	_ = 	snop  }
0x5: {  	_ = 	snop  }
0x6: {  	_ = 	snop  }
0x7: {  	_ = 	snop  }
__scs_overlays_trampoline_lowered:
0x8: {  	[smem:$0x3FAB] =	sst s0  }
0x9: {  	[smem:$0x3FAC] =	sst s1  }
0xa: {  	[smem:$0x3FAD] =	sst s2  }
0xb: {  	[smem:$0x3FAE] =	sst s3  }
0xc: {  	[smem:$0x3FAF] =	sst s4  }
0xd: {  	[smem:$0x3FB0] =	sst s5  }
0xe: {  	[smem:$0x3FB1] =	sst s6  }
0xf: {  	[smem:$0x3FB2] =	sst s7  }
0x10: {  	[smem:$0x3FB3] =	sst s8  }
0x11: {  	[smem:$0x3FB4] =	sst s9;
	s0 =	simm.s32 @!p0 $0x0  }
0x12: {  	s1 =	sld [smem:$0x3F9A];
	s0 =	simm.s32 @p0 $0x1  }
0x13: {  	[smem:$0x3FB5] =	sst s0;
	s0 =	simm.s32 @!p1 $0x0  }
0x14: {  	s2 =	sld [smem:$0x3F99];
	s0 =	simm.s32 @p1 $0x1  }
0x15: {  	[smem:$0x3FB6] =	sst s0;
	s0 =	simm.s32 @!p2 $0x0  }
0x16: {  	s3 =	sld [smem:$0x3FDB];
	s0 =	simm.s32 @p2 $0x1  }
0x17: {  	s4 =	simm.s32 $0x1BF5;
	[smem:$0x3FB8] =	sst s0  }
0x18: {  	s0 =	sld [smem:$0x3F9B];
	_ =	swait.ge [sflag:s4], $0x0  }
0x19: {  	s7 =	sld [smem:$0x3F9C]  }
0x1a: {  	s8 =	sadd.s32 $0xFFFFE003, lr  }
0x1b: {  	s9 =	sadd.s32 $0xFFFFFEF7, lr;
	s5 =	simm.s32 $0xFFFFFFFF;
	p2 =	slt.u32 s8, $0xFFFFF086  }
0x1c: {  	p1 =	slt.u32 s9, $0xF7A;
	s5 =	simm.s32 @!p2 $0x0  }
0x1d: {  	s5 =	simm.s32 @p1 $0x1;
	p0 =	seq.s32 s7, s2  }
0x1e: {  	s7 =	smul.u32 @!p0 $0xF7A, s2;
	p2 =	seq.s32 @!p0 s5, $0x0  }
0x1f: {  	s9 =	smul.u32 $0xF7A, s1;
	s8 =	simm.s32 @!p0 $0x1BF5;
	p2 =	por !p2, p0  }
0x20: {  	[sflag:s8] =	ssyncset.s32 @!p0 $0xFFFFF086;
	s6 =	sadd.s32 @!p0 s3, s7;
	s7 =	simm.s32 @!p0 $0x108  }
0x21: {  	s3 =	sadd.s32 s3, s9;
	s6 =	sadd.s32 @!p0 $0x88, s6;
	s7 =	simm.s32 @p2 $0x1082  }
0x22: {  	[simem:s7], [sflag:s8] =	dma.local @!p0 [hbm:s6], $0xF7A  }
0x23: {  	s9 =	sor.u32 $0xD0000000, s2;
	s6 =	simm.s32 $0x108;
	_ =	swait.ge @!p0 [sflag:s8], $0x0  }
0x24: {  	s3 =	sadd.s32 $0x88, s3;
	s6 =	simm.s32 @!p1 $0x1082;
	[sflag:s4] =	ssyncset.s32 $0xFFFFF086  }
0x25: {  	[simem:s6], [sflag:s4] =	dma.local [hbm:s3], $0xF7A  }
0x26: {  	[smem:$0x3F9C] =	sst s1;
	(tag) =	ssettag s2;
	_ =	strace s9  }
0x27: {  	s1 =	sld [smem:$0x3FAC]  }
0x28: {  	s2 =	sld [smem:$0x3FAD]  }
0x29: {  	s4 =	sld [smem:$0x3FAF]  }
0x2a: {  	p0 =	seq.s32 s5, $0x0;
	s5 =	sld [smem:$0x3FB0]  }
0x2b: {  	s6 =	sld [smem:$0x3FB1]  }
0x2c: {  	s7 =	sld [smem:$0x3FB2]  }
0x2d: {  	s3 =	simm.s32 $0x108;
	s8 =	sld [smem:$0x3FB3]  }
0x2e: {  	s3 =	simm.s32 @!p0 $0x1082;
	s9 =	sld [smem:$0x3FB4]  }
0x2f: {  	lr =	sadd.s32 s0, s3;
	s0 =	sld [smem:$0x3FAB]  }
0x30: {  	s3 =	sld [smem:$0x3FAE]  }
0x31: {  	[smem:$0x3FB7] =	sst s10  }
0x32: {  	s10 =	sld [smem:$0x3FB5];
	_ =	sdelay $0x3  }
0x33: {  	p0 =	seq.s32 s10, $0x1;
	s10 =	sld [smem:$0x3FB7];
	_ =	sdelay $0x3  }
0x34: {  	[smem:$0x3FB7] =	sst s10  }
0x35: {  	s10 =	sld [smem:$0x3FB6];
	_ =	sdelay $0x3  }
0x36: {  	p1 =	seq.s32 s10, $0x1;
	s10 =	sld [smem:$0x3FB7];
	_ =	sdelay $0x3  }
0x37: {  	[smem:$0x3FB7] =	sst s10  }
0x38: {  	s10 =	sld [smem:$0x3FB8]  }
0x39: {  	_ = 	snop;
	(pc) =	sbr.ind lr, $3  }
0x3a: {  	_ = 	snop  }
0x3b: {  	_ = 	snop  }
0x3c: {  	p2 =	seq.s32 s10, $0x1;
	s10 =	sld [smem:$0x3FB7]  }
0x3d: {  	_ =	shalt  }
0x3e: {  	_ =	shalt  }
0x3f: {  	_ =	shalt  }
0x40: {  	_ =	shalt  }
0x41: {  	_ =	shalt  }
0x42: {  	_ =	shalt  }
0x43: {  	_ =	shalt  }
0x44: {  	_ =	shalt  }
0x45: {  	_ =	shalt  }
0x46: {  	_ =	shalt  }
0x47: {  	_ =	shalt  }
0x48: {  	_ =	shalt  }
0x49: {  	_ =	shalt  }
0x4a: {  	_ =	shalt  }
0x4b: {  	_ =	shalt  }
0x4c: {  	_ =	shalt  }
0x4d: {  	_ =	shalt  }
0x4e: {  	_ =	shalt  }
0x4f: {  	_ =	shalt  }
0x50: {  	_ =	shalt  }
0x51: {  	_ =	shalt  }
0x52: {  	_ =	shalt  }
0x53: {  	_ =	shalt  }
0x54: {  	_ =	shalt  }
0x55: {  	_ =	shalt  }
0x56: {  	_ =	shalt  }
0x57: {  	_ =	shalt  }
0x58: {  	_ =	shalt  }
0x59: {  	_ =	shalt  }
0x5a: {  	_ =	shalt  }
0x5b: {  	_ =	shalt  }
0x5c: {  	_ =	shalt  }
0x5d: {  	_ =	shalt  }
0x5e: {  	_ =	shalt  }
0x5f: {  	_ =	shalt  }
0x60: {  	_ =	shalt  }
0x61: {  	_ =	shalt  }
0x62: {  	_ =	shalt  }
0x63: {  	_ =	shalt  }
0x64: {  	_ =	shalt  }
0x65: {  	_ =	shalt  }
0x66: {  	_ =	shalt  }
0x67: {  	_ =	shalt  }
0x68: {  	_ =	shalt  }
0x69: {  	_ =	shalt  }
0x6a: {  	_ =	shalt  }
0x6b: {  	_ =	shalt  }
0x6c: {  	_ =	shalt  }
0x6d: {  	_ =	shalt  }
0x6e: {  	_ =	shalt  }
0x6f: {  	_ =	shalt  }
0x70: {  	_ =	shalt  }
0x71: {  	_ =	shalt  }
0x72: {  	_ =	shalt  }
0x73: {  	_ =	shalt  }
0x74: {  	_ =	shalt  }
0x75: {  	_ =	shalt  }
0x76: {  	_ =	shalt  }
0x77: {  	_ =	shalt  }
0x78: {  	_ =	shalt  }
0x79: {  	_ =	shalt  }
0x7a: {  	_ =	shalt  }
0x7b: {  	_ =	shalt  }
0x7c: {  	_ =	shalt  }
0x7d: {  	_ =	shalt  }
0x7e: {  	_ =	shalt  }
0x7f: {  	_ =	shalt  }
0x80: {  	_ =	shalt  }
0x81: {  	_ =	shalt  }
0x82: {  	_ =	shalt  }
0x83: {  	_ =	shalt  }
0x84: {  	_ =	shalt  }
0x85: {  	_ =	shalt  }
0x86: {  	_ =	shalt  }
0x87: {  	_ =	shalt  }
.Lfunc_end0:
.L_simem_size_0:
called_computation.2_lowered:
.L_overlay_start_0:
0x88: {  	s2 =	sld [smem:$0x3FD9]  }
0x89: {  	s3 =	sld [smem:$0x3FFE];
	_ =	sdelay $0x1  }
0x8a: {  	s1 =	srdreg.scid  }
0x8b: {  	s0 =	sand.u32 $0x1, s1  }
0x8c: {  	s16 =	sshll.u32 s0, $0xA;
	s2 =	sadd.s32 s3, s2  }
0x8d: {  	s2 =	sadd.s32 s2, s16  }
0x8e: {  	[smem:$0x3FC3] =	sst s2  }
0x8f: {  	_ = 	snop  }
0x90: {  	(tm) =	ssettm $0x1  }
0x91: {  	s17 =	sld [smem:$0x3FFB];
	_ =	sdelay $0x3  }
0x92: {  	_ =	strace s17  }
0x93: {  	s2 =	sld [smem:$0x3FFC];
	_ =	sdelay $0x3  }
0x94: {  	_ =	strace s2  }
0x95: {  	s2 =	sld [smem:$0x3FFD];
	_ =	sdelay $0x3  }
0x96: {  	_ =	strace s2  }
0x97: {  	_ =	strace $0x8FFFFFFF  }
0x98: {  	s18 =	sld [smem:$0x3FDB];
	_ =	sdelay $0x1  }
0x99: {  	s19 =	simm.s32 $_scs_section_size  }
0x9a: {  	s4 =	simm.s32 $_size__tile_overlayer_lowered;
	s5 =	simm.s32 $_tile_overlayer_lowered  }
0x9b: {  	s22 =	simm.s32 $0x1BFF;
	s21 =	sshll.u32 s5, $0x1;
	s2 =	sadd.s32 s19, s18  }
0x9c: {  	s6 =	simm.s32 $0x0;
	s20 =	sshll.u32 s4, $0x1;
	s4 =	sadd.s32 s21, s2  }
0x9d: {  	[timem:s6], [sflag:s22] =	dma.local [hbm:s4], s20  }
0x9e: {  	_ =	swait.ge [sflag:s22], s20  }
0x9f: {  	s3 =	ssub.s32 $0x0, s20;
	[sflag:s22] =	ssyncset.done $0x0  }
0xa0: {  	[sflag:s22] =	ssyncadd.s32 s3;
	_ =	sdelay $0x1  }
0xa1: {  	s23 =	simm.s32 $0x1B8B  }
0xa2: {  	_ =	swait.ge [sflag:s23], $0x1  }
0xa3: {  	[sflag:s23] =	ssyncset.done $0x0  }
0xa4: {  	s25 =	simm.s32 $0x1B8E;
	s24 =	sld [smem:$0x3FFE];
	[sflag:s23] =	ssyncadd.s32 $0xFFFFFFFF  }
0xa5: {  	s26 =	simm.s32 $execute0_lowered;
	[smem:$0x3FD2] =	sst s25  }
0xa6: {  	s4 =	sshll.u32 s26, $0x1;
	_ =	strace $0x8000004C;
	[dreg:$0x1] =	wrdreg $0xFFFFFFFF  }
0xa7: {  	s28 =	simm.s32 $_size_execute0_lowered;
	s2 =	sadd.s32 s2, s4;
	[dreg:$0x0] =	wrdreg $0x0  }
0xa8: {  	s4 =	sshll.u32 s28, $0x1;
	[dreg:$0x2] =	wrdreg s2  }
0xa9: {  	[dreg:$0x3] =	wrdreg s4  }
0xaa: {  	[dreg:$0x4] =	wrdreg $0xC0  }
0xab: {  	_ =	task [dreg:s6], $0x5FFFF  }
0xac: {  	[dreg:$0x1] =	wrdreg $0xFFFFFFFF  }
0xad: {  	[dreg:$0x0] =	wrdreg $0x60  }
0xae: {  	[dreg:$0x2] =	wrdreg s24  }
0xaf: {  	[dreg:$0x3] =	wrdreg $0xF0000  }
0xb0: {  	[dreg:$0x4] =	wrdreg $0x9  }
0xb1: {  	_ =	task.clear_ibuf [dreg:s6], $0x5FFFF;
	_ =	strace $0x9000004C  }
0xb2: {  	s29 =	simm.s32 $0x9;
	_ =	strace $0x8000004E  }
0xb3: {  	_ =	swait.ge [sflag:s29], $0x1  }
0xb4: {  	[sflag:s29] =	ssyncadd.s32 $0xFFFFFFFF  }
0xb5: {  	_ =	strace $0x9000004E  }
0xb6: {  	_ =	sfence  }
0xb7: {  	s30 =	sld [smem:$0x0];
	_ =	sdelay $0x2  }
0xb8: {  	s31 =	sshll.u32 s1, $0xD;
	s1 =	sshrl.u32 s1, $0x2  }
0xb9: {  	s3 =	sand.u32 $0x4000, s31;
	s1 =	sadd.s32 s1, s30  }
0xba: {  	s0 =	sor.u32 s3, s0;
	s1 =	sshll.u32 s1, $0x11  }
0xbb: {  	s0 =	sor.u32 s1, s0  }
0xbc: {  	s0 =	sadd.s32 $0x8F2B, s0  }
0xbd: {  	[sflag:s0] =	ssyncadd.remote.s32 $0x1  }
0xbe: {  	_ =	sfence.sel $0xFFFF  }
0xbf: {  	[dreg:$0x0] =	wrdreg $0xFFFFFFFF;
	(pc) =	sbr.abs _section_cstart, $3  }
0xc0: {  	[dreg:$0x1] =	wrdreg $0xFFFFFFFF  }
0xc1: {  	_ =	task.clear_ibuf [dreg:s6], $0x2FFFF;
	_ =	strace $0x9FFFFFFF  }
0xc2: {  	(tm) =	ssettm $0x7FFFFFFF  }
0xc3: {  	_ =	shalt  }
tec
execute0_lowered:
.L_overlay_start_1:
0x0: {  	(tag) =	ssettag $0x1  }
0x1: {  	s0 =	rddreg [dreg:$0x0]  }
0x2: {  	s2 =	rddreg [dreg:$0x1];
	s1 =	srdreg.scid  }
0x3: {  	s10 =	stileid.u32;
	s4 =	simm.s32 $0x0;
	s29 =	simm.s32 $0xC  }
0x4: {  	s12 =	simm.s32 $0xF;
	s13 =	simm.s32 $0x6;
	s11 =	simm.s32 $0x12  }
0x5: {  	s31 =	simm.s32 $0xC000;
	s1 =	sand.u32 $0x1, s1;
	s3 =	smul.u32 $0xA000, s10  }
0x6: {  	[smem:$0x7FF] =	sst s4;
	s4 =	sadd.s32 $0x15600, s0;
	s16 =	smul.u32 $0x14000, s10  }
0x7: {  	s17 =	sadd.s32 $0x15300, s0;
	s14 =	sshll.u32 s1, $0x4;
	s5 =	smul.u32 $0xA0000, s1  }
0x8: {  	_ =	strace $0x8000004D;
	s1 =	ssub.s32 $0x2, s1;
	[dreg:$0x6] =	wrdreg s17  }
0x9: {  	s17 =	simm.s32 $0x8;
	s6 =	sor.u32 s10, s14;
	s8 =	sshrl.u32 s1, $0x1  }
0xa: {  	s19 =	sshrl.u32 s3, $0x1;
	s20 =	sshrl.u32 s16, $0x2;
	s10 =	simm.s32 $0x5  }
0xb: {  	s14 =	simm.s32 $0x10;
	s16 =	simm.s32 $0x11;
	s7 =	smul.u32 $0x500, s6  }
0xc: {  	s5 =	sadd.s32 s3, s5;
	s1 =	ssub.s32 s1, s8;
	p0 =	seq.s32 s6, $0x1F  }
0xd: {  	s6 =	simm.s32 $0x14;
	s26 =	sadd.s32 s19, s2;
	s21 =	sadd.s32 s20, s2  }
0xe: {  	s20 =	simm.s32 $0x80;
	s8 =	simm.s32 $0x4;
	s19 =	simm.s32 $0x13  }
0xf: {  	s5 =	sshrl.u32 s5, $0x4;
	s6 =	simm.s32 @!p0 $0x50;
	s23 =	sadd.s32 $0x1000, s21  }
0x10: {  	s24 =	sadd.s32 $0x2000, s21;
	s25 =	sadd.s32 $0x3000, s21;
	[dreg:$0x8] =	wrdreg s26  }
0x11: {  	s30 =	smax.u32 s1, $0x1;
	s1 =	simm.s32 $0x9;
	[dreg:$0x9] =	wrdreg s23  }
0x12: {  	s7 =	sadd.s32 s7, s0;
	s9 =	sadd.s32 s5, s0;
	[dreg:$0xa] =	wrdreg s24  }
0x13: {  	s5 =	simm.s32 $0x14;
	s18 =	smul.u32 $0x67, s6;
	[dreg:$0xb] =	wrdreg s25  }
0x14: {  	s0 =	sadd.s32 $0xB500, s0;
	[dreg:$0xe] =	wrdreg s30;
	s24 =	simm.s32 $0x2  }
0x15: {  	s23 =	simm.s32 $0xB;
	s15 =	sadd.s32 $0xB800, s7;
	[dreg:$0x7] =	wrdreg s0  }
0x16: {  	s25 =	simm.s32 $0x0;
	s7 =	sadd.s32 $0x1A00, s7;
	[dreg:$0x4] =	wrdreg s15  }
0x17: {  	s0 =	sadd.s32 $0x4000, s21;
	s28 =	sadd.s32 $0x1F600, s9;
	[dreg:$0x5] =	wrdreg s7  }
0x18: {  	s9 =	simm.s32 $0xE;
	s22 =	sshrl.u32 s18, $0xA;
	[dreg:$0xc] =	wrdreg s0  }
0x19: {  	s21 =	simm.s32 $0xA;
	[dreg:$0xd] =	wrdreg s28;
	s3 =	smul.u32 $0x1400, s22  }
0x1a: {  	s18 =	simm.s32 $0x5000;
	s7 =	simm.s32 $0xD;
	s15 =	simm.s32 $0x7  }
0x1b: {  	v0 =	vimm.bf16 $0.0e+00;
	s22 =	simm.s32 $0x16;
	[dreg:$0x3] =	wrdreg s3;
	s3 =	simm.s32 $0x3  }
.LBB2_1:
0x1c: {  	[dreg:$0xf] =	wrdreg s25  }
0x1d: {  	s25 =	simm.s32 @p0 $0x0;
	s0 =	rddreg [dreg:$0x6]  }
0x1e: {  	[tilespmem:s25], [sflag:$0x1] =	stream.linear.gather @p0 [hbm4b:s0+s25], $0xA00, $0x38;
	[tilespmem:$0x14000] =	vst v63  }
0x1f: {  	s28 =	simm.s32 @p0 $0x2800;
	s0 =	rddreg [dreg:$0x7]  }
0x20: {  	[tilespmem:s28], [sflag:$0x1] =	stream.linear.gather @p0 [hbm4b:s0+s25], $0xA00, $0x38;
	[tilespmem:$0x14000] =	vst v63  }
0x21: {  	s25 =	simm.s32 @!p0 $0x0;
	s0 =	rddreg [dreg:$0x4]  }
0x22: {  	[tilespmem:s25], [sflag:$0x1] =	stream.linear.gather @!p0 [hbm4b:s0+s25], $0x2800, $0x38;
	[tilespmem:$0x14000] =	vst v63  }
0x23: {  	s28 =	simm.s32 @!p0 $0x2800;
	s0 =	rddreg [dreg:$0x5]  }
0x24: {  	[tilespmem:s28], [sflag:$0x1] =	stream.linear.gather @!p0 [hbm4b:s0+s25], $0x2800, $0x38;
	[tilespmem:$0x14000] =	vst v63  }
0x25: {  	s25 =	simm.s32 $0x0  }
0x26: {  	s30 =	sand.u32 $0x3F80, s25;
	s28 =	sand.u32 $0x20, s25  }
0x27: {  	s25 =	sshrl.u32 s30, $0x2;
	s28 =	sshrl.u32 s28, $0x1  }
0x28: {  	s28 =	sor.u32 s28, s25  }
0x29: {  	s25 =	simm.s32 $0x40;
	[tilespmem:s28+$0x5000] =	vst v0;
	s28 =	simm.s32 $0x0  }
.LBB2_2:
0x2a: {  	p1 =	sne.s32 s25, $0x3FC0  }
.Ltmp0:
0x2b: {  	s30 =	sand.u32 $0x3F80, s25;
	s28 =	sadd.s32 $0x20, s28;
	(pc) =	sbr.rel @p1 .LBB2_2-.Ltmp0, $4  }
0x2c: {  	s25 =	sadd.s32 $0x40, s25;
	s0 =	sand.u32 $0x20, s28  }
0x2d: {  	s30 =	sshrl.u32 s30, $0x2;
	s0 =	sshrl.u32 s0, $0x1  }
0x2e: {  	s0 =	sor.u32 s0, s30  }
0x2f: {  	[tilespmem:s0+$0x5000] =	vst v0  }
0x30: {  	[spmem:s26] =	stream.linear.scatter [tilespmem:s18], [sflag:$0x16], $0x1000, $0x38;
	[tilespmem:$0x14000] =	vst v63  }
0x31: {  	_ =	swait.ge [sflag:s22], $0x1000  }
0x32: {  	[sflag:s22] =	ssyncset.done $0x0  }
0x33: {  	s0 =	rddreg [dreg:$0x9];
	[sflag:s22] =	ssyncadd.s32 $0xFFFFF000  }
0x34: {  	[spmem:s0] =	stream.linear.scatter [tilespmem:s18], [sflag:$0x16], $0x1000, $0x38;
	[tilespmem:$0x14000] =	vst v63  }
0x35: {  	_ =	swait.ge [sflag:s22], $0x1000  }
0x36: {  	[sflag:s22] =	ssyncset.done $0x0  }
0x37: {  	s25 =	rddreg [dreg:$0xa];
	[sflag:s22] =	ssyncadd.s32 $0xFFFFF000  }
0x38: {  	[spmem:s25] =	stream.linear.scatter [tilespmem:s18], [sflag:$0x16], $0x1000, $0x38;
	[tilespmem:$0x14000] =	vst v63  }
0x39: {  	_ =	swait.ge [sflag:s22], $0x1000  }
0x3a: {  	[sflag:s22] =	ssyncset.done $0x0  }
0x3b: {  	s26 =	rddreg [dreg:$0xb];
	[sflag:s22] =	ssyncadd.s32 $0xFFFFF000  }
0x3c: {  	[spmem:s26] =	stream.linear.scatter [tilespmem:s18], [sflag:$0x16], $0x1000, $0x38;
	[tilespmem:$0x14000] =	vst v63  }
0x3d: {  	_ =	swait.ge [sflag:s22], $0x1000  }
0x3e: {  	[sflag:s22] =	ssyncset.done $0x0  }
0x3f: {  	s30 =	rddreg [dreg:$0xc];
	[sflag:s22] =	ssyncadd.s32 $0xFFFFF000  }
0x40: {  	[spmem:s30] =	stream.linear.scatter [tilespmem:s18], [sflag:$0x16], $0x1000, $0x38;
	[tilespmem:$0x14000] =	vst v63  }
0x41: {  	_ =	swait.ge [sflag:s22], $0x1000  }
0x42: {  	[sflag:s22] =	ssyncset.done $0x0  }
0x43: {  	s0 =	simm.s32 @p0 $0x1;
	[sflag:s22] =	ssyncadd.s32 $0xFFFFF000  }
0x44: {  	_ =	swait.ge @p0 [sflag:s0], $0xA00  }
0x45: {  	[sflag:s0] =	ssyncset.done @p0 $0x0  }
0x46: {  	[sflag:s0] =	ssyncadd.s32 @p0 $0xFFFFF600  }
0x47: {  	_ =	swait.ge @p0 [sflag:s0], $0xA00  }
0x48: {  	[sflag:s0] =	ssyncset.done @p0 $0x0  }
0x49: {  	[sflag:s0] =	ssyncadd.s32 @p0 $0xFFFFF600;
	s0 =	simm.s32 @!p0 $0x1  }
0x4a: {  	_ =	swait.ge @!p0 [sflag:s0], $0x2800  }
0x4b: {  	[sflag:s0] =	ssyncset.done @!p0 $0x0  }
0x4c: {  	[sflag:s0] =	ssyncadd.s32 @!p0 $0xFFFFD800  }
0x4d: {  	_ =	swait.ge @!p0 [sflag:s0], $0x2800  }
0x4e: {  	[sflag:s0] =	ssyncset.done @!p0 $0x0  }
0x4f: {  	[sflag:s0] =	ssyncadd.s32 @!p0 $0xFFFFD800  }
0x50: {  	s25 =	simm.s32 $0x0;
	[bflag:$0x0] =	sbarrier.arrive $0xFFFF  }
0x51: {  	[tilespmem:s18], [sflag:$0x2] =	stream.indirect.gather [hbm4b:s4+s20], $0x20, s25, s20, $0xb8;
	[tilespmem:$0x14000] =	vst v63  }
0x52: {  	s22 =	simm.s32 $0x6000  }
0x53: {  	[tilespmem:s22], [sflag:$0x3] =	stream.indirect.gather [hbm4b:s4+s20], $0x20, s20, s20, $0xb8;
	[tilespmem:$0x14000] =	vst v63  }
0x54: {  	s26 =	simm.s32 $0x100;
	s30 =	simm.s32 $0x7000  }
0x55: {  	[tilespmem:s30], [sflag:$0x4] =	stream.indirect.gather [hbm4b:s4+s20], $0x20, s26, s20, $0xb8;
	[tilespmem:$0x14000] =	vst v63  }
0x56: {  	s18 =	simm.s32 $0x180;
	s22 =	simm.s32 $0x8000  }
0x57: {  	[tilespmem:s22], [sflag:$0x5] =	stream.indirect.gather [hbm4b:s4+s20], $0x20, s18, s20, $0xb8;
	[tilespmem:$0x14000] =	vst v63  }
0x58: {  	s26 =	simm.s32 $0x200;
	s30 =	simm.s32 $0x9000  }
0x59: {  	[tilespmem:s30], [sflag:$0x6] =	stream.indirect.gather [hbm4b:s4+s20], $0x20, s26, s20, $0xb8;
	[tilespmem:$0x14000] =	vst v63  }
0x5a: {  	s22 =	simm.s32 $0x280;
	s26 =	simm.s32 $0xA000  }
0x5b: {  	[tilespmem:s26], [sflag:$0x7] =	stream.indirect.gather [hbm4b:s4+s20], $0x20, s22, s20, $0xb8;
	[tilespmem:$0x14000] =	vst v63  }
0x5c: {  	s18 =	simm.s32 $0xB000;
	s30 =	simm.s32 $0x300  }
0x5d: {  	[tilespmem:s18], [sflag:$0x8] =	stream.indirect.gather [hbm4b:s4+s20], $0x20, s30, s20, $0xb8;
	[tilespmem:$0x14000] =	vst v63  }
0x5e: {  	s22 =	simm.s32 $0x380  }
0x5f: {  	[tilespmem:s31], [sflag:$0x9] =	stream.indirect.gather [hbm4b:s4+s20], $0x20, s22, s20, $0xb8;
	[tilespmem:$0x14000] =	vst v63  }
0x60: {  	s26 =	simm.s32 $0x400;
	s30 =	simm.s32 $0xD000  }
0x61: {  	[tilespmem:s30], [sflag:$0xA] =	stream.indirect.gather [hbm4b:s4+s20], $0x20, s26, s20, $0xb8;
	[tilespmem:$0x14000] =	vst v63  }
0x62: {  	s28 =	simm.s32 $0x9;
	s26 =	simm.s32 $0x480;
	s30 =	simm.s32 $0xE000  }
0x63: {  	[tilespmem:s30], [sflag:$0xB] =	stream.indirect.gather [hbm4b:s4+s20], $0x20, s26, s20, $0xb8;
	[tilespmem:$0x14000] =	vst v63  }
.LBB2_4:
0x64: {  	p1 =	seq.s32 s25, $0x0  }
0x65: {  	s0 =	simm.s32 @!p1 $0x15  }
0x66: {  	p2 =	sge.u32 @!p1 s28, s6;
	_ =	swait.ge @!p1 [sflag:s0], $0x1000  }
0x67: {  	p2 =	por p2, p1;
	[sflag:s0] =	ssyncset.done @!p1 $0x0  }
0x68: {  	[sflag:s0] =	ssyncadd.s32 @!p1 $0xFFFFF000;
	s0 =	sshra.s32 @!p2 s25, $0x2  }
0x69: {  	s30 =	simm.s32 @!p2 $0x80;
	s22 =	simm.s32 @!p2 $0xE000;
	s0 =	sadd.s32 @!p2 $0x480, s0  }
0x6a: {  	[tilespmem:s22], [sflag:$0xB] =	stream.indirect.gather @!p2 [hbm4b:s4+s30], $0x20, s0, s30, $0xb8;
	[tilespmem:$0x14000] =	vst v63  }
0x6b: {  	_ =	swait.ge [sflag:s24], $0x1000  }
0x6c: {  	s30 =	sshra.s32 s25, $0x2;
	[sflag:s24] =	ssyncset.done $0x0  }
0x6d: {  	s26 =	simm.s32 $0x5000;
	s22 =	sadd.s32 $0x2800, s30;
	[sflag:s24] =	ssyncadd.s32 $0xFFFFF000  }
0x6e: {  	[spmem:s2] =	stream.indirect.scatter.add.bf16 [tilespmem:s26], [sflag:$0xC], $0x20, s22, s20, $0xb8;
	[tilespmem:$0x14000] =	vst v63  }
0x6f: {  	s26 =	sadd.s32 $0x1, s28  }
0x70: {  	_ =	swait.ge [sflag:s29], $0x1000;
	p2 =	sge.u32 s26, s6  }
0x71: {  	[sflag:s29] =	ssyncset.done $0x0;
	s0 =	sshra.s32 @!p2 s25, $0x2;
	s22 =	simm.s32 @!p2 $0x80  }
0x72: {  	s26 =	simm.s32 @!p2 $0x5000;
	[sflag:s29] =	ssyncadd.s32 $0xFFFFF000;
	s0 =	sadd.s32 @!p2 $0x500, s0  }
0x73: {  	[tilespmem:s26], [sflag:$0x2] =	stream.indirect.gather @!p2 [hbm4b:s4+s22], $0x20, s0, s22, $0xb8;
	[tilespmem:$0x14000] =	vst v63  }
0x74: {  	_ =	swait.ge [sflag:s3], $0x1000  }
0x75: {  	[sflag:s3] =	ssyncset.done $0x0  }
0x76: {  	s22 =	sadd.s32 $0x2880, s30;
	s26 =	simm.s32 $0x6000;
	[sflag:s3] =	ssyncadd.s32 $0xFFFFF000  }
0x77: {  	[spmem:s2] =	stream.indirect.scatter.add.bf16 [tilespmem:s26], [sflag:$0xD], $0x20, s22, s20, $0xb8;
	[tilespmem:$0x14000] =	vst v63  }
0x78: {  	s26 =	sadd.s32 $0x2, s28  }
0x79: {  	_ =	swait.ge [sflag:s7], $0x1000;
	p2 =	sge.u32 s26, s6  }
0x7a: {  	[sflag:s7] =	ssyncset.done $0x0;
	s0 =	sshra.s32 @!p2 s25, $0x2;
	s22 =	simm.s32 @!p2 $0x80  }
0x7b: {  	s26 =	simm.s32 @!p2 $0x6000;
	[sflag:s7] =	ssyncadd.s32 $0xFFFFF000;
	s0 =	sadd.s32 @!p2 $0x580, s0  }
0x7c: {  	[tilespmem:s26], [sflag:$0x3] =	stream.indirect.gather @!p2 [hbm4b:s4+s22], $0x20, s0, s22, $0xb8;
	[tilespmem:$0x14000] =	vst v63  }
0x7d: {  	_ =	swait.ge [sflag:s8], $0x1000  }
0x7e: {  	[sflag:s8] =	ssyncset.done $0x0  }
0x7f: {  	s22 =	sadd.s32 $0x2900, s30;
	s26 =	simm.s32 $0x7000;
	[sflag:s8] =	ssyncadd.s32 $0xFFFFF000  }
0x80: {  	[spmem:s2] =	stream.indirect.scatter.add.bf16 [tilespmem:s26], [sflag:$0xE], $0x20, s22, s20, $0xb8;
	[tilespmem:$0x14000] =	vst v63  }
0x81: {  	s26 =	sadd.s32 $0x3, s28  }
0x82: {  	_ =	swait.ge [sflag:s9], $0x1000;
	p2 =	sge.u32 s26, s6  }
0x83: {  	[sflag:s9] =	ssyncset.done $0x0;
	s0 =	sshra.s32 @!p2 s25, $0x2;
	s22 =	simm.s32 @!p2 $0x80  }
0x84: {  	s26 =	simm.s32 @!p2 $0x7000;
	[sflag:s9] =	ssyncadd.s32 $0xFFFFF000;
	s0 =	sadd.s32 @!p2 $0x600, s0  }
0x85: {  	[tilespmem:s26], [sflag:$0x4] =	stream.indirect.gather @!p2 [hbm4b:s4+s22], $0x20, s0, s22, $0xb8;
	[tilespmem:$0x14000] =	vst v63  }
0x86: {  	_ =	swait.ge [sflag:s10], $0x1000  }
0x87: {  	[sflag:s10] =	ssyncset.done $0x0  }
0x88: {  	s22 =	sadd.s32 $0x2980, s30;
	s26 =	simm.s32 $0x8000;
	[sflag:s10] =	ssyncadd.s32 $0xFFFFF000  }
0x89: {  	[spmem:s2] =	stream.indirect.scatter.add.bf16 [tilespmem:s26], [sflag:$0xF], $0x20, s22, s20, $0xb8;
	[tilespmem:$0x14000] =	vst v63  }
0x8a: {  	s26 =	sadd.s32 $0x4, s28  }
0x8b: {  	_ =	swait.ge [sflag:s12], $0x1000;
	p2 =	sge.u32 s26, s6  }
0x8c: {  	[sflag:s12] =	ssyncset.done $0x0;
	s0 =	sshra.s32 @!p2 s25, $0x2;
	s22 =	simm.s32 @!p2 $0x80  }
0x8d: {  	s26 =	simm.s32 @!p2 $0x8000;
	[sflag:s12] =	ssyncadd.s32 $0xFFFFF000;
	s0 =	sadd.s32 @!p2 $0x680, s0  }
0x8e: {  	[tilespmem:s26], [sflag:$0x5] =	stream.indirect.gather @!p2 [hbm4b:s4+s22], $0x20, s0, s22, $0xb8;
	[tilespmem:$0x14000] =	vst v63  }
0x8f: {  	_ =	swait.ge [sflag:s13], $0x1000  }
0x90: {  	[sflag:s13] =	ssyncset.done $0x0  }
0x91: {  	s22 =	sadd.s32 $0x2A00, s30;
	s26 =	simm.s32 $0x9000;
	[sflag:s13] =	ssyncadd.s32 $0xFFFFF000  }
0x92: {  	[spmem:s2] =	stream.indirect.scatter.add.bf16 [tilespmem:s26], [sflag:$0x10], $0x20, s22, s20, $0xb8;
	[tilespmem:$0x14000] =	vst v63  }
0x93: {  	s26 =	sadd.s32 $0x5, s28  }
0x94: {  	_ =	swait.ge [sflag:s14], $0x1000;
	p2 =	sge.u32 s26, s6  }
0x95: {  	[sflag:s14] =	ssyncset.done $0x0;
	s0 =	sshra.s32 @!p2 s25, $0x2;
	s22 =	simm.s32 @!p2 $0x80  }
0x96: {  	s26 =	simm.s32 @!p2 $0x9000;
	[sflag:s14] =	ssyncadd.s32 $0xFFFFF000;
	s0 =	sadd.s32 @!p2 $0x700, s0  }
0x97: {  	[tilespmem:s26], [sflag:$0x6] =	stream.indirect.gather @!p2 [hbm4b:s4+s22], $0x20, s0, s22, $0xb8;
	[tilespmem:$0x14000] =	vst v63  }
0x98: {  	_ =	swait.ge [sflag:s15], $0x1000  }
0x99: {  	[sflag:s15] =	ssyncset.done $0x0  }
0x9a: {  	s22 =	sadd.s32 $0x2A80, s30;
	s26 =	simm.s32 $0xA000;
	[sflag:s15] =	ssyncadd.s32 $0xFFFFF000  }
0x9b: {  	[spmem:s2] =	stream.indirect.scatter.add.bf16 [tilespmem:s26], [sflag:$0x11], $0x20, s22, s20, $0xb8;
	[tilespmem:$0x14000] =	vst v63  }
0x9c: {  	s26 =	sadd.s32 $0x6, s28  }
0x9d: {  	_ =	swait.ge [sflag:s16], $0x1000;
	p2 =	sge.u32 s26, s6  }
0x9e: {  	[sflag:s16] =	ssyncset.done $0x0;
	s0 =	sshra.s32 @!p2 s25, $0x2;
	s22 =	simm.s32 @!p2 $0x80  }
0x9f: {  	s26 =	simm.s32 @!p2 $0xA000;
	[sflag:s16] =	ssyncadd.s32 $0xFFFFF000;
	s0 =	sadd.s32 @!p2 $0x780, s0  }
0xa0: {  	[tilespmem:s26], [sflag:$0x7] =	stream.indirect.gather @!p2 [hbm4b:s4+s22], $0x20, s0, s22, $0xb8;
	[tilespmem:$0x14000] =	vst v63  }
0xa1: {  	_ =	swait.ge [sflag:s17], $0x1000  }
0xa2: {  	[sflag:s17] =	ssyncset.done $0x0  }
0xa3: {  	s22 =	sadd.s32 $0x2B00, s30;
	s26 =	sadd.s32 $0x7, s28;
	[sflag:s17] =	ssyncadd.s32 $0xFFFFF000  }
0xa4: {  	[spmem:s2] =	stream.indirect.scatter.add.bf16 [tilespmem:s18], [sflag:$0x12], $0x20, s22, s20, $0xb8;
	[tilespmem:$0x14000] =	vst v63  }
0xa5: {  	p2 =	sge.u32 s26, s6;
	_ =	swait.ge [sflag:s11], $0x1000  }
0xa6: {  	s0 =	sshra.s32 @!p2 s25, $0x2;
	s26 =	simm.s32 @!p2 $0xB000;
	[sflag:s11] =	ssyncset.done $0x0  }
0xa7: {  	s0 =	sadd.s32 @!p2 $0x800, s0;
	s22 =	simm.s32 @!p2 $0x80;
	[sflag:s11] =	ssyncadd.s32 $0xFFFFF000  }
0xa8: {  	[tilespmem:s26], [sflag:$0x8] =	stream.indirect.gather @!p2 [hbm4b:s4+s22], $0x20, s0, s22, $0xb8;
	[tilespmem:$0x14000] =	vst v63  }
0xa9: {  	_ =	swait.ge [sflag:s1], $0x1000  }
0xaa: {  	[sflag:s1] =	ssyncset.done $0x0  }
0xab: {  	s22 =	sadd.s32 $0x2B80, s30;
	s26 =	sadd.s32 $0x8, s28;
	[sflag:s1] =	ssyncadd.s32 $0xFFFFF000  }
0xac: {  	[spmem:s2] =	stream.indirect.scatter.add.bf16 [tilespmem:s31], [sflag:$0x13], $0x20, s22, s20, $0xb8;
	[tilespmem:$0x14000] =	vst v63  }
0xad: {  	p2 =	sge.u32 s26, s6;
	_ =	swait.ge [sflag:s19], $0x1000  }
0xae: {  	s0 =	sshra.s32 @!p2 s25, $0x2;
	s26 =	simm.s32 @!p2 $0xC000;
	[sflag:s19] =	ssyncset.done $0x0  }
0xaf: {  	s0 =	sadd.s32 @!p2 $0x880, s0;
	s22 =	simm.s32 @!p2 $0x80;
	[sflag:s19] =	ssyncadd.s32 $0xFFFFF000  }
0xb0: {  	[tilespmem:s26], [sflag:$0x9] =	stream.indirect.gather @!p2 [hbm4b:s4+s22], $0x20, s0, s22, $0xb8;
	[tilespmem:$0x14000] =	vst v63  }
0xb1: {  	_ =	swait.ge [sflag:s21], $0x1000  }
0xb2: {  	[sflag:s21] =	ssyncset.done $0x0  }
0xb3: {  	s22 =	sadd.s32 $0x2C00, s30;
	s26 =	simm.s32 $0xD000;
	[sflag:s21] =	ssyncadd.s32 $0xFFFFF000  }
0xb4: {  	[spmem:s2] =	stream.indirect.scatter.add.bf16 [tilespmem:s26], [sflag:$0x14], $0x20, s22, s20, $0xb8;
	[tilespmem:$0x14000] =	vst v63  }
0xb5: {  	s22 =	sadd.s32 $0x9, s28  }
0xb6: {  	_ =	swait.ge [sflag:s5], $0x1000;
	p2 =	sge.u32 s22, s6  }
0xb7: {  	[sflag:s5] =	ssyncset.done $0x0;
	s0 =	sshra.s32 @!p2 s25, $0x2;
	s22 =	simm.s32 @!p2 $0x80  }
0xb8: {  	s26 =	simm.s32 @!p2 $0xD000;
	[sflag:s5] =	ssyncadd.s32 $0xFFFFF000;
	s0 =	sadd.s32 @!p2 $0x900, s0  }
0xb9: {  	[tilespmem:s26], [sflag:$0xA] =	stream.indirect.gather @!p2 [hbm4b:s4+s22], $0x20, s0, s22, $0xb8;
	[tilespmem:$0x14000] =	vst v63  }
0xba: {  	_ =	swait.ge [sflag:s23], $0x1000  }
0xbb: {  	s25 =	sadd.s32 $0x1400, s25;
	s0 =	smov.u32 s28;
	s26 =	rddreg [dreg:$0x3]  }
0xbc: {  	s0 =	simm.s32 @p1 $0x9;
	p1 =	sne.s32 s26, s25  }
.Ltmp1:
0xbd: {  	_ = 	snop;
	(pc) =	sbr.rel @p1 .LBB2_4-.Ltmp1, $4  }
0xbe: {  	s0 =	sshll.u32 s0, $0x9  }
0xbf: {  	s30 =	simm.s32 $0xE000;
	[sflag:s23] =	ssyncset.done $0x0;
	s0 =	sshra.s32 s0, $0x2  }
0xc0: {  	s28 =	sadd.s32 $0xA, s28;
	[sflag:s23] =	ssyncadd.s32 $0xFFFFF000;
	s0 =	sadd.s32 $0x2800, s0  }
0xc1: {  	[spmem:s2] =	stream.indirect.scatter.add.bf16 [tilespmem:s30], [sflag:$0x15], $0x20, s0, s20, $0xb8;
	[tilespmem:$0x14000] =	vst v63  }
0xc2: {  	s0 =	simm.s32 $0x15  }
0xc3: {  	_ =	swait.ge [sflag:s0], $0x1000  }
0xc4: {  	[sflag:s0] =	ssyncset.done $0x0  }
0xc5: {  	[sflag:s0] =	ssyncadd.s32 $0xFFFFF000  }
0xc6: {  	s26 =	stileid.u32;
	[bflag:$0x0] =	sbarrier.arrive $0xFFFF  }
0xc7: {  	s0 =	sshll.u32 s26, $0x6;
	s26 =	rddreg [dreg:$0x8]  }
0xc8: {  	s0 =	sor.u32 $0x1C16, s0;
	s25 =	rddreg [dreg:$0xd];
	s22 =	sshrl.u32 s26, $0x3  }
0xc9: {  	[hbm:s25], [sflag:s0] =	dma.local [spmem:s22], $0xA00  }
0xca: {  	s22 =	simm.s32 $0x16  }
0xcb: {  	_ =	swait.ge [sflag:s22], $0xA00  }
0xcc: {  	s28 =	rddreg [dreg:$0xf]  }
0xcd: {  	s30 =	rddreg [dreg:$0xe];
	s25 =	sadd.s32 $0x1, s28  }
0xce: {  	p1 =	sne.s32 s25, s30  }
.Ltmp2:
0xcf: {  	_ = 	snop;
	(pc) =	sbr.rel @p1 .LBB2_1-.Ltmp2, $3  }
0xd0: {  	_ =	sdelay $0x1  }
0xd1: {  	[sflag:s22] =	ssyncset.done $0x0  }
0xd2: {  	s18 =	simm.s32 $0x5000;
	[sflag:s22] =	ssyncadd.s32 $0xFFFFF600  }
0xd3: {  	_ =	sfence.sel $0x180000  }
0xd4: {  	[bflag:$0x0] =	sbarrier.arrive $0xFFFF  }
0xd5: {  	_ =	strace $0x9000004D  }
0xd6: {  	s0 =	stileid.u32;
	[bflag:$0x2] =	sbarrier.arrive $0xFFFF  }
0xd7: {  	p0 =	sne.s32 s0, $0x0;
	s0 =	rddreg [dreg:$0x2]  }
0xd8: {  	s0 =	sadd.s32 @!p0 $0x100000, s0  }
0xd9: {  	[sflag:s0] =	ssyncadd.tile.s32 @!p0 $0x1;
	_ =	shalt  }
.Lfunc_end2:
_tile_overlayer_lowered:
.L_overlay_start_2:
0xda: {  	(tag) =	ssettag $0x2  }
0xdb: {  	s0 =	rddreg [dreg:$0x0];
	s2 =	stileid.u32  }
0xdc: {  	s1 =	rddreg [dreg:$0x1];
	p0 =	sne.s32 s2, $0x0  }
0xdd: {  	s3 =	rddreg [dreg:$0x2];
	[bflag:$0x3] =	sbarrier.arrive $0xFFFF;
	s2 =	simm.s32 @!p0 $0x1C16  }
0xde: {  	[timem:s3], [sflag:s2] =	dma.local @!p0 [hbm:s0], s1  }
0xdf: {  	s0 =	simm.s32 @!p0 $0x16  }
0xe0: {  	_ =	swait.ge @!p0 [sflag:s0], s1  }
0xe1: {  	s1 =	ssub.s32 @!p0 $0x0, s1;
	[sflag:s0] =	ssyncset.done @!p0 $0x0  }
0xe2: {  	[sflag:s0] =	ssyncadd.s32 @!p0 s1  }
0xe3: {  	[bflag:$0x3] =	sbarrier.arrive $0xFFFF  }
0xe4: {  	_ =	shalt  }

// kernel: kernel.8.cloned.1.call-start
scs
__scs_entry_jumppad:
0x0: {  	(pc) =	sbr.rel $0x88, $3  }
0x1: {  	(tag) =	ssettag $0x0;
	lr =	simm.s32 $0x1  }
0x2: {  	[smem:$0x3F9C] =	sst lr;
	_ =	strace $0xD0000000  }
0x3: {  	_ = 	snop  }
0x4: {  	_ = 	snop  }
0x5: {  	_ = 	snop  }
0x6: {  	_ = 	snop  }
0x7: {  	_ = 	snop  }
__scs_overlays_trampoline_lowered:
0x8: {  	[smem:$0x3FAB] =	sst s0  }
0x9: {  	[smem:$0x3FAC] =	sst s1  }
0xa: {  	[smem:$0x3FAD] =	sst s2  }
0xb: {  	[smem:$0x3FAE] =	sst s3  }
0xc: {  	[smem:$0x3FAF] =	sst s4  }
0xd: {  	[smem:$0x3FB0] =	sst s5  }
0xe: {  	[smem:$0x3FB1] =	sst s6  }
0xf: {  	[smem:$0x3FB2] =	sst s7  }
0x10: {  	[smem:$0x3FB3] =	sst s8  }
0x11: {  	[smem:$0x3FB4] =	sst s9;
	s0 =	simm.s32 @!p0 $0x0  }
0x12: {  	s1 =	sld [smem:$0x3F9A];
	s0 =	simm.s32 @p0 $0x1  }
0x13: {  	[smem:$0x3FB5] =	sst s0;
	s0 =	simm.s32 @!p1 $0x0  }
0x14: {  	s2 =	sld [smem:$0x3F99];
	s0 =	simm.s32 @p1 $0x1  }
0x15: {  	[smem:$0x3FB6] =	sst s0;
	s0 =	simm.s32 @!p2 $0x0  }
0x16: {  	s3 =	sld [smem:$0x3FDB];
	s0 =	simm.s32 @p2 $0x1  }
0x17: {  	s4 =	simm.s32 $0x1BF5;
	[smem:$0x3FB8] =	sst s0  }
0x18: {  	s0 =	sld [smem:$0x3F9B];
	_ =	swait.ge [sflag:s4], $0x0  }
0x19: {  	s7 =	sld [smem:$0x3F9C]  }
0x1a: {  	s8 =	sadd.s32 $0xFFFFE003, lr  }
0x1b: {  	s9 =	sadd.s32 $0xFFFFFEF7, lr;
	s5 =	simm.s32 $0xFFFFFFFF;
	p2 =	slt.u32 s8, $0xFFFFF086  }
0x1c: {  	p1 =	slt.u32 s9, $0xF7A;
	s5 =	simm.s32 @!p2 $0x0  }
0x1d: {  	s5 =	simm.s32 @p1 $0x1;
	p0 =	seq.s32 s7, s2  }
0x1e: {  	s7 =	smul.u32 @!p0 $0xF7A, s2;
	p2 =	seq.s32 @!p0 s5, $0x0  }
0x1f: {  	s9 =	smul.u32 $0xF7A, s1;
	s8 =	simm.s32 @!p0 $0x1BF5;
	p2 =	por !p2, p0  }
0x20: {  	[sflag:s8] =	ssyncset.s32 @!p0 $0xFFFFF086;
	s6 =	sadd.s32 @!p0 s3, s7;
	s7 =	simm.s32 @!p0 $0x108  }
0x21: {  	s3 =	sadd.s32 s3, s9;
	s6 =	sadd.s32 @!p0 $0x88, s6;
	s7 =	simm.s32 @p2 $0x1082  }
0x22: {  	[simem:s7], [sflag:s8] =	dma.local @!p0 [hbm:s6], $0xF7A  }
0x23: {  	s9 =	sor.u32 $0xD0000000, s2;
	s6 =	simm.s32 $0x108;
	_ =	swait.ge @!p0 [sflag:s8], $0x0  }
0x24: {  	s3 =	sadd.s32 $0x88, s3;
	s6 =	simm.s32 @!p1 $0x1082;
	[sflag:s4] =	ssyncset.s32 $0xFFFFF086  }
0x25: {  	[simem:s6], [sflag:s4] =	dma.local [hbm:s3], $0xF7A  }
0x26: {  	[smem:$0x3F9C] =	sst s1;
	(tag) =	ssettag s2;
	_ =	strace s9  }
0x27: {  	s1 =	sld [smem:$0x3FAC]  }
0x28: {  	s2 =	sld [smem:$0x3FAD]  }
0x29: {  	s4 =	sld [smem:$0x3FAF]  }
0x2a: {  	p0 =	seq.s32 s5, $0x0;
	s5 =	sld [smem:$0x3FB0]  }
0x2b: {  	s6 =	sld [smem:$0x3FB1]  }
0x2c: {  	s7 =	sld [smem:$0x3FB2]  }
0x2d: {  	s3 =	simm.s32 $0x108;
	s8 =	sld [smem:$0x3FB3]  }
0x2e: {  	s3 =	simm.s32 @!p0 $0x1082;
	s9 =	sld [smem:$0x3FB4]  }
0x2f: {  	lr =	sadd.s32 s0, s3;
	s0 =	sld [smem:$0x3FAB]  }
0x30: {  	s3 =	sld [smem:$0x3FAE]  }
0x31: {  	[smem:$0x3FB7] =	sst s10  }
0x32: {  	s10 =	sld [smem:$0x3FB5];
	_ =	sdelay $0x3  }
0x33: {  	p0 =	seq.s32 s10, $0x1;
	s10 =	sld [smem:$0x3FB7];
	_ =	sdelay $0x3  }
0x34: {  	[smem:$0x3FB7] =	sst s10  }
0x35: {  	s10 =	sld [smem:$0x3FB6];
	_ =	sdelay $0x3  }
0x36: {  	p1 =	seq.s32 s10, $0x1;
	s10 =	sld [smem:$0x3FB7];
	_ =	sdelay $0x3  }
0x37: {  	[smem:$0x3FB7] =	sst s10  }
0x38: {  	s10 =	sld [smem:$0x3FB8]  }
0x39: {  	_ = 	snop;
	(pc) =	sbr.ind lr, $3  }
0x3a: {  	_ = 	snop  }
0x3b: {  	_ = 	snop  }
0x3c: {  	p2 =	seq.s32 s10, $0x1;
	s10 =	sld [smem:$0x3FB7]  }
0x3d: {  	_ =	shalt  }
0x3e: {  	_ =	shalt  }
0x3f: {  	_ =	shalt  }
0x40: {  	_ =	shalt  }
0x41: {  	_ =	shalt  }
0x42: {  	_ =	shalt  }
0x43: {  	_ =	shalt  }
0x44: {  	_ =	shalt  }
0x45: {  	_ =	shalt  }
0x46: {  	_ =	shalt  }
0x47: {  	_ =	shalt  }
0x48: {  	_ =	shalt  }
0x49: {  	_ =	shalt  }
0x4a: {  	_ =	shalt  }
0x4b: {  	_ =	shalt  }
0x4c: {  	_ =	shalt  }
0x4d: {  	_ =	shalt  }
0x4e: {  	_ =	shalt  }
0x4f: {  	_ =	shalt  }
0x50: {  	_ =	shalt  }
0x51: {  	_ =	shalt  }
0x52: {  	_ =	shalt  }
0x53: {  	_ =	shalt  }
0x54: {  	_ =	shalt  }
0x55: {  	_ =	shalt  }
0x56: {  	_ =	shalt  }
0x57: {  	_ =	shalt  }
0x58: {  	_ =	shalt  }
0x59: {  	_ =	shalt  }
0x5a: {  	_ =	shalt  }
0x5b: {  	_ =	shalt  }
0x5c: {  	_ =	shalt  }
0x5d: {  	_ =	shalt  }
0x5e: {  	_ =	shalt  }
0x5f: {  	_ =	shalt  }
0x60: {  	_ =	shalt  }
0x61: {  	_ =	shalt  }
0x62: {  	_ =	shalt  }
0x63: {  	_ =	shalt  }
0x64: {  	_ =	shalt  }
0x65: {  	_ =	shalt  }
0x66: {  	_ =	shalt  }
0x67: {  	_ =	shalt  }
0x68: {  	_ =	shalt  }
0x69: {  	_ =	shalt  }
0x6a: {  	_ =	shalt  }
0x6b: {  	_ =	shalt  }
0x6c: {  	_ =	shalt  }
0x6d: {  	_ =	shalt  }
0x6e: {  	_ =	shalt  }
0x6f: {  	_ =	shalt  }
0x70: {  	_ =	shalt  }
0x71: {  	_ =	shalt  }
0x72: {  	_ =	shalt  }
0x73: {  	_ =	shalt  }
0x74: {  	_ =	shalt  }
0x75: {  	_ =	shalt  }
0x76: {  	_ =	shalt  }
0x77: {  	_ =	shalt  }
0x78: {  	_ =	shalt  }
0x79: {  	_ =	shalt  }
0x7a: {  	_ =	shalt  }
0x7b: {  	_ =	shalt  }
0x7c: {  	_ =	shalt  }
0x7d: {  	_ =	shalt  }
0x7e: {  	_ =	shalt  }
0x7f: {  	_ =	shalt  }
0x80: {  	_ =	shalt  }
0x81: {  	_ =	shalt  }
0x82: {  	_ =	shalt  }
0x83: {  	_ =	shalt  }
0x84: {  	_ =	shalt  }
0x85: {  	_ =	shalt  }
0x86: {  	_ =	shalt  }
0x87: {  	_ =	shalt  }
.Lfunc_end0:
.L_simem_size_0:
called_computation_lowered:
.L_overlay_start_0:
0x88: {  	s2 =	sld [smem:$0x3FD9]  }
0x89: {  	s3 =	sld [smem:$0x3FFE];
	_ =	sdelay $0x1  }
0x8a: {  	s1 =	srdreg.scid  }
0x8b: {  	s0 =	sand.u32 $0x1, s1  }
0x8c: {  	s16 =	sshll.u32 s0, $0xA;
	s2 =	sadd.s32 s3, s2  }
0x8d: {  	s2 =	sadd.s32 s2, s16  }
0x8e: {  	[smem:$0x3FC3] =	sst s2  }
0x8f: {  	_ = 	snop  }
0x90: {  	(tm) =	ssettm $0x1  }
0x91: {  	s17 =	sld [smem:$0x3FFB];
	_ =	sdelay $0x3  }
0x92: {  	_ =	strace s17  }
0x93: {  	s2 =	sld [smem:$0x3FFC];
	_ =	sdelay $0x3  }
0x94: {  	_ =	strace s2  }
0x95: {  	s2 =	sld [smem:$0x3FFD];
	_ =	sdelay $0x3  }
0x96: {  	_ =	strace s2  }
0x97: {  	_ =	strace $0x8FFFFFFF  }
0x98: {  	s18 =	sld [smem:$0x3FDB];
	_ =	sdelay $0x1  }
0x99: {  	s19 =	simm.s32 $_scs_section_size  }
0x9a: {  	s4 =	simm.s32 $_size__tile_overlayer_lowered;
	s5 =	simm.s32 $_tile_overlayer_lowered  }
0x9b: {  	s22 =	simm.s32 $0x1BFF;
	s21 =	sshll.u32 s5, $0x1;
	s2 =	sadd.s32 s19, s18  }
0x9c: {  	s6 =	simm.s32 $0x0;
	s20 =	sshll.u32 s4, $0x1;
	s4 =	sadd.s32 s21, s2  }
0x9d: {  	[timem:s6], [sflag:s22] =	dma.local [hbm:s4], s20  }
0x9e: {  	_ =	swait.ge [sflag:s22], s20  }
0x9f: {  	s3 =	ssub.s32 $0x0, s20;
	[sflag:s22] =	ssyncset.done $0x0  }
0xa0: {  	[sflag:s22] =	ssyncadd.s32 s3;
	_ =	sdelay $0x1  }
0xa1: {  	s23 =	simm.s32 $0x1B8B  }
0xa2: {  	_ =	swait.ge [sflag:s23], $0x1  }
0xa3: {  	[sflag:s23] =	ssyncset.done $0x0  }
0xa4: {  	s25 =	simm.s32 $0x1B8E;
	s24 =	sld [smem:$0x3FFE];
	[sflag:s23] =	ssyncadd.s32 $0xFFFFFFFF  }
0xa5: {  	s26 =	simm.s32 $execute0_lowered;
	[smem:$0x3FD2] =	sst s25  }
0xa6: {  	s4 =	sshll.u32 s26, $0x1;
	_ =	strace $0x80000046;
	[dreg:$0x1] =	wrdreg $0xFFFFFFFF  }
0xa7: {  	s28 =	simm.s32 $_size_execute0_lowered;
	s2 =	sadd.s32 s2, s4;
	[dreg:$0x0] =	wrdreg $0x0  }
0xa8: {  	s4 =	sshll.u32 s28, $0x1;
	[dreg:$0x2] =	wrdreg s2  }
0xa9: {  	[dreg:$0x3] =	wrdreg s4  }
0xaa: {  	[dreg:$0x4] =	wrdreg $0xC0  }
0xab: {  	_ =	task [dreg:s6], $0x5FFFF  }
0xac: {  	[dreg:$0x1] =	wrdreg $0xFFFFFFFF  }
0xad: {  	[dreg:$0x0] =	wrdreg $0x60  }
0xae: {  	[dreg:$0x2] =	wrdreg s24  }
0xaf: {  	[dreg:$0x3] =	wrdreg $0x60000  }
0xb0: {  	[dreg:$0x4] =	wrdreg $0x88000  }
0xb1: {  	[dreg:$0x5] =	wrdreg $0x9  }
0xb2: {  	_ =	task.clear_ibuf [dreg:s6], $0x6FFFF;
	_ =	strace $0x90000046  }
0xb3: {  	s29 =	simm.s32 $0x9;
	_ =	strace $0x80000048  }
0xb4: {  	_ =	swait.ge [sflag:s29], $0x1  }
0xb5: {  	[sflag:s29] =	ssyncadd.s32 $0xFFFFFFFF  }
0xb6: {  	_ =	strace $0x90000048  }
0xb7: {  	_ =	sfence  }
0xb8: {  	s30 =	sld [smem:$0x0];
	_ =	sdelay $0x2  }
0xb9: {  	s31 =	sshll.u32 s1, $0xD;
	s1 =	sshrl.u32 s1, $0x2  }
0xba: {  	s3 =	sand.u32 $0x4000, s31;
	s1 =	sadd.s32 s1, s30  }
0xbb: {  	s0 =	sor.u32 s3, s0;
	s1 =	sshll.u32 s1, $0x11  }
0xbc: {  	s0 =	sor.u32 s1, s0  }
0xbd: {  	s0 =	sadd.s32 $0x8F2B, s0  }
0xbe: {  	[sflag:s0] =	ssyncadd.remote.s32 $0x1  }
0xbf: {  	_ =	sfence.sel $0xFFFF  }
0xc0: {  	[dreg:$0x0] =	wrdreg $0xFFFFFFFF;
	(pc) =	sbr.abs _section_cstart, $3  }
0xc1: {  	[dreg:$0x1] =	wrdreg $0xFFFFFFFF  }
0xc2: {  	_ =	task.clear_ibuf [dreg:s6], $0x2FFFF;
	_ =	strace $0x9FFFFFFF  }
0xc3: {  	(tm) =	ssettm $0x7FFFFFFF  }
tec
execute0_lowered:
.L_overlay_start_1:
0x0: {  	(tag) =	ssettag $0x1  }
0x1: {  	s0 =	rddreg [dreg:$0x0]  }
0x2: {  	s2 =	rddreg [dreg:$0x1]  }
0x3: {  	s3 =	rddreg [dreg:$0x2]  }
0x4: {  	s1 =	srdreg.scid;
	s8 =	stileid.u32;
	s4 =	simm.s32 $0x0  }
0x5: {  	s28 =	simm.s32 $0x7;
	s29 =	simm.s32 $0x3;
	s30 =	simm.s32 $0x8  }
0x6: {  	s31 =	simm.s32 $0x4;
	s1 =	sand.u32 $0x1, s1;
	s5 =	smul.u32 $0x2800, s8  }
0x7: {  	[smem:$0x7FF] =	sst s4;
	s20 =	sadd.s32 $0x15300, s0;
	s6 =	sshll.u32 s1, $0x4  }
0x8: {  	s7 =	smul.u32 $0x28000, s1;
	s1 =	ssub.s32 $0x2, s1;
	_ =	strace $0x80000047  }
0x9: {  	[dreg:$0x6] =	wrdreg s20;
	s6 =	sor.u32 s8, s6;
	s9 =	sshrl.u32 s1, $0x1  }
0xa: {  	s21 =	sadd.s32 $0x800, s5;
	s10 =	sadd.s32 s5, s3;
	s23 =	sadd.s32 $0x1000, s5  }
0xb: {  	s25 =	sadd.s32 $0x1800, s5;
	s8 =	smul.u32 $0x500, s6;
	s7 =	sadd.s32 s5, s7  }
0xc: {  	s1 =	ssub.s32 s1, s9;
	s9 =	sadd.s32 s5, s2;
	s22 =	sadd.s32 s21, s2  }
0xd: {  	s24 =	sadd.s32 s23, s2;
	s26 =	sadd.s32 s25, s2;
	s5 =	sadd.s32 $0x2000, s5  }
0xe: {  	s16 =	sadd.s32 s25, s3;
	p0 =	seq.s32 s6, $0x1F;
	[dreg:$0x8] =	wrdreg s22  }
0xf: {  	s25 =	simm.s32 $0x5000;
	s6 =	simm.s32 $0x6;
	[dreg:$0xa] =	wrdreg s24  }
0x10: {  	s7 =	sshrl.u32 s7, $0x3;
	[dreg:$0xc] =	wrdreg s26;
	s17 =	sadd.s32 s5, s2  }
0x11: {  	s18 =	sadd.s32 s5, s3;
	s22 =	simm.s32 $0x5800;
	s24 =	simm.s32 $0x80  }
0x12: {  	s8 =	sadd.s32 s8, s0;
	s7 =	sadd.s32 s7, s0;
	s0 =	sadd.s32 $0xB500, s0  }
0x13: {  	s26 =	simm.s32 $0x2;
	s19 =	sadd.s32 $0xB800, s8;
	[dreg:$0x7] =	wrdreg s0  }
0x14: {  	s5 =	simm.s32 $0xA;
	s8 =	sadd.s32 $0x1A00, s8;
	[dreg:$0x4] =	wrdreg s19  }
0x15: {  	s0 =	sadd.s32 s21, s3;
	s20 =	sadd.s32 $0x1F600, s7;
	[dreg:$0x5] =	wrdreg s8  }
0x16: {  	s21 =	smax.u32 s1, $0x1;
	s1 =	simm.s32 $0x5;
	[dreg:$0x9] =	wrdreg s0  }
0x17: {  	s8 =	sadd.s32 s23, s3;
	s19 =	sadd.s32 $0x15600, s7;
	s23 =	simm.s32 $0xC  }
0x18: {  	v0 =	vimm.f32 $1.000000000e+00;
	v1 =	vimm.f32 $0.0e+00;
	s0 =	simm.s32 $0x9;
	s7 =	simm.s32 $0xB;
	[dreg:$0xb] =	wrdreg s8  }
.LBB2_1:
0x19: {  	s8 =	simm.s32 @p0 $0x0;
	s11 =	rddreg [dreg:$0x6]  }
0x1a: {  	[tilespmem:s8], [sflag:$0x1] =	stream.linear.gather @p0 [hbm4b:s11+s8], $0xA00, $0x38;
	[tilespmem:$0xB000] =	vst v63  }
0x1b: {  	s12 =	rddreg [dreg:$0x7];
	s11 =	simm.s32 @p0 $0x2800  }
0x1c: {  	[tilespmem:s11], [sflag:$0x1] =	stream.linear.gather @p0 [hbm4b:s12+s8], $0xA00, $0x38;
	[tilespmem:$0xB000] =	vst v63  }
0x1d: {  	s8 =	simm.s32 @!p0 $0x0;
	s11 =	rddreg [dreg:$0x4]  }
0x1e: {  	[tilespmem:s8], [sflag:$0x1] =	stream.linear.gather @!p0 [hbm4b:s11+s8], $0x2800, $0x38;
	[tilespmem:$0xB000] =	vst v63  }
0x1f: {  	s12 =	rddreg [dreg:$0x5];
	s11 =	simm.s32 @!p0 $0x2800  }
0x20: {  	[tilespmem:s11], [sflag:$0x1] =	stream.linear.gather @!p0 [hbm4b:s12+s8], $0x2800, $0x38;
	[tilespmem:$0xB000] =	vst v63  }
0x21: {  	s8 =	simm.s32 $0x0  }
.LBB2_2:
0x22: {  	p1 =	sne.s32 s8, $0x1FC0  }
.Ltmp0:
0x23: {  	_ = 	snop;
	(pc) =	sbr.rel @p1 .LBB2_2-.Ltmp0, $3  }
0x24: {  	_ =	sdelay $0x1  }
0x25: {  	s11 =	sshra.s32 s8, $0x2  }
0x26: {  	s8 =	sadd.s32 $0x40, s8;
	[tilespmem:s11+$0x5000] =	vst v0  }
0x27: {  	s8 =	simm.s32 $0x40;
	s11 =	simm.s32 $0x0  }
.LBB2_4:
0x28: {  	p1 =	sne.s32 s8, $0x1FC0;
	[tilespmem:s11+$0x5800] =	vst v1;
	s11 =	smov.u32 s8;
	s8 =	sadd.s32 $0x40, s8  }
.Ltmp1:
0x29: {  	(pc) =	sbr.rel @p1 .LBB2_4-.Ltmp1, $2  }
0x2a: {  	_ =	sdelay $0x2  }
0x2b: {  	s11 =	sshra.s32 s11, $0x2  }
0x2c: {  	[tilespmem:s11+$0x5800] =	vst v1  }
0x2d: {  	[spmem:s9] =	stream.linear.scatter [tilespmem:s22], [sflag:$0xC], $0x800, $0x38;
	[tilespmem:$0xB000] =	vst v63  }
0x2e: {  	_ =	swait.ge [sflag:s23], $0x800  }
0x2f: {  	[sflag:s23] =	ssyncset.done $0x0  }
0x30: {  	[sflag:s23] =	ssyncadd.s32 $0xFFFFF800  }
0x31: {  	[spmem:s10] =	stream.linear.scatter [tilespmem:s22], [sflag:$0xC], $0x800, $0x38;
	[tilespmem:$0xB000] =	vst v63  }
0x32: {  	_ =	swait.ge [sflag:s23], $0x800  }
0x33: {  	[sflag:s23] =	ssyncset.done $0x0  }
0x34: {  	s8 =	rddreg [dreg:$0x8];
	[sflag:s23] =	ssyncadd.s32 $0xFFFFF800  }
0x35: {  	[spmem:s8] =	stream.linear.scatter [tilespmem:s22], [sflag:$0xC], $0x800, $0x38;
	[tilespmem:$0xB000] =	vst v63  }
0x36: {  	_ =	swait.ge [sflag:s23], $0x800  }
0x37: {  	[sflag:s23] =	ssyncset.done $0x0  }
0x38: {  	s12 =	rddreg [dreg:$0x9];
	[sflag:s23] =	ssyncadd.s32 $0xFFFFF800  }
0x39: {  	[spmem:s12] =	stream.linear.scatter [tilespmem:s22], [sflag:$0xC], $0x800, $0x38;
	[tilespmem:$0xB000] =	vst v63  }
0x3a: {  	_ =	swait.ge [sflag:s23], $0x800  }
0x3b: {  	[sflag:s23] =	ssyncset.done $0x0  }
0x3c: {  	s13 =	rddreg [dreg:$0xa];
	[sflag:s23] =	ssyncadd.s32 $0xFFFFF800  }
0x3d: {  	[spmem:s13] =	stream.linear.scatter [tilespmem:s22], [sflag:$0xC], $0x800, $0x38;
	[tilespmem:$0xB000] =	vst v63  }
0x3e: {  	_ =	swait.ge [sflag:s23], $0x800  }
0x3f: {  	[sflag:s23] =	ssyncset.done $0x0  }
0x40: {  	s14 =	rddreg [dreg:$0xb];
	[sflag:s23] =	ssyncadd.s32 $0xFFFFF800  }
0x41: {  	[spmem:s14] =	stream.linear.scatter [tilespmem:s22], [sflag:$0xC], $0x800, $0x38;
	[tilespmem:$0xB000] =	vst v63  }
0x42: {  	_ =	swait.ge [sflag:s23], $0x800  }
0x43: {  	[sflag:s23] =	ssyncset.done $0x0  }
0x44: {  	s15 =	rddreg [dreg:$0xc];
	[sflag:s23] =	ssyncadd.s32 $0xFFFFF800  }
0x45: {  	[spmem:s15] =	stream.linear.scatter [tilespmem:s22], [sflag:$0xC], $0x800, $0x38;
	[tilespmem:$0xB000] =	vst v63  }
0x46: {  	_ =	swait.ge [sflag:s23], $0x800  }
0x47: {  	[sflag:s23] =	ssyncset.done $0x0  }
0x48: {  	[sflag:s23] =	ssyncadd.s32 $0xFFFFF800  }
0x49: {  	[spmem:s16] =	stream.linear.scatter [tilespmem:s22], [sflag:$0xC], $0x800, $0x38;
	[tilespmem:$0xB000] =	vst v63  }
0x4a: {  	_ =	swait.ge [sflag:s23], $0x800  }
0x4b: {  	[sflag:s23] =	ssyncset.done $0x0  }
0x4c: {  	[sflag:s23] =	ssyncadd.s32 $0xFFFFF800  }
0x4d: {  	[spmem:s17] =	stream.linear.scatter [tilespmem:s22], [sflag:$0xC], $0x800, $0x38;
	[tilespmem:$0xB000] =	vst v63  }
0x4e: {  	_ =	swait.ge [sflag:s23], $0x800  }
0x4f: {  	[sflag:s23] =	ssyncset.done $0x0  }
0x50: {  	[sflag:s23] =	ssyncadd.s32 $0xFFFFF800  }
0x51: {  	[spmem:s18] =	stream.linear.scatter [tilespmem:s22], [sflag:$0xC], $0x800, $0x38;
	[tilespmem:$0xB000] =	vst v63  }
0x52: {  	_ =	swait.ge [sflag:s23], $0x800  }
0x53: {  	[sflag:s23] =	ssyncset.done $0x0  }
0x54: {  	s8 =	simm.s32 @p0 $0x1;
	[sflag:s23] =	ssyncadd.s32 $0xFFFFF800  }
0x55: {  	_ =	swait.ge @p0 [sflag:s8], $0xA00  }
0x56: {  	[sflag:s8] =	ssyncset.done @p0 $0x0  }
0x57: {  	[sflag:s8] =	ssyncadd.s32 @p0 $0xFFFFF600  }
0x58: {  	_ =	swait.ge @p0 [sflag:s8], $0xA00  }
0x59: {  	[sflag:s8] =	ssyncset.done @p0 $0x0  }
0x5a: {  	[sflag:s8] =	ssyncadd.s32 @p0 $0xFFFFF600;
	s8 =	simm.s32 @!p0 $0x10  }
0x5b: {  	s11 =	simm.s32 @!p0 $0x1;
	s8 =	simm.s32 @p0 $0x4  }
0x5c: {  	_ =	swait.ge @!p0 [sflag:s11], $0x2800;
	s8 =	smul.u32 $0xA00, s8  }
0x5d: {  	[sflag:s11] =	ssyncset.done @!p0 $0x0  }
0x5e: {  	[sflag:s11] =	ssyncadd.s32 @!p0 $0xFFFFD800;
	p3 =	sne.s32 s8, $0xA00  }
.Ltmp2:
0x5f: {  	_ =	swait.ge @!p0 [sflag:s11], $0x2800;
	(pc) =	sbr.rel @!p3 .LBB2_6-.Ltmp2, $4  }
0x60: {  	[sflag:s11] =	ssyncset.done @!p0 $0x0  }
0x61: {  	[sflag:s11] =	ssyncadd.s32 @!p0 $0xFFFFD800  }
0x62: {  	p2 =	por $0x1, $0x1;
	[bflag:$0x0] =	sbarrier.arrive $0xFFFF  }
0x63: {  	p1 =	por $0x0, $0x0;
	s12 =	simm.s32 $0x0;
	s11 =	simm.s32 $0xA00  }
0x64: {  	s12 =	simm.s32 @!p2 $0x2  }
0x65: {  	_ =	swait.ge @!p2 [sflag:s12], $0x800  }
0x66: {  	[sflag:s12] =	ssyncset.done @!p2 $0x0  }
0x67: {  	[sflag:s12] =	ssyncadd.s32 @!p2 $0xFFFFF800;
	s12 =	simm.s32 @!p2 $0x7  }
0x68: {  	_ =	swait.ge @!p2 [sflag:s12], $0x800  }
0x69: {  	[sflag:s12] =	ssyncset.done @!p2 $0x0  }
0x6a: {  	s14 =	simm.s32 $0x0;
	[sflag:s12] =	ssyncadd.s32 @!p2 $0xFFFFF800  }
0x6b: {  	[spmem:s2] =	stream.indirect.scatter.add.f32 [tilespmem:s25], [sflag:$0x2], $0x10, s14, s24, $0xb8;
	[tilespmem:$0xB000] =	vst v63  }
0x6c: {  	s15 =	simm.s32 $0x2800;
	s13 =	simm.s32 @!p2 $0x3  }
0x6d: {  	[spmem:s3] =	stream.indirect.scatter.add.f32 [tilespmem:s25], [sflag:$0x7], $0x10, s15, s24, $0xb8;
	[tilespmem:$0xB000] =	vst v63  }
0x6e: {  	_ =	swait.ge @!p2 [sflag:s13], $0x800  }
0x6f: {  	[sflag:s13] =	ssyncset.done @!p2 $0x0  }
0x70: {  	s12 =	simm.s32 @!p2 $0x8;
	[sflag:s13] =	ssyncadd.s32 @!p2 $0xFFFFF800  }
0x71: {  	_ =	swait.ge @!p2 [sflag:s12], $0x800  }
0x72: {  	[sflag:s12] =	ssyncset.done @!p2 $0x0  }
0x73: {  	s14 =	simm.s32 $0x80;
	[sflag:s12] =	ssyncadd.s32 @!p2 $0xFFFFF800  }
0x74: {  	[spmem:s2] =	stream.indirect.scatter.add.f32 [tilespmem:s25], [sflag:$0x3], $0x10, s14, s24, $0xb8;
	[tilespmem:$0xB000] =	vst v63  }
0x75: {  	s15 =	simm.s32 $0x2880;
	s13 =	simm.s32 @!p2 $0x4  }
0x76: {  	[spmem:s3] =	stream.indirect.scatter.add.f32 [tilespmem:s25], [sflag:$0x8], $0x10, s15, s24, $0xb8;
	[tilespmem:$0xB000] =	vst v63  }
0x77: {  	_ =	swait.ge @!p2 [sflag:s13], $0x800  }
0x78: {  	[sflag:s13] =	ssyncset.done @!p2 $0x0  }
0x79: {  	s12 =	simm.s32 @!p2 $0x9;
	[sflag:s13] =	ssyncadd.s32 @!p2 $0xFFFFF800  }
0x7a: {  	_ =	swait.ge @!p2 [sflag:s12], $0x800  }
0x7b: {  	[sflag:s12] =	ssyncset.done @!p2 $0x0  }
0x7c: {  	s14 =	simm.s32 $0x100;
	[sflag:s12] =	ssyncadd.s32 @!p2 $0xFFFFF800  }
0x7d: {  	[spmem:s2] =	stream.indirect.scatter.add.f32 [tilespmem:s25], [sflag:$0x4], $0x10, s14, s24, $0xb8;
	[tilespmem:$0xB000] =	vst v63  }
0x7e: {  	s15 =	simm.s32 $0x2900;
	s13 =	simm.s32 @!p2 $0x5  }
0x7f: {  	[spmem:s3] =	stream.indirect.scatter.add.f32 [tilespmem:s25], [sflag:$0x9], $0x10, s15, s24, $0xb8;
	[tilespmem:$0xB000] =	vst v63  }
0x80: {  	_ =	swait.ge @!p2 [sflag:s13], $0x800  }
0x81: {  	[sflag:s13] =	ssyncset.done @!p2 $0x0  }
0x82: {  	s12 =	simm.s32 @!p2 $0xA;
	[sflag:s13] =	ssyncadd.s32 @!p2 $0xFFFFF800  }
0x83: {  	_ =	swait.ge @!p2 [sflag:s12], $0x800  }
0x84: {  	[sflag:s12] =	ssyncset.done @!p2 $0x0  }
0x85: {  	s13 =	simm.s32 $0x180;
	[sflag:s12] =	ssyncadd.s32 @!p2 $0xFFFFF800  }
0x86: {  	[spmem:s2] =	stream.indirect.scatter.add.f32 [tilespmem:s25], [sflag:$0x5], $0x10, s13, s24, $0xb8;
	[tilespmem:$0xB000] =	vst v63  }
0x87: {  	s14 =	simm.s32 $0x2980;
	s13 =	simm.s32 @!p2 $0x6  }
0x88: {  	[spmem:s3] =	stream.indirect.scatter.add.f32 [tilespmem:s25], [sflag:$0xA], $0x10, s14, s24, $0xb8;
	[tilespmem:$0xB000] =	vst v63  }
0x89: {  	_ =	swait.ge @!p2 [sflag:s13], $0x800  }
0x8a: {  	p3 =	sne.s32 s8, $0x1400;
	[sflag:s13] =	ssyncset.done @!p2 $0x0  }
.Ltmp3:
0x8b: {  	s12 =	simm.s32 @!p2 $0xB;
	[sflag:s13] =	ssyncadd.s32 @!p2 $0xFFFFF800;
	(pc) =	sbr.rel @!p3 .LBB2_8-.Ltmp3, $4  }
0x8c: {  	p1 =	por $0x1, $0x1;
	_ =	swait.ge @!p2 [sflag:s12], $0x800  }
0x8d: {  	s15 =	simm.s32 $0x200;
	s14 =	simm.s32 $0x2A00;
	[sflag:s12] =	ssyncset.done @!p2 $0x0  }
0x8e: {  	[sflag:s12] =	ssyncadd.s32 @!p2 $0xFFFFF800;
	s12 =	simm.s32 $0x1400;
	p2 =	por $0x0, $0x0  }
0x8f: {  	[spmem:s2] =	stream.indirect.scatter.add.f32 [tilespmem:s25], [sflag:$0x6], $0x10, s15, s24, $0xb8;
	[tilespmem:$0xB000] =	vst v63  }
.LBB2_9:
0x90: {  	s13 =	simm.s32 @!p2 $0x2;
	s15 =	smov.u32 s12;
	s12 =	sadd.s32 $0xA00, s12  }
0x91: {  	[spmem:s3] =	stream.indirect.scatter.add.f32 [tilespmem:s25], [sflag:$0xB], $0x10, s14, s24, $0xb8;
	[tilespmem:$0xB000] =	vst v63  }
0x92: {  	p3 =	sne.s32 s8, s12;
	_ =	swait.ge @!p2 [sflag:s13], $0x800  }
0x93: {  	[sflag:s13] =	ssyncset.done @!p2 $0x0  }
0x94: {  	[sflag:s13] =	ssyncadd.s32 @!p2 $0xFFFFF800;
	s13 =	simm.s32 @!p2 $0x7  }
0x95: {  	_ =	swait.ge @!p2 [sflag:s13], $0x800  }
0x96: {  	[sflag:s13] =	ssyncset.done @!p2 $0x0  }
0x97: {  	[sflag:s13] =	ssyncadd.s32 @!p2 $0xFFFFF800;
	s13 =	sshra.s32 s11, $0x2;
	s11 =	smov.u32 s15  }
0x98: {  	[spmem:s2] =	stream.indirect.scatter.add.f32 [tilespmem:s25], [sflag:$0x2], $0x10, s13, s24, $0xb8;
	[tilespmem:$0xB000] =	vst v63  }
0x99: {  	s15 =	simm.s32 @!p2 $0x3;
	s14 =	sadd.s32 $0x2800, s13  }
0x9a: {  	[spmem:s3] =	stream.indirect.scatter.add.f32 [tilespmem:s25], [sflag:$0x7], $0x10, s14, s24, $0xb8;
	[tilespmem:$0xB000] =	vst v63  }
0x9b: {  	_ =	swait.ge @!p2 [sflag:s15], $0x800  }
0x9c: {  	[sflag:s15] =	ssyncset.done @!p2 $0x0  }
0x9d: {  	s14 =	simm.s32 @!p2 $0x8;
	[sflag:s15] =	ssyncadd.s32 @!p2 $0xFFFFF800  }
0x9e: {  	_ =	swait.ge @!p2 [sflag:s14], $0x800  }
0x9f: {  	[sflag:s14] =	ssyncset.done @!p2 $0x0  }
0xa0: {  	[sflag:s14] =	ssyncadd.s32 @!p2 $0xFFFFF800;
	s14 =	sadd.s32 $0x80, s13  }
0xa1: {  	[spmem:s2] =	stream.indirect.scatter.add.f32 [tilespmem:s25], [sflag:$0x3], $0x10, s14, s24, $0xb8;
	[tilespmem:$0xB000] =	vst v63  }
0xa2: {  	s15 =	simm.s32 @!p2 $0x4;
	s14 =	sadd.s32 $0x2880, s13  }
0xa3: {  	[spmem:s3] =	stream.indirect.scatter.add.f32 [tilespmem:s25], [sflag:$0x8], $0x10, s14, s24, $0xb8;
	[tilespmem:$0xB000] =	vst v63  }
0xa4: {  	_ =	swait.ge @!p2 [sflag:s15], $0x800  }
0xa5: {  	[sflag:s15] =	ssyncset.done @!p2 $0x0  }
0xa6: {  	s14 =	simm.s32 @!p2 $0x9;
	[sflag:s15] =	ssyncadd.s32 @!p2 $0xFFFFF800  }
0xa7: {  	_ =	swait.ge @!p2 [sflag:s14], $0x800  }
0xa8: {  	[sflag:s14] =	ssyncset.done @!p2 $0x0  }
0xa9: {  	[sflag:s14] =	ssyncadd.s32 @!p2 $0xFFFFF800;
	s14 =	sadd.s32 $0x100, s13  }
0xaa: {  	[spmem:s2] =	stream.indirect.scatter.add.f32 [tilespmem:s25], [sflag:$0x4], $0x10, s14, s24, $0xb8;
	[tilespmem:$0xB000] =	vst v63  }
0xab: {  	s15 =	simm.s32 @!p2 $0x5;
	s14 =	sadd.s32 $0x2900, s13  }
0xac: {  	[spmem:s3] =	stream.indirect.scatter.add.f32 [tilespmem:s25], [sflag:$0x9], $0x10, s14, s24, $0xb8;
	[tilespmem:$0xB000] =	vst v63  }
0xad: {  	_ =	swait.ge @!p2 [sflag:s15], $0x800  }
0xae: {  	[sflag:s15] =	ssyncset.done @!p2 $0x0  }
0xaf: {  	s14 =	simm.s32 @!p2 $0xA;
	[sflag:s15] =	ssyncadd.s32 @!p2 $0xFFFFF800  }
0xb0: {  	_ =	swait.ge @!p2 [sflag:s14], $0x800  }
0xb1: {  	[sflag:s14] =	ssyncset.done @!p2 $0x0  }
0xb2: {  	[sflag:s14] =	ssyncadd.s32 @!p2 $0xFFFFF800;
	s14 =	sadd.s32 $0x180, s13  }
0xb3: {  	[spmem:s2] =	stream.indirect.scatter.add.f32 [tilespmem:s25], [sflag:$0x5], $0x10, s14, s24, $0xb8;
	[tilespmem:$0xB000] =	vst v63  }
0xb4: {  	s15 =	simm.s32 @!p2 $0x6;
	s14 =	sadd.s32 $0x2980, s13  }
0xb5: {  	[spmem:s3] =	stream.indirect.scatter.add.f32 [tilespmem:s25], [sflag:$0xA], $0x10, s14, s24, $0xb8;
	[tilespmem:$0xB000] =	vst v63  }
0xb6: {  	_ =	swait.ge @!p2 [sflag:s15], $0x800  }
0xb7: {  	[sflag:s15] =	ssyncset.done @!p2 $0x0  }
.Ltmp4:
0xb8: {  	[sflag:s15] =	ssyncadd.s32 @!p2 $0xFFFFF800;
	s15 =	simm.s32 @!p2 $0xB;
	(pc) =	sbr.rel @p3 .LBB2_9-.Ltmp4, $4  }
0xb9: {  	_ =	swait.ge @!p2 [sflag:s15], $0x800  }
0xba: {  	s14 =	sadd.s32 $0x2A00, s13;
	[sflag:s15] =	ssyncset.done @!p2 $0x0  }
0xbb: {  	s13 =	sadd.s32 $0x200, s13;
	[sflag:s15] =	ssyncadd.s32 @!p2 $0xFFFFF800;
	p2 =	seq.s32 s11, $0x0  }
0xbc: {  	[spmem:s2] =	stream.indirect.scatter.add.f32 [tilespmem:s25], [sflag:$0x6], $0x10, s13, s24, $0xb8;
	[tilespmem:$0xB000] =	vst v63  }
0xbd: {  	s12 =	smov.u32 s11  }
.LBB2_11:
0xbe: {  	s8 =	simm.s32 @!p2 $0x2  }
0xbf: {  	[spmem:s3] =	stream.indirect.scatter.add.f32 @p1 [tilespmem:s25], [sflag:$0xB], $0x10, s14, s24, $0xb8;
	[tilespmem:$0xB000] =	vst v63  }
0xc0: {  	_ =	swait.ge @!p2 [sflag:s8], $0x800  }
0xc1: {  	[sflag:s8] =	ssyncset.done @!p2 $0x0  }
0xc2: {  	[sflag:s8] =	ssyncadd.s32 @!p2 $0xFFFFF800;
	s8 =	simm.s32 @!p2 $0x7  }
0xc3: {  	_ =	swait.ge @!p2 [sflag:s8], $0x800  }
0xc4: {  	[sflag:s8] =	ssyncset.done @!p2 $0x0  }
0xc5: {  	[sflag:s8] =	ssyncadd.s32 @!p2 $0xFFFFF800;
	s8 =	sshra.s32 s12, $0x2  }
0xc6: {  	[spmem:s2] =	stream.indirect.scatter.add.f32 [tilespmem:s25], [sflag:$0x2], $0x10, s8, s24, $0xb8;
	[tilespmem:$0xB000] =	vst v63  }
0xc7: {  	s12 =	simm.s32 @!p2 $0x3;
	s11 =	sadd.s32 $0x2800, s8  }
0xc8: {  	[spmem:s3] =	stream.indirect.scatter.add.f32 [tilespmem:s25], [sflag:$0x7], $0x10, s11, s24, $0xb8;
	[tilespmem:$0xB000] =	vst v63  }
0xc9: {  	_ =	swait.ge @!p2 [sflag:s12], $0x800  }
0xca: {  	[sflag:s12] =	ssyncset.done @!p2 $0x0  }
0xcb: {  	s11 =	simm.s32 @!p2 $0x8;
	[sflag:s12] =	ssyncadd.s32 @!p2 $0xFFFFF800  }
0xcc: {  	_ =	swait.ge @!p2 [sflag:s11], $0x800  }
0xcd: {  	[sflag:s11] =	ssyncset.done @!p2 $0x0  }
0xce: {  	s14 =	sadd.s32 $0x80, s8;
	[sflag:s11] =	ssyncadd.s32 @!p2 $0xFFFFF800  }
0xcf: {  	[spmem:s2] =	stream.indirect.scatter.add.f32 [tilespmem:s25], [sflag:$0x3], $0x10, s14, s24, $0xb8;
	[tilespmem:$0xB000] =	vst v63  }
0xd0: {  	s15 =	sadd.s32 $0x2880, s8;
	s12 =	simm.s32 @!p2 $0x4  }
0xd1: {  	[spmem:s3] =	stream.indirect.scatter.add.f32 [tilespmem:s25], [sflag:$0x8], $0x10, s15, s24, $0xb8;
	[tilespmem:$0xB000] =	vst v63  }
0xd2: {  	_ =	swait.ge @!p2 [sflag:s12], $0x800  }
0xd3: {  	[sflag:s12] =	ssyncset.done @!p2 $0x0  }
0xd4: {  	s11 =	simm.s32 @!p2 $0x9;
	[sflag:s12] =	ssyncadd.s32 @!p2 $0xFFFFF800  }
0xd5: {  	_ =	swait.ge @!p2 [sflag:s11], $0x800  }
0xd6: {  	[sflag:s11] =	ssyncset.done @!p2 $0x0  }
0xd7: {  	s12 =	sadd.s32 $0x100, s8;
	[sflag:s11] =	ssyncadd.s32 @!p2 $0xFFFFF800  }
0xd8: {  	[spmem:s2] =	stream.indirect.scatter.add.f32 [tilespmem:s25], [sflag:$0x4], $0x10, s12, s24, $0xb8;
	[tilespmem:$0xB000] =	vst v63  }
0xd9: {  	s13 =	sadd.s32 $0x2900, s8;
	s12 =	simm.s32 @!p2 $0x5  }
0xda: {  	[spmem:s3] =	stream.indirect.scatter.add.f32 [tilespmem:s25], [sflag:$0x9], $0x10, s13, s24, $0xb8;
	[tilespmem:$0xB000] =	vst v63  }
0xdb: {  	_ =	swait.ge @!p2 [sflag:s12], $0x800  }
0xdc: {  	[sflag:s12] =	ssyncset.done @!p2 $0x0  }
0xdd: {  	s11 =	simm.s32 @!p2 $0xA;
	[sflag:s12] =	ssyncadd.s32 @!p2 $0xFFFFF800  }
0xde: {  	_ =	swait.ge @!p2 [sflag:s11], $0x800  }
0xdf: {  	[sflag:s11] =	ssyncset.done @!p2 $0x0  }
0xe0: {  	s14 =	sadd.s32 $0x180, s8;
	[sflag:s11] =	ssyncadd.s32 @!p2 $0xFFFFF800  }
0xe1: {  	[spmem:s2] =	stream.indirect.scatter.add.f32 [tilespmem:s25], [sflag:$0x5], $0x10, s14, s24, $0xb8;
	[tilespmem:$0xB000] =	vst v63  }
0xe2: {  	s15 =	sadd.s32 $0x2980, s8;
	s12 =	simm.s32 @!p2 $0x6  }
0xe3: {  	[spmem:s3] =	stream.indirect.scatter.add.f32 [tilespmem:s25], [sflag:$0xA], $0x10, s15, s24, $0xb8;
	[tilespmem:$0xB000] =	vst v63  }
0xe4: {  	_ =	swait.ge @!p2 [sflag:s12], $0x800  }
0xe5: {  	[sflag:s12] =	ssyncset.done @!p2 $0x0  }
0xe6: {  	s11 =	simm.s32 @!p2 $0xB;
	[sflag:s12] =	ssyncadd.s32 @!p2 $0xFFFFF800  }
0xe7: {  	_ =	swait.ge @!p2 [sflag:s11], $0x800  }
0xe8: {  	[sflag:s11] =	ssyncset.done @!p2 $0x0  }
0xe9: {  	s12 =	sadd.s32 $0x200, s8;
	[sflag:s11] =	ssyncadd.s32 @!p2 $0xFFFFF800  }
0xea: {  	[spmem:s2] =	stream.indirect.scatter.add.f32 [tilespmem:s25], [sflag:$0x6], $0x10, s12, s24, $0xb8;
	[tilespmem:$0xB000] =	vst v63  }
0xeb: {  	s8 =	sadd.s32 $0x2A00, s8  }
0xec: {  	[spmem:s3] =	stream.indirect.scatter.add.f32 [tilespmem:s25], [sflag:$0xB], $0x10, s8, s24, $0xb8;
	[tilespmem:$0xB000] =	vst v63  }
0xed: {  	_ =	swait.ge [sflag:s26], $0x800  }
0xee: {  	[sflag:s26] =	ssyncset.done $0x0  }
0xef: {  	[sflag:s26] =	ssyncadd.s32 $0xFFFFF800  }
0xf0: {  	_ =	swait.ge [sflag:s28], $0x800  }
0xf1: {  	[sflag:s28] =	ssyncset.done $0x0  }
0xf2: {  	[sflag:s28] =	ssyncadd.s32 $0xFFFFF800  }
0xf3: {  	_ =	swait.ge [sflag:s29], $0x800  }
0xf4: {  	[sflag:s29] =	ssyncset.done $0x0  }
0xf5: {  	[sflag:s29] =	ssyncadd.s32 $0xFFFFF800  }
0xf6: {  	_ =	swait.ge [sflag:s30], $0x800  }
0xf7: {  	[sflag:s30] =	ssyncset.done $0x0  }
0xf8: {  	[sflag:s30] =	ssyncadd.s32 $0xFFFFF800  }
0xf9: {  	_ =	swait.ge [sflag:s31], $0x800  }
0xfa: {  	[sflag:s31] =	ssyncset.done $0x0  }
0xfb: {  	[sflag:s31] =	ssyncadd.s32 $0xFFFFF800  }
0xfc: {  	_ =	swait.ge [sflag:s0], $0x800  }
0xfd: {  	[sflag:s0] =	ssyncset.done $0x0  }
0xfe: {  	[sflag:s0] =	ssyncadd.s32 $0xFFFFF800  }
0xff: {  	_ =	swait.ge [sflag:s1], $0x800  }
0x100: {  	[sflag:s1] =	ssyncset.done $0x0  }
0x101: {  	[sflag:s1] =	ssyncadd.s32 $0xFFFFF800  }
0x102: {  	_ =	swait.ge [sflag:s5], $0x800  }
0x103: {  	[sflag:s5] =	ssyncset.done $0x0  }
0x104: {  	[sflag:s5] =	ssyncadd.s32 $0xFFFFF800  }
0x105: {  	_ =	swait.ge [sflag:s6], $0x800  }
0x106: {  	[sflag:s6] =	ssyncset.done $0x0  }
0x107: {  	[sflag:s6] =	ssyncadd.s32 $0xFFFFF800  }
0x108: {  	_ =	swait.ge [sflag:s7], $0x800  }
0x109: {  	s13 =	stileid.u32;
	[sflag:s7] =	ssyncset.done $0x0  }
0x10a: {  	s8 =	sshll.u32 s13, $0x6;
	[sflag:s7] =	ssyncadd.s32 $0xFFFFF800  }
0x10b: {  	s14 =	sshrl.u32 s9, $0x3;
	s8 =	sor.u32 $0x1C0C, s8;
	[bflag:$0x0] =	sbarrier.arrive $0xFFFF  }
0x10c: {  	[hbm:s19], [sflag:s8] =	dma.local [spmem:s14], $0x500  }
0x10d: {  	_ =	swait.ge [sflag:s23], $0x500  }
0x10e: {  	s4 =	sadd.s32 $0x1, s4;
	[sflag:s23] =	ssyncset.done $0x0  }
0x10f: {  	p1 =	sne.s32 s4, s21;
	s15 =	sshrl.u32 s10, $0x3;
	[sflag:s23] =	ssyncadd.s32 $0xFFFFFB00  }
0x110: {  	[hbm:s20], [sflag:s8] =	dma.local [spmem:s15], $0x500  }
.Ltmp5:
0x111: {  	_ = 	snop;
	(pc) =	sbr.rel @p1 .LBB2_1-.Ltmp5, $4  }
.Ltmp6:
0x112: {  	_ = 	snop;
	(pc) =	sbr.rel @!p1 .LBB2_12-.Ltmp6, $4  }
0x113: {  	_ =	swait.ge [sflag:s23], $0x500  }
0x114: {  	[sflag:s23] =	ssyncset.done $0x0  }
0x115: {  	[sflag:s23] =	ssyncadd.s32 $0xFFFFFB00  }
0x116: {  	_ = 	snop  }
.LBB2_6:
.Ltmp7:
0x117: {  	(pc) =	sbr.rel .LBB2_11-.Ltmp7, $2  }
0x118: {  	_ =	sdelay $0x2  }
0x119: {  	_ = 	snop  }
.LBB2_8:
.Ltmp8:
0x11a: {  	(pc) =	sbr.rel .LBB2_11-.Ltmp8, $2  }
0x11b: {  	_ =	sdelay $0x2  }
0x11c: {  	p2 =	por $0x0, $0x0;
	s12 =	simm.s32 $0xA00  }
.LBB2_12:
0x11d: {  	_ =	sfence.sel $0x180000  }
0x11e: {  	[bflag:$0x0] =	sbarrier.arrive $0xFFFF  }
0x11f: {  	_ =	strace $0x90000047  }
0x120: {  	s0 =	stileid.u32;
	[bflag:$0x2] =	sbarrier.arrive $0xFFFF  }
0x121: {  	p0 =	sne.s32 s0, $0x0;
	s0 =	rddreg [dreg:$0x3]  }
0x122: {  	s0 =	sadd.s32 @!p0 $0x100000, s0  }
0x123: {  	[sflag:s0] =	ssyncadd.tile.s32 @!p0 $0x1;
	_ =	shalt  }
.Lfunc_end2:
_tile_overlayer_lowered:
.L_overlay_start_2:
0x124: {  	(tag) =	ssettag $0x2  }
0x125: {  	s0 =	rddreg [dreg:$0x0];
	s2 =	stileid.u32  }
0x126: {  	s1 =	rddreg [dreg:$0x1];
	p0 =	sne.s32 s2, $0x0  }
0x127: {  	s3 =	rddreg [dreg:$0x2];
	[bflag:$0x3] =	sbarrier.arrive $0xFFFF;
	s2 =	simm.s32 @!p0 $0x1C0C  }
0x128: {  	[timem:s3], [sflag:s2] =	dma.local @!p0 [hbm:s0], s1  }
0x129: {  	s0 =	simm.s32 @!p0 $0xC  }
0x12a: {  	_ =	swait.ge @!p0 [sflag:s0], s1  }
0x12b: {  	s1 =	ssub.s32 @!p0 $0x0, s1;
	[sflag:s0] =	ssyncset.done @!p0 $0x0  }
0x12c: {  	[sflag:s0] =	ssyncadd.s32 @!p0 s1  }
0x12d: {  	[bflag:$0x3] =	sbarrier.arrive $0xFFFF  }
0x12e: {  	_ =	shalt  }

</sc_bundles>
